<compile_context>
chip_gen: v7x
topology: tpu7x:2x2x1
jax: 0.10.2.dev20260603
libtpu: 0.0.44.dev20260713+nightly
codegen_flags: <defaults>
</compile_context>

<pallas_src>
import functools

import jax
import jax.numpy as jnp
from jax import lax
from jax.experimental import pallas as pl
from jax.experimental.pallas import tpu as pltpu
from jax.experimental.pallas import tpu_sc as plsc

N_NODES = 10000
N_EDGES = 320000
N_GRAPHS = 64
D = 128
D_EXTRA = 16

NC = 2
NS = 16
LANES = 16

_HIGH = lax.Precision.HIGHEST


def _mesh():
    return plsc.VectorSubcoreMesh(core_axis_name="c", subcore_axis_name="s",
                                  num_cores=NC, num_subcores=NS)


def _sc_degrees(edge_flat):
    E_PER_SUB = N_EDGES // NS
    CH = 128
    NFULL = E_PER_SUB // CH
    REM = E_PER_SUB - NFULL * CH
    STRIPE = 624
    TAIL = N_NODES - NS * STRIPE

    DEPTH = 6
    NSET = 2
    GRP = DEPTH * NSET
    NITER = NFULL // GRP

    @functools.partial(
        pl.kernel,
        out_type=jax.ShapeDtypeStruct((2, N_NODES, D), jnp.float32),
        mesh=_mesh(),
        scratch_types=[
            [[pltpu.VMEM((CH,), jnp.int32) for _ in range(DEPTH)]
             for _ in range(NSET)],
            pltpu.VMEM((REM,), jnp.int32),
            pltpu.VMEM((CH, D), jnp.float32),
            pltpu.VMEM_SHARED((N_NODES, D), jnp.float32),
            [pltpu.SemaphoreType.DMA((DEPTH,)) for _ in range(NSET)],
            [pltpu.SemaphoreType.DMA((DEPTH,)) for _ in range(NSET)],
        ],
    )
    def k(ei_hbm, out_hbm, idx_vs, idxr_v, ones_v, acc_sh, sem_i, sem_s):
        cid = lax.axis_index("c")
        sid = lax.axis_index("s")

        @pl.loop(0, CH)
        def _(i):
            for j in range(D // LANES):
                ones_v[i, pl.ds(j * LANES, LANES)] = jnp.zeros(
                    (LANES,), jnp.float32)

        for t in range(5):
            off = t * CH
            sz = min(CH, STRIPE - off)
            pltpu.sync_copy(ones_v.at[pl.ds(0, sz)],
                            acc_sh.at[pl.ds(sid * STRIPE + off, sz)])

        @pl.when(sid == NS - 1)
        def _():
            pltpu.sync_copy(ones_v.at[pl.ds(0, TAIL)],
                            acc_sh.at[pl.ds(NS * STRIPE, TAIL)])
        plsc.subcore_barrier()

        @pl.loop(0, CH)
        def _(i):
            for j in range(D // LANES):
                ones_v[i, pl.ds(j * LANES, LANES)] = jnp.ones(
                    (LANES,), jnp.float32)

        def scat_wait(p, u):
            pltpu.make_async_copy(ones_v, acc_sh.at[idx_vs[p][u]],
                                  sem_s[p].at[u]).wait()

        @pl.loop(0, NITER)
        def _(it):
            for p in range(NSET):
                k0 = it * GRP + p * DEPTH

                @pl.when(it > 0)
                def _():
                    for u in range(DEPTH):
                        scat_wait(p, u)

                di = []
                for u in range(DEPTH):
                    base = cid * N_EDGES + sid * E_PER_SUB + (k0 + u) * CH
                    di.append(pltpu.async_copy(
                        ei_hbm.at[pl.ds(base, CH)], idx_vs[p][u],
                        sem_i[p].at[u]))
                for u in range(DEPTH):
                    di[u].wait()
                    pltpu.async_copy(
                        ones_v, acc_sh.at[idx_vs[p][u]], sem_s[p].at[u],
                        add=True)

        for p in range(NSET):
            for u in range(DEPTH):
                scat_wait(p, u)

        base = cid * N_EDGES + sid * E_PER_SUB + NFULL * CH
        pltpu.sync_copy(ei_hbm.at[pl.ds(base, REM)], idxr_v)
        pltpu.sync_copy(ones_v.at[pl.ds(0, REM)], acc_sh.at[idxr_v], add=True)

        plsc.subcore_barrier()
        pltpu.sync_copy(acc_sh.at[pl.ds(sid * STRIPE, STRIPE)],
                        out_hbm.at[cid, pl.ds(sid * STRIPE, STRIPE)])

        @pl.when(sid == NS - 1)
        def _():
            pltpu.sync_copy(acc_sh.at[pl.ds(NS * STRIPE, TAIL)],
                            out_hbm.at[cid, pl.ds(NS * STRIPE, TAIL)])

    return k(edge_flat)


def _sc_aggregate(vals, edge_flat):
    E_PER_CORE = N_EDGES // NC
    E_PER_SUB = E_PER_CORE // NS
    CH = 64
    NFULL = E_PER_SUB // CH
    REM = E_PER_SUB - NFULL * CH
    STRIPE = 624
    TAIL = N_NODES - NS * STRIPE

    DEPTH = 3
    NSET = 2
    GRP = DEPTH * NSET
    NITER = NFULL // GRP

    @functools.partial(
        pl.kernel,
        out_type=jax.ShapeDtypeStruct((NC, N_NODES, D), jnp.float32),
        mesh=_mesh(),
        scratch_types=[
            [[pltpu.VMEM((CH,), jnp.int32) for _ in range(DEPTH)]
             for _ in range(NSET)],
            [[pltpu.VMEM((CH,), jnp.int32) for _ in range(DEPTH)]
             for _ in range(NSET)],
            pltpu.VMEM((REM,), jnp.int32),
            pltpu.VMEM((REM,), jnp.int32),
            [[pltpu.VMEM((CH, D), jnp.float32) for _ in range(DEPTH)]
             for _ in range(NSET)],
            pltpu.VMEM_SHARED((N_NODES, D), jnp.float32),
            [pltpu.SemaphoreType.DMA((DEPTH,)) for _ in range(NSET)],
            [pltpu.SemaphoreType.DMA((DEPTH,)) for _ in range(NSET)],
            [pltpu.SemaphoreType.DMA((DEPTH,)) for _ in range(NSET)],
        ],
    )
    def k(vals_hbm, ei_hbm, out_hbm,
          src_vs, dst_vs, srcr_v, dstr_v, rows_vs, acc_sh,
          sem_i, sem_g, sem_s):
        cid = lax.axis_index("c")
        sid = lax.axis_index("s")

        zb = rows_vs[0][0]

        @pl.loop(0, CH)
        def _(i):
            for j in range(D // LANES):
                zb[i, pl.ds(j * LANES, LANES)] = jnp.zeros(
                    (LANES,), jnp.float32)

        for t in range(0, STRIPE, CH):
            sz = min(CH, STRIPE - t)
            pltpu.sync_copy(zb.at[pl.ds(0, sz)],
                            acc_sh.at[pl.ds(sid * STRIPE + t, sz)])

        @pl.when(sid == NS - 1)
        def _():
            pltpu.sync_copy(zb.at[pl.ds(0, TAIL)],
                            acc_sh.at[pl.ds(NS * STRIPE, TAIL)])
        plsc.subcore_barrier()

        def scat_wait(p, u):
            pltpu.make_async_copy(rows_vs[p][u],
                                  acc_sh.at[dst_vs[p][u]],
                                  sem_s[p].at[u]).wait()

        @pl.loop(0, NITER)
        def _(it):
            for p in range(NSET):
                k0 = it * GRP + p * DEPTH

                @pl.when(it > 0)
                def _():
                    for u in range(DEPTH):
                        scat_wait(p, u)

                di = []
                for u in range(DEPTH):
                    base = (cid * E_PER_CORE + sid * E_PER_SUB
                            + (k0 + u) * CH)
                    di.append((
                        pltpu.async_copy(ei_hbm.at[pl.ds(base, CH)],
                                         src_vs[p][u], sem_i[p].at[u]),
                        pltpu.async_copy(ei_hbm.at[pl.ds(N_EDGES + base, CH)],
                                         dst_vs[p][u], sem_i[p].at[u])))
                dg = []
                for u in range(DEPTH):
                    di[u][0].wait()
                    di[u][1].wait()
                    dg.append(pltpu.async_copy(
                        vals_hbm.at[src_vs[p][u]], rows_vs[p][u],
                        sem_g[p].at[u]))
                for u in range(DEPTH):
                    dg[u].wait()
                    pltpu.async_copy(rows_vs[p][u],
                                     acc_sh.at[dst_vs[p][u]],
                                     sem_s[p].at[u], add=True)

        for p in range(NSET):
            for u in range(DEPTH):
                scat_wait(p, u)

        base = cid * E_PER_CORE + sid * E_PER_SUB + NFULL * CH
        pltpu.sync_copy(ei_hbm.at[pl.ds(base, REM)], srcr_v)
        pltpu.sync_copy(ei_hbm.at[pl.ds(N_EDGES + base, REM)], dstr_v)
        pltpu.sync_copy(vals_hbm.at[srcr_v], zb.at[pl.ds(0, REM)])
        pltpu.sync_copy(zb.at[pl.ds(0, REM)], acc_sh.at[dstr_v], add=True)

        plsc.subcore_barrier()
        pltpu.sync_copy(acc_sh.at[pl.ds(sid * STRIPE, STRIPE)],
                        out_hbm.at[cid, pl.ds(sid * STRIPE, STRIPE)])

        @pl.when(sid == NS - 1)
        def _():
            pltpu.sync_copy(acc_sh.at[pl.ds(NS * STRIPE, TAIL)],
                            out_hbm.at[cid, pl.ds(NS * STRIPE, TAIL)])

    return k(vals, edge_flat)


_BLK = 1000
_NBLK = N_NODES // _BLK


def _norm_from_hist(h_col):
    return lax.rsqrt(jnp.where(h_col > 0.0, h_col, 1.0))


def _tc_matmul(x, W1):
    def body(x_ref, w_ref, o_ref):
        o_ref[...] = jnp.dot(x_ref[...], w_ref[...], precision=_HIGH)

    return pl.pallas_call(
        body,
        grid=(_NBLK,),
        in_specs=[
            pl.BlockSpec((_BLK, D), lambda i: (i, 0)),
            pl.BlockSpec((D, D), lambda i: (0, 0)),
        ],
        out_specs=pl.BlockSpec((_BLK, D), lambda i: (i, 0)),
        out_shape=jax.ShapeDtypeStruct((N_NODES, D), jnp.float32),
    )(x, W1)


def _tc_scale(t0, hist):
    def body(hs_ref, t_ref, o_ref):
        ns = _norm_from_hist(hs_ref[0, :, 0])
        o_ref[...] = t_ref[...] * ns[:, None]

    return pl.pallas_call(
        body,
        grid=(_NBLK,),
        in_specs=[
            pl.BlockSpec((1, _BLK, D), lambda i: (0, i, 0)),
            pl.BlockSpec((_BLK, D), lambda i: (i, 0)),
        ],
        out_specs=pl.BlockSpec((_BLK, D), lambda i: (i, 0)),
        out_shape=jax.ShapeDtypeStruct((N_NODES, D), jnp.float32),
    )(hist, t0)


def _tc_mid(p, hist, b1, W2):
    def body(p_ref, h_ref, b_ref, w_ref, o_ref):
        agg = p_ref[0] + p_ref[1]
        nd = _norm_from_hist(h_ref[1, :, 0])
        h = jnp.maximum(agg * nd[:, None] + b_ref[...][None, :], 0.0)
        ns = _norm_from_hist(h_ref[0, :, 0])
        o_ref[...] = jnp.dot(h, w_ref[...], precision=_HIGH) * ns[:, None]

    return pl.pallas_call(
        body,
        grid=(_NBLK,),
        in_specs=[
            pl.BlockSpec((NC, _BLK, D), lambda i: (0, i, 0)),
            pl.BlockSpec((2, _BLK, D), lambda i: (0, i, 0)),
            pl.BlockSpec((D,), lambda i: (0,)),
            pl.BlockSpec((D, D), lambda i: (0, 0)),
        ],
        out_specs=pl.BlockSpec((_BLK, D), lambda i: (i, 0)),
        out_shape=jax.ShapeDtypeStruct((N_NODES, D), jnp.float32),
    )(p, hist, b1, W2)


def _tc_head(p, hist, b2, gid3, descriptors,
             Wc1, bc1, Wc2, bc2, Wc3, bc3):
    DC = D + D_EXTRA

    def body(p_ref, h_ref, b_ref, g_ref, d_ref,
             w1_ref, c1_ref, w2_ref, c2_ref, w3_ref, c3_ref,
             o_ref, sums, cnts):
        i = pl.program_id(0)

        @pl.when(i == 0)
        def _():
            sums[...] = jnp.zeros_like(sums)
            cnts[...] = jnp.zeros_like(cnts)

        agg = p_ref[0] + p_ref[1]
        nd = _norm_from_hist(h_ref[1, :, 0])
        h2 = jnp.maximum(agg * nd[:, None] + b_ref[...][None, :], 0.0)
        gid = g_ref[0, 0, :]
        og = (lax.broadcasted_iota(jnp.int32, (N_GRAPHS, _BLK), 0)
              == gid[None, :]).astype(jnp.float32)
        sums[...] += jnp.dot(og, h2, precision=_HIGH)
        cnts[...] += jnp.sum(og, axis=1)

        @pl.when(i == _NBLK - 1)
        def _():
            hg = sums[...] / jnp.maximum(cnts[...], 1.0)[:, None]
            z1 = (jnp.dot(hg, w1_ref[0:D, :], precision=_HIGH)
                  + jnp.dot(d_ref[...], w1_ref[D:DC, :], precision=_HIGH)
                  + c1_ref[...][None, :])
            o1 = jnp.maximum(z1, 0.0)
            o2 = jnp.maximum(
                jnp.dot(o1, w2_ref[...], precision=_HIGH)
                + c2_ref[...][None, :], 0.0)
            o_ref[...] = (jnp.dot(o2, w3_ref[...], precision=_HIGH)
                          + c3_ref[...][None, :])

    return pl.pallas_call(
        body,
        grid=(_NBLK,),
        in_specs=[
            pl.BlockSpec((NC, _BLK, D), lambda i: (0, i, 0)),
            pl.BlockSpec((2, _BLK, D), lambda i: (0, i, 0)),
            pl.BlockSpec((D,), lambda i: (0,)),
            pl.BlockSpec((1, 1, _BLK), lambda i: (i, 0, 0)),
            pl.BlockSpec((N_GRAPHS, D_EXTRA), lambda i: (0, 0)),
            pl.BlockSpec((DC, DC), lambda i: (0, 0)),
            pl.BlockSpec((DC,), lambda i: (0,)),
            pl.BlockSpec((DC, DC), lambda i: (0, 0)),
            pl.BlockSpec((DC,), lambda i: (0,)),
            pl.BlockSpec((DC, 1), lambda i: (0, 0)),
            pl.BlockSpec((1,), lambda i: (0,)),
        ],
        out_specs=pl.BlockSpec((N_GRAPHS, 1), lambda i: (0, 0)),
        out_shape=jax.ShapeDtypeStruct((N_GRAPHS, 1), jnp.float32),
        scratch_shapes=[
            pltpu.VMEM((N_GRAPHS, D), jnp.float32),
            pltpu.VMEM((N_GRAPHS,), jnp.float32),
        ],
    )(p, hist, b2, gid3, descriptors, Wc1, bc1, Wc2, bc2, Wc3, bc3)


def kernel(x, edge_index, graph_ids, descriptors,
           W1, b1, W2, b2, Wc1, bc1, Wc2, bc2, Wc3, bc3):
    edge_flat = edge_index.reshape(-1)
    t0 = _tc_matmul(x, W1)
    hist = _sc_degrees(edge_flat)
    t1 = _tc_scale(t0, hist)
    p1 = _sc_aggregate(t1, edge_flat)
    t2 = _tc_mid(p1, hist, b1, W2)
    p2 = _sc_aggregate(t2, edge_flat)
    gid3 = graph_ids.reshape(_NBLK, 1, _BLK)
    return _tc_head(p2, hist, b2, gid3, descriptors,
                    Wc1, bc1, Wc2, bc2, Wc3, bc3)

# --- scband reference (transcript-rebuilt; emitter-appended) ---
"""Pipeline reference for scband-gcnreg-add-33243046871479 (READ-ONLY COPY).

The authoritative reference and input builder live on the scoring server;
editing this copy changes nothing except your own understanding.
"""

import jax, jax.numpy as jnp
import numpy as np

N_NODES = 10000
N_EDGES = 320000
N_GRAPHS = 64
D_IN = 128
D_HID = 128
D_EXTRA = 16
N_CLASSES = 1


def setup_inputs(seed: int = 0) -> dict:
    key = jax.random.key(seed)
    ks = jax.random.split(key, 16)
    x = jax.random.normal(ks[0], (N_NODES, D_IN), dtype=jnp.float32)
    edge_index = jax.random.randint(ks[1], (2, N_EDGES), 0, N_NODES, dtype=jnp.int32)
    graph_ids = jnp.sort(jax.random.randint(ks[2], (N_NODES,), 0, N_GRAPHS, dtype=jnp.int32))
    descriptors = jax.random.normal(ks[3], (N_GRAPHS, D_EXTRA), dtype=jnp.float32)
    W1 = jax.random.normal(ks[4], (D_IN, D_HID), dtype=jnp.float32) * 0.05
    b1 = jnp.zeros((D_HID,), dtype=jnp.float32)
    W2 = jax.random.normal(ks[5], (D_HID, D_HID), dtype=jnp.float32) * 0.05
    b2 = jnp.zeros((D_HID,), dtype=jnp.float32)
    Wc1 = jax.random.normal(ks[6], (D_HID + D_EXTRA, D_HID + D_EXTRA), dtype=jnp.float32) * 0.05
    bc1 = jnp.zeros((D_HID + D_EXTRA,), dtype=jnp.float32)
    Wc2 = jax.random.normal(ks[7], (D_HID + D_EXTRA, D_HID + D_EXTRA), dtype=jnp.float32) * 0.05
    bc2 = jnp.zeros((D_HID + D_EXTRA,), dtype=jnp.float32)
    Wc3 = jax.random.normal(ks[8], (D_HID + D_EXTRA, N_CLASSES), dtype=jnp.float32) * 0.05
    bc3 = jnp.zeros((N_CLASSES,), dtype=jnp.float32)
    return {"x": x, "edge_index": edge_index, "graph_ids": graph_ids,
            "descriptors": descriptors,
            "W1": W1, "b1": b1, "W2": W2, "b2": b2,
            "Wc1": Wc1, "bc1": bc1, "Wc2": Wc2, "bc2": bc2,
            "Wc3": Wc3, "bc3": bc3}


def _graph_conv(h, src, dst, W, b):
    # DGL GraphConv with norm='both': D_out^{-1/2} -> aggregate(sum) -> D_in^{-1/2} -> W, b
    ones_e = jnp.ones((src.shape[0],), dtype=jnp.float32)
    deg_out = jax.ops.segment_sum(ones_e, src, num_segments=N_NODES)
    deg_in = jax.ops.segment_sum(ones_e, dst, num_segments=N_NODES)
    norm_s = jnp.where(deg_out > 0, deg_out, 1.0) ** -0.5
    norm_d = jnp.where(deg_in > 0, deg_in, 1.0) ** -0.5
    h = h * norm_s[:, None]
    msg = jnp.take(h, src, axis=0)
    agg = jax.ops.segment_sum(msg, dst, num_segments=N_NODES)
    agg = agg * norm_d[:, None]
    return agg @ W + b


def reference(x, edge_index, graph_ids, descriptors,
              W1, b1, W2, b2, Wc1, bc1, Wc2, bc2, Wc3, bc3):
    src = edge_index[0]
    dst = edge_index[1]
    h1 = jax.nn.relu(_graph_conv(x, src, dst, W1, b1))
    h1 = jax.nn.relu(_graph_conv(h1, src, dst, W2, b2))
    # dgl.mean_nodes over batched graph: per-graph mean of node features
    sums = jax.ops.segment_sum(h1, graph_ids, num_segments=N_GRAPHS)
    counts = jax.ops.segment_sum(jnp.ones((N_NODES,), dtype=jnp.float32), graph_ids, num_segments=N_GRAPHS)
    hg = sums / jnp.maximum(counts, 1.0)[:, None]
    hg = jnp.concatenate([hg, descriptors.astype(jnp.float32)], axis=1)
    out = jax.nn.relu(hg @ Wc1 + bc1)
    out = jax.nn.relu(out @ Wc2 + bc2)
    out = out @ Wc3 + bc3
    return out

if __name__ == "__main__":
    import jax
    _d = setup_inputs()
    print(jax.jit(kernel)(*tuple(_d.values())))

</pallas_src>

<mosaic_0001>
#map = affine_map<(d0, d1) -> (0)>
#map1 = affine_map<(d0, d1) -> (0, 0, 0)>
module attributes {stable_mosaic.version = 14 : i64} {
  func.func @k(%arg0: i32, %arg1: i32, %arg2: memref<640000xi32, #tpu.memory_space<hbm>>, %arg3: memref<2x10000x128xf32, #tpu.memory_space<hbm>>, %arg4: memref<128xi32, #tpu.memory_space<vmem>>, %arg5: memref<128xi32, #tpu.memory_space<vmem>>, %arg6: memref<128xi32, #tpu.memory_space<vmem>>, %arg7: memref<128xi32, #tpu.memory_space<vmem>>, %arg8: memref<128xi32, #tpu.memory_space<vmem>>, %arg9: memref<128xi32, #tpu.memory_space<vmem>>, %arg10: memref<128xi32, #tpu.memory_space<vmem>>, %arg11: memref<128xi32, #tpu.memory_space<vmem>>, %arg12: memref<128xi32, #tpu.memory_space<vmem>>, %arg13: memref<128xi32, #tpu.memory_space<vmem>>, %arg14: memref<128xi32, #tpu.memory_space<vmem>>, %arg15: memref<128xi32, #tpu.memory_space<vmem>>, %arg16: memref<32xi32, #tpu.memory_space<vmem>>, %arg17: memref<128x128xf32, #tpu.memory_space<vmem>>, %arg18: memref<10000x128xf32, #tpu.memory_space<vmem_shared>>, %arg19: memref<6x!tpu.dma_semaphore, #tpu.memory_space<semaphore_mem>>, %arg20: memref<6x!tpu.dma_semaphore, #tpu.memory_space<semaphore_mem>>, %arg21: memref<6x!tpu.dma_semaphore, #tpu.memory_space<semaphore_mem>>, %arg22: memref<6x!tpu.dma_semaphore, #tpu.memory_space<semaphore_mem>>) attributes {dimension_semantics = [#tpu.dimension_semantics<core_parallel>, #tpu.dimension_semantics<subcore_parallel>], iteration_bounds = array<i64: 2, 16>, scalar_prefetch = 0 : i64, scratch_operands = 19 : i64, tpu.core_type = #tpu.core_type<sc_vector_subcore>, window_params = [{transform_indices = #map}, {transform_indices = #map1}]} {
    %scan3A = arith.constant 0 : i32
    %scan3A_0 = arith.constant 128 : i32
    %scan3A_1 = arith.addi %scan3A, %scan3A_0 : i32
    %scan3A_2 = arith.constant 1 : i32
    scf.for %scan3A_122 = %scan3A to %scan3A_1 step %scan3A_2  : i32 {
      %mul3A_123 = arith.constant 1 : i32
      %mul3A_124 = arith.muli %scan3A_122, %mul3A_123 : i32
      %add3A_125 = arith.constant 0 : i32
      %add3A_126 = arith.addi %add3A_125, %mul3A_124 : i32
      %broadcast_in_dim3A = arith.constant 0.000000e+00 : f32
      %broadcast_in_dim3A_127 = vector.broadcast %broadcast_in_dim3A : f32 to vector<16xf32>
      %swap3A = arith.index_cast %add3A_126 : i32 to index
      %swap3A_128 = arith.constant 0 : index
      %swap3A_129 = tpu.vector_load %arg17[%swap3A, %swap3A_128] {strides = array<i32>} : memref<128x128xf32, #tpu.memory_space<vmem>>, vector<1x16xf32>,
      %swap3A_130 = vector.shape_cast %swap3A_129 : vector<1x16xf32> to vector<16xf32>
      %swap3A_131 = vector.shape_cast %broadcast_in_dim3A_127 : vector<16xf32> to vector<1x16xf32>
      tpu.vector_store %arg17[%swap3A, %swap3A_128], %swap3A_131 {strides = array<i32>} : memref<128x128xf32, #tpu.memory_space<vmem>>, vector<1x16xf32>,
      %broadcast_in_dim3A_132 = arith.constant 0.000000e+00 : f32
      %broadcast_in_dim3A_133 = vector.broadcast %broadcast_in_dim3A_132 : f32 to vector<16xf32>
      %swap3A_134 = arith.index_cast %add3A_126 : i32 to index
      %swap3A_135 = arith.constant 16 : index
      %swap3A_136 = tpu.vector_load %arg17[%swap3A_134, %swap3A_135] {strides = array<i32>} : memref<128x128xf32, #tpu.memory_space<vmem>>, vector<1x16xf32>,
      %swap3A_137 = vector.shape_cast %swap3A_136 : vector<1x16xf32> to vector<16xf32>
      %swap3A_138 = vector.shape_cast %broadcast_in_dim3A_133 : vector<16xf32> to vector<1x16xf32>
      tpu.vector_store %arg17[%swap3A_134, %swap3A_135], %swap3A_138 {strides = array<i32>} : memref<128x128xf32, #tpu.memory_space<vmem>>, vector<1x16xf32>,
      %broadcast_in_dim3A_139 = arith.constant 0.000000e+00 : f32
      %broadcast_in_dim3A_140 = vector.broadcast %broadcast_in_dim3A_139 : f32 to vector<16xf32>
      %swap3A_141 = arith.index_cast %add3A_126 : i32 to index
      %swap3A_142 = arith.constant 32 : index
      %swap3A_143 = tpu.vector_load %arg17[%swap3A_141, %swap3A_142] {strides = array<i32>} : memref<128x128xf32, #tpu.memory_space<vmem>>, vector<1x16xf32>,
      %swap3A_144 = vector.shape_cast %swap3A_143 : vector<1x16xf32> to vector<16xf32>
      %swap3A_145 = vector.shape_cast %broadcast_in_dim3A_140 : vector<16xf32> to vector<1x16xf32>
      tpu.vector_store %arg17[%swap3A_141, %swap3A_142], %swap3A_145 {strides = array<i32>} : memref<128x128xf32, #tpu.memory_space<vmem>>, vector<1x16xf32>,
      %broadcast_in_dim3A_146 = arith.constant 0.000000e+00 : f32
      %broadcast_in_dim3A_147 = vector.broadcast %broadcast_in_dim3A_146 : f32 to vector<16xf32>
      %swap3A_148 = arith.index_cast %add3A_126 : i32 to index
      %swap3A_149 = arith.constant 48 : index
      %swap3A_150 = tpu.vector_load %arg17[%swap3A_148, %swap3A_149] {strides = array<i32>} : memref<128x128xf32, #tpu.memory_space<vmem>>, vector<1x16xf32>,
      %swap3A_151 = vector.shape_cast %swap3A_150 : vector<1x16xf32> to vector<16xf32>
      %swap3A_152 = vector.shape_cast %broadcast_in_dim3A_147 : vector<16xf32> to vector<1x16xf32>
      tpu.vector_store %arg17[%swap3A_148, %swap3A_149], %swap3A_152 {strides = array<i32>} : memref<128x128xf32, #tpu.memory_space<vmem>>, vector<1x16xf32>,
      %broadcast_in_dim3A_153 = arith.constant 0.000000e+00 : f32
      %broadcast_in_dim3A_154 = vector.broadcast %broadcast_in_dim3A_153 : f32 to vector<16xf32>
      %swap3A_155 = arith.index_cast %add3A_126 : i32 to index
      %swap3A_156 = arith.constant 64 : index
      %swap3A_157 = tpu.vector_load %arg17[%swap3A_155, %swap3A_156] {strides = array<i32>} : memref<128x128xf32, #tpu.memory_space<vmem>>, vector<1x16xf32>,
      %swap3A_158 = vector.shape_cast %swap3A_157 : vector<1x16xf32> to vector<16xf32>
      %swap3A_159 = vector.shape_cast %broadcast_in_dim3A_154 : vector<16xf32> to vector<1x16xf32>
      tpu.vector_store %arg17[%swap3A_155, %swap3A_156], %swap3A_159 {strides = array<i32>} : memref<128x128xf32, #tpu.memory_space<vmem>>, vector<1x16xf32>,
      %broadcast_in_dim3A_160 = arith.constant 0.000000e+00 : f32
      %broadcast_in_dim3A_161 = vector.broadcast %broadcast_in_dim3A_160 : f32 to vector<16xf32>
      %swap3A_162 = arith.index_cast %add3A_126 : i32 to index
      %swap3A_163 = arith.constant 80 : index
      %swap3A_164 = tpu.vector_load %arg17[%swap3A_162, %swap3A_163] {strides = array<i32>} : memref<128x128xf32, #tpu.memory_space<vmem>>, vector<1x16xf32>,
      %swap3A_165 = vector.shape_cast %swap3A_164 : vector<1x16xf32> to vector<16xf32>
      %swap3A_166 = vector.shape_cast %broadcast_in_dim3A_161 : vector<16xf32> to vector<1x16xf32>
      tpu.vector_store %arg17[%swap3A_162, %swap3A_163], %swap3A_166 {strides = array<i32>} : memref<128x128xf32, #tpu.memory_space<vmem>>, vector<1x16xf32>,
      %broadcast_in_dim3A_167 = arith.constant 0.000000e+00 : f32
      %broadcast_in_dim3A_168 = vector.broadcast %broadcast_in_dim3A_167 : f32 to vector<16xf32>
      %swap3A_169 = arith.index_cast %add3A_126 : i32 to index
      %swap3A_170 = arith.constant 96 : index
      %swap3A_171 = tpu.vector_load %arg17[%swap3A_169, %swap3A_170] {strides = array<i32>} : memref<128x128xf32, #tpu.memory_space<vmem>>, vector<1x16xf32>,
      %swap3A_172 = vector.shape_cast %swap3A_171 : vector<1x16xf32> to vector<16xf32>
      %swap3A_173 = vector.shape_cast %broadcast_in_dim3A_168 : vector<16xf32> to vector<1x16xf32>
      tpu.vector_store %arg17[%swap3A_169, %swap3A_170], %swap3A_173 {strides = array<i32>} : memref<128x128xf32, #tpu.memory_space<vmem>>, vector<1x16xf32>,
      %broadcast_in_dim3A_174 = arith.constant 0.000000e+00 : f32
      %broadcast_in_dim3A_175 = vector.broadcast %broadcast_in_dim3A_174 : f32 to vector<16xf32>
      %swap3A_176 = arith.index_cast %add3A_126 : i32 to index
      %swap3A_177 = arith.constant 112 : index
      %swap3A_178 = tpu.vector_load %arg17[%swap3A_176, %swap3A_177] {strides = array<i32>} : memref<128x128xf32, #tpu.memory_space<vmem>>, vector<1x16xf32>,
      %swap3A_179 = vector.shape_cast %swap3A_178 : vector<1x16xf32> to vector<16xf32>
      %swap3A_180 = vector.shape_cast %broadcast_in_dim3A_175 : vector<16xf32> to vector<1x16xf32>
      tpu.vector_store %arg17[%swap3A_176, %swap3A_177], %swap3A_180 {strides = array<i32>} : memref<128x128xf32, #tpu.memory_space<vmem>>, vector<1x16xf32>,
    }
    %scan3A_3 = arith.constant 128 : i32
    %mul3A = arith.constant 624 : i32
    %mul3A_4 = arith.muli %arg1, %mul3A : i32
    %add3A = arith.constant 0 : i32
    %add3A_5 = arith.addi %mul3A_4, %add3A : i32
    "tpu.region"() ({
      %run_scoped3A = tpu.sem_alloc : memref<!tpu.dma_semaphore, #tpu.memory_space<semaphore_mem>>
      %dma_start3A = arith.constant 0 : i32
      %dma_start3A_122 = arith.constant 0 : i32
      %dma_start3A_123 = tpu.memref_slice %arg17[%dma_start3A, %dma_start3A_122] : memref<128x128xf32, #tpu.memory_space<vmem>> -> memref<128x128xf32, #tpu.memory_space<vmem>>
      %dma_start3A_124 = arith.constant 0 : i32
      %dma_start3A_125 = tpu.memref_slice %arg18[%add3A_5, %dma_start3A_124] : memref<10000x128xf32, #tpu.memory_space<vmem_shared>> -> memref<128x128xf32, #tpu.memory_space<vmem_shared>>
      %dma_start3A_126 = arith.constant 0 : i32
      %dma_start3A_127 = tpu.memref_slice %arg18[%add3A_5, %dma_start3A_126] : memref<10000x128xf32, #tpu.memory_space<vmem_shared>> -> memref<128x128xf32, #tpu.memory_space<vmem_shared>>
      %dma_start3A_128 = arith.constant 0 : i32
      %dma_start3A_129 = arith.constant 0 : i32
      %dma_start3A_130 = tpu.memref_slice %arg17[%dma_start3A_128, %dma_start3A_129] : memref<128x128xf32, #tpu.memory_space<vmem>> -> memref<128x128xf32, #tpu.memory_space<vmem>>
      tpu.enqueue_dma source(%dma_start3A_130 : memref<128x128xf32, #tpu.memory_space<vmem>>) target(%dma_start3A_127 : memref<128x128xf32, #tpu.memory_space<vmem_shared>>) target_semaphore(%run_scoped3A : memref<!tpu.dma_semaphore, #tpu.memory_space<semaphore_mem>>)
      %dma_wait3A_131 = arith.constant 0 : i32
      %dma_wait3A_132 = arith.constant 0 : i32
      %dma_wait3A_133 = tpu.memref_slice %arg17[%dma_wait3A_131, %dma_wait3A_132] : memref<128x128xf32, #tpu.memory_space<vmem>> -> memref<128x128xf32, #tpu.memory_space<vmem>>
      %dma_wait3A_134 = arith.constant 0 : i32
      %dma_wait3A_135 = tpu.memref_slice %arg18[%add3A_5, %dma_wait3A_134] : memref<10000x128xf32, #tpu.memory_space<vmem_shared>> -> memref<128x128xf32, #tpu.memory_space<vmem_shared>>
      %dma_wait3A_136 = arith.constant 0 : i32
      %dma_wait3A_137 = tpu.memref_slice %arg18[%add3A_5, %dma_wait3A_136] : memref<10000x128xf32, #tpu.memory_space<vmem_shared>> -> memref<128x128xf32, #tpu.memory_space<vmem_shared>>
      %dma_wait3A_138 = arith.constant 0 : i32
      %dma_wait3A_139 = arith.constant 0 : i32
      %dma_wait3A_140 = tpu.memref_slice %arg17[%dma_wait3A_138, %dma_wait3A_139] : memref<128x128xf32, #tpu.memory_space<vmem>> -> memref<128x128xf32, #tpu.memory_space<vmem>>
      tpu.wait_dma2 semaphore(%run_scoped3A : memref<!tpu.dma_semaphore, #tpu.memory_space<semaphore_mem>>) src(%dma_wait3A_140 : memref<128x128xf32, #tpu.memory_space<vmem>>) dst(%dma_wait3A_137 : memref<128x128xf32, #tpu.memory_space<vmem_shared>>)
      tpu.yield
    }) : () -> ()
    %mul3A_6 = arith.constant 624 : i32
    %mul3A_7 = arith.muli %arg1, %mul3A_6 : i32
    %add3A_8 = arith.constant 128 : i32
    %add3A_9 = arith.addi %mul3A_7, %add3A_8 : i32
    "tpu.region"() ({
      %run_scoped3A = tpu.sem_alloc : memref<!tpu.dma_semaphore, #tpu.memory_space<semaphore_mem>>
      %dma_start3A = arith.constant 0 : i32
      %dma_start3A_122 = arith.constant 0 : i32
      %dma_start3A_123 = tpu.memref_slice %arg17[%dma_start3A, %dma_start3A_122] : memref<128x128xf32, #tpu.memory_space<vmem>> -> memref<128x128xf32, #tpu.memory_space<vmem>>
      %dma_start3A_124 = arith.constant 0 : i32
      %dma_start3A_125 = tpu.memref_slice %arg18[%add3A_9, %dma_start3A_124] : memref<10000x128xf32, #tpu.memory_space<vmem_shared>> -> memref<128x128xf32, #tpu.memory_space<vmem_shared>>
      %dma_start3A_126 = arith.constant 0 : i32
      %dma_start3A_127 = tpu.memref_slice %arg18[%add3A_9, %dma_start3A_126] : memref<10000x128xf32, #tpu.memory_space<vmem_shared>> -> memref<128x128xf32, #tpu.memory_space<vmem_shared>>
      %dma_start3A_128 = arith.constant 0 : i32
      %dma_start3A_129 = arith.constant 0 : i32
      %dma_start3A_130 = tpu.memref_slice %arg17[%dma_start3A_128, %dma_start3A_129] : memref<128x128xf32, #tpu.memory_space<vmem>> -> memref<128x128xf32, #tpu.memory_space<vmem>>
      tpu.enqueue_dma source(%dma_start3A_130 : memref<128x128xf32, #tpu.memory_space<vmem>>) target(%dma_start3A_127 : memref<128x128xf32, #tpu.memory_space<vmem_shared>>) target_semaphore(%run_scoped3A : memref<!tpu.dma_semaphore, #tpu.memory_space<semaphore_mem>>)
      %dma_wait3A_131 = arith.constant 0 : i32
      %dma_wait3A_132 = arith.constant 0 : i32
      %dma_wait3A_133 = tpu.memref_slice %arg17[%dma_wait3A_131, %dma_wait3A_132] : memref<128x128xf32, #tpu.memory_space<vmem>> -> memref<128x128xf32, #tpu.memory_space<vmem>>
      %dma_wait3A_134 = arith.constant 0 : i32
      %dma_wait3A_135 = tpu.memref_slice %arg18[%add3A_9, %dma_wait3A_134] : memref<10000x128xf32, #tpu.memory_space<vmem_shared>> -> memref<128x128xf32, #tpu.memory_space<vmem_shared>>
      %dma_wait3A_136 = arith.constant 0 : i32
      %dma_wait3A_137 = tpu.memref_slice %arg18[%add3A_9, %dma_wait3A_136] : memref<10000x128xf32, #tpu.memory_space<vmem_shared>> -> memref<128x128xf32, #tpu.memory_space<vmem_shared>>
      %dma_wait3A_138 = arith.constant 0 : i32
      %dma_wait3A_139 = arith.constant 0 : i32
      %dma_wait3A_140 = tpu.memref_slice %arg17[%dma_wait3A_138, %dma_wait3A_139] : memref<128x128xf32, #tpu.memory_space<vmem>> -> memref<128x128xf32, #tpu.memory_space<vmem>>
      tpu.wait_dma2 semaphore(%run_scoped3A : memref<!tpu.dma_semaphore, #tpu.memory_space<semaphore_mem>>) src(%dma_wait3A_140 : memref<128x128xf32, #tpu.memory_space<vmem>>) dst(%dma_wait3A_137 : memref<128x128xf32, #tpu.memory_space<vmem_shared>>)
      tpu.yield
    }) : () -> ()
    %mul3A_10 = arith.constant 624 : i32
    %mul3A_11 = arith.muli %arg1, %mul3A_10 : i32
    %add3A_12 = arith.constant 256 : i32
    %add3A_13 = arith.addi %mul3A_11, %add3A_12 : i32
    "tpu.region"() ({
      %run_scoped3A = tpu.sem_alloc : memref<!tpu.dma_semaphore, #tpu.memory_space<semaphore_mem>>
      %dma_start3A = arith.constant 0 : i32
      %dma_start3A_122 = arith.constant 0 : i32
      %dma_start3A_123 = tpu.memref_slice %arg17[%dma_start3A, %dma_start3A_122] : memref<128x128xf32, #tpu.memory_space<vmem>> -> memref<128x128xf32, #tpu.memory_space<vmem>>
      %dma_start3A_124 = arith.constant 0 : i32
      %dma_start3A_125 = tpu.memref_slice %arg18[%add3A_13, %dma_start3A_124] : memref<10000x128xf32, #tpu.memory_space<vmem_shared>> -> memref<128x128xf32, #tpu.memory_space<vmem_shared>>
      %dma_start3A_126 = arith.constant 0 : i32
      %dma_start3A_127 = tpu.memref_slice %arg18[%add3A_13, %dma_start3A_126] : memref<10000x128xf32, #tpu.memory_space<vmem_shared>> -> memref<128x128xf32, #tpu.memory_space<vmem_shared>>
      %dma_start3A_128 = arith.constant 0 : i32
      %dma_start3A_129 = arith.constant 0 : i32
      %dma_start3A_130 = tpu.memref_slice %arg17[%dma_start3A_128, %dma_start3A_129] : memref<128x128xf32, #tpu.memory_space<vmem>> -> memref<128x128xf32, #tpu.memory_space<vmem>>
      tpu.enqueue_dma source(%dma_start3A_130 : memref<128x128xf32, #tpu.memory_space<vmem>>) target(%dma_start3A_127 : memref<128x128xf32, #tpu.memory_space<vmem_shared>>) target_semaphore(%run_scoped3A : memref<!tpu.dma_semaphore, #tpu.memory_space<semaphore_mem>>)
      %dma_wait3A_131 = arith.constant 0 : i32
      %dma_wait3A_132 = arith.constant 0 : i32
      %dma_wait3A_133 = tpu.memref_slice %arg17[%dma_wait3A_131, %dma_wait3A_132] : memref<128x128xf32, #tpu.memory_space<vmem>> -> memref<128x128xf32, #tpu.memory_space<vmem>>
      %dma_wait3A_134 = arith.constant 0 : i32
      %dma_wait3A_135 = tpu.memref_slice %arg18[%add3A_13, %dma_wait3A_134] : memref<10000x128xf32, #tpu.memory_space<vmem_shared>> -> memref<128x128xf32, #tpu.memory_space<vmem_shared>>
      %dma_wait3A_136 = arith.constant 0 : i32
      %dma_wait3A_137 = tpu.memref_slice %arg18[%add3A_13, %dma_wait3A_136] : memref<10000x128xf32, #tpu.memory_space<vmem_shared>> -> memref<128x128xf32, #tpu.memory_space<vmem_shared>>
      %dma_wait3A_138 = arith.constant 0 : i32
      %dma_wait3A_139 = arith.constant 0 : i32
      %dma_wait3A_140 = tpu.memref_slice %arg17[%dma_wait3A_138, %dma_wait3A_139] : memref<128x128xf32, #tpu.memory_space<vmem>> -> memref<128x128xf32, #tpu.memory_space<vmem>>
      tpu.wait_dma2 semaphore(%run_scoped3A : memref<!tpu.dma_semaphore, #tpu.memory_space<semaphore_mem>>) src(%dma_wait3A_140 : memref<128x128xf32, #tpu.memory_space<vmem>>) dst(%dma_wait3A_137 : memref<128x128xf32, #tpu.memory_space<vmem_shared>>)
      tpu.yield
    }) : () -> ()
    %mul3A_14 = arith.constant 624 : i32
    %mul3A_15 = arith.muli %arg1, %mul3A_14 : i32
    %add3A_16 = arith.constant 384 : i32
    %add3A_17 = arith.addi %mul3A_15, %add3A_16 : i32
    "tpu.region"() ({
      %run_scoped3A = tpu.sem_alloc : memref<!tpu.dma_semaphore, #tpu.memory_space<semaphore_mem>>
      %dma_start3A = arith.constant 0 : i32
      %dma_start3A_122 = arith.constant 0 : i32
      %dma_start3A_123 = tpu.memref_slice %arg17[%dma_start3A, %dma_start3A_122] : memref<128x128xf32, #tpu.memory_space<vmem>> -> memref<128x128xf32, #tpu.memory_space<vmem>>
      %dma_start3A_124 = arith.constant 0 : i32
      %dma_start3A_125 = tpu.memref_slice %arg18[%add3A_17, %dma_start3A_124] : memref<10000x128xf32, #tpu.memory_space<vmem_shared>> -> memref<128x128xf32, #tpu.memory_space<vmem_shared>>
      %dma_start3A_126 = arith.constant 0 : i32
      %dma_start3A_127 = tpu.memref_slice %arg18[%add3A_17, %dma_start3A_126] : memref<10000x128xf32, #tpu.memory_space<vmem_shared>> -> memref<128x128xf32, #tpu.memory_space<vmem_shared>>
      %dma_start3A_128 = arith.constant 0 : i32
      %dma_start3A_129 = arith.constant 0 : i32
      %dma_start3A_130 = tpu.memref_slice %arg17[%dma_start3A_128, %dma_start3A_129] : memref<128x128xf32, #tpu.memory_space<vmem>> -> memref<128x128xf32, #tpu.memory_space<vmem>>
      tpu.enqueue_dma source(%dma_start3A_130 : memref<128x128xf32, #tpu.memory_space<vmem>>) target(%dma_start3A_127 : memref<128x128xf32, #tpu.memory_space<vmem_shared>>) target_semaphore(%run_scoped3A : memref<!tpu.dma_semaphore, #tpu.memory_space<semaphore_mem>>)
      %dma_wait3A_131 = arith.constant 0 : i32
      %dma_wait3A_132 = arith.constant 0 : i32
      %dma_wait3A_133 = tpu.memref_slice %arg17[%dma_wait3A_131, %dma_wait3A_132] : memref<128x128xf32, #tpu.memory_space<vmem>> -> memref<128x128xf32, #tpu.memory_space<vmem>>
      %dma_wait3A_134 = arith.constant 0 : i32
      %dma_wait3A_135 = tpu.memref_slice %arg18[%add3A_17, %dma_wait3A_134] : memref<10000x128xf32, #tpu.memory_space<vmem_shared>> -> memref<128x128xf32, #tpu.memory_space<vmem_shared>>
      %dma_wait3A_136 = arith.constant 0 : i32
      %dma_wait3A_137 = tpu.memref_slice %arg18[%add3A_17, %dma_wait3A_136] : memref<10000x128xf32, #tpu.memory_space<vmem_shared>> -> memref<128x128xf32, #tpu.memory_space<vmem_shared>>
      %dma_wait3A_138 = arith.constant 0 : i32
      %dma_wait3A_139 = arith.constant 0 : i32
      %dma_wait3A_140 = tpu.memref_slice %arg17[%dma_wait3A_138, %dma_wait3A_139] : memref<128x128xf32, #tpu.memory_space<vmem>> -> memref<128x128xf32, #tpu.memory_space<vmem>>
      tpu.wait_dma2 semaphore(%run_scoped3A : memref<!tpu.dma_semaphore, #tpu.memory_space<semaphore_mem>>) src(%dma_wait3A_140 : memref<128x128xf32, #tpu.memory_space<vmem>>) dst(%dma_wait3A_137 : memref<128x128xf32, #tpu.memory_space<vmem_shared>>)
      tpu.yield
    }) : () -> ()
    %mul3A_18 = arith.constant 624 : i32
    %mul3A_19 = arith.muli %arg1, %mul3A_18 : i32
    %add3A_20 = arith.constant 512 : i32
    %add3A_21 = arith.addi %mul3A_19, %add3A_20 : i32
    "tpu.region"() ({
      %run_scoped3A = tpu.sem_alloc : memref<!tpu.dma_semaphore, #tpu.memory_space<semaphore_mem>>
      %dma_start3A = arith.constant 0 : i32
      %dma_start3A_122 = arith.constant 0 : i32
      %dma_start3A_123 = tpu.memref_slice %arg17[%dma_start3A, %dma_start3A_122] : memref<128x128xf32, #tpu.memory_space<vmem>> -> memref<112x128xf32, #tpu.memory_space<vmem>>
      %dma_start3A_124 = arith.constant 0 : i32
      %dma_start3A_125 = tpu.memref_slice %arg18[%add3A_21, %dma_start3A_124] : memref<10000x128xf32, #tpu.memory_space<vmem_shared>> -> memref<112x128xf32, #tpu.memory_space<vmem_shared>>
      %dma_start3A_126 = arith.constant 0 : i32
      %dma_start3A_127 = tpu.memref_slice %arg18[%add3A_21, %dma_start3A_126] : memref<10000x128xf32, #tpu.memory_space<vmem_shared>> -> memref<112x128xf32, #tpu.memory_space<vmem_shared>>
      %dma_start3A_128 = arith.constant 0 : i32
      %dma_start3A_129 = arith.constant 0 : i32
      %dma_start3A_130 = tpu.memref_slice %arg17[%dma_start3A_128, %dma_start3A_129] : memref<128x128xf32, #tpu.memory_space<vmem>> -> memref<112x128xf32, #tpu.memory_space<vmem>>
      tpu.enqueue_dma source(%dma_start3A_130 : memref<112x128xf32, #tpu.memory_space<vmem>>) target(%dma_start3A_127 : memref<112x128xf32, #tpu.memory_space<vmem_shared>>) target_semaphore(%run_scoped3A : memref<!tpu.dma_semaphore, #tpu.memory_space<semaphore_mem>>)
      %dma_wait3A_131 = arith.constant 0 : i32
      %dma_wait3A_132 = arith.constant 0 : i32
      %dma_wait3A_133 = tpu.memref_slice %arg17[%dma_wait3A_131, %dma_wait3A_132] : memref<128x128xf32, #tpu.memory_space<vmem>> -> memref<112x128xf32, #tpu.memory_space<vmem>>
      %dma_wait3A_134 = arith.constant 0 : i32
      %dma_wait3A_135 = tpu.memref_slice %arg18[%add3A_21, %dma_wait3A_134] : memref<10000x128xf32, #tpu.memory_space<vmem_shared>> -> memref<112x128xf32, #tpu.memory_space<vmem_shared>>
      %dma_wait3A_136 = arith.constant 0 : i32
      %dma_wait3A_137 = tpu.memref_slice %arg18[%add3A_21, %dma_wait3A_136] : memref<10000x128xf32, #tpu.memory_space<vmem_shared>> -> memref<112x128xf32, #tpu.memory_space<vmem_shared>>
      %dma_wait3A_138 = arith.constant 0 : i32
      %dma_wait3A_139 = arith.constant 0 : i32
      %dma_wait3A_140 = tpu.memref_slice %arg17[%dma_wait3A_138, %dma_wait3A_139] : memref<128x128xf32, #tpu.memory_space<vmem>> -> memref<112x128xf32, #tpu.memory_space<vmem>>
      tpu.wait_dma2 semaphore(%run_scoped3A : memref<!tpu.dma_semaphore, #tpu.memory_space<semaphore_mem>>) src(%dma_wait3A_140 : memref<112x128xf32, #tpu.memory_space<vmem>>) dst(%dma_wait3A_137 : memref<112x128xf32, #tpu.memory_space<vmem_shared>>)
      tpu.yield
    }) : () -> ()
    %eq3A = arith.constant 15 : i32
    %eq3A_22 = arith.cmpi eq, %arg1, %eq3A : i32
    %convert_element_type3A = arith.extui %eq3A_22 : i1 to i32
    %cond3A = arith.constant 0 : i32
    %cond3A_23 = arith.cmpi ne, %convert_element_type3A, %cond3A : i32
    scf.if %cond3A_23 {
      "tpu.region"() ({
        %run_scoped3A = tpu.sem_alloc : memref<!tpu.dma_semaphore, #tpu.memory_space<semaphore_mem>>
        %dma_start3A = arith.constant 0 : i32
        %dma_start3A_122 = arith.constant 0 : i32
        %dma_start3A_123 = tpu.memref_slice %arg17[%dma_start3A, %dma_start3A_122] : memref<128x128xf32, #tpu.memory_space<vmem>> -> memref<16x128xf32, #tpu.memory_space<vmem>>
        %dma_start3A_124 = arith.constant 9984 : i32
        %dma_start3A_125 = arith.constant 0 : i32
        %dma_start3A_126 = tpu.memref_slice %arg18[%dma_start3A_124, %dma_start3A_125] : memref<10000x128xf32, #tpu.memory_space<vmem_shared>> -> memref<16x128xf32, #tpu.memory_space<vmem_shared>>
        %dma_start3A_127 = arith.constant 9984 : i32
        %dma_start3A_128 = arith.constant 0 : i32
        %dma_start3A_129 = tpu.memref_slice %arg18[%dma_start3A_127, %dma_start3A_128] : memref<10000x128xf32, #tpu.memory_space<vmem_shared>> -> memref<16x128xf32, #tpu.memory_space<vmem_shared>>
        %dma_start3A_130 = arith.constant 0 : i32
        %dma_start3A_131 = arith.constant 0 : i32
        %dma_start3A_132 = tpu.memref_slice %arg17[%dma_start3A_130, %dma_start3A_131] : memref<128x128xf32, #tpu.memory_space<vmem>> -> memref<16x128xf32, #tpu.memory_space<vmem>>
        tpu.enqueue_dma source(%dma_start3A_132 : memref<16x128xf32, #tpu.memory_space<vmem>>) target(%dma_start3A_129 : memref<16x128xf32, #tpu.memory_space<vmem_shared>>) target_semaphore(%run_scoped3A : memref<!tpu.dma_semaphore, #tpu.memory_space<semaphore_mem>>)
        %dma_wait3A_133 = arith.constant 0 : i32
        %dma_wait3A_134 = arith.constant 0 : i32
        %dma_wait3A_135 = tpu.memref_slice %arg17[%dma_wait3A_133, %dma_wait3A_134] : memref<128x128xf32, #tpu.memory_space<vmem>> -> memref<16x128xf32, #tpu.memory_space<vmem>>
        %dma_wait3A_136 = arith.constant 9984 : i32
        %dma_wait3A_137 = arith.constant 0 : i32
        %dma_wait3A_138 = tpu.memref_slice %arg18[%dma_wait3A_136, %dma_wait3A_137] : memref<10000x128xf32, #tpu.memory_space<vmem_shared>> -> memref<16x128xf32, #tpu.memory_space<vmem_shared>>
        %dma_wait3A_139 = arith.constant 9984 : i32
        %dma_wait3A_140 = arith.constant 0 : i32
        %dma_wait3A_141 = tpu.memref_slice %arg18[%dma_wait3A_139, %dma_wait3A_140] : memref<10000x128xf32, #tpu.memory_space<vmem_shared>> -> memref<16x128xf32, #tpu.memory_space<vmem_shared>>
        %dma_wait3A_142 = arith.constant 0 : i32
        %dma_wait3A_143 = arith.constant 0 : i32
        %dma_wait3A_144 = tpu.memref_slice %arg17[%dma_wait3A_142, %dma_wait3A_143] : memref<128x128xf32, #tpu.memory_space<vmem>> -> memref<16x128xf32, #tpu.memory_space<vmem>>
        tpu.wait_dma2 semaphore(%run_scoped3A : memref<!tpu.dma_semaphore, #tpu.memory_space<semaphore_mem>>) src(%dma_wait3A_144 : memref<16x128xf32, #tpu.memory_space<vmem>>) dst(%dma_wait3A_141 : memref<16x128xf32, #tpu.memory_space<vmem_shared>>)
        tpu.yield
      }) : () -> ()
    } else {
    }
    %barrier3A = arith.constant 0 : index
    tpu.barrier barrier_id(%barrier3A)
    %scan3A_24 = arith.constant 0 : i32
    %scan3A_25 = arith.constant 128 : i32
    %scan3A_26 = arith.addi %scan3A_24, %scan3A_25 : i32
    %scan3A_27 = arith.constant 1 : i32
    scf.for %scan3A_122 = %scan3A_24 to %scan3A_26 step %scan3A_27  : i32 {
      %mul3A_123 = arith.constant 1 : i32
      %mul3A_124 = arith.muli %scan3A_122, %mul3A_123 : i32
      %add3A_125 = arith.constant 0 : i32
      %add3A_126 = arith.addi %add3A_125, %mul3A_124 : i32
      %broadcast_in_dim3A = arith.constant 1.000000e+00 : f32
      %broadcast_in_dim3A_127 = vector.broadcast %broadcast_in_dim3A : f32 to vector<16xf32>
      %swap3A = arith.index_cast %add3A_126 : i32 to index
      %swap3A_128 = arith.constant 0 : index
      %swap3A_129 = tpu.vector_load %arg17[%swap3A, %swap3A_128] {strides = array<i32>} : memref<128x128xf32, #tpu.memory_space<vmem>>, vector<1x16xf32>,
      %swap3A_130 = vector.shape_cast %swap3A_129 : vector<1x16xf32> to vector<16xf32>
      %swap3A_131 = vector.shape_cast %broadcast_in_dim3A_127 : vector<16xf32> to vector<1x16xf32>
      tpu.vector_store %arg17[%swap3A, %swap3A_128], %swap3A_131 {strides = array<i32>} : memref<128x128xf32, #tpu.memory_space<vmem>>, vector<1x16xf32>,
      %broadcast_in_dim3A_132 = arith.constant 1.000000e+00 : f32
      %broadcast_in_dim3A_133 = vector.broadcast %broadcast_in_dim3A_132 : f32 to vector<16xf32>
      %swap3A_134 = arith.index_cast %add3A_126 : i32 to index
      %swap3A_135 = arith.constant 16 : index
      %swap3A_136 = tpu.vector_load %arg17[%swap3A_134, %swap3A_135] {strides = array<i32>} : memref<128x128xf32, #tpu.memory_space<vmem>>, vector<1x16xf32>,
      %swap3A_137 = vector.shape_cast %swap3A_136 : vector<1x16xf32> to vector<16xf32>
      %swap3A_138 = vector.shape_cast %broadcast_in_dim3A_133 : vector<16xf32> to vector<1x16xf32>
      tpu.vector_store %arg17[%swap3A_134, %swap3A_135], %swap3A_138 {strides = array<i32>} : memref<128x128xf32, #tpu.memory_space<vmem>>, vector<1x16xf32>,
      %broadcast_in_dim3A_139 = arith.constant 1.000000e+00 : f32
      %broadcast_in_dim3A_140 = vector.broadcast %broadcast_in_dim3A_139 : f32 to vector<16xf32>
      %swap3A_141 = arith.index_cast %add3A_126 : i32 to index
      %swap3A_142 = arith.constant 32 : index
      %swap3A_143 = tpu.vector_load %arg17[%swap3A_141, %swap3A_142] {strides = array<i32>} : memref<128x128xf32, #tpu.memory_space<vmem>>, vector<1x16xf32>,
      %swap3A_144 = vector.shape_cast %swap3A_143 : vector<1x16xf32> to vector<16xf32>
      %swap3A_145 = vector.shape_cast %broadcast_in_dim3A_140 : vector<16xf32> to vector<1x16xf32>
      tpu.vector_store %arg17[%swap3A_141, %swap3A_142], %swap3A_145 {strides = array<i32>} : memref<128x128xf32, #tpu.memory_space<vmem>>, vector<1x16xf32>,
      %broadcast_in_dim3A_146 = arith.constant 1.000000e+00 : f32
      %broadcast_in_dim3A_147 = vector.broadcast %broadcast_in_dim3A_146 : f32 to vector<16xf32>
      %swap3A_148 = arith.index_cast %add3A_126 : i32 to index
      %swap3A_149 = arith.constant 48 : index
      %swap3A_150 = tpu.vector_load %arg17[%swap3A_148, %swap3A_149] {strides = array<i32>} : memref<128x128xf32, #tpu.memory_space<vmem>>, vector<1x16xf32>,
      %swap3A_151 = vector.shape_cast %swap3A_150 : vector<1x16xf32> to vector<16xf32>
      %swap3A_152 = vector.shape_cast %broadcast_in_dim3A_147 : vector<16xf32> to vector<1x16xf32>
      tpu.vector_store %arg17[%swap3A_148, %swap3A_149], %swap3A_152 {strides = array<i32>} : memref<128x128xf32, #tpu.memory_space<vmem>>, vector<1x16xf32>,
      %broadcast_in_dim3A_153 = arith.constant 1.000000e+00 : f32
      %broadcast_in_dim3A_154 = vector.broadcast %broadcast_in_dim3A_153 : f32 to vector<16xf32>
      %swap3A_155 = arith.index_cast %add3A_126 : i32 to index
      %swap3A_156 = arith.constant 64 : index
      %swap3A_157 = tpu.vector_load %arg17[%swap3A_155, %swap3A_156] {strides = array<i32>} : memref<128x128xf32, #tpu.memory_space<vmem>>, vector<1x16xf32>,
      %swap3A_158 = vector.shape_cast %swap3A_157 : vector<1x16xf32> to vector<16xf32>
      %swap3A_159 = vector.shape_cast %broadcast_in_dim3A_154 : vector<16xf32> to vector<1x16xf32>
      tpu.vector_store %arg17[%swap3A_155, %swap3A_156], %swap3A_159 {strides = array<i32>} : memref<128x128xf32, #tpu.memory_space<vmem>>, vector<1x16xf32>,
      %broadcast_in_dim3A_160 = arith.constant 1.000000e+00 : f32
      %broadcast_in_dim3A_161 = vector.broadcast %broadcast_in_dim3A_160 : f32 to vector<16xf32>
      %swap3A_162 = arith.index_cast %add3A_126 : i32 to index
      %swap3A_163 = arith.constant 80 : index
      %swap3A_164 = tpu.vector_load %arg17[%swap3A_162, %swap3A_163] {strides = array<i32>} : memref<128x128xf32, #tpu.memory_space<vmem>>, vector<1x16xf32>,
      %swap3A_165 = vector.shape_cast %swap3A_164 : vector<1x16xf32> to vector<16xf32>
      %swap3A_166 = vector.shape_cast %broadcast_in_dim3A_161 : vector<16xf32> to vector<1x16xf32>
      tpu.vector_store %arg17[%swap3A_162, %swap3A_163], %swap3A_166 {strides = array<i32>} : memref<128x128xf32, #tpu.memory_space<vmem>>, vector<1x16xf32>,
      %broadcast_in_dim3A_167 = arith.constant 1.000000e+00 : f32
      %broadcast_in_dim3A_168 = vector.broadcast %broadcast_in_dim3A_167 : f32 to vector<16xf32>
      %swap3A_169 = arith.index_cast %add3A_126 : i32 to index
      %swap3A_170 = arith.constant 96 : index
      %swap3A_171 = tpu.vector_load %arg17[%swap3A_169, %swap3A_170] {strides = array<i32>} : memref<128x128xf32, #tpu.memory_space<vmem>>, vector<1x16xf32>,
      %swap3A_172 = vector.shape_cast %swap3A_171 : vector<1x16xf32> to vector<16xf32>
      %swap3A_173 = vector.shape_cast %broadcast_in_dim3A_168 : vector<16xf32> to vector<1x16xf32>
      tpu.vector_store %arg17[%swap3A_169, %swap3A_170], %swap3A_173 {strides = array<i32>} : memref<128x128xf32, #tpu.memory_space<vmem>>, vector<1x16xf32>,
      %broadcast_in_dim3A_174 = arith.constant 1.000000e+00 : f32
      %broadcast_in_dim3A_175 = vector.broadcast %broadcast_in_dim3A_174 : f32 to vector<16xf32>
      %swap3A_176 = arith.index_cast %add3A_126 : i32 to index
      %swap3A_177 = arith.constant 112 : index
      %swap3A_178 = tpu.vector_load %arg17[%swap3A_176, %swap3A_177] {strides = array<i32>} : memref<128x128xf32, #tpu.memory_space<vmem>>, vector<1x16xf32>,
      %swap3A_179 = vector.shape_cast %swap3A_178 : vector<1x16xf32> to vector<16xf32>
      %swap3A_180 = vector.shape_cast %broadcast_in_dim3A_175 : vector<16xf32> to vector<1x16xf32>
      tpu.vector_store %arg17[%swap3A_176, %swap3A_177], %swap3A_180 {strides = array<i32>} : memref<128x128xf32, #tpu.memory_space<vmem>>, vector<1x16xf32>,
    }
    %scan3A_28 = arith.constant 128 : i32
    %scan3A_29 = arith.constant 0 : i32
    %scan3A_30 = arith.constant 13 : i32
    %scan3A_31 = arith.addi %scan3A_29, %scan3A_30 : i32
    %scan3A_32 = arith.constant 1 : i32
    scf.for %scan3A_122 = %scan3A_29 to %scan3A_31 step %scan3A_32  : i32 {
      %mul3A_123 = arith.constant 1 : i32
      %mul3A_124 = arith.muli %scan3A_122, %mul3A_123 : i32
      %add3A_125 = arith.constant 0 : i32
      %add3A_126 = arith.addi %add3A_125, %mul3A_124 : i32
      %mul3A_127 = arith.constant 12 : i32
      %mul3A_128 = arith.muli %add3A_126, %mul3A_127 : i32
      %add3A_129 = arith.constant 0 : i32
      %add3A_130 = arith.addi %mul3A_128, %add3A_129 : i32
      %gt3A = arith.constant 0 : i32
      %gt3A_131 = arith.cmpi sgt, %add3A_126, %gt3A : i32
      %convert_element_type3A_132 = arith.extui %gt3A_131 : i1 to i32
      %cond3A_133 = arith.constant 0 : i32
      %cond3A_134 = arith.cmpi ne, %convert_element_type3A_132, %cond3A_133 : i32
      scf.if %cond3A_134 {
        %dma_wait3A_455 = arith.constant 0 : i32
        %dma_wait3A_456 = arith.constant 0 : i32
        %dma_wait3A_457 = arith.constant 0 : i32
        %dma_wait3A_458 = tpu.memref_slice %arg18[%dma_wait3A_456, %dma_wait3A_457] : memref<10000x128xf32, #tpu.memory_space<vmem_shared>> -> memref<10000x128xf32, #tpu.memory_space<vmem_shared>>
        %dma_wait3A_459 = tpu.memref_slice %arg21[%dma_wait3A_455] : memref<6x!tpu.dma_semaphore, #tpu.memory_space<semaphore_mem>> -> memref<1x!tpu.dma_semaphore, #tpu.memory_space<semaphore_mem>>
        %dma_wait3A_460 = tpu.memref_squeeze %dma_wait3A_459 : memref<1x!tpu.dma_semaphore, #tpu.memory_space<semaphore_mem>> -> memref<!tpu.dma_semaphore, #tpu.memory_space<semaphore_mem>>
        tpu.wait_indirect_dma semaphore(%dma_wait3A_460 : memref<!tpu.dma_semaphore, #tpu.memory_space<semaphore_mem>>) src(%arg17 : memref<128x128xf32, #tpu.memory_space<vmem>>) dst(%dma_wait3A_458 : memref<10000x128xf32, #tpu.memory_space<vmem_shared>>)
        %dma_wait3A_461 = arith.constant 1 : i32
        %dma_wait3A_462 = arith.constant 0 : i32
        %dma_wait3A_463 = arith.constant 0 : i32
        %dma_wait3A_464 = tpu.memref_slice %arg18[%dma_wait3A_462, %dma_wait3A_463] : memref<10000x128xf32, #tpu.memory_space<vmem_shared>> -> memref<10000x128xf32, #tpu.memory_space<vmem_shared>>
        %dma_wait3A_465 = tpu.memref_slice %arg21[%dma_wait3A_461] : memref<6x!tpu.dma_semaphore, #tpu.memory_space<semaphore_mem>> -> memref<1x!tpu.dma_semaphore, #tpu.memory_space<semaphore_mem>>
        %dma_wait3A_466 = tpu.memref_squeeze %dma_wait3A_465 : memref<1x!tpu.dma_semaphore, #tpu.memory_space<semaphore_mem>> -> memref<!tpu.dma_semaphore, #tpu.memory_space<semaphore_mem>>
        tpu.wait_indirect_dma semaphore(%dma_wait3A_466 : memref<!tpu.dma_semaphore, #tpu.memory_space<semaphore_mem>>) src(%arg17 : memref<128x128xf32, #tpu.memory_space<vmem>>) dst(%dma_wait3A_464 : memref<10000x128xf32, #tpu.memory_space<vmem_shared>>)
        %dma_wait3A_467 = arith.constant 2 : i32
        %dma_wait3A_468 = arith.constant 0 : i32
        %dma_wait3A_469 = arith.constant 0 : i32
        %dma_wait3A_470 = tpu.memref_slice %arg18[%dma_wait3A_468, %dma_wait3A_469] : memref<10000x128xf32, #tpu.memory_space<vmem_shared>> -> memref<10000x128xf32, #tpu.memory_space<vmem_shared>>
        %dma_wait3A_471 = tpu.memref_slice %arg21[%dma_wait3A_467] : memref<6x!tpu.dma_semaphore, #tpu.memory_space<semaphore_mem>> -> memref<1x!tpu.dma_semaphore, #tpu.memory_space<semaphore_mem>>
        %dma_wait3A_472 = tpu.memref_squeeze %dma_wait3A_471 : memref<1x!tpu.dma_semaphore, #tpu.memory_space<semaphore_mem>> -> memref<!tpu.dma_semaphore, #tpu.memory_space<semaphore_mem>>
        tpu.wait_indirect_dma semaphore(%dma_wait3A_472 : memref<!tpu.dma_semaphore, #tpu.memory_space<semaphore_mem>>) src(%arg17 : memref<128x128xf32, #tpu.memory_space<vmem>>) dst(%dma_wait3A_470 : memref<10000x128xf32, #tpu.memory_space<vmem_shared>>)
        %dma_wait3A_473 = arith.constant 3 : i32
        %dma_wait3A_474 = arith.constant 0 : i32
        %dma_wait3A_475 = arith.constant 0 : i32
        %dma_wait3A_476 = tpu.memref_slice %arg18[%dma_wait3A_474, %dma_wait3A_475] : memref<10000x128xf32, #tpu.memory_space<vmem_shared>> -> memref<10000x128xf32, #tpu.memory_space<vmem_shared>>
        %dma_wait3A_477 = tpu.memref_slice %arg21[%dma_wait3A_473] : memref<6x!tpu.dma_semaphore, #tpu.memory_space<semaphore_mem>> -> memref<1x!tpu.dma_semaphore, #tpu.memory_space<semaphore_mem>>
        %dma_wait3A_478 = tpu.memref_squeeze %dma_wait3A_477 : memref<1x!tpu.dma_semaphore, #tpu.memory_space<semaphore_mem>> -> memref<!tpu.dma_semaphore, #tpu.memory_space<semaphore_mem>>
        tpu.wait_indirect_dma semaphore(%dma_wait3A_478 : memref<!tpu.dma_semaphore, #tpu.memory_space<semaphore_mem>>) src(%arg17 : memref<128x128xf32, #tpu.memory_space<vmem>>) dst(%dma_wait3A_476 : memref<10000x128xf32, #tpu.memory_space<vmem_shared>>)
        %dma_wait3A_479 = arith.constant 4 : i32
        %dma_wait3A_480 = arith.constant 0 : i32
        %dma_wait3A_481 = arith.constant 0 : i32
        %dma_wait3A_482 = tpu.memref_slice %arg18[%dma_wait3A_480, %dma_wait3A_481] : memref<10000x128xf32, #tpu.memory_space<vmem_shared>> -> memref<10000x128xf32, #tpu.memory_space<vmem_shared>>
        %dma_wait3A_483 = tpu.memref_slice %arg21[%dma_wait3A_479] : memref<6x!tpu.dma_semaphore, #tpu.memory_space<semaphore_mem>> -> memref<1x!tpu.dma_semaphore, #tpu.memory_space<semaphore_mem>>
        %dma_wait3A_484 = tpu.memref_squeeze %dma_wait3A_483 : memref<1x!tpu.dma_semaphore, #tpu.memory_space<semaphore_mem>> -> memref<!tpu.dma_semaphore, #tpu.memory_space<semaphore_mem>>
        tpu.wait_indirect_dma semaphore(%dma_wait3A_484 : memref<!tpu.dma_semaphore, #tpu.memory_space<semaphore_mem>>) src(%arg17 : memref<128x128xf32, #tpu.memory_space<vmem>>) dst(%dma_wait3A_482 : memref<10000x128xf32, #tpu.memory_space<vmem_shared>>)
        %dma_wait3A_485 = arith.constant 5 : i32
        %dma_wait3A_486 = arith.constant 0 : i32
        %dma_wait3A_487 = arith.constant 0 : i32
        %dma_wait3A_488 = tpu.memref_slice %arg18[%dma_wait3A_486, %dma_wait3A_487] : memref<10000x128xf32, #tpu.memory_space<vmem_shared>> -> memref<10000x128xf32, #tpu.memory_space<vmem_shared>>
        %dma_wait3A_489 = tpu.memref_slice %arg21[%dma_wait3A_485] : memref<6x!tpu.dma_semaphore, #tpu.memory_space<semaphore_mem>> -> memref<1x!tpu.dma_semaphore, #tpu.memory_space<semaphore_mem>>
        %dma_wait3A_490 = tpu.memref_squeeze %dma_wait3A_489 : memref<1x!tpu.dma_semaphore, #tpu.memory_space<semaphore_mem>> -> memref<!tpu.dma_semaphore, #tpu.memory_space<semaphore_mem>>
        tpu.wait_indirect_dma semaphore(%dma_wait3A_490 : memref<!tpu.dma_semaphore, #tpu.memory_space<semaphore_mem>>) src(%arg17 : memref<128x128xf32, #tpu.memory_space<vmem>>) dst(%dma_wait3A_488 : memref<10000x128xf32, #tpu.memory_space<vmem_shared>>)
      } else {
      }
      %mul3A_135 = arith.constant 320000 : i32
      %mul3A_136 = arith.muli %arg0, %mul3A_135 : i32
      %mul3A_137 = arith.constant 20000 : i32
      %mul3A_138 = arith.muli %arg1, %mul3A_137 : i32
      %add3A_139 = arith.addi %mul3A_136, %mul3A_138 : i32
      %add3A_140 = arith.constant 0 : i32
      %add3A_141 = arith.addi %add3A_130, %add3A_140 : i32
      %mul3A_142 = arith.constant 128 : i32
      %mul3A_143 = arith.muli %add3A_141, %mul3A_142 : i32
      %add3A_144 = arith.addi %add3A_139, %mul3A_143 : i32
      %dma_start3A = arith.constant 0 : i32
      %dma_start3A_145 = tpu.memref_slice %arg2[%add3A_144] : memref<640000xi32, #tpu.memory_space<hbm>> -> memref<128xi32, #tpu.memory_space<hbm>>
      %dma_start3A_146 = tpu.memref_slice %arg19[%dma_start3A] : memref<6x!tpu.dma_semaphore, #tpu.memory_space<semaphore_mem>> -> memref<1x!tpu.dma_semaphore, #tpu.memory_space<semaphore_mem>>
      %dma_start3A_147 = tpu.memref_squeeze %dma_start3A_146 : memref<1x!tpu.dma_semaphore, #tpu.memory_space<semaphore_mem>> -> memref<!tpu.dma_semaphore, #tpu.memory_space<semaphore_mem>>
      %dma_start3A_148 = tpu.memref_slice %arg2[%add3A_144] : memref<640000xi32, #tpu.memory_space<hbm>> -> memref<128xi32, #tpu.memory_space<hbm>>
      tpu.enqueue_dma source(%dma_start3A_148 : memref<128xi32, #tpu.memory_space<hbm>>) target(%arg4 : memref<128xi32, #tpu.memory_space<vmem>>) target_semaphore(%dma_start3A_147 : memref<!tpu.dma_semaphore, #tpu.memory_space<semaphore_mem>>)
      %mul3A_149 = arith.constant 320000 : i32
      %mul3A_150 = arith.muli %arg0, %mul3A_149 : i32
      %mul3A_151 = arith.constant 20000 : i32
      %mul3A_152 = arith.muli %arg1, %mul3A_151 : i32
      %add3A_153 = arith.addi %mul3A_150, %mul3A_152 : i32
      %add3A_154 = arith.constant 1 : i32
      %add3A_155 = arith.addi %add3A_130, %add3A_154 : i32
      %mul3A_156 = arith.constant 128 : i32
      %mul3A_157 = arith.muli %add3A_155, %mul3A_156 : i32
      %add3A_158 = arith.addi %add3A_153, %mul3A_157 : i32
      %dma_start3A_159 = arith.constant 1 : i32
      %dma_start3A_160 = tpu.memref_slice %arg2[%add3A_158] : memref<640000xi32, #tpu.memory_space<hbm>> -> memref<128xi32, #tpu.memory_space<hbm>>
      %dma_start3A_161 = tpu.memref_slice %arg19[%dma_start3A_159] : memref<6x!tpu.dma_semaphore, #tpu.memory_space<semaphore_mem>> -> memref<1x!tpu.dma_semaphore, #tpu.memory_space<semaphore_mem>>
      %dma_start3A_162 = tpu.memref_squeeze %dma_start3A_161 : memref<1x!tpu.dma_semaphore, #tpu.memory_space<semaphore_mem>> -> memref<!tpu.dma_semaphore, #tpu.memory_space<semaphore_mem>>
      %dma_start3A_163 = tpu.memref_slice %arg2[%add3A_158] : memref<640000xi32, #tpu.memory_space<hbm>> -> memref<128xi32, #tpu.memory_space<hbm>>
      tpu.enqueue_dma source(%dma_start3A_163 : memref<128xi32, #tpu.memory_space<hbm>>) target(%arg5 : memref<128xi32, #tpu.memory_space<vmem>>) target_semaphore(%dma_start3A_162 : memref<!tpu.dma_semaphore, #tpu.memory_space<semaphore_mem>>)
      %mul3A_164 = arith.constant 320000 : i32
      %mul3A_165 = arith.muli %arg0, %mul3A_164 : i32
      %mul3A_166 = arith.constant 20000 : i32
      %mul3A_167 = arith.muli %arg1, %mul3A_166 : i32
      %add3A_168 = arith.addi %mul3A_165, %mul3A_167 : i32
      %add3A_169 = arith.constant 2 : i32
      %add3A_170 = arith.addi %add3A_130, %add3A_169 : i32
      %mul3A_171 = arith.constant 128 : i32
      %mul3A_172 = arith.muli %add3A_170, %mul3A_171 : i32
      %add3A_173 = arith.addi %add3A_168, %mul3A_172 : i32
      %dma_start3A_174 = arith.constant 2 : i32
      %dma_start3A_175 = tpu.memref_slice %arg2[%add3A_173] : memref<640000xi32, #tpu.memory_space<hbm>> -> memref<128xi32, #tpu.memory_space<hbm>>
      %dma_start3A_176 = tpu.memref_slice %arg19[%dma_start3A_174] : memref<6x!tpu.dma_semaphore, #tpu.memory_space<semaphore_mem>> -> memref<1x!tpu.dma_semaphore, #tpu.memory_space<semaphore_mem>>
      %dma_start3A_177 = tpu.memref_squeeze %dma_start3A_176 : memref<1x!tpu.dma_semaphore, #tpu.memory_space<semaphore_mem>> -> memref<!tpu.dma_semaphore, #tpu.memory_space<semaphore_mem>>
      %dma_start3A_178 = tpu.memref_slice %arg2[%add3A_173] : memref<640000xi32, #tpu.memory_space<hbm>> -> memref<128xi32, #tpu.memory_space<hbm>>
      tpu.enqueue_dma source(%dma_start3A_178 : memref<128xi32, #tpu.memory_space<hbm>>) target(%arg6 : memref<128xi32, #tpu.memory_space<vmem>>) target_semaphore(%dma_start3A_177 : memref<!tpu.dma_semaphore, #tpu.memory_space<semaphore_mem>>)
      %mul3A_179 = arith.constant 320000 : i32
      %mul3A_180 = arith.muli %arg0, %mul3A_179 : i32
      %mul3A_181 = arith.constant 20000 : i32
      %mul3A_182 = arith.muli %arg1, %mul3A_181 : i32
      %add3A_183 = arith.addi %mul3A_180, %mul3A_182 : i32
      %add3A_184 = arith.constant 3 : i32
      %add3A_185 = arith.addi %add3A_130, %add3A_184 : i32
      %mul3A_186 = arith.constant 128 : i32
      %mul3A_187 = arith.muli %add3A_185, %mul3A_186 : i32
      %add3A_188 = arith.addi %add3A_183, %mul3A_187 : i32
      %dma_start3A_189 = arith.constant 3 : i32
      %dma_start3A_190 = tpu.memref_slice %arg2[%add3A_188] : memref<640000xi32, #tpu.memory_space<hbm>> -> memref<128xi32, #tpu.memory_space<hbm>>
      %dma_start3A_191 = tpu.memref_slice %arg19[%dma_start3A_189] : memref<6x!tpu.dma_semaphore, #tpu.memory_space<semaphore_mem>> -> memref<1x!tpu.dma_semaphore, #tpu.memory_space<semaphore_mem>>
      %dma_start3A_192 = tpu.memref_squeeze %dma_start3A_191 : memref<1x!tpu.dma_semaphore, #tpu.memory_space<semaphore_mem>> -> memref<!tpu.dma_semaphore, #tpu.memory_space<semaphore_mem>>
      %dma_start3A_193 = tpu.memref_slice %arg2[%add3A_188] : memref<640000xi32, #tpu.memory_space<hbm>> -> memref<128xi32, #tpu.memory_space<hbm>>
      tpu.enqueue_dma source(%dma_start3A_193 : memref<128xi32, #tpu.memory_space<hbm>>) target(%arg7 : memref<128xi32, #tpu.memory_space<vmem>>) target_semaphore(%dma_start3A_192 : memref<!tpu.dma_semaphore, #tpu.memory_space<semaphore_mem>>)
      %mul3A_194 = arith.constant 320000 : i32
      %mul3A_195 = arith.muli %arg0, %mul3A_194 : i32
      %mul3A_196 = arith.constant 20000 : i32
      %mul3A_197 = arith.muli %arg1, %mul3A_196 : i32
      %add3A_198 = arith.addi %mul3A_195, %mul3A_197 : i32
      %add3A_199 = arith.constant 4 : i32
      %add3A_200 = arith.addi %add3A_130, %add3A_199 : i32
      %mul3A_201 = arith.constant 128 : i32
      %mul3A_202 = arith.muli %add3A_200, %mul3A_201 : i32
      %add3A_203 = arith.addi %add3A_198, %mul3A_202 : i32
      %dma_start3A_204 = arith.constant 4 : i32
      %dma_start3A_205 = tpu.memref_slice %arg2[%add3A_203] : memref<640000xi32, #tpu.memory_space<hbm>> -> memref<128xi32, #tpu.memory_space<hbm>>
      %dma_start3A_206 = tpu.memref_slice %arg19[%dma_start3A_204] : memref<6x!tpu.dma_semaphore, #tpu.memory_space<semaphore_mem>> -> memref<1x!tpu.dma_semaphore, #tpu.memory_space<semaphore_mem>>
      %dma_start3A_207 = tpu.memref_squeeze %dma_start3A_206 : memref<1x!tpu.dma_semaphore, #tpu.memory_space<semaphore_mem>> -> memref<!tpu.dma_semaphore, #tpu.memory_space<semaphore_mem>>
      %dma_start3A_208 = tpu.memref_slice %arg2[%add3A_203] : memref<640000xi32, #tpu.memory_space<hbm>> -> memref<128xi32, #tpu.memory_space<hbm>>
      tpu.enqueue_dma source(%dma_start3A_208 : memref<128xi32, #tpu.memory_space<hbm>>) target(%arg8 : memref<128xi32, #tpu.memory_space<vmem>>) target_semaphore(%dma_start3A_207 : memref<!tpu.dma_semaphore, #tpu.memory_space<semaphore_mem>>)
      %mul3A_209 = arith.constant 320000 : i32
      %mul3A_210 = arith.muli %arg0, %mul3A_209 : i32
      %mul3A_211 = arith.constant 20000 : i32
      %mul3A_212 = arith.muli %arg1, %mul3A_211 : i32
      %add3A_213 = arith.addi %mul3A_210, %mul3A_212 : i32
      %add3A_214 = arith.constant 5 : i32
      %add3A_215 = arith.addi %add3A_130, %add3A_214 : i32
      %mul3A_216 = arith.constant 128 : i32
      %mul3A_217 = arith.muli %add3A_215, %mul3A_216 : i32
      %add3A_218 = arith.addi %add3A_213, %mul3A_217 : i32
      %dma_start3A_219 = arith.constant 5 : i32
      %dma_start3A_220 = tpu.memref_slice %arg2[%add3A_218] : memref<640000xi32, #tpu.memory_space<hbm>> -> memref<128xi32, #tpu.memory_space<hbm>>
      %dma_start3A_221 = tpu.memref_slice %arg19[%dma_start3A_219] : memref<6x!tpu.dma_semaphore, #tpu.memory_space<semaphore_mem>> -> memref<1x!tpu.dma_semaphore, #tpu.memory_space<semaphore_mem>>
      %dma_start3A_222 = tpu.memref_squeeze %dma_start3A_221 : memref<1x!tpu.dma_semaphore, #tpu.memory_space<semaphore_mem>> -> memref<!tpu.dma_semaphore, #tpu.memory_space<semaphore_mem>>
      %dma_start3A_223 = tpu.memref_slice %arg2[%add3A_218] : memref<640000xi32, #tpu.memory_space<hbm>> -> memref<128xi32, #tpu.memory_space<hbm>>
      tpu.enqueue_dma source(%dma_start3A_223 : memref<128xi32, #tpu.memory_space<hbm>>) target(%arg9 : memref<128xi32, #tpu.memory_space<vmem>>) target_semaphore(%dma_start3A_222 : memref<!tpu.dma_semaphore, #tpu.memory_space<semaphore_mem>>)
      %dma_wait3A_224 = arith.constant 0 : i32
      %dma_wait3A_225 = tpu.memref_slice %arg2[%add3A_144] : memref<640000xi32, #tpu.memory_space<hbm>> -> memref<128xi32, #tpu.memory_space<hbm>>
      %dma_wait3A_226 = tpu.memref_slice %arg19[%dma_wait3A_224] : memref<6x!tpu.dma_semaphore, #tpu.memory_space<semaphore_mem>> -> memref<1x!tpu.dma_semaphore, #tpu.memory_space<semaphore_mem>>
      %dma_wait3A_227 = tpu.memref_squeeze %dma_wait3A_226 : memref<1x!tpu.dma_semaphore, #tpu.memory_space<semaphore_mem>> -> memref<!tpu.dma_semaphore, #tpu.memory_space<semaphore_mem>>
      %dma_wait3A_228 = tpu.memref_slice %arg2[%add3A_144] : memref<640000xi32, #tpu.memory_space<hbm>> -> memref<128xi32, #tpu.memory_space<hbm>>
      tpu.wait_dma2 semaphore(%dma_wait3A_227 : memref<!tpu.dma_semaphore, #tpu.memory_space<semaphore_mem>>) src(%dma_wait3A_228 : memref<128xi32, #tpu.memory_space<hbm>>) dst(%arg4 : memref<128xi32, #tpu.memory_space<vmem>>)
      %dma_start3A_229 = arith.constant 0 : i32
      %dma_start3A_230 = arith.constant 0 : i32
      %dma_start3A_231 = arith.constant 0 : i32
      %dma_start3A_232 = tpu.memref_slice %arg18[%dma_start3A_230, %dma_start3A_231] : memref<10000x128xf32, #tpu.memory_space<vmem_shared>> -> memref<10000x128xf32, #tpu.memory_space<vmem_shared>>
      %dma_start3A_233 = tpu.memref_slice %arg21[%dma_start3A_229] : memref<6x!tpu.dma_semaphore, #tpu.memory_space<semaphore_mem>> -> memref<1x!tpu.dma_semaphore, #tpu.memory_space<semaphore_mem>>
      %dma_start3A_234 = tpu.memref_squeeze %dma_start3A_233 : memref<1x!tpu.dma_semaphore, #tpu.memory_space<semaphore_mem>> -> memref<!tpu.dma_semaphore, #tpu.memory_space<semaphore_mem>>
      tpu.enqueue_indirect_dma source(%arg17 : memref<128x128xf32, #tpu.memory_space<vmem>>) target(%dma_start3A_232 : memref<10000x128xf32, #tpu.memory_space<vmem_shared>>) offsets(%arg4 : memref<128xi32, #tpu.memory_space<vmem>>) semaphore(%dma_start3A_234 : memref<!tpu.dma_semaphore, #tpu.memory_space<semaphore_mem>>) {add = true}
      %dma_wait3A_235 = arith.constant 1 : i32
      %dma_wait3A_236 = tpu.memref_slice %arg2[%add3A_158] : memref<640000xi32, #tpu.memory_space<hbm>> -> memref<128xi32, #tpu.memory_space<hbm>>
      %dma_wait3A_237 = tpu.memref_slice %arg19[%dma_wait3A_235] : memref<6x!tpu.dma_semaphore, #tpu.memory_space<semaphore_mem>> -> memref<1x!tpu.dma_semaphore, #tpu.memory_space<semaphore_mem>>
      %dma_wait3A_238 = tpu.memref_squeeze %dma_wait3A_237 : memref<1x!tpu.dma_semaphore, #tpu.memory_space<semaphore_mem>> -> memref<!tpu.dma_semaphore, #tpu.memory_space<semaphore_mem>>
      %dma_wait3A_239 = tpu.memref_slice %arg2[%add3A_158] : memref<640000xi32, #tpu.memory_space<hbm>> -> memref<128xi32, #tpu.memory_space<hbm>>
      tpu.wait_dma2 semaphore(%dma_wait3A_238 : memref<!tpu.dma_semaphore, #tpu.memory_space<semaphore_mem>>) src(%dma_wait3A_239 : memref<128xi32, #tpu.memory_space<hbm>>) dst(%arg5 : memref<128xi32, #tpu.memory_space<vmem>>)
      %dma_start3A_240 = arith.constant 1 : i32
      %dma_start3A_241 = arith.constant 0 : i32
      %dma_start3A_242 = arith.constant 0 : i32
      %dma_start3A_243 = tpu.memref_slice %arg18[%dma_start3A_241, %dma_start3A_242] : memref<10000x128xf32, #tpu.memory_space<vmem_shared>> -> memref<10000x128xf32, #tpu.memory_space<vmem_shared>>
      %dma_start3A_244 = tpu.memref_slice %arg21[%dma_start3A_240] : memref<6x!tpu.dma_semaphore, #tpu.memory_space<semaphore_mem>> -> memref<1x!tpu.dma_semaphore, #tpu.memory_space<semaphore_mem>>
      %dma_start3A_245 = tpu.memref_squeeze %dma_start3A_244 : memref<1x!tpu.dma_semaphore, #tpu.memory_space<semaphore_mem>> -> memref<!tpu.dma_semaphore, #tpu.memory_space<semaphore_mem>>
      tpu.enqueue_indirect_dma source(%arg17 : memref<128x128xf32, #tpu.memory_space<vmem>>) target(%dma_start3A_243 : memref<10000x128xf32, #tpu.memory_space<vmem_shared>>) offsets(%arg5 : memref<128xi32, #tpu.memory_space<vmem>>) semaphore(%dma_start3A_245 : memref<!tpu.dma_semaphore, #tpu.memory_space<semaphore_mem>>) {add = true}
      %dma_wait3A_246 = arith.constant 2 : i32
      %dma_wait3A_247 = tpu.memref_slice %arg2[%add3A_173] : memref<640000xi32, #tpu.memory_space<hbm>> -> memref<128xi32, #tpu.memory_space<hbm>>
      %dma_wait3A_248 = tpu.memref_slice %arg19[%dma_wait3A_246] : memref<6x!tpu.dma_semaphore, #tpu.memory_space<semaphore_mem>> -> memref<1x!tpu.dma_semaphore, #tpu.memory_space<semaphore_mem>>
      %dma_wait3A_249 = tpu.memref_squeeze %dma_wait3A_248 : memref<1x!tpu.dma_semaphore, #tpu.memory_space<semaphore_mem>> -> memref<!tpu.dma_semaphore, #tpu.memory_space<semaphore_mem>>
      %dma_wait3A_250 = tpu.memref_slice %arg2[%add3A_173] : memref<640000xi32, #tpu.memory_space<hbm>> -> memref<128xi32, #tpu.memory_space<hbm>>
      tpu.wait_dma2 semaphore(%dma_wait3A_249 : memref<!tpu.dma_semaphore, #tpu.memory_space<semaphore_mem>>) src(%dma_wait3A_250 : memref<128xi32, #tpu.memory_space<hbm>>) dst(%arg6 : memref<128xi32, #tpu.memory_space<vmem>>)
      %dma_start3A_251 = arith.constant 2 : i32
      %dma_start3A_252 = arith.constant 0 : i32
      %dma_start3A_253 = arith.constant 0 : i32
      %dma_start3A_254 = tpu.memref_slice %arg18[%dma_start3A_252, %dma_start3A_253] : memref<10000x128xf32, #tpu.memory_space<vmem_shared>> -> memref<10000x128xf32, #tpu.memory_space<vmem_shared>>
      %dma_start3A_255 = tpu.memref_slice %arg21[%dma_start3A_251] : memref<6x!tpu.dma_semaphore, #tpu.memory_space<semaphore_mem>> -> memref<1x!tpu.dma_semaphore, #tpu.memory_space<semaphore_mem>>
      %dma_start3A_256 = tpu.memref_squeeze %dma_start3A_255 : memref<1x!tpu.dma_semaphore, #tpu.memory_space<semaphore_mem>> -> memref<!tpu.dma_semaphore, #tpu.memory_space<semaphore_mem>>
      tpu.enqueue_indirect_dma source(%arg17 : memref<128x128xf32, #tpu.memory_space<vmem>>) target(%dma_start3A_254 : memref<10000x128xf32, #tpu.memory_space<vmem_shared>>) offsets(%arg6 : memref<128xi32, #tpu.memory_space<vmem>>) semaphore(%dma_start3A_256 : memref<!tpu.dma_semaphore, #tpu.memory_space<semaphore_mem>>) {add = true}
      %dma_wait3A_257 = arith.constant 3 : i32
      %dma_wait3A_258 = tpu.memref_slice %arg2[%add3A_188] : memref<640000xi32, #tpu.memory_space<hbm>> -> memref<128xi32, #tpu.memory_space<hbm>>
      %dma_wait3A_259 = tpu.memref_slice %arg19[%dma_wait3A_257] : memref<6x!tpu.dma_semaphore, #tpu.memory_space<semaphore_mem>> -> memref<1x!tpu.dma_semaphore, #tpu.memory_space<semaphore_mem>>
      %dma_wait3A_260 = tpu.memref_squeeze %dma_wait3A_259 : memref<1x!tpu.dma_semaphore, #tpu.memory_space<semaphore_mem>> -> memref<!tpu.dma_semaphore, #tpu.memory_space<semaphore_mem>>
      %dma_wait3A_261 = tpu.memref_slice %arg2[%add3A_188] : memref<640000xi32, #tpu.memory_space<hbm>> -> memref<128xi32, #tpu.memory_space<hbm>>
      tpu.wait_dma2 semaphore(%dma_wait3A_260 : memref<!tpu.dma_semaphore, #tpu.memory_space<semaphore_mem>>) src(%dma_wait3A_261 : memref<128xi32, #tpu.memory_space<hbm>>) dst(%arg7 : memref<128xi32, #tpu.memory_space<vmem>>)
      %dma_start3A_262 = arith.constant 3 : i32
      %dma_start3A_263 = arith.constant 0 : i32
      %dma_start3A_264 = arith.constant 0 : i32
      %dma_start3A_265 = tpu.memref_slice %arg18[%dma_start3A_263, %dma_start3A_264] : memref<10000x128xf32, #tpu.memory_space<vmem_shared>> -> memref<10000x128xf32, #tpu.memory_space<vmem_shared>>
      %dma_start3A_266 = tpu.memref_slice %arg21[%dma_start3A_262] : memref<6x!tpu.dma_semaphore, #tpu.memory_space<semaphore_mem>> -> memref<1x!tpu.dma_semaphore, #tpu.memory_space<semaphore_mem>>
      %dma_start3A_267 = tpu.memref_squeeze %dma_start3A_266 : memref<1x!tpu.dma_semaphore, #tpu.memory_space<semaphore_mem>> -> memref<!tpu.dma_semaphore, #tpu.memory_space<semaphore_mem>>
      tpu.enqueue_indirect_dma source(%arg17 : memref<128x128xf32, #tpu.memory_space<vmem>>) target(%dma_start3A_265 : memref<10000x128xf32, #tpu.memory_space<vmem_shared>>) offsets(%arg7 : memref<128xi32, #tpu.memory_space<vmem>>) semaphore(%dma_start3A_267 : memref<!tpu.dma_semaphore, #tpu.memory_space<semaphore_mem>>) {add = true}
      %dma_wait3A_268 = arith.constant 4 : i32
      %dma_wait3A_269 = tpu.memref_slice %arg2[%add3A_203] : memref<640000xi32, #tpu.memory_space<hbm>> -> memref<128xi32, #tpu.memory_space<hbm>>
      %dma_wait3A_270 = tpu.memref_slice %arg19[%dma_wait3A_268] : memref<6x!tpu.dma_semaphore, #tpu.memory_space<semaphore_mem>> -> memref<1x!tpu.dma_semaphore, #tpu.memory_space<semaphore_mem>>
      %dma_wait3A_271 = tpu.memref_squeeze %dma_wait3A_270 : memref<1x!tpu.dma_semaphore, #tpu.memory_space<semaphore_mem>> -> memref<!tpu.dma_semaphore, #tpu.memory_space<semaphore_mem>>
      %dma_wait3A_272 = tpu.memref_slice %arg2[%add3A_203] : memref<640000xi32, #tpu.memory_space<hbm>> -> memref<128xi32, #tpu.memory_space<hbm>>
      tpu.wait_dma2 semaphore(%dma_wait3A_271 : memref<!tpu.dma_semaphore, #tpu.memory_space<semaphore_mem>>) src(%dma_wait3A_272 : memref<128xi32, #tpu.memory_space<hbm>>) dst(%arg8 : memref<128xi32, #tpu.memory_space<vmem>>)
      %dma_start3A_273 = arith.constant 4 : i32
      %dma_start3A_274 = arith.constant 0 : i32
      %dma_start3A_275 = arith.constant 0 : i32
      %dma_start3A_276 = tpu.memref_slice %arg18[%dma_start3A_274, %dma_start3A_275] : memref<10000x128xf32, #tpu.memory_space<vmem_shared>> -> memref<10000x128xf32, #tpu.memory_space<vmem_shared>>
      %dma_start3A_277 = tpu.memref_slice %arg21[%dma_start3A_273] : memref<6x!tpu.dma_semaphore, #tpu.memory_space<semaphore_mem>> -> memref<1x!tpu.dma_semaphore, #tpu.memory_space<semaphore_mem>>
      %dma_start3A_278 = tpu.memref_squeeze %dma_start3A_277 : memref<1x!tpu.dma_semaphore, #tpu.memory_space<semaphore_mem>> -> memref<!tpu.dma_semaphore, #tpu.memory_space<semaphore_mem>>
      tpu.enqueue_indirect_dma source(%arg17 : memref<128x128xf32, #tpu.memory_space<vmem>>) target(%dma_start3A_276 : memref<10000x128xf32, #tpu.memory_space<vmem_shared>>) offsets(%arg8 : memref<128xi32, #tpu.memory_space<vmem>>) semaphore(%dma_start3A_278 : memref<!tpu.dma_semaphore, #tpu.memory_space<semaphore_mem>>) {add = true}
      %dma_wait3A_279 = arith.constant 5 : i32
      %dma_wait3A_280 = tpu.memref_slice %arg2[%add3A_218] : memref<640000xi32, #tpu.memory_space<hbm>> -> memref<128xi32, #tpu.memory_space<hbm>>
      %dma_wait3A_281 = tpu.memref_slice %arg19[%dma_wait3A_279] : memref<6x!tpu.dma_semaphore, #tpu.memory_space<semaphore_mem>> -> memref<1x!tpu.dma_semaphore, #tpu.memory_space<semaphore_mem>>
      %dma_wait3A_282 = tpu.memref_squeeze %dma_wait3A_281 : memref<1x!tpu.dma_semaphore, #tpu.memory_space<semaphore_mem>> -> memref<!tpu.dma_semaphore, #tpu.memory_space<semaphore_mem>>
      %dma_wait3A_283 = tpu.memref_slice %arg2[%add3A_218] : memref<640000xi32, #tpu.memory_space<hbm>> -> memref<128xi32, #tpu.memory_space<hbm>>
      tpu.wait_dma2 semaphore(%dma_wait3A_282 : memref<!tpu.dma_semaphore, #tpu.memory_space<semaphore_mem>>) src(%dma_wait3A_283 : memref<128xi32, #tpu.memory_space<hbm>>) dst(%arg9 : memref<128xi32, #tpu.memory_space<vmem>>)
      %dma_start3A_284 = arith.constant 5 : i32
      %dma_start3A_285 = arith.constant 0 : i32
      %dma_start3A_286 = arith.constant 0 : i32
      %dma_start3A_287 = tpu.memref_slice %arg18[%dma_start3A_285, %dma_start3A_286] : memref<10000x128xf32, #tpu.memory_space<vmem_shared>> -> memref<10000x128xf32, #tpu.memory_space<vmem_shared>>
      %dma_start3A_288 = tpu.memref_slice %arg21[%dma_start3A_284] : memref<6x!tpu.dma_semaphore, #tpu.memory_space<semaphore_mem>> -> memref<1x!tpu.dma_semaphore, #tpu.memory_space<semaphore_mem>>
      %dma_start3A_289 = tpu.memref_squeeze %dma_start3A_288 : memref<1x!tpu.dma_semaphore, #tpu.memory_space<semaphore_mem>> -> memref<!tpu.dma_semaphore, #tpu.memory_space<semaphore_mem>>
      tpu.enqueue_indirect_dma source(%arg17 : memref<128x128xf32, #tpu.memory_space<vmem>>) target(%dma_start3A_287 : memref<10000x128xf32, #tpu.memory_space<vmem_shared>>) offsets(%arg9 : memref<128xi32, #tpu.memory_space<vmem>>) semaphore(%dma_start3A_289 : memref<!tpu.dma_semaphore, #tpu.memory_space<semaphore_mem>>) {add = true}
      %mul3A_290 = arith.constant 12 : i32
      %mul3A_291 = arith.muli %add3A_126, %mul3A_290 : i32
      %add3A_292 = arith.constant 6 : i32
      %add3A_293 = arith.addi %mul3A_291, %add3A_292 : i32
      %gt3A_294 = arith.constant 0 : i32
      %gt3A_295 = arith.cmpi sgt, %add3A_126, %gt3A_294 : i32
      %convert_element_type3A_296 = arith.extui %gt3A_295 : i1 to i32
      %cond3A_297 = arith.constant 0 : i32
      %cond3A_298 = arith.cmpi ne, %convert_element_type3A_296, %cond3A_297 : i32
      scf.if %cond3A_298 {
        %dma_wait3A_455 = arith.constant 0 : i32
        %dma_wait3A_456 = arith.constant 0 : i32
        %dma_wait3A_457 = arith.constant 0 : i32
        %dma_wait3A_458 = tpu.memref_slice %arg18[%dma_wait3A_456, %dma_wait3A_457] : memref<10000x128xf32, #tpu.memory_space<vmem_shared>> -> memref<10000x128xf32, #tpu.memory_space<vmem_shared>>
        %dma_wait3A_459 = tpu.memref_slice %arg22[%dma_wait3A_455] : memref<6x!tpu.dma_semaphore, #tpu.memory_space<semaphore_mem>> -> memref<1x!tpu.dma_semaphore, #tpu.memory_space<semaphore_mem>>
        %dma_wait3A_460 = tpu.memref_squeeze %dma_wait3A_459 : memref<1x!tpu.dma_semaphore, #tpu.memory_space<semaphore_mem>> -> memref<!tpu.dma_semaphore, #tpu.memory_space<semaphore_mem>>
        tpu.wait_indirect_dma semaphore(%dma_wait3A_460 : memref<!tpu.dma_semaphore, #tpu.memory_space<semaphore_mem>>) src(%arg17 : memref<128x128xf32, #tpu.memory_space<vmem>>) dst(%dma_wait3A_458 : memref<10000x128xf32, #tpu.memory_space<vmem_shared>>)
        %dma_wait3A_461 = arith.constant 1 : i32
        %dma_wait3A_462 = arith.constant 0 : i32
        %dma_wait3A_463 = arith.constant 0 : i32
        %dma_wait3A_464 = tpu.memref_slice %arg18[%dma_wait3A_462, %dma_wait3A_463] : memref<10000x128xf32, #tpu.memory_space<vmem_shared>> -> memref<10000x128xf32, #tpu.memory_space<vmem_shared>>
        %dma_wait3A_465 = tpu.memref_slice %arg22[%dma_wait3A_461] : memref<6x!tpu.dma_semaphore, #tpu.memory_space<semaphore_mem>> -> memref<1x!tpu.dma_semaphore, #tpu.memory_space<semaphore_mem>>
        %dma_wait3A_466 = tpu.memref_squeeze %dma_wait3A_465 : memref<1x!tpu.dma_semaphore, #tpu.memory_space<semaphore_mem>> -> memref<!tpu.dma_semaphore, #tpu.memory_space<semaphore_mem>>
        tpu.wait_indirect_dma semaphore(%dma_wait3A_466 : memref<!tpu.dma_semaphore, #tpu.memory_space<semaphore_mem>>) src(%arg17 : memref<128x128xf32, #tpu.memory_space<vmem>>) dst(%dma_wait3A_464 : memref<10000x128xf32, #tpu.memory_space<vmem_shared>>)
        %dma_wait3A_467 = arith.constant 2 : i32
        %dma_wait3A_468 = arith.constant 0 : i32
        %dma_wait3A_469 = arith.constant 0 : i32
        %dma_wait3A_470 = tpu.memref_slice %arg18[%dma_wait3A_468, %dma_wait3A_469] : memref<10000x128xf32, #tpu.memory_space<vmem_shared>> -> memref<10000x128xf32, #tpu.memory_space<vmem_shared>>
        %dma_wait3A_471 = tpu.memref_slice %arg22[%dma_wait3A_467] : memref<6x!tpu.dma_semaphore, #tpu.memory_space<semaphore_mem>> -> memref<1x!tpu.dma_semaphore, #tpu.memory_space<semaphore_mem>>
        %dma_wait3A_472 = tpu.memref_squeeze %dma_wait3A_471 : memref<1x!tpu.dma_semaphore, #tpu.memory_space<semaphore_mem>> -> memref<!tpu.dma_semaphore, #tpu.memory_space<semaphore_mem>>
        tpu.wait_indirect_dma semaphore(%dma_wait3A_472 : memref<!tpu.dma_semaphore, #tpu.memory_space<semaphore_mem>>) src(%arg17 : memref<128x128xf32, #tpu.memory_space<vmem>>) dst(%dma_wait3A_470 : memref<10000x128xf32, #tpu.memory_space<vmem_shared>>)
        %dma_wait3A_473 = arith.constant 3 : i32
        %dma_wait3A_474 = arith.constant 0 : i32
        %dma_wait3A_475 = arith.constant 0 : i32
        %dma_wait3A_476 = tpu.memref_slice %arg18[%dma_wait3A_474, %dma_wait3A_475] : memref<10000x128xf32, #tpu.memory_space<vmem_shared>> -> memref<10000x128xf32, #tpu.memory_space<vmem_shared>>
        %dma_wait3A_477 = tpu.memref_slice %arg22[%dma_wait3A_473] : memref<6x!tpu.dma_semaphore, #tpu.memory_space<semaphore_mem>> -> memref<1x!tpu.dma_semaphore, #tpu.memory_space<semaphore_mem>>
        %dma_wait3A_478 = tpu.memref_squeeze %dma_wait3A_477 : memref<1x!tpu.dma_semaphore, #tpu.memory_space<semaphore_mem>> -> memref<!tpu.dma_semaphore, #tpu.memory_space<semaphore_mem>>
        tpu.wait_indirect_dma semaphore(%dma_wait3A_478 : memref<!tpu.dma_semaphore, #tpu.memory_space<semaphore_mem>>) src(%arg17 : memref<128x128xf32, #tpu.memory_space<vmem>>) dst(%dma_wait3A_476 : memref<10000x128xf32, #tpu.memory_space<vmem_shared>>)
        %dma_wait3A_479 = arith.constant 4 : i32
        %dma_wait3A_480 = arith.constant 0 : i32
        %dma_wait3A_481 = arith.constant 0 : i32
        %dma_wait3A_482 = tpu.memref_slice %arg18[%dma_wait3A_480, %dma_wait3A_481] : memref<10000x128xf32, #tpu.memory_space<vmem_shared>> -> memref<10000x128xf32, #tpu.memory_space<vmem_shared>>
        %dma_wait3A_483 = tpu.memref_slice %arg22[%dma_wait3A_479] : memref<6x!tpu.dma_semaphore, #tpu.memory_space<semaphore_mem>> -> memref<1x!tpu.dma_semaphore, #tpu.memory_space<semaphore_mem>>
        %dma_wait3A_484 = tpu.memref_squeeze %dma_wait3A_483 : memref<1x!tpu.dma_semaphore, #tpu.memory_space<semaphore_mem>> -> memref<!tpu.dma_semaphore, #tpu.memory_space<semaphore_mem>>
        tpu.wait_indirect_dma semaphore(%dma_wait3A_484 : memref<!tpu.dma_semaphore, #tpu.memory_space<semaphore_mem>>) src(%arg17 : memref<128x128xf32, #tpu.memory_space<vmem>>) dst(%dma_wait3A_482 : memref<10000x128xf32, #tpu.memory_space<vmem_shared>>)
        %dma_wait3A_485 = arith.constant 5 : i32
        %dma_wait3A_486 = arith.constant 0 : i32
        %dma_wait3A_487 = arith.constant 0 : i32
        %dma_wait3A_488 = tpu.memref_slice %arg18[%dma_wait3A_486, %dma_wait3A_487] : memref<10000x128xf32, #tpu.memory_space<vmem_shared>> -> memref<10000x128xf32, #tpu.memory_space<vmem_shared>>
        %dma_wait3A_489 = tpu.memref_slice %arg22[%dma_wait3A_485] : memref<6x!tpu.dma_semaphore, #tpu.memory_space<semaphore_mem>> -> memref<1x!tpu.dma_semaphore, #tpu.memory_space<semaphore_mem>>
        %dma_wait3A_490 = tpu.memref_squeeze %dma_wait3A_489 : memref<1x!tpu.dma_semaphore, #tpu.memory_space<semaphore_mem>> -> memref<!tpu.dma_semaphore, #tpu.memory_space<semaphore_mem>>
        tpu.wait_indirect_dma semaphore(%dma_wait3A_490 : memref<!tpu.dma_semaphore, #tpu.memory_space<semaphore_mem>>) src(%arg17 : memref<128x128xf32, #tpu.memory_space<vmem>>) dst(%dma_wait3A_488 : memref<10000x128xf32, #tpu.memory_space<vmem_shared>>)
      } else {
      }
      %mul3A_299 = arith.constant 320000 : i32
      %mul3A_300 = arith.muli %arg0, %mul3A_299 : i32
      %mul3A_301 = arith.constant 20000 : i32
      %mul3A_302 = arith.muli %arg1, %mul3A_301 : i32
      %add3A_303 = arith.addi %mul3A_300, %mul3A_302 : i32
      %add3A_304 = arith.constant 0 : i32
      %add3A_305 = arith.addi %add3A_293, %add3A_304 : i32
      %mul3A_306 = arith.constant 128 : i32
      %mul3A_307 = arith.muli %add3A_305, %mul3A_306 : i32
      %add3A_308 = arith.addi %add3A_303, %mul3A_307 : i32
      %dma_start3A_309 = arith.constant 0 : i32
      %dma_start3A_310 = tpu.memref_slice %arg2[%add3A_308] : memref<640000xi32, #tpu.memory_space<hbm>> -> memref<128xi32, #tpu.memory_space<hbm>>
      %dma_start3A_311 = tpu.memref_slice %arg20[%dma_start3A_309] : memref<6x!tpu.dma_semaphore, #tpu.memory_space<semaphore_mem>> -> memref<1x!tpu.dma_semaphore, #tpu.memory_space<semaphore_mem>>
      %dma_start3A_312 = tpu.memref_squeeze %dma_start3A_311 : memref<1x!tpu.dma_semaphore, #tpu.memory_space<semaphore_mem>> -> memref<!tpu.dma_semaphore, #tpu.memory_space<semaphore_mem>>
      %dma_start3A_313 = tpu.memref_slice %arg2[%add3A_308] : memref<640000xi32, #tpu.memory_space<hbm>> -> memref<128xi32, #tpu.memory_space<hbm>>
      tpu.enqueue_dma source(%dma_start3A_313 : memref<128xi32, #tpu.memory_space<hbm>>) target(%arg10 : memref<128xi32, #tpu.memory_space<vmem>>) target_semaphore(%dma_start3A_312 : memref<!tpu.dma_semaphore, #tpu.memory_space<semaphore_mem>>)
      %mul3A_314 = arith.constant 320000 : i32
      %mul3A_315 = arith.muli %arg0, %mul3A_314 : i32
      %mul3A_316 = arith.constant 20000 : i32
      %mul3A_317 = arith.muli %arg1, %mul3A_316 : i32
      %add3A_318 = arith.addi %mul3A_315, %mul3A_317 : i32
      %add3A_319 = arith.constant 1 : i32
      %add3A_320 = arith.addi %add3A_293, %add3A_319 : i32
      %mul3A_321 = arith.constant 128 : i32
      %mul3A_322 = arith.muli %add3A_320, %mul3A_321 : i32
      %add3A_323 = arith.addi %add3A_318, %mul3A_322 : i32
      %dma_start3A_324 = arith.constant 1 : i32
      %dma_start3A_325 = tpu.memref_slice %arg2[%add3A_323] : memref<640000xi32, #tpu.memory_space<hbm>> -> memref<128xi32, #tpu.memory_space<hbm>>
      %dma_start3A_326 = tpu.memref_slice %arg20[%dma_start3A_324] : memref<6x!tpu.dma_semaphore, #tpu.memory_space<semaphore_mem>> -> memref<1x!tpu.dma_semaphore, #tpu.memory_space<semaphore_mem>>
      %dma_start3A_327 = tpu.memref_squeeze %dma_start3A_326 : memref<1x!tpu.dma_semaphore, #tpu.memory_space<semaphore_mem>> -> memref<!tpu.dma_semaphore, #tpu.memory_space<semaphore_mem>>
      %dma_start3A_328 = tpu.memref_slice %arg2[%add3A_323] : memref<640000xi32, #tpu.memory_space<hbm>> -> memref<128xi32, #tpu.memory_space<hbm>>
      tpu.enqueue_dma source(%dma_start3A_328 : memref<128xi32, #tpu.memory_space<hbm>>) target(%arg11 : memref<128xi32, #tpu.memory_space<vmem>>) target_semaphore(%dma_start3A_327 : memref<!tpu.dma_semaphore, #tpu.memory_space<semaphore_mem>>)
      %mul3A_329 = arith.constant 320000 : i32
      %mul3A_330 = arith.muli %arg0, %mul3A_329 : i32
      %mul3A_331 = arith.constant 20000 : i32
      %mul3A_332 = arith.muli %arg1, %mul3A_331 : i32
      %add3A_333 = arith.addi %mul3A_330, %mul3A_332 : i32
      %add3A_334 = arith.constant 2 : i32
      %add3A_335 = arith.addi %add3A_293, %add3A_334 : i32
      %mul3A_336 = arith.constant 128 : i32
      %mul3A_337 = arith.muli %add3A_335, %mul3A_336 : i32
      %add3A_338 = arith.addi %add3A_333, %mul3A_337 : i32
      %dma_start3A_339 = arith.constant 2 : i32
      %dma_start3A_340 = tpu.memref_slice %arg2[%add3A_338] : memref<640000xi32, #tpu.memory_space<hbm>> -> memref<128xi32, #tpu.memory_space<hbm>>
      %dma_start3A_341 = tpu.memref_slice %arg20[%dma_start3A_339] : memref<6x!tpu.dma_semaphore, #tpu.memory_space<semaphore_mem>> -> memref<1x!tpu.dma_semaphore, #tpu.memory_space<semaphore_mem>>
      %dma_start3A_342 = tpu.memref_squeeze %dma_start3A_341 : memref<1x!tpu.dma_semaphore, #tpu.memory_space<semaphore_mem>> -> memref<!tpu.dma_semaphore, #tpu.memory_space<semaphore_mem>>
      %dma_start3A_343 = tpu.memref_slice %arg2[%add3A_338] : memref<640000xi32, #tpu.memory_space<hbm>> -> memref<128xi32, #tpu.memory_space<hbm>>
      tpu.enqueue_dma source(%dma_start3A_343 : memref<128xi32, #tpu.memory_space<hbm>>) target(%arg12 : memref<128xi32, #tpu.memory_space<vmem>>) target_semaphore(%dma_start3A_342 : memref<!tpu.dma_semaphore, #tpu.memory_space<semaphore_mem>>)
      %mul3A_344 = arith.constant 320000 : i32
      %mul3A_345 = arith.muli %arg0, %mul3A_344 : i32
      %mul3A_346 = arith.constant 20000 : i32
      %mul3A_347 = arith.muli %arg1, %mul3A_346 : i32
      %add3A_348 = arith.addi %mul3A_345, %mul3A_347 : i32
      %add3A_349 = arith.constant 3 : i32
      %add3A_350 = arith.addi %add3A_293, %add3A_349 : i32
      %mul3A_351 = arith.constant 128 : i32
      %mul3A_352 = arith.muli %add3A_350, %mul3A_351 : i32
      %add3A_353 = arith.addi %add3A_348, %mul3A_352 : i32
      %dma_start3A_354 = arith.constant 3 : i32
      %dma_start3A_355 = tpu.memref_slice %arg2[%add3A_353] : memref<640000xi32, #tpu.memory_space<hbm>> -> memref<128xi32, #tpu.memory_space<hbm>>
      %dma_start3A_356 = tpu.memref_slice %arg20[%dma_start3A_354] : memref<6x!tpu.dma_semaphore, #tpu.memory_space<semaphore_mem>> -> memref<1x!tpu.dma_semaphore, #tpu.memory_space<semaphore_mem>>
      %dma_start3A_357 = tpu.memref_squeeze %dma_start3A_356 : memref<1x!tpu.dma_semaphore, #tpu.memory_space<semaphore_mem>> -> memref<!tpu.dma_semaphore, #tpu.memory_space<semaphore_mem>>
      %dma_start3A_358 = tpu.memref_slice %arg2[%add3A_353] : memref<640000xi32, #tpu.memory_space<hbm>> -> memref<128xi32, #tpu.memory_space<hbm>>
      tpu.enqueue_dma source(%dma_start3A_358 : memref<128xi32, #tpu.memory_space<hbm>>) target(%arg13 : memref<128xi32, #tpu.memory_space<vmem>>) target_semaphore(%dma_start3A_357 : memref<!tpu.dma_semaphore, #tpu.memory_space<semaphore_mem>>)
      %mul3A_359 = arith.constant 320000 : i32
      %mul3A_360 = arith.muli %arg0, %mul3A_359 : i32
      %mul3A_361 = arith.constant 20000 : i32
      %mul3A_362 = arith.muli %arg1, %mul3A_361 : i32
      %add3A_363 = arith.addi %mul3A_360, %mul3A_362 : i32
      %add3A_364 = arith.constant 4 : i32
      %add3A_365 = arith.addi %add3A_293, %add3A_364 : i32
      %mul3A_366 = arith.constant 128 : i32
      %mul3A_367 = arith.muli %add3A_365, %mul3A_366 : i32
      %add3A_368 = arith.addi %add3A_363, %mul3A_367 : i32
      %dma_start3A_369 = arith.constant 4 : i32
      %dma_start3A_370 = tpu.memref_slice %arg2[%add3A_368] : memref<640000xi32, #tpu.memory_space<hbm>> -> memref<128xi32, #tpu.memory_space<hbm>>
      %dma_start3A_371 = tpu.memref_slice %arg20[%dma_start3A_369] : memref<6x!tpu.dma_semaphore, #tpu.memory_space<semaphore_mem>> -> memref<1x!tpu.dma_semaphore, #tpu.memory_space<semaphore_mem>>
      %dma_start3A_372 = tpu.memref_squeeze %dma_start3A_371 : memref<1x!tpu.dma_semaphore, #tpu.memory_space<semaphore_mem>> -> memref<!tpu.dma_semaphore, #tpu.memory_space<semaphore_mem>>
      %dma_start3A_373 = tpu.memref_slice %arg2[%add3A_368] : memref<640000xi32, #tpu.memory_space<hbm>> -> memref<128xi32, #tpu.memory_space<hbm>>
      tpu.enqueue_dma source(%dma_start3A_373 : memref<128xi32, #tpu.memory_space<hbm>>) target(%arg14 : memref<128xi32, #tpu.memory_space<vmem>>) target_semaphore(%dma_start3A_372 : memref<!tpu.dma_semaphore, #tpu.memory_space<semaphore_mem>>)
      %mul3A_374 = arith.constant 320000 : i32
      %mul3A_375 = arith.muli %arg0, %mul3A_374 : i32
      %mul3A_376 = arith.constant 20000 : i32
      %mul3A_377 = arith.muli %arg1, %mul3A_376 : i32
      %add3A_378 = arith.addi %mul3A_375, %mul3A_377 : i32
      %add3A_379 = arith.constant 5 : i32
      %add3A_380 = arith.addi %add3A_293, %add3A_379 : i32
      %mul3A_381 = arith.constant 128 : i32
      %mul3A_382 = arith.muli %add3A_380, %mul3A_381 : i32
      %add3A_383 = arith.addi %add3A_378, %mul3A_382 : i32
      %dma_start3A_384 = arith.constant 5 : i32
      %dma_start3A_385 = tpu.memref_slice %arg2[%add3A_383] : memref<640000xi32, #tpu.memory_space<hbm>> -> memref<128xi32, #tpu.memory_space<hbm>>
      %dma_start3A_386 = tpu.memref_slice %arg20[%dma_start3A_384] : memref<6x!tpu.dma_semaphore, #tpu.memory_space<semaphore_mem>> -> memref<1x!tpu.dma_semaphore, #tpu.memory_space<semaphore_mem>>
      %dma_start3A_387 = tpu.memref_squeeze %dma_start3A_386 : memref<1x!tpu.dma_semaphore, #tpu.memory_space<semaphore_mem>> -> memref<!tpu.dma_semaphore, #tpu.memory_space<semaphore_mem>>
      %dma_start3A_388 = tpu.memref_slice %arg2[%add3A_383] : memref<640000xi32, #tpu.memory_space<hbm>> -> memref<128xi32, #tpu.memory_space<hbm>>
      tpu.enqueue_dma source(%dma_start3A_388 : memref<128xi32, #tpu.memory_space<hbm>>) target(%arg15 : memref<128xi32, #tpu.memory_space<vmem>>) target_semaphore(%dma_start3A_387 : memref<!tpu.dma_semaphore, #tpu.memory_space<semaphore_mem>>)
      %dma_wait3A_389 = arith.constant 0 : i32
      %dma_wait3A_390 = tpu.memref_slice %arg2[%add3A_308] : memref<640000xi32, #tpu.memory_space<hbm>> -> memref<128xi32, #tpu.memory_space<hbm>>
      %dma_wait3A_391 = tpu.memref_slice %arg20[%dma_wait3A_389] : memref<6x!tpu.dma_semaphore, #tpu.memory_space<semaphore_mem>> -> memref<1x!tpu.dma_semaphore, #tpu.memory_space<semaphore_mem>>
      %dma_wait3A_392 = tpu.memref_squeeze %dma_wait3A_391 : memref<1x!tpu.dma_semaphore, #tpu.memory_space<semaphore_mem>> -> memref<!tpu.dma_semaphore, #tpu.memory_space<semaphore_mem>>
      %dma_wait3A_393 = tpu.memref_slice %arg2[%add3A_308] : memref<640000xi32, #tpu.memory_space<hbm>> -> memref<128xi32, #tpu.memory_space<hbm>>
      tpu.wait_dma2 semaphore(%dma_wait3A_392 : memref<!tpu.dma_semaphore, #tpu.memory_space<semaphore_mem>>) src(%dma_wait3A_393 : memref<128xi32, #tpu.memory_space<hbm>>) dst(%arg10 : memref<128xi32, #tpu.memory_space<vmem>>)
      %dma_start3A_394 = arith.constant 0 : i32
      %dma_start3A_395 = arith.constant 0 : i32
      %dma_start3A_396 = arith.constant 0 : i32
      %dma_start3A_397 = tpu.memref_slice %arg18[%dma_start3A_395, %dma_start3A_396] : memref<10000x128xf32, #tpu.memory_space<vmem_shared>> -> memref<10000x128xf32, #tpu.memory_space<vmem_shared>>
      %dma_start3A_398 = tpu.memref_slice %arg22[%dma_start3A_394] : memref<6x!tpu.dma_semaphore, #tpu.memory_space<semaphore_mem>> -> memref<1x!tpu.dma_semaphore, #tpu.memory_space<semaphore_mem>>
      %dma_start3A_399 = tpu.memref_squeeze %dma_start3A_398 : memref<1x!tpu.dma_semaphore, #tpu.memory_space<semaphore_mem>> -> memref<!tpu.dma_semaphore, #tpu.memory_space<semaphore_mem>>
      tpu.enqueue_indirect_dma source(%arg17 : memref<128x128xf32, #tpu.memory_space<vmem>>) target(%dma_start3A_397 : memref<10000x128xf32, #tpu.memory_space<vmem_shared>>) offsets(%arg10 : memref<128xi32, #tpu.memory_space<vmem>>) semaphore(%dma_start3A_399 : memref<!tpu.dma_semaphore, #tpu.memory_space<semaphore_mem>>) {add = true}
      %dma_wait3A_400 = arith.constant 1 : i32
      %dma_wait3A_401 = tpu.memref_slice %arg2[%add3A_323] : memref<640000xi32, #tpu.memory_space<hbm>> -> memref<128xi32, #tpu.memory_space<hbm>>
      %dma_wait3A_402 = tpu.memref_slice %arg20[%dma_wait3A_400] : memref<6x!tpu.dma_semaphore, #tpu.memory_space<semaphore_mem>> -> memref<1x!tpu.dma_semaphore, #tpu.memory_space<semaphore_mem>>
      %dma_wait3A_403 = tpu.memref_squeeze %dma_wait3A_402 : memref<1x!tpu.dma_semaphore, #tpu.memory_space<semaphore_mem>> -> memref<!tpu.dma_semaphore, #tpu.memory_space<semaphore_mem>>
      %dma_wait3A_404 = tpu.memref_slice %arg2[%add3A_323] : memref<640000xi32, #tpu.memory_space<hbm>> -> memref<128xi32, #tpu.memory_space<hbm>>
      tpu.wait_dma2 semaphore(%dma_wait3A_403 : memref<!tpu.dma_semaphore, #tpu.memory_space<semaphore_mem>>) src(%dma_wait3A_404 : memref<128xi32, #tpu.memory_space<hbm>>) dst(%arg11 : memref<128xi32, #tpu.memory_space<vmem>>)
      %dma_start3A_405 = arith.constant 1 : i32
      %dma_start3A_406 = arith.constant 0 : i32
      %dma_start3A_407 = arith.constant 0 : i32
      %dma_start3A_408 = tpu.memref_slice %arg18[%dma_start3A_406, %dma_start3A_407] : memref<10000x128xf32, #tpu.memory_space<vmem_shared>> -> memref<10000x128xf32, #tpu.memory_space<vmem_shared>>
      %dma_start3A_409 = tpu.memref_slice %arg22[%dma_start3A_405] : memref<6x!tpu.dma_semaphore, #tpu.memory_space<semaphore_mem>> -> memref<1x!tpu.dma_semaphore, #tpu.memory_space<semaphore_mem>>
      %dma_start3A_410 = tpu.memref_squeeze %dma_start3A_409 : memref<1x!tpu.dma_semaphore, #tpu.memory_space<semaphore_mem>> -> memref<!tpu.dma_semaphore, #tpu.memory_space<semaphore_mem>>
      tpu.enqueue_indirect_dma source(%arg17 : memref<128x128xf32, #tpu.memory_space<vmem>>) target(%dma_start3A_408 : memref<10000x128xf32, #tpu.memory_space<vmem_shared>>) offsets(%arg11 : memref<128xi32, #tpu.memory_space<vmem>>) semaphore(%dma_start3A_410 : memref<!tpu.dma_semaphore, #tpu.memory_space<semaphore_mem>>) {add = true}
      %dma_wait3A_411 = arith.constant 2 : i32
      %dma_wait3A_412 = tpu.memref_slice %arg2[%add3A_338] : memref<640000xi32, #tpu.memory_space<hbm>> -> memref<128xi32, #tpu.memory_space<hbm>>
      %dma_wait3A_413 = tpu.memref_slice %arg20[%dma_wait3A_411] : memref<6x!tpu.dma_semaphore, #tpu.memory_space<semaphore_mem>> -> memref<1x!tpu.dma_semaphore, #tpu.memory_space<semaphore_mem>>
      %dma_wait3A_414 = tpu.memref_squeeze %dma_wait3A_413 : memref<1x!tpu.dma_semaphore, #tpu.memory_space<semaphore_mem>> -> memref<!tpu.dma_semaphore, #tpu.memory_space<semaphore_mem>>
      %dma_wait3A_415 = tpu.memref_slice %arg2[%add3A_338] : memref<640000xi32, #tpu.memory_space<hbm>> -> memref<128xi32, #tpu.memory_space<hbm>>
      tpu.wait_dma2 semaphore(%dma_wait3A_414 : memref<!tpu.dma_semaphore, #tpu.memory_space<semaphore_mem>>) src(%dma_wait3A_415 : memref<128xi32, #tpu.memory_space<hbm>>) dst(%arg12 : memref<128xi32, #tpu.memory_space<vmem>>)
      %dma_start3A_416 = arith.constant 2 : i32
      %dma_start3A_417 = arith.constant 0 : i32
      %dma_start3A_418 = arith.constant 0 : i32
      %dma_start3A_419 = tpu.memref_slice %arg18[%dma_start3A_417, %dma_start3A_418] : memref<10000x128xf32, #tpu.memory_space<vmem_shared>> -> memref<10000x128xf32, #tpu.memory_space<vmem_shared>>
      %dma_start3A_420 = tpu.memref_slice %arg22[%dma_start3A_416] : memref<6x!tpu.dma_semaphore, #tpu.memory_space<semaphore_mem>> -> memref<1x!tpu.dma_semaphore, #tpu.memory_space<semaphore_mem>>
      %dma_start3A_421 = tpu.memref_squeeze %dma_start3A_420 : memref<1x!tpu.dma_semaphore, #tpu.memory_space<semaphore_mem>> -> memref<!tpu.dma_semaphore, #tpu.memory_space<semaphore_mem>>
      tpu.enqueue_indirect_dma source(%arg17 : memref<128x128xf32, #tpu.memory_space<vmem>>) target(%dma_start3A_419 : memref<10000x128xf32, #tpu.memory_space<vmem_shared>>) offsets(%arg12 : memref<128xi32, #tpu.memory_space<vmem>>) semaphore(%dma_start3A_421 : memref<!tpu.dma_semaphore, #tpu.memory_space<semaphore_mem>>) {add = true}
      %dma_wait3A_422 = arith.constant 3 : i32
      %dma_wait3A_423 = tpu.memref_slice %arg2[%add3A_353] : memref<640000xi32, #tpu.memory_space<hbm>> -> memref<128xi32, #tpu.memory_space<hbm>>
      %dma_wait3A_424 = tpu.memref_slice %arg20[%dma_wait3A_422] : memref<6x!tpu.dma_semaphore, #tpu.memory_space<semaphore_mem>> -> memref<1x!tpu.dma_semaphore, #tpu.memory_space<semaphore_mem>>
      %dma_wait3A_425 = tpu.memref_squeeze %dma_wait3A_424 : memref<1x!tpu.dma_semaphore, #tpu.memory_space<semaphore_mem>> -> memref<!tpu.dma_semaphore, #tpu.memory_space<semaphore_mem>>
      %dma_wait3A_426 = tpu.memref_slice %arg2[%add3A_353] : memref<640000xi32, #tpu.memory_space<hbm>> -> memref<128xi32, #tpu.memory_space<hbm>>
      tpu.wait_dma2 semaphore(%dma_wait3A_425 : memref<!tpu.dma_semaphore, #tpu.memory_space<semaphore_mem>>) src(%dma_wait3A_426 : memref<128xi32, #tpu.memory_space<hbm>>) dst(%arg13 : memref<128xi32, #tpu.memory_space<vmem>>)
      %dma_start3A_427 = arith.constant 3 : i32
      %dma_start3A_428 = arith.constant 0 : i32
      %dma_start3A_429 = arith.constant 0 : i32
      %dma_start3A_430 = tpu.memref_slice %arg18[%dma_start3A_428, %dma_start3A_429] : memref<10000x128xf32, #tpu.memory_space<vmem_shared>> -> memref<10000x128xf32, #tpu.memory_space<vmem_shared>>
      %dma_start3A_431 = tpu.memref_slice %arg22[%dma_start3A_427] : memref<6x!tpu.dma_semaphore, #tpu.memory_space<semaphore_mem>> -> memref<1x!tpu.dma_semaphore, #tpu.memory_space<semaphore_mem>>
      %dma_start3A_432 = tpu.memref_squeeze %dma_start3A_431 : memref<1x!tpu.dma_semaphore, #tpu.memory_space<semaphore_mem>> -> memref<!tpu.dma_semaphore, #tpu.memory_space<semaphore_mem>>
      tpu.enqueue_indirect_dma source(%arg17 : memref<128x128xf32, #tpu.memory_space<vmem>>) target(%dma_start3A_430 : memref<10000x128xf32, #tpu.memory_space<vmem_shared>>) offsets(%arg13 : memref<128xi32, #tpu.memory_space<vmem>>) semaphore(%dma_start3A_432 : memref<!tpu.dma_semaphore, #tpu.memory_space<semaphore_mem>>) {add = true}
      %dma_wait3A_433 = arith.constant 4 : i32
      %dma_wait3A_434 = tpu.memref_slice %arg2[%add3A_368] : memref<640000xi32, #tpu.memory_space<hbm>> -> memref<128xi32, #tpu.memory_space<hbm>>
      %dma_wait3A_435 = tpu.memref_slice %arg20[%dma_wait3A_433] : memref<6x!tpu.dma_semaphore, #tpu.memory_space<semaphore_mem>> -> memref<1x!tpu.dma_semaphore, #tpu.memory_space<semaphore_mem>>
      %dma_wait3A_436 = tpu.memref_squeeze %dma_wait3A_435 : memref<1x!tpu.dma_semaphore, #tpu.memory_space<semaphore_mem>> -> memref<!tpu.dma_semaphore, #tpu.memory_space<semaphore_mem>>
      %dma_wait3A_437 = tpu.memref_slice %arg2[%add3A_368] : memref<640000xi32, #tpu.memory_space<hbm>> -> memref<128xi32, #tpu.memory_space<hbm>>
      tpu.wait_dma2 semaphore(%dma_wait3A_436 : memref<!tpu.dma_semaphore, #tpu.memory_space<semaphore_mem>>) src(%dma_wait3A_437 : memref<128xi32, #tpu.memory_space<hbm>>) dst(%arg14 : memref<128xi32, #tpu.memory_space<vmem>>)
      %dma_start3A_438 = arith.constant 4 : i32
      %dma_start3A_439 = arith.constant 0 : i32
      %dma_start3A_440 = arith.constant 0 : i32
      %dma_start3A_441 = tpu.memref_slice %arg18[%dma_start3A_439, %dma_start3A_440] : memref<10000x128xf32, #tpu.memory_space<vmem_shared>> -> memref<10000x128xf32, #tpu.memory_space<vmem_shared>>
      %dma_start3A_442 = tpu.memref_slice %arg22[%dma_start3A_438] : memref<6x!tpu.dma_semaphore, #tpu.memory_space<semaphore_mem>> -> memref<1x!tpu.dma_semaphore, #tpu.memory_space<semaphore_mem>>
      %dma_start3A_443 = tpu.memref_squeeze %dma_start3A_442 : memref<1x!tpu.dma_semaphore, #tpu.memory_space<semaphore_mem>> -> memref<!tpu.dma_semaphore, #tpu.memory_space<semaphore_mem>>
      tpu.enqueue_indirect_dma source(%arg17 : memref<128x128xf32, #tpu.memory_space<vmem>>) target(%dma_start3A_441 : memref<10000x128xf32, #tpu.memory_space<vmem_shared>>) offsets(%arg14 : memref<128xi32, #tpu.memory_space<vmem>>) semaphore(%dma_start3A_443 : memref<!tpu.dma_semaphore, #tpu.memory_space<semaphore_mem>>) {add = true}
      %dma_wait3A_444 = arith.constant 5 : i32
      %dma_wait3A_445 = tpu.memref_slice %arg2[%add3A_383] : memref<640000xi32, #tpu.memory_space<hbm>> -> memref<128xi32, #tpu.memory_space<hbm>>
      %dma_wait3A_446 = tpu.memref_slice %arg20[%dma_wait3A_444] : memref<6x!tpu.dma_semaphore, #tpu.memory_space<semaphore_mem>> -> memref<1x!tpu.dma_semaphore, #tpu.memory_space<semaphore_mem>>
      %dma_wait3A_447 = tpu.memref_squeeze %dma_wait3A_446 : memref<1x!tpu.dma_semaphore, #tpu.memory_space<semaphore_mem>> -> memref<!tpu.dma_semaphore, #tpu.memory_space<semaphore_mem>>
      %dma_wait3A_448 = tpu.memref_slice %arg2[%add3A_383] : memref<640000xi32, #tpu.memory_space<hbm>> -> memref<128xi32, #tpu.memory_space<hbm>>
      tpu.wait_dma2 semaphore(%dma_wait3A_447 : memref<!tpu.dma_semaphore, #tpu.memory_space<semaphore_mem>>) src(%dma_wait3A_448 : memref<128xi32, #tpu.memory_space<hbm>>) dst(%arg15 : memref<128xi32, #tpu.memory_space<vmem>>)
      %dma_start3A_449 = arith.constant 5 : i32
      %dma_start3A_450 = arith.constant 0 : i32
      %dma_start3A_451 = arith.constant 0 : i32
      %dma_start3A_452 = tpu.memref_slice %arg18[%dma_start3A_450, %dma_start3A_451] : memref<10000x128xf32, #tpu.memory_space<vmem_shared>> -> memref<10000x128xf32, #tpu.memory_space<vmem_shared>>
      %dma_start3A_453 = tpu.memref_slice %arg22[%dma_start3A_449] : memref<6x!tpu.dma_semaphore, #tpu.memory_space<semaphore_mem>> -> memref<1x!tpu.dma_semaphore, #tpu.memory_space<semaphore_mem>>
      %dma_start3A_454 = tpu.memref_squeeze %dma_start3A_453 : memref<1x!tpu.dma_semaphore, #tpu.memory_space<semaphore_mem>> -> memref<!tpu.dma_semaphore, #tpu.memory_space<semaphore_mem>>
      tpu.enqueue_indirect_dma source(%arg17 : memref<128x128xf32, #tpu.memory_space<vmem>>) target(%dma_start3A_452 : memref<10000x128xf32, #tpu.memory_space<vmem_shared>>) offsets(%arg15 : memref<128xi32, #tpu.memory_space<vmem>>) semaphore(%dma_start3A_454 : memref<!tpu.dma_semaphore, #tpu.memory_space<semaphore_mem>>) {add = true}
    }
    %scan3A_33 = arith.constant 13 : i32
    %dma_wait3A = arith.constant 0 : i32
    %dma_wait3A_34 = arith.constant 0 : i32
    %dma_wait3A_35 = arith.constant 0 : i32
    %dma_wait3A_36 = tpu.memref_slice %arg18[%dma_wait3A_34, %dma_wait3A_35] : memref<10000x128xf32, #tpu.memory_space<vmem_shared>> -> memref<10000x128xf32, #tpu.memory_space<vmem_shared>>
    %dma_wait3A_37 = tpu.memref_slice %arg21[%dma_wait3A] : memref<6x!tpu.dma_semaphore, #tpu.memory_space<semaphore_mem>> -> memref<1x!tpu.dma_semaphore, #tpu.memory_space<semaphore_mem>>
    %dma_wait3A_38 = tpu.memref_squeeze %dma_wait3A_37 : memref<1x!tpu.dma_semaphore, #tpu.memory_space<semaphore_mem>> -> memref<!tpu.dma_semaphore, #tpu.memory_space<semaphore_mem>>
    tpu.wait_indirect_dma semaphore(%dma_wait3A_38 : memref<!tpu.dma_semaphore, #tpu.memory_space<semaphore_mem>>) src(%arg17 : memref<128x128xf32, #tpu.memory_space<vmem>>) dst(%dma_wait3A_36 : memref<10000x128xf32, #tpu.memory_space<vmem_shared>>)
    %dma_wait3A_39 = arith.constant 1 : i32
    %dma_wait3A_40 = arith.constant 0 : i32
    %dma_wait3A_41 = arith.constant 0 : i32
    %dma_wait3A_42 = tpu.memref_slice %arg18[%dma_wait3A_40, %dma_wait3A_41] : memref<10000x128xf32, #tpu.memory_space<vmem_shared>> -> memref<10000x128xf32, #tpu.memory_space<vmem_shared>>
    %dma_wait3A_43 = tpu.memref_slice %arg21[%dma_wait3A_39] : memref<6x!tpu.dma_semaphore, #tpu.memory_space<semaphore_mem>> -> memref<1x!tpu.dma_semaphore, #tpu.memory_space<semaphore_mem>>
    %dma_wait3A_44 = tpu.memref_squeeze %dma_wait3A_43 : memref<1x!tpu.dma_semaphore, #tpu.memory_space<semaphore_mem>> -> memref<!tpu.dma_semaphore, #tpu.memory_space<semaphore_mem>>
    tpu.wait_indirect_dma semaphore(%dma_wait3A_44 : memref<!tpu.dma_semaphore, #tpu.memory_space<semaphore_mem>>) src(%arg17 : memref<128x128xf32, #tpu.memory_space<vmem>>) dst(%dma_wait3A_42 : memref<10000x128xf32, #tpu.memory_space<vmem_shared>>)
    %dma_wait3A_45 = arith.constant 2 : i32
    %dma_wait3A_46 = arith.constant 0 : i32
    %dma_wait3A_47 = arith.constant 0 : i32
    %dma_wait3A_48 = tpu.memref_slice %arg18[%dma_wait3A_46, %dma_wait3A_47] : memref<10000x128xf32, #tpu.memory_space<vmem_shared>> -> memref<10000x128xf32, #tpu.memory_space<vmem_shared>>
    %dma_wait3A_49 = tpu.memref_slice %arg21[%dma_wait3A_45] : memref<6x!tpu.dma_semaphore, #tpu.memory_space<semaphore_mem>> -> memref<1x!tpu.dma_semaphore, #tpu.memory_space<semaphore_mem>>
    %dma_wait3A_50 = tpu.memref_squeeze %dma_wait3A_49 : memref<1x!tpu.dma_semaphore, #tpu.memory_space<semaphore_mem>> -> memref<!tpu.dma_semaphore, #tpu.memory_space<semaphore_mem>>
    tpu.wait_indirect_dma semaphore(%dma_wait3A_50 : memref<!tpu.dma_semaphore, #tpu.memory_space<semaphore_mem>>) src(%arg17 : memref<128x128xf32, #tpu.memory_space<vmem>>) dst(%dma_wait3A_48 : memref<10000x128xf32, #tpu.memory_space<vmem_shared>>)
    %dma_wait3A_51 = arith.constant 3 : i32
    %dma_wait3A_52 = arith.constant 0 : i32
    %dma_wait3A_53 = arith.constant 0 : i32
    %dma_wait3A_54 = tpu.memref_slice %arg18[%dma_wait3A_52, %dma_wait3A_53] : memref<10000x128xf32, #tpu.memory_space<vmem_shared>> -> memref<10000x128xf32, #tpu.memory_space<vmem_shared>>
    %dma_wait3A_55 = tpu.memref_slice %arg21[%dma_wait3A_51] : memref<6x!tpu.dma_semaphore, #tpu.memory_space<semaphore_mem>> -> memref<1x!tpu.dma_semaphore, #tpu.memory_space<semaphore_mem>>
    %dma_wait3A_56 = tpu.memref_squeeze %dma_wait3A_55 : memref<1x!tpu.dma_semaphore, #tpu.memory_space<semaphore_mem>> -> memref<!tpu.dma_semaphore, #tpu.memory_space<semaphore_mem>>
    tpu.wait_indirect_dma semaphore(%dma_wait3A_56 : memref<!tpu.dma_semaphore, #tpu.memory_space<semaphore_mem>>) src(%arg17 : memref<128x128xf32, #tpu.memory_space<vmem>>) dst(%dma_wait3A_54 : memref<10000x128xf32, #tpu.memory_space<vmem_shared>>)
    %dma_wait3A_57 = arith.constant 4 : i32
    %dma_wait3A_58 = arith.constant 0 : i32
    %dma_wait3A_59 = arith.constant 0 : i32
    %dma_wait3A_60 = tpu.memref_slice %arg18[%dma_wait3A_58, %dma_wait3A_59] : memref<10000x128xf32, #tpu.memory_space<vmem_shared>> -> memref<10000x128xf32, #tpu.memory_space<vmem_shared>>
    %dma_wait3A_61 = tpu.memref_slice %arg21[%dma_wait3A_57] : memref<6x!tpu.dma_semaphore, #tpu.memory_space<semaphore_mem>> -> memref<1x!tpu.dma_semaphore, #tpu.memory_space<semaphore_mem>>
    %dma_wait3A_62 = tpu.memref_squeeze %dma_wait3A_61 : memref<1x!tpu.dma_semaphore, #tpu.memory_space<semaphore_mem>> -> memref<!tpu.dma_semaphore, #tpu.memory_space<semaphore_mem>>
    tpu.wait_indirect_dma semaphore(%dma_wait3A_62 : memref<!tpu.dma_semaphore, #tpu.memory_space<semaphore_mem>>) src(%arg17 : memref<128x128xf32, #tpu.memory_space<vmem>>) dst(%dma_wait3A_60 : memref<10000x128xf32, #tpu.memory_space<vmem_shared>>)
    %dma_wait3A_63 = arith.constant 5 : i32
    %dma_wait3A_64 = arith.constant 0 : i32
    %dma_wait3A_65 = arith.constant 0 : i32
    %dma_wait3A_66 = tpu.memref_slice %arg18[%dma_wait3A_64, %dma_wait3A_65] : memref<10000x128xf32, #tpu.memory_space<vmem_shared>> -> memref<10000x128xf32, #tpu.memory_space<vmem_shared>>
    %dma_wait3A_67 = tpu.memref_slice %arg21[%dma_wait3A_63] : memref<6x!tpu.dma_semaphore, #tpu.memory_space<semaphore_mem>> -> memref<1x!tpu.dma_semaphore, #tpu.memory_space<semaphore_mem>>
    %dma_wait3A_68 = tpu.memref_squeeze %dma_wait3A_67 : memref<1x!tpu.dma_semaphore, #tpu.memory_space<semaphore_mem>> -> memref<!tpu.dma_semaphore, #tpu.memory_space<semaphore_mem>>
    tpu.wait_indirect_dma semaphore(%dma_wait3A_68 : memref<!tpu.dma_semaphore, #tpu.memory_space<semaphore_mem>>) src(%arg17 : memref<128x128xf32, #tpu.memory_space<vmem>>) dst(%dma_wait3A_66 : memref<10000x128xf32, #tpu.memory_space<vmem_shared>>)
    %dma_wait3A_69 = arith.constant 0 : i32
    %dma_wait3A_70 = arith.constant 0 : i32
    %dma_wait3A_71 = arith.constant 0 : i32
    %dma_wait3A_72 = tpu.memref_slice %arg18[%dma_wait3A_70, %dma_wait3A_71] : memref<10000x128xf32, #tpu.memory_space<vmem_shared>> -> memref<10000x128xf32, #tpu.memory_space<vmem_shared>>
    %dma_wait3A_73 = tpu.memref_slice %arg22[%dma_wait3A_69] : memref<6x!tpu.dma_semaphore, #tpu.memory_space<semaphore_mem>> -> memref<1x!tpu.dma_semaphore, #tpu.memory_space<semaphore_mem>>
    %dma_wait3A_74 = tpu.memref_squeeze %dma_wait3A_73 : memref<1x!tpu.dma_semaphore, #tpu.memory_space<semaphore_mem>> -> memref<!tpu.dma_semaphore, #tpu.memory_space<semaphore_mem>>
    tpu.wait_indirect_dma semaphore(%dma_wait3A_74 : memref<!tpu.dma_semaphore, #tpu.memory_space<semaphore_mem>>) src(%arg17 : memref<128x128xf32, #tpu.memory_space<vmem>>) dst(%dma_wait3A_72 : memref<10000x128xf32, #tpu.memory_space<vmem_shared>>)
    %dma_wait3A_75 = arith.constant 1 : i32
    %dma_wait3A_76 = arith.constant 0 : i32
    %dma_wait3A_77 = arith.constant 0 : i32
    %dma_wait3A_78 = tpu.memref_slice %arg18[%dma_wait3A_76, %dma_wait3A_77] : memref<10000x128xf32, #tpu.memory_space<vmem_shared>> -> memref<10000x128xf32, #tpu.memory_space<vmem_shared>>
    %dma_wait3A_79 = tpu.memref_slice %arg22[%dma_wait3A_75] : memref<6x!tpu.dma_semaphore, #tpu.memory_space<semaphore_mem>> -> memref<1x!tpu.dma_semaphore, #tpu.memory_space<semaphore_mem>>
    %dma_wait3A_80 = tpu.memref_squeeze %dma_wait3A_79 : memref<1x!tpu.dma_semaphore, #tpu.memory_space<semaphore_mem>> -> memref<!tpu.dma_semaphore, #tpu.memory_space<semaphore_mem>>
    tpu.wait_indirect_dma semaphore(%dma_wait3A_80 : memref<!tpu.dma_semaphore, #tpu.memory_space<semaphore_mem>>) src(%arg17 : memref<128x128xf32, #tpu.memory_space<vmem>>) dst(%dma_wait3A_78 : memref<10000x128xf32, #tpu.memory_space<vmem_shared>>)
    %dma_wait3A_81 = arith.constant 2 : i32
    %dma_wait3A_82 = arith.constant 0 : i32
    %dma_wait3A_83 = arith.constant 0 : i32
    %dma_wait3A_84 = tpu.memref_slice %arg18[%dma_wait3A_82, %dma_wait3A_83] : memref<10000x128xf32, #tpu.memory_space<vmem_shared>> -> memref<10000x128xf32, #tpu.memory_space<vmem_shared>>
    %dma_wait3A_85 = tpu.memref_slice %arg22[%dma_wait3A_81] : memref<6x!tpu.dma_semaphore, #tpu.memory_space<semaphore_mem>> -> memref<1x!tpu.dma_semaphore, #tpu.memory_space<semaphore_mem>>
    %dma_wait3A_86 = tpu.memref_squeeze %dma_wait3A_85 : memref<1x!tpu.dma_semaphore, #tpu.memory_space<semaphore_mem>> -> memref<!tpu.dma_semaphore, #tpu.memory_space<semaphore_mem>>
    tpu.wait_indirect_dma semaphore(%dma_wait3A_86 : memref<!tpu.dma_semaphore, #tpu.memory_space<semaphore_mem>>) src(%arg17 : memref<128x128xf32, #tpu.memory_space<vmem>>) dst(%dma_wait3A_84 : memref<10000x128xf32, #tpu.memory_space<vmem_shared>>)
    %dma_wait3A_87 = arith.constant 3 : i32
    %dma_wait3A_88 = arith.constant 0 : i32
    %dma_wait3A_89 = arith.constant 0 : i32
    %dma_wait3A_90 = tpu.memref_slice %arg18[%dma_wait3A_88, %dma_wait3A_89] : memref<10000x128xf32, #tpu.memory_space<vmem_shared>> -> memref<10000x128xf32, #tpu.memory_space<vmem_shared>>
    %dma_wait3A_91 = tpu.memref_slice %arg22[%dma_wait3A_87] : memref<6x!tpu.dma_semaphore, #tpu.memory_space<semaphore_mem>> -> memref<1x!tpu.dma_semaphore, #tpu.memory_space<semaphore_mem>>
    %dma_wait3A_92 = tpu.memref_squeeze %dma_wait3A_91 : memref<1x!tpu.dma_semaphore, #tpu.memory_space<semaphore_mem>> -> memref<!tpu.dma_semaphore, #tpu.memory_space<semaphore_mem>>
    tpu.wait_indirect_dma semaphore(%dma_wait3A_92 : memref<!tpu.dma_semaphore, #tpu.memory_space<semaphore_mem>>) src(%arg17 : memref<128x128xf32, #tpu.memory_space<vmem>>) dst(%dma_wait3A_90 : memref<10000x128xf32, #tpu.memory_space<vmem_shared>>)
    %dma_wait3A_93 = arith.constant 4 : i32
    %dma_wait3A_94 = arith.constant 0 : i32
    %dma_wait3A_95 = arith.constant 0 : i32
    %dma_wait3A_96 = tpu.memref_slice %arg18[%dma_wait3A_94, %dma_wait3A_95] : memref<10000x128xf32, #tpu.memory_space<vmem_shared>> -> memref<10000x128xf32, #tpu.memory_space<vmem_shared>>
    %dma_wait3A_97 = tpu.memref_slice %arg22[%dma_wait3A_93] : memref<6x!tpu.dma_semaphore, #tpu.memory_space<semaphore_mem>> -> memref<1x!tpu.dma_semaphore, #tpu.memory_space<semaphore_mem>>
    %dma_wait3A_98 = tpu.memref_squeeze %dma_wait3A_97 : memref<1x!tpu.dma_semaphore, #tpu.memory_space<semaphore_mem>> -> memref<!tpu.dma_semaphore, #tpu.memory_space<semaphore_mem>>
    tpu.wait_indirect_dma semaphore(%dma_wait3A_98 : memref<!tpu.dma_semaphore, #tpu.memory_space<semaphore_mem>>) src(%arg17 : memref<128x128xf32, #tpu.memory_space<vmem>>) dst(%dma_wait3A_96 : memref<10000x128xf32, #tpu.memory_space<vmem_shared>>)
    %dma_wait3A_99 = arith.constant 5 : i32
    %dma_wait3A_100 = arith.constant 0 : i32
    %dma_wait3A_101 = arith.constant 0 : i32
    %dma_wait3A_102 = tpu.memref_slice %arg18[%dma_wait3A_100, %dma_wait3A_101] : memref<10000x128xf32, #tpu.memory_space<vmem_shared>> -> memref<10000x128xf32, #tpu.memory_space<vmem_shared>>
    %dma_wait3A_103 = tpu.memref_slice %arg22[%dma_wait3A_99] : memref<6x!tpu.dma_semaphore, #tpu.memory_space<semaphore_mem>> -> memref<1x!tpu.dma_semaphore, #tpu.memory_space<semaphore_mem>>
    %dma_wait3A_104 = tpu.memref_squeeze %dma_wait3A_103 : memref<1x!tpu.dma_semaphore, #tpu.memory_space<semaphore_mem>> -> memref<!tpu.dma_semaphore, #tpu.memory_space<semaphore_mem>>
    tpu.wait_indirect_dma semaphore(%dma_wait3A_104 : memref<!tpu.dma_semaphore, #tpu.memory_space<semaphore_mem>>) src(%arg17 : memref<128x128xf32, #tpu.memory_space<vmem>>) dst(%dma_wait3A_102 : memref<10000x128xf32, #tpu.memory_space<vmem_shared>>)
    %mul3A_105 = arith.constant 320000 : i32
    %mul3A_106 = arith.muli %arg0, %mul3A_105 : i32
    %mul3A_107 = arith.constant 20000 : i32
    %mul3A_108 = arith.muli %arg1, %mul3A_107 : i32
    %add3A_109 = arith.addi %mul3A_106, %mul3A_108 : i32
    %add3A_110 = arith.constant 19968 : i32
    %add3A_111 = arith.addi %add3A_109, %add3A_110 : i32
    "tpu.region"() ({
      %run_scoped3A = tpu.sem_alloc : memref<!tpu.dma_semaphore, #tpu.memory_space<semaphore_mem>>
      %dma_start3A = tpu.memref_slice %arg2[%add3A_111] : memref<640000xi32, #tpu.memory_space<hbm>> -> memref<32xi32, #tpu.memory_space<hbm>>
      %dma_start3A_122 = tpu.memref_slice %arg2[%add3A_111] : memref<640000xi32, #tpu.memory_space<hbm>> -> memref<32xi32, #tpu.memory_space<hbm>>
      tpu.enqueue_dma source(%dma_start3A_122 : memref<32xi32, #tpu.memory_space<hbm>>) target(%arg16 : memref<32xi32, #tpu.memory_space<vmem>>) target_semaphore(%run_scoped3A : memref<!tpu.dma_semaphore, #tpu.memory_space<semaphore_mem>>)
      %dma_wait3A_123 = tpu.memref_slice %arg2[%add3A_111] : memref<640000xi32, #tpu.memory_space<hbm>> -> memref<32xi32, #tpu.memory_space<hbm>>
      %dma_wait3A_124 = tpu.memref_slice %arg2[%add3A_111] : memref<640000xi32, #tpu.memory_space<hbm>> -> memref<32xi32, #tpu.memory_space<hbm>>
      tpu.wait_dma2 semaphore(%run_scoped3A : memref<!tpu.dma_semaphore, #tpu.memory_space<semaphore_mem>>) src(%dma_wait3A_124 : memref<32xi32, #tpu.memory_space<hbm>>) dst(%arg16 : memref<32xi32, #tpu.memory_space<vmem>>)
      tpu.yield
    }) : () -> ()
    "tpu.region"() ({
      %run_scoped3A = tpu.sem_alloc : memref<!tpu.dma_semaphore, #tpu.memory_space<semaphore_mem>>
      %dma_start3A = arith.constant 0 : i32
      %dma_start3A_122 = arith.constant 0 : i32
      %dma_start3A_123 = tpu.memref_slice %arg17[%dma_start3A, %dma_start3A_122] : memref<128x128xf32, #tpu.memory_space<vmem>> -> memref<32x128xf32, #tpu.memory_space<vmem>>
      %dma_start3A_124 = arith.constant 0 : i32
      %dma_start3A_125 = arith.constant 0 : i32
      %dma_start3A_126 = tpu.memref_slice %arg18[%dma_start3A_124, %dma_start3A_125] : memref<10000x128xf32, #tpu.memory_space<vmem_shared>> -> memref<10000x128xf32, #tpu.memory_space<vmem_shared>>
      tpu.enqueue_indirect_dma source(%dma_start3A_123 : memref<32x128xf32, #tpu.memory_space<vmem>>) target(%dma_start3A_126 : memref<10000x128xf32, #tpu.memory_space<vmem_shared>>) offsets(%arg16 : memref<32xi32, #tpu.memory_space<vmem>>) semaphore(%run_scoped3A : memref<!tpu.dma_semaphore, #tpu.memory_space<semaphore_mem>>) {add = true}
      %dma_wait3A_127 = arith.constant 0 : i32
      %dma_wait3A_128 = arith.constant 0 : i32
      %dma_wait3A_129 = tpu.memref_slice %arg17[%dma_wait3A_127, %dma_wait3A_128] : memref<128x128xf32, #tpu.memory_space<vmem>> -> memref<32x128xf32, #tpu.memory_space<vmem>>
      %dma_wait3A_130 = arith.constant 0 : i32
      %dma_wait3A_131 = arith.constant 0 : i32
      %dma_wait3A_132 = tpu.memref_slice %arg18[%dma_wait3A_130, %dma_wait3A_131] : memref<10000x128xf32, #tpu.memory_space<vmem_shared>> -> memref<10000x128xf32, #tpu.memory_space<vmem_shared>>
      tpu.wait_indirect_dma semaphore(%run_scoped3A : memref<!tpu.dma_semaphore, #tpu.memory_space<semaphore_mem>>) src(%dma_wait3A_129 : memref<32x128xf32, #tpu.memory_space<vmem>>) dst(%dma_wait3A_132 : memref<10000x128xf32, #tpu.memory_space<vmem_shared>>)
      tpu.yield
    }) : () -> ()
    %barrier3A_112 = arith.constant 0 : index
    tpu.barrier barrier_id(%barrier3A_112)
    %mul3A_113 = arith.constant 624 : i32
    %mul3A_114 = arith.muli %arg1, %mul3A_113 : i32
    %mul3A_115 = arith.constant 624 : i32
    %mul3A_116 = arith.muli %arg1, %mul3A_115 : i32
    "tpu.region"() ({
      %run_scoped3A = tpu.sem_alloc : memref<!tpu.dma_semaphore, #tpu.memory_space<semaphore_mem>>
      %dma_start3A = arith.constant 0 : i32
      %dma_start3A_122 = tpu.memref_slice %arg3[%arg0, %mul3A_116, %dma_start3A] : memref<2x10000x128xf32, #tpu.memory_space<hbm>> -> memref<1x624x128xf32, #tpu.memory_space<hbm>>
      %dma_start3A_123 = tpu.memref_squeeze %dma_start3A_122 : memref<1x624x128xf32, #tpu.memory_space<hbm>> -> memref<624x128xf32, #tpu.memory_space<hbm>>
      %dma_start3A_124 = arith.constant 0 : i32
      %dma_start3A_125 = tpu.memref_slice %arg18[%mul3A_114, %dma_start3A_124] : memref<10000x128xf32, #tpu.memory_space<vmem_shared>> -> memref<624x128xf32, #tpu.memory_space<vmem_shared>>
      tpu.enqueue_dma source(%dma_start3A_125 : memref<624x128xf32, #tpu.memory_space<vmem_shared>>) target(%dma_start3A_123 : memref<624x128xf32, #tpu.memory_space<hbm>>) target_semaphore(%run_scoped3A : memref<!tpu.dma_semaphore, #tpu.memory_space<semaphore_mem>>)
      %dma_wait3A_126 = arith.constant 0 : i32
      %dma_wait3A_127 = tpu.memref_slice %arg3[%arg0, %mul3A_116, %dma_wait3A_126] : memref<2x10000x128xf32, #tpu.memory_space<hbm>> -> memref<1x624x128xf32, #tpu.memory_space<hbm>>
      %dma_wait3A_128 = tpu.memref_squeeze %dma_wait3A_127 : memref<1x624x128xf32, #tpu.memory_space<hbm>> -> memref<624x128xf32, #tpu.memory_space<hbm>>
      %dma_wait3A_129 = arith.constant 0 : i32
      %dma_wait3A_130 = tpu.memref_slice %arg18[%mul3A_114, %dma_wait3A_129] : memref<10000x128xf32, #tpu.memory_space<vmem_shared>> -> memref<624x128xf32, #tpu.memory_space<vmem_shared>>
      tpu.wait_dma2 semaphore(%run_scoped3A : memref<!tpu.dma_semaphore, #tpu.memory_space<semaphore_mem>>) src(%dma_wait3A_130 : memref<624x128xf32, #tpu.memory_space<vmem_shared>>) dst(%dma_wait3A_128 : memref<624x128xf32, #tpu.memory_space<hbm>>)
      tpu.yield
    }) : () -> ()
    %eq3A_117 = arith.constant 15 : i32
    %eq3A_118 = arith.cmpi eq, %arg1, %eq3A_117 : i32
    %convert_element_type3A_119 = arith.extui %eq3A_118 : i1 to i32
    %cond3A_120 = arith.constant 0 : i32
    %cond3A_121 = arith.cmpi ne, %convert_element_type3A_119, %cond3A_120 : i32
    scf.if %cond3A_121 {
      "tpu.region"() ({
        %run_scoped3A = tpu.sem_alloc : memref<!tpu.dma_semaphore, #tpu.memory_space<semaphore_mem>>
        %dma_start3A = arith.constant 9984 : i32
        %dma_start3A_122 = arith.constant 0 : i32
        %dma_start3A_123 = tpu.memref_slice %arg3[%arg0, %dma_start3A, %dma_start3A_122] : memref<2x10000x128xf32, #tpu.memory_space<hbm>> -> memref<1x16x128xf32, #tpu.memory_space<hbm>>
        %dma_start3A_124 = tpu.memref_squeeze %dma_start3A_123 : memref<1x16x128xf32, #tpu.memory_space<hbm>> -> memref<16x128xf32, #tpu.memory_space<hbm>>
        %dma_start3A_125 = arith.constant 9984 : i32
        %dma_start3A_126 = arith.constant 0 : i32
        %dma_start3A_127 = tpu.memref_slice %arg18[%dma_start3A_125, %dma_start3A_126] : memref<10000x128xf32, #tpu.memory_space<vmem_shared>> -> memref<16x128xf32, #tpu.memory_space<vmem_shared>>
        tpu.enqueue_dma source(%dma_start3A_127 : memref<16x128xf32, #tpu.memory_space<vmem_shared>>) target(%dma_start3A_124 : memref<16x128xf32, #tpu.memory_space<hbm>>) target_semaphore(%run_scoped3A : memref<!tpu.dma_semaphore, #tpu.memory_space<semaphore_mem>>)
        %dma_wait3A_128 = arith.constant 9984 : i32
        %dma_wait3A_129 = arith.constant 0 : i32
        %dma_wait3A_130 = tpu.memref_slice %arg3[%arg0, %dma_wait3A_128, %dma_wait3A_129] : memref<2x10000x128xf32, #tpu.memory_space<hbm>> -> memref<1x16x128xf32, #tpu.memory_space<hbm>>
        %dma_wait3A_131 = tpu.memref_squeeze %dma_wait3A_130 : memref<1x16x128xf32, #tpu.memory_space<hbm>> -> memref<16x128xf32, #tpu.memory_space<hbm>>
        %dma_wait3A_132 = arith.constant 9984 : i32
        %dma_wait3A_133 = arith.constant 0 : i32
        %dma_wait3A_134 = tpu.memref_slice %arg18[%dma_wait3A_132, %dma_wait3A_133] : memref<10000x128xf32, #tpu.memory_space<vmem_shared>> -> memref<16x128xf32, #tpu.memory_space<vmem_shared>>
        tpu.wait_dma2 semaphore(%run_scoped3A : memref<!tpu.dma_semaphore, #tpu.memory_space<semaphore_mem>>) src(%dma_wait3A_134 : memref<16x128xf32, #tpu.memory_space<vmem_shared>>) dst(%dma_wait3A_131 : memref<16x128xf32, #tpu.memory_space<hbm>>)
        tpu.yield
      }) : () -> ()
    } else {
    }
    return
  }
}

#map = affine_map<(d0, d1) -> (0, 0)>
#map1 = affine_map<(d0, d1) -> (0)>
#map2 = affine_map<(d0, d1) -> (0, 0, 0)>
module attributes {stable_mosaic.version = 14 : i64} {
  func.func @k(%arg0: i32, %arg1: i32, %arg2: memref<10000x128xf32, #tpu.memory_space<hbm>>, %arg3: memref<640000xi32, #tpu.memory_space<hbm>>, %arg4: memref<2x10000x128xf32, #tpu.memory_space<hbm>>, %arg5: memref<64xi32, #tpu.memory_space<vmem>>, %arg6: memref<64xi32, #tpu.memory_space<vmem>>, %arg7: memref<64xi32, #tpu.memory_space<vmem>>, %arg8: memref<64xi32, #tpu.memory_space<vmem>>, %arg9: memref<64xi32, #tpu.memory_space<vmem>>, %arg10: memref<64xi32, #tpu.memory_space<vmem>>, %arg11: memref<64xi32, #tpu.memory_space<vmem>>, %arg12: memref<64xi32, #tpu.memory_space<vmem>>, %arg13: memref<64xi32, #tpu.memory_space<vmem>>, %arg14: memref<64xi32, #tpu.memory_space<vmem>>, %arg15: memref<64xi32, #tpu.memory_space<vmem>>, %arg16: memref<64xi32, #tpu.memory_space<vmem>>, %arg17: memref<16xi32, #tpu.memory_space<vmem>>, %arg18: memref<16xi32, #tpu.memory_space<vmem>>, %arg19: memref<64x128xf32, #tpu.memory_space<vmem>>, %arg20: memref<64x128xf32, #tpu.memory_space<vmem>>, %arg21: memref<64x128xf32, #tpu.memory_space<vmem>>, %arg22: memref<64x128xf32, #tpu.memory_space<vmem>>, %arg23: memref<64x128xf32, #tpu.memory_space<vmem>>, %arg24: memref<64x128xf32, #tpu.memory_space<vmem>>, %arg25: memref<10000x128xf32, #tpu.memory_space<vmem_shared>>, %arg26: memref<3x!tpu.dma_semaphore, #tpu.memory_space<semaphore_mem>>, %arg27: memref<3x!tpu.dma_semaphore, #tpu.memory_space<semaphore_mem>>, %arg28: memref<3x!tpu.dma_semaphore, #tpu.memory_space<semaphore_mem>>, %arg29: memref<3x!tpu.dma_semaphore, #tpu.memory_space<semaphore_mem>>, %arg30: memref<3x!tpu.dma_semaphore, #tpu.memory_space<semaphore_mem>>, %arg31: memref<3x!tpu.dma_semaphore, #tpu.memory_space<semaphore_mem>>) attributes {dimension_semantics = [#tpu.dimension_semantics<core_parallel>, #tpu.dimension_semantics<subcore_parallel>], iteration_bounds = array<i64: 2, 16>, scalar_prefetch = 0 : i64, scratch_operands = 27 : i64, tpu.core_type = #tpu.core_type<sc_vector_subcore>, window_params = [{transform_indices = #map}, {transform_indices = #map1}, {transform_indices = #map2}]} {
    %scan3A = arith.constant 0 : i32
    %scan3A_0 = arith.constant 64 : i32
    %scan3A_1 = arith.addi %scan3A, %scan3A_0 : i32
    %scan3A_2 = arith.constant 1 : i32
    scf.for %scan3A_103 = %scan3A to %scan3A_1 step %scan3A_2  : i32 {
      %mul3A_104 = arith.constant 1 : i32
      %mul3A_105 = arith.muli %scan3A_103, %mul3A_104 : i32
      %add3A_106 = arith.constant 0 : i32
      %add3A_107 = arith.addi %add3A_106, %mul3A_105 : i32
      %broadcast_in_dim3A = arith.constant 0.000000e+00 : f32
      %broadcast_in_dim3A_108 = vector.broadcast %broadcast_in_dim3A : f32 to vector<16xf32>
      %swap3A = arith.index_cast %add3A_107 : i32 to index
      %swap3A_109 = arith.constant 0 : index
      %swap3A_110 = tpu.vector_load %arg19[%swap3A, %swap3A_109] {strides = array<i32>} : memref<64x128xf32, #tpu.memory_space<vmem>>, vector<1x16xf32>,
      %swap3A_111 = vector.shape_cast %swap3A_110 : vector<1x16xf32> to vector<16xf32>
      %swap3A_112 = vector.shape_cast %broadcast_in_dim3A_108 : vector<16xf32> to vector<1x16xf32>
      tpu.vector_store %arg19[%swap3A, %swap3A_109], %swap3A_112 {strides = array<i32>} : memref<64x128xf32, #tpu.memory_space<vmem>>, vector<1x16xf32>,
      %broadcast_in_dim3A_113 = arith.constant 0.000000e+00 : f32
      %broadcast_in_dim3A_114 = vector.broadcast %broadcast_in_dim3A_113 : f32 to vector<16xf32>
      %swap3A_115 = arith.index_cast %add3A_107 : i32 to index
      %swap3A_116 = arith.constant 16 : index
      %swap3A_117 = tpu.vector_load %arg19[%swap3A_115, %swap3A_116] {strides = array<i32>} : memref<64x128xf32, #tpu.memory_space<vmem>>, vector<1x16xf32>,
      %swap3A_118 = vector.shape_cast %swap3A_117 : vector<1x16xf32> to vector<16xf32>
      %swap3A_119 = vector.shape_cast %broadcast_in_dim3A_114 : vector<16xf32> to vector<1x16xf32>
      tpu.vector_store %arg19[%swap3A_115, %swap3A_116], %swap3A_119 {strides = array<i32>} : memref<64x128xf32, #tpu.memory_space<vmem>>, vector<1x16xf32>,
      %broadcast_in_dim3A_120 = arith.constant 0.000000e+00 : f32
      %broadcast_in_dim3A_121 = vector.broadcast %broadcast_in_dim3A_120 : f32 to vector<16xf32>
      %swap3A_122 = arith.index_cast %add3A_107 : i32 to index
      %swap3A_123 = arith.constant 32 : index
      %swap3A_124 = tpu.vector_load %arg19[%swap3A_122, %swap3A_123] {strides = array<i32>} : memref<64x128xf32, #tpu.memory_space<vmem>>, vector<1x16xf32>,
      %swap3A_125 = vector.shape_cast %swap3A_124 : vector<1x16xf32> to vector<16xf32>
      %swap3A_126 = vector.shape_cast %broadcast_in_dim3A_121 : vector<16xf32> to vector<1x16xf32>
      tpu.vector_store %arg19[%swap3A_122, %swap3A_123], %swap3A_126 {strides = array<i32>} : memref<64x128xf32, #tpu.memory_space<vmem>>, vector<1x16xf32>,
      %broadcast_in_dim3A_127 = arith.constant 0.000000e+00 : f32
      %broadcast_in_dim3A_128 = vector.broadcast %broadcast_in_dim3A_127 : f32 to vector<16xf32>
      %swap3A_129 = arith.index_cast %add3A_107 : i32 to index
      %swap3A_130 = arith.constant 48 : index
      %swap3A_131 = tpu.vector_load %arg19[%swap3A_129, %swap3A_130] {strides = array<i32>} : memref<64x128xf32, #tpu.memory_space<vmem>>, vector<1x16xf32>,
      %swap3A_132 = vector.shape_cast %swap3A_131 : vector<1x16xf32> to vector<16xf32>
      %swap3A_133 = vector.shape_cast %broadcast_in_dim3A_128 : vector<16xf32> to vector<1x16xf32>
      tpu.vector_store %arg19[%swap3A_129, %swap3A_130], %swap3A_133 {strides = array<i32>} : memref<64x128xf32, #tpu.memory_space<vmem>>, vector<1x16xf32>,
      %broadcast_in_dim3A_134 = arith.constant 0.000000e+00 : f32
      %broadcast_in_dim3A_135 = vector.broadcast %broadcast_in_dim3A_134 : f32 to vector<16xf32>
      %swap3A_136 = arith.index_cast %add3A_107 : i32 to index
      %swap3A_137 = arith.constant 64 : index
      %swap3A_138 = tpu.vector_load %arg19[%swap3A_136, %swap3A_137] {strides = array<i32>} : memref<64x128xf32, #tpu.memory_space<vmem>>, vector<1x16xf32>,
      %swap3A_139 = vector.shape_cast %swap3A_138 : vector<1x16xf32> to vector<16xf32>
      %swap3A_140 = vector.shape_cast %broadcast_in_dim3A_135 : vector<16xf32> to vector<1x16xf32>
      tpu.vector_store %arg19[%swap3A_136, %swap3A_137], %swap3A_140 {strides = array<i32>} : memref<64x128xf32, #tpu.memory_space<vmem>>, vector<1x16xf32>,
      %broadcast_in_dim3A_141 = arith.constant 0.000000e+00 : f32
      %broadcast_in_dim3A_142 = vector.broadcast %broadcast_in_dim3A_141 : f32 to vector<16xf32>
      %swap3A_143 = arith.index_cast %add3A_107 : i32 to index
      %swap3A_144 = arith.constant 80 : index
      %swap3A_145 = tpu.vector_load %arg19[%swap3A_143, %swap3A_144] {strides = array<i32>} : memref<64x128xf32, #tpu.memory_space<vmem>>, vector<1x16xf32>,
      %swap3A_146 = vector.shape_cast %swap3A_145 : vector<1x16xf32> to vector<16xf32>
      %swap3A_147 = vector.shape_cast %broadcast_in_dim3A_142 : vector<16xf32> to vector<1x16xf32>
      tpu.vector_store %arg19[%swap3A_143, %swap3A_144], %swap3A_147 {strides = array<i32>} : memref<64x128xf32, #tpu.memory_space<vmem>>, vector<1x16xf32>,
      %broadcast_in_dim3A_148 = arith.constant 0.000000e+00 : f32
      %broadcast_in_dim3A_149 = vector.broadcast %broadcast_in_dim3A_148 : f32 to vector<16xf32>
      %swap3A_150 = arith.index_cast %add3A_107 : i32 to index
      %swap3A_151 = arith.constant 96 : index
      %swap3A_152 = tpu.vector_load %arg19[%swap3A_150, %swap3A_151] {strides = array<i32>} : memref<64x128xf32, #tpu.memory_space<vmem>>, vector<1x16xf32>,
      %swap3A_153 = vector.shape_cast %swap3A_152 : vector<1x16xf32> to vector<16xf32>
      %swap3A_154 = vector.shape_cast %broadcast_in_dim3A_149 : vector<16xf32> to vector<1x16xf32>
      tpu.vector_store %arg19[%swap3A_150, %swap3A_151], %swap3A_154 {strides = array<i32>} : memref<64x128xf32, #tpu.memory_space<vmem>>, vector<1x16xf32>,
      %broadcast_in_dim3A_155 = arith.constant 0.000000e+00 : f32
      %broadcast_in_dim3A_156 = vector.broadcast %broadcast_in_dim3A_155 : f32 to vector<16xf32>
      %swap3A_157 = arith.index_cast %add3A_107 : i32 to index
      %swap3A_158 = arith.constant 112 : index
      %swap3A_159 = tpu.vector_load %arg19[%swap3A_157, %swap3A_158] {strides = array<i32>} : memref<64x128xf32, #tpu.memory_space<vmem>>, vector<1x16xf32>,
      %swap3A_160 = vector.shape_cast %swap3A_159 : vector<1x16xf32> to vector<16xf32>
      %swap3A_161 = vector.shape_cast %broadcast_in_dim3A_156 : vector<16xf32> to vector<1x16xf32>
      tpu.vector_store %arg19[%swap3A_157, %swap3A_158], %swap3A_161 {strides = array<i32>} : memref<64x128xf32, #tpu.memory_space<vmem>>, vector<1x16xf32>,
    }
    %scan3A_3 = arith.constant 64 : i32
    %mul3A = arith.constant 624 : i32
    %mul3A_4 = arith.muli %arg1, %mul3A : i32
    %add3A = arith.constant 0 : i32
    %add3A_5 = arith.addi %mul3A_4, %add3A : i32
    "tpu.region"() ({
      %run_scoped3A = tpu.sem_alloc : memref<!tpu.dma_semaphore, #tpu.memory_space<semaphore_mem>>
      %dma_start3A = arith.constant 0 : i32
      %dma_start3A_103 = arith.constant 0 : i32
      %dma_start3A_104 = tpu.memref_slice %arg19[%dma_start3A, %dma_start3A_103] : memref<64x128xf32, #tpu.memory_space<vmem>> -> memref<64x128xf32, #tpu.memory_space<vmem>>
      %dma_start3A_105 = arith.constant 0 : i32
      %dma_start3A_106 = tpu.memref_slice %arg25[%add3A_5, %dma_start3A_105] : memref<10000x128xf32, #tpu.memory_space<vmem_shared>> -> memref<64x128xf32, #tpu.memory_space<vmem_shared>>
      %dma_start3A_107 = arith.constant 0 : i32
      %dma_start3A_108 = tpu.memref_slice %arg25[%add3A_5, %dma_start3A_107] : memref<10000x128xf32, #tpu.memory_space<vmem_shared>> -> memref<64x128xf32, #tpu.memory_space<vmem_shared>>
      %dma_start3A_109 = arith.constant 0 : i32
      %dma_start3A_110 = arith.constant 0 : i32
      %dma_start3A_111 = tpu.memref_slice %arg19[%dma_start3A_109, %dma_start3A_110] : memref<64x128xf32, #tpu.memory_space<vmem>> -> memref<64x128xf32, #tpu.memory_space<vmem>>
      tpu.enqueue_dma source(%dma_start3A_111 : memref<64x128xf32, #tpu.memory_space<vmem>>) target(%dma_start3A_108 : memref<64x128xf32, #tpu.memory_space<vmem_shared>>) target_semaphore(%run_scoped3A : memref<!tpu.dma_semaphore, #tpu.memory_space<semaphore_mem>>)
      %dma_wait3A_112 = arith.constant 0 : i32
      %dma_wait3A_113 = arith.constant 0 : i32
      %dma_wait3A_114 = tpu.memref_slice %arg19[%dma_wait3A_112, %dma_wait3A_113] : memref<64x128xf32, #tpu.memory_space<vmem>> -> memref<64x128xf32, #tpu.memory_space<vmem>>
      %dma_wait3A_115 = arith.constant 0 : i32
      %dma_wait3A_116 = tpu.memref_slice %arg25[%add3A_5, %dma_wait3A_115] : memref<10000x128xf32, #tpu.memory_space<vmem_shared>> -> memref<64x128xf32, #tpu.memory_space<vmem_shared>>
      %dma_wait3A_117 = arith.constant 0 : i32
      %dma_wait3A_118 = tpu.memref_slice %arg25[%add3A_5, %dma_wait3A_117] : memref<10000x128xf32, #tpu.memory_space<vmem_shared>> -> memref<64x128xf32, #tpu.memory_space<vmem_shared>>
      %dma_wait3A_119 = arith.constant 0 : i32
      %dma_wait3A_120 = arith.constant 0 : i32
      %dma_wait3A_121 = tpu.memref_slice %arg19[%dma_wait3A_119, %dma_wait3A_120] : memref<64x128xf32, #tpu.memory_space<vmem>> -> memref<64x128xf32, #tpu.memory_space<vmem>>
      tpu.wait_dma2 semaphore(%run_scoped3A : memref<!tpu.dma_semaphore, #tpu.memory_space<semaphore_mem>>) src(%dma_wait3A_121 : memref<64x128xf32, #tpu.memory_space<vmem>>) dst(%dma_wait3A_118 : memref<64x128xf32, #tpu.memory_space<vmem_shared>>)
      tpu.yield
    }) : () -> ()
    %mul3A_6 = arith.constant 624 : i32
    %mul3A_7 = arith.muli %arg1, %mul3A_6 : i32
    %add3A_8 = arith.constant 64 : i32
    %add3A_9 = arith.addi %mul3A_7, %add3A_8 : i32
    "tpu.region"() ({
      %run_scoped3A = tpu.sem_alloc : memref<!tpu.dma_semaphore, #tpu.memory_space<semaphore_mem>>
      %dma_start3A = arith.constant 0 : i32
      %dma_start3A_103 = arith.constant 0 : i32
      %dma_start3A_104 = tpu.memref_slice %arg19[%dma_start3A, %dma_start3A_103] : memref<64x128xf32, #tpu.memory_space<vmem>> -> memref<64x128xf32, #tpu.memory_space<vmem>>
      %dma_start3A_105 = arith.constant 0 : i32
      %dma_start3A_106 = tpu.memref_slice %arg25[%add3A_9, %dma_start3A_105] : memref<10000x128xf32, #tpu.memory_space<vmem_shared>> -> memref<64x128xf32, #tpu.memory_space<vmem_shared>>
      %dma_start3A_107 = arith.constant 0 : i32
      %dma_start3A_108 = tpu.memref_slice %arg25[%add3A_9, %dma_start3A_107] : memref<10000x128xf32, #tpu.memory_space<vmem_shared>> -> memref<64x128xf32, #tpu.memory_space<vmem_shared>>
      %dma_start3A_109 = arith.constant 0 : i32
      %dma_start3A_110 = arith.constant 0 : i32
      %dma_start3A_111 = tpu.memref_slice %arg19[%dma_start3A_109, %dma_start3A_110] : memref<64x128xf32, #tpu.memory_space<vmem>> -> memref<64x128xf32, #tpu.memory_space<vmem>>
      tpu.enqueue_dma source(%dma_start3A_111 : memref<64x128xf32, #tpu.memory_space<vmem>>) target(%dma_start3A_108 : memref<64x128xf32, #tpu.memory_space<vmem_shared>>) target_semaphore(%run_scoped3A : memref<!tpu.dma_semaphore, #tpu.memory_space<semaphore_mem>>)
      %dma_wait3A_112 = arith.constant 0 : i32
      %dma_wait3A_113 = arith.constant 0 : i32
      %dma_wait3A_114 = tpu.memref_slice %arg19[%dma_wait3A_112, %dma_wait3A_113] : memref<64x128xf32, #tpu.memory_space<vmem>> -> memref<64x128xf32, #tpu.memory_space<vmem>>
      %dma_wait3A_115 = arith.constant 0 : i32
      %dma_wait3A_116 = tpu.memref_slice %arg25[%add3A_9, %dma_wait3A_115] : memref<10000x128xf32, #tpu.memory_space<vmem_shared>> -> memref<64x128xf32, #tpu.memory_space<vmem_shared>>
      %dma_wait3A_117 = arith.constant 0 : i32
      %dma_wait3A_118 = tpu.memref_slice %arg25[%add3A_9, %dma_wait3A_117] : memref<10000x128xf32, #tpu.memory_space<vmem_shared>> -> memref<64x128xf32, #tpu.memory_space<vmem_shared>>
      %dma_wait3A_119 = arith.constant 0 : i32
      %dma_wait3A_120 = arith.constant 0 : i32
      %dma_wait3A_121 = tpu.memref_slice %arg19[%dma_wait3A_119, %dma_wait3A_120] : memref<64x128xf32, #tpu.memory_space<vmem>> -> memref<64x128xf32, #tpu.memory_space<vmem>>
      tpu.wait_dma2 semaphore(%run_scoped3A : memref<!tpu.dma_semaphore, #tpu.memory_space<semaphore_mem>>) src(%dma_wait3A_121 : memref<64x128xf32, #tpu.memory_space<vmem>>) dst(%dma_wait3A_118 : memref<64x128xf32, #tpu.memory_space<vmem_shared>>)
      tpu.yield
    }) : () -> ()
    %mul3A_10 = arith.constant 624 : i32
    %mul3A_11 = arith.muli %arg1, %mul3A_10 : i32
    %add3A_12 = arith.constant 128 : i32
    %add3A_13 = arith.addi %mul3A_11, %add3A_12 : i32
    "tpu.region"() ({
      %run_scoped3A = tpu.sem_alloc : memref<!tpu.dma_semaphore, #tpu.memory_space<semaphore_mem>>
      %dma_start3A = arith.constant 0 : i32
      %dma_start3A_103 = arith.constant 0 : i32
      %dma_start3A_104 = tpu.memref_slice %arg19[%dma_start3A, %dma_start3A_103] : memref<64x128xf32, #tpu.memory_space<vmem>> -> memref<64x128xf32, #tpu.memory_space<vmem>>
      %dma_start3A_105 = arith.constant 0 : i32
      %dma_start3A_106 = tpu.memref_slice %arg25[%add3A_13, %dma_start3A_105] : memref<10000x128xf32, #tpu.memory_space<vmem_shared>> -> memref<64x128xf32, #tpu.memory_space<vmem_shared>>
      %dma_start3A_107 = arith.constant 0 : i32
      %dma_start3A_108 = tpu.memref_slice %arg25[%add3A_13, %dma_start3A_107] : memref<10000x128xf32, #tpu.memory_space<vmem_shared>> -> memref<64x128xf32, #tpu.memory_space<vmem_shared>>
      %dma_start3A_109 = arith.constant 0 : i32
      %dma_start3A_110 = arith.constant 0 : i32
      %dma_start3A_111 = tpu.memref_slice %arg19[%dma_start3A_109, %dma_start3A_110] : memref<64x128xf32, #tpu.memory_space<vmem>> -> memref<64x128xf32, #tpu.memory_space<vmem>>
      tpu.enqueue_dma source(%dma_start3A_111 : memref<64x128xf32, #tpu.memory_space<vmem>>) target(%dma_start3A_108 : memref<64x128xf32, #tpu.memory_space<vmem_shared>>) target_semaphore(%run_scoped3A : memref<!tpu.dma_semaphore, #tpu.memory_space<semaphore_mem>>)
      %dma_wait3A_112 = arith.constant 0 : i32
      %dma_wait3A_113 = arith.constant 0 : i32
      %dma_wait3A_114 = tpu.memref_slice %arg19[%dma_wait3A_112, %dma_wait3A_113] : memref<64x128xf32, #tpu.memory_space<vmem>> -> memref<64x128xf32, #tpu.memory_space<vmem>>
      %dma_wait3A_115 = arith.constant 0 : i32
      %dma_wait3A_116 = tpu.memref_slice %arg25[%add3A_13, %dma_wait3A_115] : memref<10000x128xf32, #tpu.memory_space<vmem_shared>> -> memref<64x128xf32, #tpu.memory_space<vmem_shared>>
      %dma_wait3A_117 = arith.constant 0 : i32
      %dma_wait3A_118 = tpu.memref_slice %arg25[%add3A_13, %dma_wait3A_117] : memref<10000x128xf32, #tpu.memory_space<vmem_shared>> -> memref<64x128xf32, #tpu.memory_space<vmem_shared>>
      %dma_wait3A_119 = arith.constant 0 : i32
      %dma_wait3A_120 = arith.constant 0 : i32
      %dma_wait3A_121 = tpu.memref_slice %arg19[%dma_wait3A_119, %dma_wait3A_120] : memref<64x128xf32, #tpu.memory_space<vmem>> -> memref<64x128xf32, #tpu.memory_space<vmem>>
      tpu.wait_dma2 semaphore(%run_scoped3A : memref<!tpu.dma_semaphore, #tpu.memory_space<semaphore_mem>>) src(%dma_wait3A_121 : memref<64x128xf32, #tpu.memory_space<vmem>>) dst(%dma_wait3A_118 : memref<64x128xf32, #tpu.memory_space<vmem_shared>>)
      tpu.yield
    }) : () -> ()
    %mul3A_14 = arith.constant 624 : i32
    %mul3A_15 = arith.muli %arg1, %mul3A_14 : i32
    %add3A_16 = arith.constant 192 : i32
    %add3A_17 = arith.addi %mul3A_15, %add3A_16 : i32
    "tpu.region"() ({
      %run_scoped3A = tpu.sem_alloc : memref<!tpu.dma_semaphore, #tpu.memory_space<semaphore_mem>>
      %dma_start3A = arith.constant 0 : i32
      %dma_start3A_103 = arith.constant 0 : i32
      %dma_start3A_104 = tpu.memref_slice %arg19[%dma_start3A, %dma_start3A_103] : memref<64x128xf32, #tpu.memory_space<vmem>> -> memref<64x128xf32, #tpu.memory_space<vmem>>
      %dma_start3A_105 = arith.constant 0 : i32
      %dma_start3A_106 = tpu.memref_slice %arg25[%add3A_17, %dma_start3A_105] : memref<10000x128xf32, #tpu.memory_space<vmem_shared>> -> memref<64x128xf32, #tpu.memory_space<vmem_shared>>
      %dma_start3A_107 = arith.constant 0 : i32
      %dma_start3A_108 = tpu.memref_slice %arg25[%add3A_17, %dma_start3A_107] : memref<10000x128xf32, #tpu.memory_space<vmem_shared>> -> memref<64x128xf32, #tpu.memory_space<vmem_shared>>
      %dma_start3A_109 = arith.constant 0 : i32
      %dma_start3A_110 = arith.constant 0 : i32
      %dma_start3A_111 = tpu.memref_slice %arg19[%dma_start3A_109, %dma_start3A_110] : memref<64x128xf32, #tpu.memory_space<vmem>> -> memref<64x128xf32, #tpu.memory_space<vmem>>
      tpu.enqueue_dma source(%dma_start3A_111 : memref<64x128xf32, #tpu.memory_space<vmem>>) target(%dma_start3A_108 : memref<64x128xf32, #tpu.memory_space<vmem_shared>>) target_semaphore(%run_scoped3A : memref<!tpu.dma_semaphore, #tpu.memory_space<semaphore_mem>>)
      %dma_wait3A_112 = arith.constant 0 : i32
      %dma_wait3A_113 = arith.constant 0 : i32
      %dma_wait3A_114 = tpu.memref_slice %arg19[%dma_wait3A_112, %dma_wait3A_113] : memref<64x128xf32, #tpu.memory_space<vmem>> -> memref<64x128xf32, #tpu.memory_space<vmem>>
      %dma_wait3A_115 = arith.constant 0 : i32
      %dma_wait3A_116 = tpu.memref_slice %arg25[%add3A_17, %dma_wait3A_115] : memref<10000x128xf32, #tpu.memory_space<vmem_shared>> -> memref<64x128xf32, #tpu.memory_space<vmem_shared>>
      %dma_wait3A_117 = arith.constant 0 : i32
      %dma_wait3A_118 = tpu.memref_slice %arg25[%add3A_17, %dma_wait3A_117] : memref<10000x128xf32, #tpu.memory_space<vmem_shared>> -> memref<64x128xf32, #tpu.memory_space<vmem_shared>>
      %dma_wait3A_119 = arith.constant 0 : i32
      %dma_wait3A_120 = arith.constant 0 : i32
      %dma_wait3A_121 = tpu.memref_slice %arg19[%dma_wait3A_119, %dma_wait3A_120] : memref<64x128xf32, #tpu.memory_space<vmem>> -> memref<64x128xf32, #tpu.memory_space<vmem>>
      tpu.wait_dma2 semaphore(%run_scoped3A : memref<!tpu.dma_semaphore, #tpu.memory_space<semaphore_mem>>) src(%dma_wait3A_121 : memref<64x128xf32, #tpu.memory_space<vmem>>) dst(%dma_wait3A_118 : memref<64x128xf32, #tpu.memory_space<vmem_shared>>)
      tpu.yield
    }) : () -> ()
    %mul3A_18 = arith.constant 624 : i32
    %mul3A_19 = arith.muli %arg1, %mul3A_18 : i32
    %add3A_20 = arith.constant 256 : i32
    %add3A_21 = arith.addi %mul3A_19, %add3A_20 : i32
    "tpu.region"() ({
      %run_scoped3A = tpu.sem_alloc : memref<!tpu.dma_semaphore, #tpu.memory_space<semaphore_mem>>
      %dma_start3A = arith.constant 0 : i32
      %dma_start3A_103 = arith.constant 0 : i32
      %dma_start3A_104 = tpu.memref_slice %arg19[%dma_start3A, %dma_start3A_103] : memref<64x128xf32, #tpu.memory_space<vmem>> -> memref<64x128xf32, #tpu.memory_space<vmem>>
      %dma_start3A_105 = arith.constant 0 : i32
      %dma_start3A_106 = tpu.memref_slice %arg25[%add3A_21, %dma_start3A_105] : memref<10000x128xf32, #tpu.memory_space<vmem_shared>> -> memref<64x128xf32, #tpu.memory_space<vmem_shared>>
      %dma_start3A_107 = arith.constant 0 : i32
      %dma_start3A_108 = tpu.memref_slice %arg25[%add3A_21, %dma_start3A_107] : memref<10000x128xf32, #tpu.memory_space<vmem_shared>> -> memref<64x128xf32, #tpu.memory_space<vmem_shared>>
      %dma_start3A_109 = arith.constant 0 : i32
      %dma_start3A_110 = arith.constant 0 : i32
      %dma_start3A_111 = tpu.memref_slice %arg19[%dma_start3A_109, %dma_start3A_110] : memref<64x128xf32, #tpu.memory_space<vmem>> -> memref<64x128xf32, #tpu.memory_space<vmem>>
      tpu.enqueue_dma source(%dma_start3A_111 : memref<64x128xf32, #tpu.memory_space<vmem>>) target(%dma_start3A_108 : memref<64x128xf32, #tpu.memory_space<vmem_shared>>) target_semaphore(%run_scoped3A : memref<!tpu.dma_semaphore, #tpu.memory_space<semaphore_mem>>)
      %dma_wait3A_112 = arith.constant 0 : i32
      %dma_wait3A_113 = arith.constant 0 : i32
      %dma_wait3A_114 = tpu.memref_slice %arg19[%dma_wait3A_112, %dma_wait3A_113] : memref<64x128xf32, #tpu.memory_space<vmem>> -> memref<64x128xf32, #tpu.memory_space<vmem>>
      %dma_wait3A_115 = arith.constant 0 : i32
      %dma_wait3A_116 = tpu.memref_slice %arg25[%add3A_21, %dma_wait3A_115] : memref<10000x128xf32, #tpu.memory_space<vmem_shared>> -> memref<64x128xf32, #tpu.memory_space<vmem_shared>>
      %dma_wait3A_117 = arith.constant 0 : i32
      %dma_wait3A_118 = tpu.memref_slice %arg25[%add3A_21, %dma_wait3A_117] : memref<10000x128xf32, #tpu.memory_space<vmem_shared>> -> memref<64x128xf32, #tpu.memory_space<vmem_shared>>
      %dma_wait3A_119 = arith.constant 0 : i32
      %dma_wait3A_120 = arith.constant 0 : i32
      %dma_wait3A_121 = tpu.memref_slice %arg19[%dma_wait3A_119, %dma_wait3A_120] : memref<64x128xf32, #tpu.memory_space<vmem>> -> memref<64x128xf32, #tpu.memory_space<vmem>>
      tpu.wait_dma2 semaphore(%run_scoped3A : memref<!tpu.dma_semaphore, #tpu.memory_space<semaphore_mem>>) src(%dma_wait3A_121 : memref<64x128xf32, #tpu.memory_space<vmem>>) dst(%dma_wait3A_118 : memref<64x128xf32, #tpu.memory_space<vmem_shared>>)
      tpu.yield
    }) : () -> ()
    %mul3A_22 = arith.constant 624 : i32
    %mul3A_23 = arith.muli %arg1, %mul3A_22 : i32
    %add3A_24 = arith.constant 320 : i32
    %add3A_25 = arith.addi %mul3A_23, %add3A_24 : i32
    "tpu.region"() ({
      %run_scoped3A = tpu.sem_alloc : memref<!tpu.dma_semaphore, #tpu.memory_space<semaphore_mem>>
      %dma_start3A = arith.constant 0 : i32
      %dma_start3A_103 = arith.constant 0 : i32
      %dma_start3A_104 = tpu.memref_slice %arg19[%dma_start3A, %dma_start3A_103] : memref<64x128xf32, #tpu.memory_space<vmem>> -> memref<64x128xf32, #tpu.memory_space<vmem>>
      %dma_start3A_105 = arith.constant 0 : i32
      %dma_start3A_106 = tpu.memref_slice %arg25[%add3A_25, %dma_start3A_105] : memref<10000x128xf32, #tpu.memory_space<vmem_shared>> -> memref<64x128xf32, #tpu.memory_space<vmem_shared>>
      %dma_start3A_107 = arith.constant 0 : i32
      %dma_start3A_108 = tpu.memref_slice %arg25[%add3A_25, %dma_start3A_107] : memref<10000x128xf32, #tpu.memory_space<vmem_shared>> -> memref<64x128xf32, #tpu.memory_space<vmem_shared>>
      %dma_start3A_109 = arith.constant 0 : i32
      %dma_start3A_110 = arith.constant 0 : i32
      %dma_start3A_111 = tpu.memref_slice %arg19[%dma_start3A_109, %dma_start3A_110] : memref<64x128xf32, #tpu.memory_space<vmem>> -> memref<64x128xf32, #tpu.memory_space<vmem>>
      tpu.enqueue_dma source(%dma_start3A_111 : memref<64x128xf32, #tpu.memory_space<vmem>>) target(%dma_start3A_108 : memref<64x128xf32, #tpu.memory_space<vmem_shared>>) target_semaphore(%run_scoped3A : memref<!tpu.dma_semaphore, #tpu.memory_space<semaphore_mem>>)
      %dma_wait3A_112 = arith.constant 0 : i32
      %dma_wait3A_113 = arith.constant 0 : i32
      %dma_wait3A_114 = tpu.memref_slice %arg19[%dma_wait3A_112, %dma_wait3A_113] : memref<64x128xf32, #tpu.memory_space<vmem>> -> memref<64x128xf32, #tpu.memory_space<vmem>>
      %dma_wait3A_115 = arith.constant 0 : i32
      %dma_wait3A_116 = tpu.memref_slice %arg25[%add3A_25, %dma_wait3A_115] : memref<10000x128xf32, #tpu.memory_space<vmem_shared>> -> memref<64x128xf32, #tpu.memory_space<vmem_shared>>
      %dma_wait3A_117 = arith.constant 0 : i32
      %dma_wait3A_118 = tpu.memref_slice %arg25[%add3A_25, %dma_wait3A_117] : memref<10000x128xf32, #tpu.memory_space<vmem_shared>> -> memref<64x128xf32, #tpu.memory_space<vmem_shared>>
      %dma_wait3A_119 = arith.constant 0 : i32
      %dma_wait3A_120 = arith.constant 0 : i32
      %dma_wait3A_121 = tpu.memref_slice %arg19[%dma_wait3A_119, %dma_wait3A_120] : memref<64x128xf32, #tpu.memory_space<vmem>> -> memref<64x128xf32, #tpu.memory_space<vmem>>
      tpu.wait_dma2 semaphore(%run_scoped3A : memref<!tpu.dma_semaphore, #tpu.memory_space<semaphore_mem>>) src(%dma_wait3A_121 : memref<64x128xf32, #tpu.memory_space<vmem>>) dst(%dma_wait3A_118 : memref<64x128xf32, #tpu.memory_space<vmem_shared>>)
      tpu.yield
    }) : () -> ()
    %mul3A_26 = arith.constant 624 : i32
    %mul3A_27 = arith.muli %arg1, %mul3A_26 : i32
    %add3A_28 = arith.constant 384 : i32
    %add3A_29 = arith.addi %mul3A_27, %add3A_28 : i32
    "tpu.region"() ({
      %run_scoped3A = tpu.sem_alloc : memref<!tpu.dma_semaphore, #tpu.memory_space<semaphore_mem>>
      %dma_start3A = arith.constant 0 : i32
      %dma_start3A_103 = arith.constant 0 : i32
      %dma_start3A_104 = tpu.memref_slice %arg19[%dma_start3A, %dma_start3A_103] : memref<64x128xf32, #tpu.memory_space<vmem>> -> memref<64x128xf32, #tpu.memory_space<vmem>>
      %dma_start3A_105 = arith.constant 0 : i32
      %dma_start3A_106 = tpu.memref_slice %arg25[%add3A_29, %dma_start3A_105] : memref<10000x128xf32, #tpu.memory_space<vmem_shared>> -> memref<64x128xf32, #tpu.memory_space<vmem_shared>>
      %dma_start3A_107 = arith.constant 0 : i32
      %dma_start3A_108 = tpu.memref_slice %arg25[%add3A_29, %dma_start3A_107] : memref<10000x128xf32, #tpu.memory_space<vmem_shared>> -> memref<64x128xf32, #tpu.memory_space<vmem_shared>>
      %dma_start3A_109 = arith.constant 0 : i32
      %dma_start3A_110 = arith.constant 0 : i32
      %dma_start3A_111 = tpu.memref_slice %arg19[%dma_start3A_109, %dma_start3A_110] : memref<64x128xf32, #tpu.memory_space<vmem>> -> memref<64x128xf32, #tpu.memory_space<vmem>>
      tpu.enqueue_dma source(%dma_start3A_111 : memref<64x128xf32, #tpu.memory_space<vmem>>) target(%dma_start3A_108 : memref<64x128xf32, #tpu.memory_space<vmem_shared>>) target_semaphore(%run_scoped3A : memref<!tpu.dma_semaphore, #tpu.memory_space<semaphore_mem>>)
      %dma_wait3A_112 = arith.constant 0 : i32
      %dma_wait3A_113 = arith.constant 0 : i32
      %dma_wait3A_114 = tpu.memref_slice %arg19[%dma_wait3A_112, %dma_wait3A_113] : memref<64x128xf32, #tpu.memory_space<vmem>> -> memref<64x128xf32, #tpu.memory_space<vmem>>
      %dma_wait3A_115 = arith.constant 0 : i32
      %dma_wait3A_116 = tpu.memref_slice %arg25[%add3A_29, %dma_wait3A_115] : memref<10000x128xf32, #tpu.memory_space<vmem_shared>> -> memref<64x128xf32, #tpu.memory_space<vmem_shared>>
      %dma_wait3A_117 = arith.constant 0 : i32
      %dma_wait3A_118 = tpu.memref_slice %arg25[%add3A_29, %dma_wait3A_117] : memref<10000x128xf32, #tpu.memory_space<vmem_shared>> -> memref<64x128xf32, #tpu.memory_space<vmem_shared>>
      %dma_wait3A_119 = arith.constant 0 : i32
      %dma_wait3A_120 = arith.constant 0 : i32
      %dma_wait3A_121 = tpu.memref_slice %arg19[%dma_wait3A_119, %dma_wait3A_120] : memref<64x128xf32, #tpu.memory_space<vmem>> -> memref<64x128xf32, #tpu.memory_space<vmem>>
      tpu.wait_dma2 semaphore(%run_scoped3A : memref<!tpu.dma_semaphore, #tpu.memory_space<semaphore_mem>>) src(%dma_wait3A_121 : memref<64x128xf32, #tpu.memory_space<vmem>>) dst(%dma_wait3A_118 : memref<64x128xf32, #tpu.memory_space<vmem_shared>>)
      tpu.yield
    }) : () -> ()
    %mul3A_30 = arith.constant 624 : i32
    %mul3A_31 = arith.muli %arg1, %mul3A_30 : i32
    %add3A_32 = arith.constant 448 : i32
    %add3A_33 = arith.addi %mul3A_31, %add3A_32 : i32
    "tpu.region"() ({
      %run_scoped3A = tpu.sem_alloc : memref<!tpu.dma_semaphore, #tpu.memory_space<semaphore_mem>>
      %dma_start3A = arith.constant 0 : i32
      %dma_start3A_103 = arith.constant 0 : i32
      %dma_start3A_104 = tpu.memref_slice %arg19[%dma_start3A, %dma_start3A_103] : memref<64x128xf32, #tpu.memory_space<vmem>> -> memref<64x128xf32, #tpu.memory_space<vmem>>
      %dma_start3A_105 = arith.constant 0 : i32
      %dma_start3A_106 = tpu.memref_slice %arg25[%add3A_33, %dma_start3A_105] : memref<10000x128xf32, #tpu.memory_space<vmem_shared>> -> memref<64x128xf32, #tpu.memory_space<vmem_shared>>
      %dma_start3A_107 = arith.constant 0 : i32
      %dma_start3A_108 = tpu.memref_slice %arg25[%add3A_33, %dma_start3A_107] : memref<10000x128xf32, #tpu.memory_space<vmem_shared>> -> memref<64x128xf32, #tpu.memory_space<vmem_shared>>
      %dma_start3A_109 = arith.constant 0 : i32
      %dma_start3A_110 = arith.constant 0 : i32
      %dma_start3A_111 = tpu.memref_slice %arg19[%dma_start3A_109, %dma_start3A_110] : memref<64x128xf32, #tpu.memory_space<vmem>> -> memref<64x128xf32, #tpu.memory_space<vmem>>
      tpu.enqueue_dma source(%dma_start3A_111 : memref<64x128xf32, #tpu.memory_space<vmem>>) target(%dma_start3A_108 : memref<64x128xf32, #tpu.memory_space<vmem_shared>>) target_semaphore(%run_scoped3A : memref<!tpu.dma_semaphore, #tpu.memory_space<semaphore_mem>>)
      %dma_wait3A_112 = arith.constant 0 : i32
      %dma_wait3A_113 = arith.constant 0 : i32
      %dma_wait3A_114 = tpu.memref_slice %arg19[%dma_wait3A_112, %dma_wait3A_113] : memref<64x128xf32, #tpu.memory_space<vmem>> -> memref<64x128xf32, #tpu.memory_space<vmem>>
      %dma_wait3A_115 = arith.constant 0 : i32
      %dma_wait3A_116 = tpu.memref_slice %arg25[%add3A_33, %dma_wait3A_115] : memref<10000x128xf32, #tpu.memory_space<vmem_shared>> -> memref<64x128xf32, #tpu.memory_space<vmem_shared>>
      %dma_wait3A_117 = arith.constant 0 : i32
      %dma_wait3A_118 = tpu.memref_slice %arg25[%add3A_33, %dma_wait3A_117] : memref<10000x128xf32, #tpu.memory_space<vmem_shared>> -> memref<64x128xf32, #tpu.memory_space<vmem_shared>>
      %dma_wait3A_119 = arith.constant 0 : i32
      %dma_wait3A_120 = arith.constant 0 : i32
      %dma_wait3A_121 = tpu.memref_slice %arg19[%dma_wait3A_119, %dma_wait3A_120] : memref<64x128xf32, #tpu.memory_space<vmem>> -> memref<64x128xf32, #tpu.memory_space<vmem>>
      tpu.wait_dma2 semaphore(%run_scoped3A : memref<!tpu.dma_semaphore, #tpu.memory_space<semaphore_mem>>) src(%dma_wait3A_121 : memref<64x128xf32, #tpu.memory_space<vmem>>) dst(%dma_wait3A_118 : memref<64x128xf32, #tpu.memory_space<vmem_shared>>)
      tpu.yield
    }) : () -> ()
    %mul3A_34 = arith.constant 624 : i32
    %mul3A_35 = arith.muli %arg1, %mul3A_34 : i32
    %add3A_36 = arith.constant 512 : i32
    %add3A_37 = arith.addi %mul3A_35, %add3A_36 : i32
    "tpu.region"() ({
      %run_scoped3A = tpu.sem_alloc : memref<!tpu.dma_semaphore, #tpu.memory_space<semaphore_mem>>
      %dma_start3A = arith.constant 0 : i32
      %dma_start3A_103 = arith.constant 0 : i32
      %dma_start3A_104 = tpu.memref_slice %arg19[%dma_start3A, %dma_start3A_103] : memref<64x128xf32, #tpu.memory_space<vmem>> -> memref<64x128xf32, #tpu.memory_space<vmem>>
      %dma_start3A_105 = arith.constant 0 : i32
      %dma_start3A_106 = tpu.memref_slice %arg25[%add3A_37, %dma_start3A_105] : memref<10000x128xf32, #tpu.memory_space<vmem_shared>> -> memref<64x128xf32, #tpu.memory_space<vmem_shared>>
      %dma_start3A_107 = arith.constant 0 : i32
      %dma_start3A_108 = tpu.memref_slice %arg25[%add3A_37, %dma_start3A_107] : memref<10000x128xf32, #tpu.memory_space<vmem_shared>> -> memref<64x128xf32, #tpu.memory_space<vmem_shared>>
      %dma_start3A_109 = arith.constant 0 : i32
      %dma_start3A_110 = arith.constant 0 : i32
      %dma_start3A_111 = tpu.memref_slice %arg19[%dma_start3A_109, %dma_start3A_110] : memref<64x128xf32, #tpu.memory_space<vmem>> -> memref<64x128xf32, #tpu.memory_space<vmem>>
      tpu.enqueue_dma source(%dma_start3A_111 : memref<64x128xf32, #tpu.memory_space<vmem>>) target(%dma_start3A_108 : memref<64x128xf32, #tpu.memory_space<vmem_shared>>) target_semaphore(%run_scoped3A : memref<!tpu.dma_semaphore, #tpu.memory_space<semaphore_mem>>)
      %dma_wait3A_112 = arith.constant 0 : i32
      %dma_wait3A_113 = arith.constant 0 : i32
      %dma_wait3A_114 = tpu.memref_slice %arg19[%dma_wait3A_112, %dma_wait3A_113] : memref<64x128xf32, #tpu.memory_space<vmem>> -> memref<64x128xf32, #tpu.memory_space<vmem>>
      %dma_wait3A_115 = arith.constant 0 : i32
      %dma_wait3A_116 = tpu.memref_slice %arg25[%add3A_37, %dma_wait3A_115] : memref<10000x128xf32, #tpu.memory_space<vmem_shared>> -> memref<64x128xf32, #tpu.memory_space<vmem_shared>>
      %dma_wait3A_117 = arith.constant 0 : i32
      %dma_wait3A_118 = tpu.memref_slice %arg25[%add3A_37, %dma_wait3A_117] : memref<10000x128xf32, #tpu.memory_space<vmem_shared>> -> memref<64x128xf32, #tpu.memory_space<vmem_shared>>
      %dma_wait3A_119 = arith.constant 0 : i32
      %dma_wait3A_120 = arith.constant 0 : i32
      %dma_wait3A_121 = tpu.memref_slice %arg19[%dma_wait3A_119, %dma_wait3A_120] : memref<64x128xf32, #tpu.memory_space<vmem>> -> memref<64x128xf32, #tpu.memory_space<vmem>>
      tpu.wait_dma2 semaphore(%run_scoped3A : memref<!tpu.dma_semaphore, #tpu.memory_space<semaphore_mem>>) src(%dma_wait3A_121 : memref<64x128xf32, #tpu.memory_space<vmem>>) dst(%dma_wait3A_118 : memref<64x128xf32, #tpu.memory_space<vmem_shared>>)
      tpu.yield
    }) : () -> ()
    %mul3A_38 = arith.constant 624 : i32
    %mul3A_39 = arith.muli %arg1, %mul3A_38 : i32
    %add3A_40 = arith.constant 576 : i32
    %add3A_41 = arith.addi %mul3A_39, %add3A_40 : i32
    "tpu.region"() ({
      %run_scoped3A = tpu.sem_alloc : memref<!tpu.dma_semaphore, #tpu.memory_space<semaphore_mem>>
      %dma_start3A = arith.constant 0 : i32
      %dma_start3A_103 = arith.constant 0 : i32
      %dma_start3A_104 = tpu.memref_slice %arg19[%dma_start3A, %dma_start3A_103] : memref<64x128xf32, #tpu.memory_space<vmem>> -> memref<48x128xf32, #tpu.memory_space<vmem>>
      %dma_start3A_105 = arith.constant 0 : i32
      %dma_start3A_106 = tpu.memref_slice %arg25[%add3A_41, %dma_start3A_105] : memref<10000x128xf32, #tpu.memory_space<vmem_shared>> -> memref<48x128xf32, #tpu.memory_space<vmem_shared>>
      %dma_start3A_107 = arith.constant 0 : i32
      %dma_start3A_108 = tpu.memref_slice %arg25[%add3A_41, %dma_start3A_107] : memref<10000x128xf32, #tpu.memory_space<vmem_shared>> -> memref<48x128xf32, #tpu.memory_space<vmem_shared>>
      %dma_start3A_109 = arith.constant 0 : i32
      %dma_start3A_110 = arith.constant 0 : i32
      %dma_start3A_111 = tpu.memref_slice %arg19[%dma_start3A_109, %dma_start3A_110] : memref<64x128xf32, #tpu.memory_space<vmem>> -> memref<48x128xf32, #tpu.memory_space<vmem>>
      tpu.enqueue_dma source(%dma_start3A_111 : memref<48x128xf32, #tpu.memory_space<vmem>>) target(%dma_start3A_108 : memref<48x128xf32, #tpu.memory_space<vmem_shared>>) target_semaphore(%run_scoped3A : memref<!tpu.dma_semaphore, #tpu.memory_space<semaphore_mem>>)
      %dma_wait3A_112 = arith.constant 0 : i32
      %dma_wait3A_113 = arith.constant 0 : i32
      %dma_wait3A_114 = tpu.memref_slice %arg19[%dma_wait3A_112, %dma_wait3A_113] : memref<64x128xf32, #tpu.memory_space<vmem>> -> memref<48x128xf32, #tpu.memory_space<vmem>>
      %dma_wait3A_115 = arith.constant 0 : i32
      %dma_wait3A_116 = tpu.memref_slice %arg25[%add3A_41, %dma_wait3A_115] : memref<10000x128xf32, #tpu.memory_space<vmem_shared>> -> memref<48x128xf32, #tpu.memory_space<vmem_shared>>
      %dma_wait3A_117 = arith.constant 0 : i32
      %dma_wait3A_118 = tpu.memref_slice %arg25[%add3A_41, %dma_wait3A_117] : memref<10000x128xf32, #tpu.memory_space<vmem_shared>> -> memref<48x128xf32, #tpu.memory_space<vmem_shared>>
      %dma_wait3A_119 = arith.constant 0 : i32
      %dma_wait3A_120 = arith.constant 0 : i32
      %dma_wait3A_121 = tpu.memref_slice %arg19[%dma_wait3A_119, %dma_wait3A_120] : memref<64x128xf32, #tpu.memory_space<vmem>> -> memref<48x128xf32, #tpu.memory_space<vmem>>
      tpu.wait_dma2 semaphore(%run_scoped3A : memref<!tpu.dma_semaphore, #tpu.memory_space<semaphore_mem>>) src(%dma_wait3A_121 : memref<48x128xf32, #tpu.memory_space<vmem>>) dst(%dma_wait3A_118 : memref<48x128xf32, #tpu.memory_space<vmem_shared>>)
      tpu.yield
    }) : () -> ()
    %eq3A = arith.constant 15 : i32
    %eq3A_42 = arith.cmpi eq, %arg1, %eq3A : i32
    %convert_element_type3A = arith.extui %eq3A_42 : i1 to i32
    %cond3A = arith.constant 0 : i32
    %cond3A_43 = arith.cmpi ne, %convert_element_type3A, %cond3A : i32
    scf.if %cond3A_43 {
      "tpu.region"() ({
        %run_scoped3A = tpu.sem_alloc : memref<!tpu.dma_semaphore, #tpu.memory_space<semaphore_mem>>
        %dma_start3A = arith.constant 0 : i32
        %dma_start3A_103 = arith.constant 0 : i32
        %dma_start3A_104 = tpu.memref_slice %arg19[%dma_start3A, %dma_start3A_103] : memref<64x128xf32, #tpu.memory_space<vmem>> -> memref<16x128xf32, #tpu.memory_space<vmem>>
        %dma_start3A_105 = arith.constant 9984 : i32
        %dma_start3A_106 = arith.constant 0 : i32
        %dma_start3A_107 = tpu.memref_slice %arg25[%dma_start3A_105, %dma_start3A_106] : memref<10000x128xf32, #tpu.memory_space<vmem_shared>> -> memref<16x128xf32, #tpu.memory_space<vmem_shared>>
        %dma_start3A_108 = arith.constant 9984 : i32
        %dma_start3A_109 = arith.constant 0 : i32
        %dma_start3A_110 = tpu.memref_slice %arg25[%dma_start3A_108, %dma_start3A_109] : memref<10000x128xf32, #tpu.memory_space<vmem_shared>> -> memref<16x128xf32, #tpu.memory_space<vmem_shared>>
        %dma_start3A_111 = arith.constant 0 : i32
        %dma_start3A_112 = arith.constant 0 : i32
        %dma_start3A_113 = tpu.memref_slice %arg19[%dma_start3A_111, %dma_start3A_112] : memref<64x128xf32, #tpu.memory_space<vmem>> -> memref<16x128xf32, #tpu.memory_space<vmem>>
        tpu.enqueue_dma source(%dma_start3A_113 : memref<16x128xf32, #tpu.memory_space<vmem>>) target(%dma_start3A_110 : memref<16x128xf32, #tpu.memory_space<vmem_shared>>) target_semaphore(%run_scoped3A : memref<!tpu.dma_semaphore, #tpu.memory_space<semaphore_mem>>)
        %dma_wait3A_114 = arith.constant 0 : i32
        %dma_wait3A_115 = arith.constant 0 : i32
        %dma_wait3A_116 = tpu.memref_slice %arg19[%dma_wait3A_114, %dma_wait3A_115] : memref<64x128xf32, #tpu.memory_space<vmem>> -> memref<16x128xf32, #tpu.memory_space<vmem>>
        %dma_wait3A_117 = arith.constant 9984 : i32
        %dma_wait3A_118 = arith.constant 0 : i32
        %dma_wait3A_119 = tpu.memref_slice %arg25[%dma_wait3A_117, %dma_wait3A_118] : memref<10000x128xf32, #tpu.memory_space<vmem_shared>> -> memref<16x128xf32, #tpu.memory_space<vmem_shared>>
        %dma_wait3A_120 = arith.constant 9984 : i32
        %dma_wait3A_121 = arith.constant 0 : i32
        %dma_wait3A_122 = tpu.memref_slice %arg25[%dma_wait3A_120, %dma_wait3A_121] : memref<10000x128xf32, #tpu.memory_space<vmem_shared>> -> memref<16x128xf32, #tpu.memory_space<vmem_shared>>
        %dma_wait3A_123 = arith.constant 0 : i32
        %dma_wait3A_124 = arith.constant 0 : i32
        %dma_wait3A_125 = tpu.memref_slice %arg19[%dma_wait3A_123, %dma_wait3A_124] : memref<64x128xf32, #tpu.memory_space<vmem>> -> memref<16x128xf32, #tpu.memory_space<vmem>>
        tpu.wait_dma2 semaphore(%run_scoped3A : memref<!tpu.dma_semaphore, #tpu.memory_space<semaphore_mem>>) src(%dma_wait3A_125 : memref<16x128xf32, #tpu.memory_space<vmem>>) dst(%dma_wait3A_122 : memref<16x128xf32, #tpu.memory_space<vmem_shared>>)
        tpu.yield
      }) : () -> ()
    } else {
    }
    %barrier3A = arith.constant 0 : index
    tpu.barrier barrier_id(%barrier3A)
    %scan3A_44 = arith.constant 0 : i32
    %scan3A_45 = arith.constant 26 : i32
    %scan3A_46 = arith.addi %scan3A_44, %scan3A_45 : i32
    %scan3A_47 = arith.constant 1 : i32
    scf.for %scan3A_103 = %scan3A_44 to %scan3A_46 step %scan3A_47  : i32 {
      %mul3A_104 = arith.constant 1 : i32
      %mul3A_105 = arith.muli %scan3A_103, %mul3A_104 : i32
      %add3A_106 = arith.constant 0 : i32
      %add3A_107 = arith.addi %add3A_106, %mul3A_105 : i32
      %mul3A_108 = arith.constant 6 : i32
      %mul3A_109 = arith.muli %add3A_107, %mul3A_108 : i32
      %add3A_110 = arith.constant 0 : i32
      %add3A_111 = arith.addi %mul3A_109, %add3A_110 : i32
      %gt3A = arith.constant 0 : i32
      %gt3A_112 = arith.cmpi sgt, %add3A_107, %gt3A : i32
      %convert_element_type3A_113 = arith.extui %gt3A_112 : i1 to i32
      %cond3A_114 = arith.constant 0 : i32
      %cond3A_115 = arith.cmpi ne, %convert_element_type3A_113, %cond3A_114 : i32
      scf.if %cond3A_115 {
        %dma_wait3A_424 = arith.constant 0 : i32
        %dma_wait3A_425 = arith.constant 0 : i32
        %dma_wait3A_426 = arith.constant 0 : i32
        %dma_wait3A_427 = tpu.memref_slice %arg25[%dma_wait3A_425, %dma_wait3A_426] : memref<10000x128xf32, #tpu.memory_space<vmem_shared>> -> memref<10000x128xf32, #tpu.memory_space<vmem_shared>>
        %dma_wait3A_428 = tpu.memref_slice %arg30[%dma_wait3A_424] : memref<3x!tpu.dma_semaphore, #tpu.memory_space<semaphore_mem>> -> memref<1x!tpu.dma_semaphore, #tpu.memory_space<semaphore_mem>>
        %dma_wait3A_429 = tpu.memref_squeeze %dma_wait3A_428 : memref<1x!tpu.dma_semaphore, #tpu.memory_space<semaphore_mem>> -> memref<!tpu.dma_semaphore, #tpu.memory_space<semaphore_mem>>
        tpu.wait_indirect_dma semaphore(%dma_wait3A_429 : memref<!tpu.dma_semaphore, #tpu.memory_space<semaphore_mem>>) src(%arg19 : memref<64x128xf32, #tpu.memory_space<vmem>>) dst(%dma_wait3A_427 : memref<10000x128xf32, #tpu.memory_space<vmem_shared>>)
        %dma_wait3A_430 = arith.constant 1 : i32
        %dma_wait3A_431 = arith.constant 0 : i32
        %dma_wait3A_432 = arith.constant 0 : i32
        %dma_wait3A_433 = tpu.memref_slice %arg25[%dma_wait3A_431, %dma_wait3A_432] : memref<10000x128xf32, #tpu.memory_space<vmem_shared>> -> memref<10000x128xf32, #tpu.memory_space<vmem_shared>>
        %dma_wait3A_434 = tpu.memref_slice %arg30[%dma_wait3A_430] : memref<3x!tpu.dma_semaphore, #tpu.memory_space<semaphore_mem>> -> memref<1x!tpu.dma_semaphore, #tpu.memory_space<semaphore_mem>>
        %dma_wait3A_435 = tpu.memref_squeeze %dma_wait3A_434 : memref<1x!tpu.dma_semaphore, #tpu.memory_space<semaphore_mem>> -> memref<!tpu.dma_semaphore, #tpu.memory_space<semaphore_mem>>
        tpu.wait_indirect_dma semaphore(%dma_wait3A_435 : memref<!tpu.dma_semaphore, #tpu.memory_space<semaphore_mem>>) src(%arg20 : memref<64x128xf32, #tpu.memory_space<vmem>>) dst(%dma_wait3A_433 : memref<10000x128xf32, #tpu.memory_space<vmem_shared>>)
        %dma_wait3A_436 = arith.constant 2 : i32
        %dma_wait3A_437 = arith.constant 0 : i32
        %dma_wait3A_438 = arith.constant 0 : i32
        %dma_wait3A_439 = tpu.memref_slice %arg25[%dma_wait3A_437, %dma_wait3A_438] : memref<10000x128xf32, #tpu.memory_space<vmem_shared>> -> memref<10000x128xf32, #tpu.memory_space<vmem_shared>>
        %dma_wait3A_440 = tpu.memref_slice %arg30[%dma_wait3A_436] : memref<3x!tpu.dma_semaphore, #tpu.memory_space<semaphore_mem>> -> memref<1x!tpu.dma_semaphore, #tpu.memory_space<semaphore_mem>>
        %dma_wait3A_441 = tpu.memref_squeeze %dma_wait3A_440 : memref<1x!tpu.dma_semaphore, #tpu.memory_space<semaphore_mem>> -> memref<!tpu.dma_semaphore, #tpu.memory_space<semaphore_mem>>
        tpu.wait_indirect_dma semaphore(%dma_wait3A_441 : memref<!tpu.dma_semaphore, #tpu.memory_space<semaphore_mem>>) src(%arg21 : memref<64x128xf32, #tpu.memory_space<vmem>>) dst(%dma_wait3A_439 : memref<10000x128xf32, #tpu.memory_space<vmem_shared>>)
      } else {
      }
      %mul3A_116 = arith.constant 160000 : i32
      %mul3A_117 = arith.muli %arg0, %mul3A_116 : i32
      %mul3A_118 = arith.constant 10000 : i32
      %mul3A_119 = arith.muli %arg1, %mul3A_118 : i32
      %add3A_120 = arith.addi %mul3A_117, %mul3A_119 : i32
      %add3A_121 = arith.constant 0 : i32
      %add3A_122 = arith.addi %add3A_111, %add3A_121 : i32
      %mul3A_123 = arith.constant 64 : i32
      %mul3A_124 = arith.muli %add3A_122, %mul3A_123 : i32
      %add3A_125 = arith.addi %add3A_120, %mul3A_124 : i32
      %dma_start3A = arith.constant 0 : i32
      %dma_start3A_126 = tpu.memref_slice %arg3[%add3A_125] : memref<640000xi32, #tpu.memory_space<hbm>> -> memref<64xi32, #tpu.memory_space<hbm>>
      %dma_start3A_127 = tpu.memref_slice %arg26[%dma_start3A] : memref<3x!tpu.dma_semaphore, #tpu.memory_space<semaphore_mem>> -> memref<1x!tpu.dma_semaphore, #tpu.memory_space<semaphore_mem>>
      %dma_start3A_128 = tpu.memref_squeeze %dma_start3A_127 : memref<1x!tpu.dma_semaphore, #tpu.memory_space<semaphore_mem>> -> memref<!tpu.dma_semaphore, #tpu.memory_space<semaphore_mem>>
      %dma_start3A_129 = tpu.memref_slice %arg3[%add3A_125] : memref<640000xi32, #tpu.memory_space<hbm>> -> memref<64xi32, #tpu.memory_space<hbm>>
      tpu.enqueue_dma source(%dma_start3A_129 : memref<64xi32, #tpu.memory_space<hbm>>) target(%arg5 : memref<64xi32, #tpu.memory_space<vmem>>) target_semaphore(%dma_start3A_128 : memref<!tpu.dma_semaphore, #tpu.memory_space<semaphore_mem>>)
      %add3A_130 = arith.constant 320000 : i32
      %add3A_131 = arith.addi %add3A_130, %add3A_125 : i32
      %dma_start3A_132 = arith.constant 0 : i32
      %dma_start3A_133 = tpu.memref_slice %arg3[%add3A_131] : memref<640000xi32, #tpu.memory_space<hbm>> -> memref<64xi32, #tpu.memory_space<hbm>>
      %dma_start3A_134 = tpu.memref_slice %arg26[%dma_start3A_132] : memref<3x!tpu.dma_semaphore, #tpu.memory_space<semaphore_mem>> -> memref<1x!tpu.dma_semaphore, #tpu.memory_space<semaphore_mem>>
      %dma_start3A_135 = tpu.memref_squeeze %dma_start3A_134 : memref<1x!tpu.dma_semaphore, #tpu.memory_space<semaphore_mem>> -> memref<!tpu.dma_semaphore, #tpu.memory_space<semaphore_mem>>
      %dma_start3A_136 = tpu.memref_slice %arg3[%add3A_131] : memref<640000xi32, #tpu.memory_space<hbm>> -> memref<64xi32, #tpu.memory_space<hbm>>
      tpu.enqueue_dma source(%dma_start3A_136 : memref<64xi32, #tpu.memory_space<hbm>>) target(%arg11 : memref<64xi32, #tpu.memory_space<vmem>>) target_semaphore(%dma_start3A_135 : memref<!tpu.dma_semaphore, #tpu.memory_space<semaphore_mem>>)
      %mul3A_137 = arith.constant 160000 : i32
      %mul3A_138 = arith.muli %arg0, %mul3A_137 : i32
      %mul3A_139 = arith.constant 10000 : i32
      %mul3A_140 = arith.muli %arg1, %mul3A_139 : i32
      %add3A_141 = arith.addi %mul3A_138, %mul3A_140 : i32
      %add3A_142 = arith.constant 1 : i32
      %add3A_143 = arith.addi %add3A_111, %add3A_142 : i32
      %mul3A_144 = arith.constant 64 : i32
      %mul3A_145 = arith.muli %add3A_143, %mul3A_144 : i32
      %add3A_146 = arith.addi %add3A_141, %mul3A_145 : i32
      %dma_start3A_147 = arith.constant 1 : i32
      %dma_start3A_148 = tpu.memref_slice %arg3[%add3A_146] : memref<640000xi32, #tpu.memory_space<hbm>> -> memref<64xi32, #tpu.memory_space<hbm>>
      %dma_start3A_149 = tpu.memref_slice %arg26[%dma_start3A_147] : memref<3x!tpu.dma_semaphore, #tpu.memory_space<semaphore_mem>> -> memref<1x!tpu.dma_semaphore, #tpu.memory_space<semaphore_mem>>
      %dma_start3A_150 = tpu.memref_squeeze %dma_start3A_149 : memref<1x!tpu.dma_semaphore, #tpu.memory_space<semaphore_mem>> -> memref<!tpu.dma_semaphore, #tpu.memory_space<semaphore_mem>>
      %dma_start3A_151 = tpu.memref_slice %arg3[%add3A_146] : memref<640000xi32, #tpu.memory_space<hbm>> -> memref<64xi32, #tpu.memory_space<hbm>>
      tpu.enqueue_dma source(%dma_start3A_151 : memref<64xi32, #tpu.memory_space<hbm>>) target(%arg6 : memref<64xi32, #tpu.memory_space<vmem>>) target_semaphore(%dma_start3A_150 : memref<!tpu.dma_semaphore, #tpu.memory_space<semaphore_mem>>)
      %add3A_152 = arith.constant 320000 : i32
      %add3A_153 = arith.addi %add3A_152, %add3A_146 : i32
      %dma_start3A_154 = arith.constant 1 : i32
      %dma_start3A_155 = tpu.memref_slice %arg3[%add3A_153] : memref<640000xi32, #tpu.memory_space<hbm>> -> memref<64xi32, #tpu.memory_space<hbm>>
      %dma_start3A_156 = tpu.memref_slice %arg26[%dma_start3A_154] : memref<3x!tpu.dma_semaphore, #tpu.memory_space<semaphore_mem>> -> memref<1x!tpu.dma_semaphore, #tpu.memory_space<semaphore_mem>>
      %dma_start3A_157 = tpu.memref_squeeze %dma_start3A_156 : memref<1x!tpu.dma_semaphore, #tpu.memory_space<semaphore_mem>> -> memref<!tpu.dma_semaphore, #tpu.memory_space<semaphore_mem>>
      %dma_start3A_158 = tpu.memref_slice %arg3[%add3A_153] : memref<640000xi32, #tpu.memory_space<hbm>> -> memref<64xi32, #tpu.memory_space<hbm>>
      tpu.enqueue_dma source(%dma_start3A_158 : memref<64xi32, #tpu.memory_space<hbm>>) target(%arg12 : memref<64xi32, #tpu.memory_space<vmem>>) target_semaphore(%dma_start3A_157 : memref<!tpu.dma_semaphore, #tpu.memory_space<semaphore_mem>>)
      %mul3A_159 = arith.constant 160000 : i32
      %mul3A_160 = arith.muli %arg0, %mul3A_159 : i32
      %mul3A_161 = arith.constant 10000 : i32
      %mul3A_162 = arith.muli %arg1, %mul3A_161 : i32
      %add3A_163 = arith.addi %mul3A_160, %mul3A_162 : i32
      %add3A_164 = arith.constant 2 : i32
      %add3A_165 = arith.addi %add3A_111, %add3A_164 : i32
      %mul3A_166 = arith.constant 64 : i32
      %mul3A_167 = arith.muli %add3A_165, %mul3A_166 : i32
      %add3A_168 = arith.addi %add3A_163, %mul3A_167 : i32
      %dma_start3A_169 = arith.constant 2 : i32
      %dma_start3A_170 = tpu.memref_slice %arg3[%add3A_168] : memref<640000xi32, #tpu.memory_space<hbm>> -> memref<64xi32, #tpu.memory_space<hbm>>
      %dma_start3A_171 = tpu.memref_slice %arg26[%dma_start3A_169] : memref<3x!tpu.dma_semaphore, #tpu.memory_space<semaphore_mem>> -> memref<1x!tpu.dma_semaphore, #tpu.memory_space<semaphore_mem>>
      %dma_start3A_172 = tpu.memref_squeeze %dma_start3A_171 : memref<1x!tpu.dma_semaphore, #tpu.memory_space<semaphore_mem>> -> memref<!tpu.dma_semaphore, #tpu.memory_space<semaphore_mem>>
      %dma_start3A_173 = tpu.memref_slice %arg3[%add3A_168] : memref<640000xi32, #tpu.memory_space<hbm>> -> memref<64xi32, #tpu.memory_space<hbm>>
      tpu.enqueue_dma source(%dma_start3A_173 : memref<64xi32, #tpu.memory_space<hbm>>) target(%arg7 : memref<64xi32, #tpu.memory_space<vmem>>) target_semaphore(%dma_start3A_172 : memref<!tpu.dma_semaphore, #tpu.memory_space<semaphore_mem>>)
      %add3A_174 = arith.constant 320000 : i32
      %add3A_175 = arith.addi %add3A_174, %add3A_168 : i32
      %dma_start3A_176 = arith.constant 2 : i32
      %dma_start3A_177 = tpu.memref_slice %arg3[%add3A_175] : memref<640000xi32, #tpu.memory_space<hbm>> -> memref<64xi32, #tpu.memory_space<hbm>>
      %dma_start3A_178 = tpu.memref_slice %arg26[%dma_start3A_176] : memref<3x!tpu.dma_semaphore, #tpu.memory_space<semaphore_mem>> -> memref<1x!tpu.dma_semaphore, #tpu.memory_space<semaphore_mem>>
      %dma_start3A_179 = tpu.memref_squeeze %dma_start3A_178 : memref<1x!tpu.dma_semaphore, #tpu.memory_space<semaphore_mem>> -> memref<!tpu.dma_semaphore, #tpu.memory_space<semaphore_mem>>
      %dma_start3A_180 = tpu.memref_slice %arg3[%add3A_175] : memref<640000xi32, #tpu.memory_space<hbm>> -> memref<64xi32, #tpu.memory_space<hbm>>
      tpu.enqueue_dma source(%dma_start3A_180 : memref<64xi32, #tpu.memory_space<hbm>>) target(%arg13 : memref<64xi32, #tpu.memory_space<vmem>>) target_semaphore(%dma_start3A_179 : memref<!tpu.dma_semaphore, #tpu.memory_space<semaphore_mem>>)
      %dma_wait3A_181 = arith.constant 0 : i32
      %dma_wait3A_182 = tpu.memref_slice %arg3[%add3A_125] : memref<640000xi32, #tpu.memory_space<hbm>> -> memref<64xi32, #tpu.memory_space<hbm>>
      %dma_wait3A_183 = tpu.memref_slice %arg26[%dma_wait3A_181] : memref<3x!tpu.dma_semaphore, #tpu.memory_space<semaphore_mem>> -> memref<1x!tpu.dma_semaphore, #tpu.memory_space<semaphore_mem>>
      %dma_wait3A_184 = tpu.memref_squeeze %dma_wait3A_183 : memref<1x!tpu.dma_semaphore, #tpu.memory_space<semaphore_mem>> -> memref<!tpu.dma_semaphore, #tpu.memory_space<semaphore_mem>>
      %dma_wait3A_185 = tpu.memref_slice %arg3[%add3A_125] : memref<640000xi32, #tpu.memory_space<hbm>> -> memref<64xi32, #tpu.memory_space<hbm>>
      tpu.wait_dma2 semaphore(%dma_wait3A_184 : memref<!tpu.dma_semaphore, #tpu.memory_space<semaphore_mem>>) src(%dma_wait3A_185 : memref<64xi32, #tpu.memory_space<hbm>>) dst(%arg5 : memref<64xi32, #tpu.memory_space<vmem>>)
      %dma_wait3A_186 = arith.constant 0 : i32
      %dma_wait3A_187 = tpu.memref_slice %arg3[%add3A_131] : memref<640000xi32, #tpu.memory_space<hbm>> -> memref<64xi32, #tpu.memory_space<hbm>>
      %dma_wait3A_188 = tpu.memref_slice %arg26[%dma_wait3A_186] : memref<3x!tpu.dma_semaphore, #tpu.memory_space<semaphore_mem>> -> memref<1x!tpu.dma_semaphore, #tpu.memory_space<semaphore_mem>>
      %dma_wait3A_189 = tpu.memref_squeeze %dma_wait3A_188 : memref<1x!tpu.dma_semaphore, #tpu.memory_space<semaphore_mem>> -> memref<!tpu.dma_semaphore, #tpu.memory_space<semaphore_mem>>
      %dma_wait3A_190 = tpu.memref_slice %arg3[%add3A_131] : memref<640000xi32, #tpu.memory_space<hbm>> -> memref<64xi32, #tpu.memory_space<hbm>>
      tpu.wait_dma2 semaphore(%dma_wait3A_189 : memref<!tpu.dma_semaphore, #tpu.memory_space<semaphore_mem>>) src(%dma_wait3A_190 : memref<64xi32, #tpu.memory_space<hbm>>) dst(%arg11 : memref<64xi32, #tpu.memory_space<vmem>>)
      %dma_start3A_191 = arith.constant 0 : i32
      %dma_start3A_192 = arith.constant 0 : i32
      %dma_start3A_193 = arith.constant 0 : i32
      %dma_start3A_194 = tpu.memref_slice %arg2[%dma_start3A_192, %dma_start3A_193] : memref<10000x128xf32, #tpu.memory_space<hbm>> -> memref<10000x128xf32, #tpu.memory_space<hbm>>
      %dma_start3A_195 = tpu.memref_slice %arg28[%dma_start3A_191] : memref<3x!tpu.dma_semaphore, #tpu.memory_space<semaphore_mem>> -> memref<1x!tpu.dma_semaphore, #tpu.memory_space<semaphore_mem>>
      %dma_start3A_196 = tpu.memref_squeeze %dma_start3A_195 : memref<1x!tpu.dma_semaphore, #tpu.memory_space<semaphore_mem>> -> memref<!tpu.dma_semaphore, #tpu.memory_space<semaphore_mem>>
      tpu.enqueue_indirect_dma source(%dma_start3A_194 : memref<10000x128xf32, #tpu.memory_space<hbm>>) target(%arg19 : memref<64x128xf32, #tpu.memory_space<vmem>>) offsets(%arg5 : memref<64xi32, #tpu.memory_space<vmem>>) semaphore(%dma_start3A_196 : memref<!tpu.dma_semaphore, #tpu.memory_space<semaphore_mem>>)
      %dma_wait3A_197 = arith.constant 1 : i32
      %dma_wait3A_198 = tpu.memref_slice %arg3[%add3A_146] : memref<640000xi32, #tpu.memory_space<hbm>> -> memref<64xi32, #tpu.memory_space<hbm>>
      %dma_wait3A_199 = tpu.memref_slice %arg26[%dma_wait3A_197] : memref<3x!tpu.dma_semaphore, #tpu.memory_space<semaphore_mem>> -> memref<1x!tpu.dma_semaphore, #tpu.memory_space<semaphore_mem>>
      %dma_wait3A_200 = tpu.memref_squeeze %dma_wait3A_199 : memref<1x!tpu.dma_semaphore, #tpu.memory_space<semaphore_mem>> -> memref<!tpu.dma_semaphore, #tpu.memory_space<semaphore_mem>>
      %dma_wait3A_201 = tpu.memref_slice %arg3[%add3A_146] : memref<640000xi32, #tpu.memory_space<hbm>> -> memref<64xi32, #tpu.memory_space<hbm>>
      tpu.wait_dma2 semaphore(%dma_wait3A_200 : memref<!tpu.dma_semaphore, #tpu.memory_space<semaphore_mem>>) src(%dma_wait3A_201 : memref<64xi32, #tpu.memory_space<hbm>>) dst(%arg6 : memref<64xi32, #tpu.memory_space<vmem>>)
      %dma_wait3A_202 = arith.constant 1 : i32
      %dma_wait3A_203 = tpu.memref_slice %arg3[%add3A_153] : memref<640000xi32, #tpu.memory_space<hbm>> -> memref<64xi32, #tpu.memory_space<hbm>>
      %dma_wait3A_204 = tpu.memref_slice %arg26[%dma_wait3A_202] : memref<3x!tpu.dma_semaphore, #tpu.memory_space<semaphore_mem>> -> memref<1x!tpu.dma_semaphore, #tpu.memory_space<semaphore_mem>>
      %dma_wait3A_205 = tpu.memref_squeeze %dma_wait3A_204 : memref<1x!tpu.dma_semaphore, #tpu.memory_space<semaphore_mem>> -> memref<!tpu.dma_semaphore, #tpu.memory_space<semaphore_mem>>
      %dma_wait3A_206 = tpu.memref_slice %arg3[%add3A_153] : memref<640000xi32, #tpu.memory_space<hbm>> -> memref<64xi32, #tpu.memory_space<hbm>>
      tpu.wait_dma2 semaphore(%dma_wait3A_205 : memref<!tpu.dma_semaphore, #tpu.memory_space<semaphore_mem>>) src(%dma_wait3A_206 : memref<64xi32, #tpu.memory_space<hbm>>) dst(%arg12 : memref<64xi32, #tpu.memory_space<vmem>>)
      %dma_start3A_207 = arith.constant 1 : i32
      %dma_start3A_208 = arith.constant 0 : i32
      %dma_start3A_209 = arith.constant 0 : i32
      %dma_start3A_210 = tpu.memref_slice %arg2[%dma_start3A_208, %dma_start3A_209] : memref<10000x128xf32, #tpu.memory_space<hbm>> -> memref<10000x128xf32, #tpu.memory_space<hbm>>
      %dma_start3A_211 = tpu.memref_slice %arg28[%dma_start3A_207] : memref<3x!tpu.dma_semaphore, #tpu.memory_space<semaphore_mem>> -> memref<1x!tpu.dma_semaphore, #tpu.memory_space<semaphore_mem>>
      %dma_start3A_212 = tpu.memref_squeeze %dma_start3A_211 : memref<1x!tpu.dma_semaphore, #tpu.memory_space<semaphore_mem>> -> memref<!tpu.dma_semaphore, #tpu.memory_space<semaphore_mem>>
      tpu.enqueue_indirect_dma source(%dma_start3A_210 : memref<10000x128xf32, #tpu.memory_space<hbm>>) target(%arg20 : memref<64x128xf32, #tpu.memory_space<vmem>>) offsets(%arg6 : memref<64xi32, #tpu.memory_space<vmem>>) semaphore(%dma_start3A_212 : memref<!tpu.dma_semaphore, #tpu.memory_space<semaphore_mem>>)
      %dma_wait3A_213 = arith.constant 2 : i32
      %dma_wait3A_214 = tpu.memref_slice %arg3[%add3A_168] : memref<640000xi32, #tpu.memory_space<hbm>> -> memref<64xi32, #tpu.memory_space<hbm>>
      %dma_wait3A_215 = tpu.memref_slice %arg26[%dma_wait3A_213] : memref<3x!tpu.dma_semaphore, #tpu.memory_space<semaphore_mem>> -> memref<1x!tpu.dma_semaphore, #tpu.memory_space<semaphore_mem>>
      %dma_wait3A_216 = tpu.memref_squeeze %dma_wait3A_215 : memref<1x!tpu.dma_semaphore, #tpu.memory_space<semaphore_mem>> -> memref<!tpu.dma_semaphore, #tpu.memory_space<semaphore_mem>>
      %dma_wait3A_217 = tpu.memref_slice %arg3[%add3A_168] : memref<640000xi32, #tpu.memory_space<hbm>> -> memref<64xi32, #tpu.memory_space<hbm>>
      tpu.wait_dma2 semaphore(%dma_wait3A_216 : memref<!tpu.dma_semaphore, #tpu.memory_space<semaphore_mem>>) src(%dma_wait3A_217 : memref<64xi32, #tpu.memory_space<hbm>>) dst(%arg7 : memref<64xi32, #tpu.memory_space<vmem>>)
      %dma_wait3A_218 = arith.constant 2 : i32
      %dma_wait3A_219 = tpu.memref_slice %arg3[%add3A_175] : memref<640000xi32, #tpu.memory_space<hbm>> -> memref<64xi32, #tpu.memory_space<hbm>>
      %dma_wait3A_220 = tpu.memref_slice %arg26[%dma_wait3A_218] : memref<3x!tpu.dma_semaphore, #tpu.memory_space<semaphore_mem>> -> memref<1x!tpu.dma_semaphore, #tpu.memory_space<semaphore_mem>>
      %dma_wait3A_221 = tpu.memref_squeeze %dma_wait3A_220 : memref<1x!tpu.dma_semaphore, #tpu.memory_space<semaphore_mem>> -> memref<!tpu.dma_semaphore, #tpu.memory_space<semaphore_mem>>
      %dma_wait3A_222 = tpu.memref_slice %arg3[%add3A_175] : memref<640000xi32, #tpu.memory_space<hbm>> -> memref<64xi32, #tpu.memory_space<hbm>>
      tpu.wait_dma2 semaphore(%dma_wait3A_221 : memref<!tpu.dma_semaphore, #tpu.memory_space<semaphore_mem>>) src(%dma_wait3A_222 : memref<64xi32, #tpu.memory_space<hbm>>) dst(%arg13 : memref<64xi32, #tpu.memory_space<vmem>>)
      %dma_start3A_223 = arith.constant 2 : i32
      %dma_start3A_224 = arith.constant 0 : i32
      %dma_start3A_225 = arith.constant 0 : i32
      %dma_start3A_226 = tpu.memref_slice %arg2[%dma_start3A_224, %dma_start3A_225] : memref<10000x128xf32, #tpu.memory_space<hbm>> -> memref<10000x128xf32, #tpu.memory_space<hbm>>
      %dma_start3A_227 = tpu.memref_slice %arg28[%dma_start3A_223] : memref<3x!tpu.dma_semaphore, #tpu.memory_space<semaphore_mem>> -> memref<1x!tpu.dma_semaphore, #tpu.memory_space<semaphore_mem>>
      %dma_start3A_228 = tpu.memref_squeeze %dma_start3A_227 : memref<1x!tpu.dma_semaphore, #tpu.memory_space<semaphore_mem>> -> memref<!tpu.dma_semaphore, #tpu.memory_space<semaphore_mem>>
      tpu.enqueue_indirect_dma source(%dma_start3A_226 : memref<10000x128xf32, #tpu.memory_space<hbm>>) target(%arg21 : memref<64x128xf32, #tpu.memory_space<vmem>>) offsets(%arg7 : memref<64xi32, #tpu.memory_space<vmem>>) semaphore(%dma_start3A_228 : memref<!tpu.dma_semaphore, #tpu.memory_space<semaphore_mem>>)
      %dma_wait3A_229 = arith.constant 0 : i32
      %dma_wait3A_230 = arith.constant 0 : i32
      %dma_wait3A_231 = arith.constant 0 : i32
      %dma_wait3A_232 = tpu.memref_slice %arg2[%dma_wait3A_230, %dma_wait3A_231] : memref<10000x128xf32, #tpu.memory_space<hbm>> -> memref<10000x128xf32, #tpu.memory_space<hbm>>
      %dma_wait3A_233 = tpu.memref_slice %arg28[%dma_wait3A_229] : memref<3x!tpu.dma_semaphore, #tpu.memory_space<semaphore_mem>> -> memref<1x!tpu.dma_semaphore, #tpu.memory_space<semaphore_mem>>
      %dma_wait3A_234 = tpu.memref_squeeze %dma_wait3A_233 : memref<1x!tpu.dma_semaphore, #tpu.memory_space<semaphore_mem>> -> memref<!tpu.dma_semaphore, #tpu.memory_space<semaphore_mem>>
      tpu.wait_indirect_dma semaphore(%dma_wait3A_234 : memref<!tpu.dma_semaphore, #tpu.memory_space<semaphore_mem>>) src(%dma_wait3A_232 : memref<10000x128xf32, #tpu.memory_space<hbm>>) dst(%arg19 : memref<64x128xf32, #tpu.memory_space<vmem>>)
      %dma_start3A_235 = arith.constant 0 : i32
      %dma_start3A_236 = arith.constant 0 : i32
      %dma_start3A_237 = arith.constant 0 : i32
      %dma_start3A_238 = tpu.memref_slice %arg25[%dma_start3A_236, %dma_start3A_237] : memref<10000x128xf32, #tpu.memory_space<vmem_shared>> -> memref<10000x128xf32, #tpu.memory_space<vmem_shared>>
      %dma_start3A_239 = tpu.memref_slice %arg30[%dma_start3A_235] : memref<3x!tpu.dma_semaphore, #tpu.memory_space<semaphore_mem>> -> memref<1x!tpu.dma_semaphore, #tpu.memory_space<semaphore_mem>>
      %dma_start3A_240 = tpu.memref_squeeze %dma_start3A_239 : memref<1x!tpu.dma_semaphore, #tpu.memory_space<semaphore_mem>> -> memref<!tpu.dma_semaphore, #tpu.memory_space<semaphore_mem>>
      tpu.enqueue_indirect_dma source(%arg19 : memref<64x128xf32, #tpu.memory_space<vmem>>) target(%dma_start3A_238 : memref<10000x128xf32, #tpu.memory_space<vmem_shared>>) offsets(%arg11 : memref<64xi32, #tpu.memory_space<vmem>>) semaphore(%dma_start3A_240 : memref<!tpu.dma_semaphore, #tpu.memory_space<semaphore_mem>>) {add = true}
      %dma_wait3A_241 = arith.constant 1 : i32
      %dma_wait3A_242 = arith.constant 0 : i32
      %dma_wait3A_243 = arith.constant 0 : i32
      %dma_wait3A_244 = tpu.memref_slice %arg2[%dma_wait3A_242, %dma_wait3A_243] : memref<10000x128xf32, #tpu.memory_space<hbm>> -> memref<10000x128xf32, #tpu.memory_space<hbm>>
      %dma_wait3A_245 = tpu.memref_slice %arg28[%dma_wait3A_241] : memref<3x!tpu.dma_semaphore, #tpu.memory_space<semaphore_mem>> -> memref<1x!tpu.dma_semaphore, #tpu.memory_space<semaphore_mem>>
      %dma_wait3A_246 = tpu.memref_squeeze %dma_wait3A_245 : memref<1x!tpu.dma_semaphore, #tpu.memory_space<semaphore_mem>> -> memref<!tpu.dma_semaphore, #tpu.memory_space<semaphore_mem>>
      tpu.wait_indirect_dma semaphore(%dma_wait3A_246 : memref<!tpu.dma_semaphore, #tpu.memory_space<semaphore_mem>>) src(%dma_wait3A_244 : memref<10000x128xf32, #tpu.memory_space<hbm>>) dst(%arg20 : memref<64x128xf32, #tpu.memory_space<vmem>>)
      %dma_start3A_247 = arith.constant 1 : i32
      %dma_start3A_248 = arith.constant 0 : i32
      %dma_start3A_249 = arith.constant 0 : i32
      %dma_start3A_250 = tpu.memref_slice %arg25[%dma_start3A_248, %dma_start3A_249] : memref<10000x128xf32, #tpu.memory_space<vmem_shared>> -> memref<10000x128xf32, #tpu.memory_space<vmem_shared>>
      %dma_start3A_251 = tpu.memref_slice %arg30[%dma_start3A_247] : memref<3x!tpu.dma_semaphore, #tpu.memory_space<semaphore_mem>> -> memref<1x!tpu.dma_semaphore, #tpu.memory_space<semaphore_mem>>
      %dma_start3A_252 = tpu.memref_squeeze %dma_start3A_251 : memref<1x!tpu.dma_semaphore, #tpu.memory_space<semaphore_mem>> -> memref<!tpu.dma_semaphore, #tpu.memory_space<semaphore_mem>>
      tpu.enqueue_indirect_dma source(%arg20 : memref<64x128xf32, #tpu.memory_space<vmem>>) target(%dma_start3A_250 : memref<10000x128xf32, #tpu.memory_space<vmem_shared>>) offsets(%arg12 : memref<64xi32, #tpu.memory_space<vmem>>) semaphore(%dma_start3A_252 : memref<!tpu.dma_semaphore, #tpu.memory_space<semaphore_mem>>) {add = true}
      %dma_wait3A_253 = arith.constant 2 : i32
      %dma_wait3A_254 = arith.constant 0 : i32
      %dma_wait3A_255 = arith.constant 0 : i32
      %dma_wait3A_256 = tpu.memref_slice %arg2[%dma_wait3A_254, %dma_wait3A_255] : memref<10000x128xf32, #tpu.memory_space<hbm>> -> memref<10000x128xf32, #tpu.memory_space<hbm>>
      %dma_wait3A_257 = tpu.memref_slice %arg28[%dma_wait3A_253] : memref<3x!tpu.dma_semaphore, #tpu.memory_space<semaphore_mem>> -> memref<1x!tpu.dma_semaphore, #tpu.memory_space<semaphore_mem>>
      %dma_wait3A_258 = tpu.memref_squeeze %dma_wait3A_257 : memref<1x!tpu.dma_semaphore, #tpu.memory_space<semaphore_mem>> -> memref<!tpu.dma_semaphore, #tpu.memory_space<semaphore_mem>>
      tpu.wait_indirect_dma semaphore(%dma_wait3A_258 : memref<!tpu.dma_semaphore, #tpu.memory_space<semaphore_mem>>) src(%dma_wait3A_256 : memref<10000x128xf32, #tpu.memory_space<hbm>>) dst(%arg21 : memref<64x128xf32, #tpu.memory_space<vmem>>)
      %dma_start3A_259 = arith.constant 2 : i32
      %dma_start3A_260 = arith.constant 0 : i32
      %dma_start3A_261 = arith.constant 0 : i32
      %dma_start3A_262 = tpu.memref_slice %arg25[%dma_start3A_260, %dma_start3A_261] : memref<10000x128xf32, #tpu.memory_space<vmem_shared>> -> memref<10000x128xf32, #tpu.memory_space<vmem_shared>>
      %dma_start3A_263 = tpu.memref_slice %arg30[%dma_start3A_259] : memref<3x!tpu.dma_semaphore, #tpu.memory_space<semaphore_mem>> -> memref<1x!tpu.dma_semaphore, #tpu.memory_space<semaphore_mem>>
      %dma_start3A_264 = tpu.memref_squeeze %dma_start3A_263 : memref<1x!tpu.dma_semaphore, #tpu.memory_space<semaphore_mem>> -> memref<!tpu.dma_semaphore, #tpu.memory_space<semaphore_mem>>
      tpu.enqueue_indirect_dma source(%arg21 : memref<64x128xf32, #tpu.memory_space<vmem>>) target(%dma_start3A_262 : memref<10000x128xf32, #tpu.memory_space<vmem_shared>>) offsets(%arg13 : memref<64xi32, #tpu.memory_space<vmem>>) semaphore(%dma_start3A_264 : memref<!tpu.dma_semaphore, #tpu.memory_space<semaphore_mem>>) {add = true}
      %mul3A_265 = arith.constant 6 : i32
      %mul3A_266 = arith.muli %add3A_107, %mul3A_265 : i32
      %add3A_267 = arith.constant 3 : i32
      %add3A_268 = arith.addi %mul3A_266, %add3A_267 : i32
      %gt3A_269 = arith.constant 0 : i32
      %gt3A_270 = arith.cmpi sgt, %add3A_107, %gt3A_269 : i32
      %convert_element_type3A_271 = arith.extui %gt3A_270 : i1 to i32
      %cond3A_272 = arith.constant 0 : i32
      %cond3A_273 = arith.cmpi ne, %convert_element_type3A_271, %cond3A_272 : i32
      scf.if %cond3A_273 {
        %dma_wait3A_424 = arith.constant 0 : i32
        %dma_wait3A_425 = arith.constant 0 : i32
        %dma_wait3A_426 = arith.constant 0 : i32
        %dma_wait3A_427 = tpu.memref_slice %arg25[%dma_wait3A_425, %dma_wait3A_426] : memref<10000x128xf32, #tpu.memory_space<vmem_shared>> -> memref<10000x128xf32, #tpu.memory_space<vmem_shared>>
        %dma_wait3A_428 = tpu.memref_slice %arg31[%dma_wait3A_424] : memref<3x!tpu.dma_semaphore, #tpu.memory_space<semaphore_mem>> -> memref<1x!tpu.dma_semaphore, #tpu.memory_space<semaphore_mem>>
        %dma_wait3A_429 = tpu.memref_squeeze %dma_wait3A_428 : memref<1x!tpu.dma_semaphore, #tpu.memory_space<semaphore_mem>> -> memref<!tpu.dma_semaphore, #tpu.memory_space<semaphore_mem>>
        tpu.wait_indirect_dma semaphore(%dma_wait3A_429 : memref<!tpu.dma_semaphore, #tpu.memory_space<semaphore_mem>>) src(%arg22 : memref<64x128xf32, #tpu.memory_space<vmem>>) dst(%dma_wait3A_427 : memref<10000x128xf32, #tpu.memory_space<vmem_shared>>)
        %dma_wait3A_430 = arith.constant 1 : i32
        %dma_wait3A_431 = arith.constant 0 : i32
        %dma_wait3A_432 = arith.constant 0 : i32
        %dma_wait3A_433 = tpu.memref_slice %arg25[%dma_wait3A_431, %dma_wait3A_432] : memref<10000x128xf32, #tpu.memory_space<vmem_shared>> -> memref<10000x128xf32, #tpu.memory_space<vmem_shared>>
        %dma_wait3A_434 = tpu.memref_slice %arg31[%dma_wait3A_430] : memref<3x!tpu.dma_semaphore, #tpu.memory_space<semaphore_mem>> -> memref<1x!tpu.dma_semaphore, #tpu.memory_space<semaphore_mem>>
        %dma_wait3A_435 = tpu.memref_squeeze %dma_wait3A_434 : memref<1x!tpu.dma_semaphore, #tpu.memory_space<semaphore_mem>> -> memref<!tpu.dma_semaphore, #tpu.memory_space<semaphore_mem>>
        tpu.wait_indirect_dma semaphore(%dma_wait3A_435 : memref<!tpu.dma_semaphore, #tpu.memory_space<semaphore_mem>>) src(%arg23 : memref<64x128xf32, #tpu.memory_space<vmem>>) dst(%dma_wait3A_433 : memref<10000x128xf32, #tpu.memory_space<vmem_shared>>)
        %dma_wait3A_436 = arith.constant 2 : i32
        %dma_wait3A_437 = arith.constant 0 : i32
        %dma_wait3A_438 = arith.constant 0 : i32
        %dma_wait3A_439 = tpu.memref_slice %arg25[%dma_wait3A_437, %dma_wait3A_438] : memref<10000x128xf32, #tpu.memory_space<vmem_shared>> -> memref<10000x128xf32, #tpu.memory_space<vmem_shared>>
        %dma_wait3A_440 = tpu.memref_slice %arg31[%dma_wait3A_436] : memref<3x!tpu.dma_semaphore, #tpu.memory_space<semaphore_mem>> -> memref<1x!tpu.dma_semaphore, #tpu.memory_space<semaphore_mem>>
        %dma_wait3A_441 = tpu.memref_squeeze %dma_wait3A_440 : memref<1x!tpu.dma_semaphore, #tpu.memory_space<semaphore_mem>> -> memref<!tpu.dma_semaphore, #tpu.memory_space<semaphore_mem>>
        tpu.wait_indirect_dma semaphore(%dma_wait3A_441 : memref<!tpu.dma_semaphore, #tpu.memory_space<semaphore_mem>>) src(%arg24 : memref<64x128xf32, #tpu.memory_space<vmem>>) dst(%dma_wait3A_439 : memref<10000x128xf32, #tpu.memory_space<vmem_shared>>)
      } else {
      }
      %mul3A_274 = arith.constant 160000 : i32
      %mul3A_275 = arith.muli %arg0, %mul3A_274 : i32
      %mul3A_276 = arith.constant 10000 : i32
      %mul3A_277 = arith.muli %arg1, %mul3A_276 : i32
      %add3A_278 = arith.addi %mul3A_275, %mul3A_277 : i32
      %add3A_279 = arith.constant 0 : i32
      %add3A_280 = arith.addi %add3A_268, %add3A_279 : i32
      %mul3A_281 = arith.constant 64 : i32
      %mul3A_282 = arith.muli %add3A_280, %mul3A_281 : i32
      %add3A_283 = arith.addi %add3A_278, %mul3A_282 : i32
      %dma_start3A_284 = arith.constant 0 : i32
      %dma_start3A_285 = tpu.memref_slice %arg3[%add3A_283] : memref<640000xi32, #tpu.memory_space<hbm>> -> memref<64xi32, #tpu.memory_space<hbm>>
      %dma_start3A_286 = tpu.memref_slice %arg27[%dma_start3A_284] : memref<3x!tpu.dma_semaphore, #tpu.memory_space<semaphore_mem>> -> memref<1x!tpu.dma_semaphore, #tpu.memory_space<semaphore_mem>>
      %dma_start3A_287 = tpu.memref_squeeze %dma_start3A_286 : memref<1x!tpu.dma_semaphore, #tpu.memory_space<semaphore_mem>> -> memref<!tpu.dma_semaphore, #tpu.memory_space<semaphore_mem>>
      %dma_start3A_288 = tpu.memref_slice %arg3[%add3A_283] : memref<640000xi32, #tpu.memory_space<hbm>> -> memref<64xi32, #tpu.memory_space<hbm>>
      tpu.enqueue_dma source(%dma_start3A_288 : memref<64xi32, #tpu.memory_space<hbm>>) target(%arg8 : memref<64xi32, #tpu.memory_space<vmem>>) target_semaphore(%dma_start3A_287 : memref<!tpu.dma_semaphore, #tpu.memory_space<semaphore_mem>>)
      %add3A_289 = arith.constant 320000 : i32
      %add3A_290 = arith.addi %add3A_289, %add3A_283 : i32
      %dma_start3A_291 = arith.constant 0 : i32
      %dma_start3A_292 = tpu.memref_slice %arg3[%add3A_290] : memref<640000xi32, #tpu.memory_space<hbm>> -> memref<64xi32, #tpu.memory_space<hbm>>
      %dma_start3A_293 = tpu.memref_slice %arg27[%dma_start3A_291] : memref<3x!tpu.dma_semaphore, #tpu.memory_space<semaphore_mem>> -> memref<1x!tpu.dma_semaphore, #tpu.memory_space<semaphore_mem>>
      %dma_start3A_294 = tpu.memref_squeeze %dma_start3A_293 : memref<1x!tpu.dma_semaphore, #tpu.memory_space<semaphore_mem>> -> memref<!tpu.dma_semaphore, #tpu.memory_space<semaphore_mem>>
      %dma_start3A_295 = tpu.memref_slice %arg3[%add3A_290] : memref<640000xi32, #tpu.memory_space<hbm>> -> memref<64xi32, #tpu.memory_space<hbm>>
      tpu.enqueue_dma source(%dma_start3A_295 : memref<64xi32, #tpu.memory_space<hbm>>) target(%arg14 : memref<64xi32, #tpu.memory_space<vmem>>) target_semaphore(%dma_start3A_294 : memref<!tpu.dma_semaphore, #tpu.memory_space<semaphore_mem>>)
      %mul3A_296 = arith.constant 160000 : i32
      %mul3A_297 = arith.muli %arg0, %mul3A_296 : i32
      %mul3A_298 = arith.constant 10000 : i32
      %mul3A_299 = arith.muli %arg1, %mul3A_298 : i32
      %add3A_300 = arith.addi %mul3A_297, %mul3A_299 : i32
      %add3A_301 = arith.constant 1 : i32
      %add3A_302 = arith.addi %add3A_268, %add3A_301 : i32
      %mul3A_303 = arith.constant 64 : i32
      %mul3A_304 = arith.muli %add3A_302, %mul3A_303 : i32
      %add3A_305 = arith.addi %add3A_300, %mul3A_304 : i32
      %dma_start3A_306 = arith.constant 1 : i32
      %dma_start3A_307 = tpu.memref_slice %arg3[%add3A_305] : memref<640000xi32, #tpu.memory_space<hbm>> -> memref<64xi32, #tpu.memory_space<hbm>>
      %dma_start3A_308 = tpu.memref_slice %arg27[%dma_start3A_306] : memref<3x!tpu.dma_semaphore, #tpu.memory_space<semaphore_mem>> -> memref<1x!tpu.dma_semaphore, #tpu.memory_space<semaphore_mem>>
      %dma_start3A_309 = tpu.memref_squeeze %dma_start3A_308 : memref<1x!tpu.dma_semaphore, #tpu.memory_space<semaphore_mem>> -> memref<!tpu.dma_semaphore, #tpu.memory_space<semaphore_mem>>
      %dma_start3A_310 = tpu.memref_slice %arg3[%add3A_305] : memref<640000xi32, #tpu.memory_space<hbm>> -> memref<64xi32, #tpu.memory_space<hbm>>
      tpu.enqueue_dma source(%dma_start3A_310 : memref<64xi32, #tpu.memory_space<hbm>>) target(%arg9 : memref<64xi32, #tpu.memory_space<vmem>>) target_semaphore(%dma_start3A_309 : memref<!tpu.dma_semaphore, #tpu.memory_space<semaphore_mem>>)
      %add3A_311 = arith.constant 320000 : i32
      %add3A_312 = arith.addi %add3A_311, %add3A_305 : i32
      %dma_start3A_313 = arith.constant 1 : i32
      %dma_start3A_314 = tpu.memref_slice %arg3[%add3A_312] : memref<640000xi32, #tpu.memory_space<hbm>> -> memref<64xi32, #tpu.memory_space<hbm>>
      %dma_start3A_315 = tpu.memref_slice %arg27[%dma_start3A_313] : memref<3x!tpu.dma_semaphore, #tpu.memory_space<semaphore_mem>> -> memref<1x!tpu.dma_semaphore, #tpu.memory_space<semaphore_mem>>
      %dma_start3A_316 = tpu.memref_squeeze %dma_start3A_315 : memref<1x!tpu.dma_semaphore, #tpu.memory_space<semaphore_mem>> -> memref<!tpu.dma_semaphore, #tpu.memory_space<semaphore_mem>>
      %dma_start3A_317 = tpu.memref_slice %arg3[%add3A_312] : memref<640000xi32, #tpu.memory_space<hbm>> -> memref<64xi32, #tpu.memory_space<hbm>>
      tpu.enqueue_dma source(%dma_start3A_317 : memref<64xi32, #tpu.memory_space<hbm>>) target(%arg15 : memref<64xi32, #tpu.memory_space<vmem>>) target_semaphore(%dma_start3A_316 : memref<!tpu.dma_semaphore, #tpu.memory_space<semaphore_mem>>)
      %mul3A_318 = arith.constant 160000 : i32
      %mul3A_319 = arith.muli %arg0, %mul3A_318 : i32
      %mul3A_320 = arith.constant 10000 : i32
      %mul3A_321 = arith.muli %arg1, %mul3A_320 : i32
      %add3A_322 = arith.addi %mul3A_319, %mul3A_321 : i32
      %add3A_323 = arith.constant 2 : i32
      %add3A_324 = arith.addi %add3A_268, %add3A_323 : i32
      %mul3A_325 = arith.constant 64 : i32
      %mul3A_326 = arith.muli %add3A_324, %mul3A_325 : i32
      %add3A_327 = arith.addi %add3A_322, %mul3A_326 : i32
      %dma_start3A_328 = arith.constant 2 : i32
      %dma_start3A_329 = tpu.memref_slice %arg3[%add3A_327] : memref<640000xi32, #tpu.memory_space<hbm>> -> memref<64xi32, #tpu.memory_space<hbm>>
      %dma_start3A_330 = tpu.memref_slice %arg27[%dma_start3A_328] : memref<3x!tpu.dma_semaphore, #tpu.memory_space<semaphore_mem>> -> memref<1x!tpu.dma_semaphore, #tpu.memory_space<semaphore_mem>>
      %dma_start3A_331 = tpu.memref_squeeze %dma_start3A_330 : memref<1x!tpu.dma_semaphore, #tpu.memory_space<semaphore_mem>> -> memref<!tpu.dma_semaphore, #tpu.memory_space<semaphore_mem>>
      %dma_start3A_332 = tpu.memref_slice %arg3[%add3A_327] : memref<640000xi32, #tpu.memory_space<hbm>> -> memref<64xi32, #tpu.memory_space<hbm>>
      tpu.enqueue_dma source(%dma_start3A_332 : memref<64xi32, #tpu.memory_space<hbm>>) target(%arg10 : memref<64xi32, #tpu.memory_space<vmem>>) target_semaphore(%dma_start3A_331 : memref<!tpu.dma_semaphore, #tpu.memory_space<semaphore_mem>>)
      %add3A_333 = arith.constant 320000 : i32
      %add3A_334 = arith.addi %add3A_333, %add3A_327 : i32
      %dma_start3A_335 = arith.constant 2 : i32
      %dma_start3A_336 = tpu.memref_slice %arg3[%add3A_334] : memref<640000xi32, #tpu.memory_space<hbm>> -> memref<64xi32, #tpu.memory_space<hbm>>
      %dma_start3A_337 = tpu.memref_slice %arg27[%dma_start3A_335] : memref<3x!tpu.dma_semaphore, #tpu.memory_space<semaphore_mem>> -> memref<1x!tpu.dma_semaphore, #tpu.memory_space<semaphore_mem>>
      %dma_start3A_338 = tpu.memref_squeeze %dma_start3A_337 : memref<1x!tpu.dma_semaphore, #tpu.memory_space<semaphore_mem>> -> memref<!tpu.dma_semaphore, #tpu.memory_space<semaphore_mem>>
      %dma_start3A_339 = tpu.memref_slice %arg3[%add3A_334] : memref<640000xi32, #tpu.memory_space<hbm>> -> memref<64xi32, #tpu.memory_space<hbm>>
      tpu.enqueue_dma source(%dma_start3A_339 : memref<64xi32, #tpu.memory_space<hbm>>) target(%arg16 : memref<64xi32, #tpu.memory_space<vmem>>) target_semaphore(%dma_start3A_338 : memref<!tpu.dma_semaphore, #tpu.memory_space<semaphore_mem>>)
      %dma_wait3A_340 = arith.constant 0 : i32
      %dma_wait3A_341 = tpu.memref_slice %arg3[%add3A_283] : memref<640000xi32, #tpu.memory_space<hbm>> -> memref<64xi32, #tpu.memory_space<hbm>>
      %dma_wait3A_342 = tpu.memref_slice %arg27[%dma_wait3A_340] : memref<3x!tpu.dma_semaphore, #tpu.memory_space<semaphore_mem>> -> memref<1x!tpu.dma_semaphore, #tpu.memory_space<semaphore_mem>>
      %dma_wait3A_343 = tpu.memref_squeeze %dma_wait3A_342 : memref<1x!tpu.dma_semaphore, #tpu.memory_space<semaphore_mem>> -> memref<!tpu.dma_semaphore, #tpu.memory_space<semaphore_mem>>
      %dma_wait3A_344 = tpu.memref_slice %arg3[%add3A_283] : memref<640000xi32, #tpu.memory_space<hbm>> -> memref<64xi32, #tpu.memory_space<hbm>>
      tpu.wait_dma2 semaphore(%dma_wait3A_343 : memref<!tpu.dma_semaphore, #tpu.memory_space<semaphore_mem>>) src(%dma_wait3A_344 : memref<64xi32, #tpu.memory_space<hbm>>) dst(%arg8 : memref<64xi32, #tpu.memory_space<vmem>>)
      %dma_wait3A_345 = arith.constant 0 : i32
      %dma_wait3A_346 = tpu.memref_slice %arg3[%add3A_290] : memref<640000xi32, #tpu.memory_space<hbm>> -> memref<64xi32, #tpu.memory_space<hbm>>
      %dma_wait3A_347 = tpu.memref_slice %arg27[%dma_wait3A_345] : memref<3x!tpu.dma_semaphore, #tpu.memory_space<semaphore_mem>> -> memref<1x!tpu.dma_semaphore, #tpu.memory_space<semaphore_mem>>
      %dma_wait3A_348 = tpu.memref_squeeze %dma_wait3A_347 : memref<1x!tpu.dma_semaphore, #tpu.memory_space<semaphore_mem>> -> memref<!tpu.dma_semaphore, #tpu.memory_space<semaphore_mem>>
      %dma_wait3A_349 = tpu.memref_slice %arg3[%add3A_290] : memref<640000xi32, #tpu.memory_space<hbm>> -> memref<64xi32, #tpu.memory_space<hbm>>
      tpu.wait_dma2 semaphore(%dma_wait3A_348 : memref<!tpu.dma_semaphore, #tpu.memory_space<semaphore_mem>>) src(%dma_wait3A_349 : memref<64xi32, #tpu.memory_space<hbm>>) dst(%arg14 : memref<64xi32, #tpu.memory_space<vmem>>)
      %dma_start3A_350 = arith.constant 0 : i32
      %dma_start3A_351 = arith.constant 0 : i32
      %dma_start3A_352 = arith.constant 0 : i32
      %dma_start3A_353 = tpu.memref_slice %arg2[%dma_start3A_351, %dma_start3A_352] : memref<10000x128xf32, #tpu.memory_space<hbm>> -> memref<10000x128xf32, #tpu.memory_space<hbm>>
      %dma_start3A_354 = tpu.memref_slice %arg29[%dma_start3A_350] : memref<3x!tpu.dma_semaphore, #tpu.memory_space<semaphore_mem>> -> memref<1x!tpu.dma_semaphore, #tpu.memory_space<semaphore_mem>>
      %dma_start3A_355 = tpu.memref_squeeze %dma_start3A_354 : memref<1x!tpu.dma_semaphore, #tpu.memory_space<semaphore_mem>> -> memref<!tpu.dma_semaphore, #tpu.memory_space<semaphore_mem>>
      tpu.enqueue_indirect_dma source(%dma_start3A_353 : memref<10000x128xf32, #tpu.memory_space<hbm>>) target(%arg22 : memref<64x128xf32, #tpu.memory_space<vmem>>) offsets(%arg8 : memref<64xi32, #tpu.memory_space<vmem>>) semaphore(%dma_start3A_355 : memref<!tpu.dma_semaphore, #tpu.memory_space<semaphore_mem>>)
      %dma_wait3A_356 = arith.constant 1 : i32
      %dma_wait3A_357 = tpu.memref_slice %arg3[%add3A_305] : memref<640000xi32, #tpu.memory_space<hbm>> -> memref<64xi32, #tpu.memory_space<hbm>>
      %dma_wait3A_358 = tpu.memref_slice %arg27[%dma_wait3A_356] : memref<3x!tpu.dma_semaphore, #tpu.memory_space<semaphore_mem>> -> memref<1x!tpu.dma_semaphore, #tpu.memory_space<semaphore_mem>>
      %dma_wait3A_359 = tpu.memref_squeeze %dma_wait3A_358 : memref<1x!tpu.dma_semaphore, #tpu.memory_space<semaphore_mem>> -> memref<!tpu.dma_semaphore, #tpu.memory_space<semaphore_mem>>
      %dma_wait3A_360 = tpu.memref_slice %arg3[%add3A_305] : memref<640000xi32, #tpu.memory_space<hbm>> -> memref<64xi32, #tpu.memory_space<hbm>>
      tpu.wait_dma2 semaphore(%dma_wait3A_359 : memref<!tpu.dma_semaphore, #tpu.memory_space<semaphore_mem>>) src(%dma_wait3A_360 : memref<64xi32, #tpu.memory_space<hbm>>) dst(%arg9 : memref<64xi32, #tpu.memory_space<vmem>>)
      %dma_wait3A_361 = arith.constant 1 : i32
      %dma_wait3A_362 = tpu.memref_slice %arg3[%add3A_312] : memref<640000xi32, #tpu.memory_space<hbm>> -> memref<64xi32, #tpu.memory_space<hbm>>
      %dma_wait3A_363 = tpu.memref_slice %arg27[%dma_wait3A_361] : memref<3x!tpu.dma_semaphore, #tpu.memory_space<semaphore_mem>> -> memref<1x!tpu.dma_semaphore, #tpu.memory_space<semaphore_mem>>
      %dma_wait3A_364 = tpu.memref_squeeze %dma_wait3A_363 : memref<1x!tpu.dma_semaphore, #tpu.memory_space<semaphore_mem>> -> memref<!tpu.dma_semaphore, #tpu.memory_space<semaphore_mem>>
      %dma_wait3A_365 = tpu.memref_slice %arg3[%add3A_312] : memref<640000xi32, #tpu.memory_space<hbm>> -> memref<64xi32, #tpu.memory_space<hbm>>
      tpu.wait_dma2 semaphore(%dma_wait3A_364 : memref<!tpu.dma_semaphore, #tpu.memory_space<semaphore_mem>>) src(%dma_wait3A_365 : memref<64xi32, #tpu.memory_space<hbm>>) dst(%arg15 : memref<64xi32, #tpu.memory_space<vmem>>)
      %dma_start3A_366 = arith.constant 1 : i32
      %dma_start3A_367 = arith.constant 0 : i32
      %dma_start3A_368 = arith.constant 0 : i32
      %dma_start3A_369 = tpu.memref_slice %arg2[%dma_start3A_367, %dma_start3A_368] : memref<10000x128xf32, #tpu.memory_space<hbm>> -> memref<10000x128xf32, #tpu.memory_space<hbm>>
      %dma_start3A_370 = tpu.memref_slice %arg29[%dma_start3A_366] : memref<3x!tpu.dma_semaphore, #tpu.memory_space<semaphore_mem>> -> memref<1x!tpu.dma_semaphore, #tpu.memory_space<semaphore_mem>>
      %dma_start3A_371 = tpu.memref_squeeze %dma_start3A_370 : memref<1x!tpu.dma_semaphore, #tpu.memory_space<semaphore_mem>> -> memref<!tpu.dma_semaphore, #tpu.memory_space<semaphore_mem>>
      tpu.enqueue_indirect_dma source(%dma_start3A_369 : memref<10000x128xf32, #tpu.memory_space<hbm>>) target(%arg23 : memref<64x128xf32, #tpu.memory_space<vmem>>) offsets(%arg9 : memref<64xi32, #tpu.memory_space<vmem>>) semaphore(%dma_start3A_371 : memref<!tpu.dma_semaphore, #tpu.memory_space<semaphore_mem>>)
      %dma_wait3A_372 = arith.constant 2 : i32
      %dma_wait3A_373 = tpu.memref_slice %arg3[%add3A_327] : memref<640000xi32, #tpu.memory_space<hbm>> -> memref<64xi32, #tpu.memory_space<hbm>>
      %dma_wait3A_374 = tpu.memref_slice %arg27[%dma_wait3A_372] : memref<3x!tpu.dma_semaphore, #tpu.memory_space<semaphore_mem>> -> memref<1x!tpu.dma_semaphore, #tpu.memory_space<semaphore_mem>>
      %dma_wait3A_375 = tpu.memref_squeeze %dma_wait3A_374 : memref<1x!tpu.dma_semaphore, #tpu.memory_space<semaphore_mem>> -> memref<!tpu.dma_semaphore, #tpu.memory_space<semaphore_mem>>
      %dma_wait3A_376 = tpu.memref_slice %arg3[%add3A_327] : memref<640000xi32, #tpu.memory_space<hbm>> -> memref<64xi32, #tpu.memory_space<hbm>>
      tpu.wait_dma2 semaphore(%dma_wait3A_375 : memref<!tpu.dma_semaphore, #tpu.memory_space<semaphore_mem>>) src(%dma_wait3A_376 : memref<64xi32, #tpu.memory_space<hbm>>) dst(%arg10 : memref<64xi32, #tpu.memory_space<vmem>>)
      %dma_wait3A_377 = arith.constant 2 : i32
      %dma_wait3A_378 = tpu.memref_slice %arg3[%add3A_334] : memref<640000xi32, #tpu.memory_space<hbm>> -> memref<64xi32, #tpu.memory_space<hbm>>
      %dma_wait3A_379 = tpu.memref_slice %arg27[%dma_wait3A_377] : memref<3x!tpu.dma_semaphore, #tpu.memory_space<semaphore_mem>> -> memref<1x!tpu.dma_semaphore, #tpu.memory_space<semaphore_mem>>
      %dma_wait3A_380 = tpu.memref_squeeze %dma_wait3A_379 : memref<1x!tpu.dma_semaphore, #tpu.memory_space<semaphore_mem>> -> memref<!tpu.dma_semaphore, #tpu.memory_space<semaphore_mem>>
      %dma_wait3A_381 = tpu.memref_slice %arg3[%add3A_334] : memref<640000xi32, #tpu.memory_space<hbm>> -> memref<64xi32, #tpu.memory_space<hbm>>
      tpu.wait_dma2 semaphore(%dma_wait3A_380 : memref<!tpu.dma_semaphore, #tpu.memory_space<semaphore_mem>>) src(%dma_wait3A_381 : memref<64xi32, #tpu.memory_space<hbm>>) dst(%arg16 : memref<64xi32, #tpu.memory_space<vmem>>)
      %dma_start3A_382 = arith.constant 2 : i32
      %dma_start3A_383 = arith.constant 0 : i32
      %dma_start3A_384 = arith.constant 0 : i32
      %dma_start3A_385 = tpu.memref_slice %arg2[%dma_start3A_383, %dma_start3A_384] : memref<10000x128xf32, #tpu.memory_space<hbm>> -> memref<10000x128xf32, #tpu.memory_space<hbm>>
      %dma_start3A_386 = tpu.memref_slice %arg29[%dma_start3A_382] : memref<3x!tpu.dma_semaphore, #tpu.memory_space<semaphore_mem>> -> memref<1x!tpu.dma_semaphore, #tpu.memory_space<semaphore_mem>>
      %dma_start3A_387 = tpu.memref_squeeze %dma_start3A_386 : memref<1x!tpu.dma_semaphore, #tpu.memory_space<semaphore_mem>> -> memref<!tpu.dma_semaphore, #tpu.memory_space<semaphore_mem>>
      tpu.enqueue_indirect_dma source(%dma_start3A_385 : memref<10000x128xf32, #tpu.memory_space<hbm>>) target(%arg24 : memref<64x128xf32, #tpu.memory_space<vmem>>) offsets(%arg10 : memref<64xi32, #tpu.memory_space<vmem>>) semaphore(%dma_start3A_387 : memref<!tpu.dma_semaphore, #tpu.memory_space<semaphore_mem>>)
      %dma_wait3A_388 = arith.constant 0 : i32
      %dma_wait3A_389 = arith.constant 0 : i32
      %dma_wait3A_390 = arith.constant 0 : i32
      %dma_wait3A_391 = tpu.memref_slice %arg2[%dma_wait3A_389, %dma_wait3A_390] : memref<10000x128xf32, #tpu.memory_space<hbm>> -> memref<10000x128xf32, #tpu.memory_space<hbm>>
      %dma_wait3A_392 = tpu.memref_slice %arg29[%dma_wait3A_388] : memref<3x!tpu.dma_semaphore, #tpu.memory_space<semaphore_mem>> -> memref<1x!tpu.dma_semaphore, #tpu.memory_space<semaphore_mem>>
      %dma_wait3A_393 = tpu.memref_squeeze %dma_wait3A_392 : memref<1x!tpu.dma_semaphore, #tpu.memory_space<semaphore_mem>> -> memref<!tpu.dma_semaphore, #tpu.memory_space<semaphore_mem>>
      tpu.wait_indirect_dma semaphore(%dma_wait3A_393 : memref<!tpu.dma_semaphore, #tpu.memory_space<semaphore_mem>>) src(%dma_wait3A_391 : memref<10000x128xf32, #tpu.memory_space<hbm>>) dst(%arg22 : memref<64x128xf32, #tpu.memory_space<vmem>>)
      %dma_start3A_394 = arith.constant 0 : i32
      %dma_start3A_395 = arith.constant 0 : i32
      %dma_start3A_396 = arith.constant 0 : i32
      %dma_start3A_397 = tpu.memref_slice %arg25[%dma_start3A_395, %dma_start3A_396] : memref<10000x128xf32, #tpu.memory_space<vmem_shared>> -> memref<10000x128xf32, #tpu.memory_space<vmem_shared>>
      %dma_start3A_398 = tpu.memref_slice %arg31[%dma_start3A_394] : memref<3x!tpu.dma_semaphore, #tpu.memory_space<semaphore_mem>> -> memref<1x!tpu.dma_semaphore, #tpu.memory_space<semaphore_mem>>
      %dma_start3A_399 = tpu.memref_squeeze %dma_start3A_398 : memref<1x!tpu.dma_semaphore, #tpu.memory_space<semaphore_mem>> -> memref<!tpu.dma_semaphore, #tpu.memory_space<semaphore_mem>>
      tpu.enqueue_indirect_dma source(%arg22 : memref<64x128xf32, #tpu.memory_space<vmem>>) target(%dma_start3A_397 : memref<10000x128xf32, #tpu.memory_space<vmem_shared>>) offsets(%arg14 : memref<64xi32, #tpu.memory_space<vmem>>) semaphore(%dma_start3A_399 : memref<!tpu.dma_semaphore, #tpu.memory_space<semaphore_mem>>) {add = true}
      %dma_wait3A_400 = arith.constant 1 : i32
      %dma_wait3A_401 = arith.constant 0 : i32
      %dma_wait3A_402 = arith.constant 0 : i32
      %dma_wait3A_403 = tpu.memref_slice %arg2[%dma_wait3A_401, %dma_wait3A_402] : memref<10000x128xf32, #tpu.memory_space<hbm>> -> memref<10000x128xf32, #tpu.memory_space<hbm>>
      %dma_wait3A_404 = tpu.memref_slice %arg29[%dma_wait3A_400] : memref<3x!tpu.dma_semaphore, #tpu.memory_space<semaphore_mem>> -> memref<1x!tpu.dma_semaphore, #tpu.memory_space<semaphore_mem>>
      %dma_wait3A_405 = tpu.memref_squeeze %dma_wait3A_404 : memref<1x!tpu.dma_semaphore, #tpu.memory_space<semaphore_mem>> -> memref<!tpu.dma_semaphore, #tpu.memory_space<semaphore_mem>>
      tpu.wait_indirect_dma semaphore(%dma_wait3A_405 : memref<!tpu.dma_semaphore, #tpu.memory_space<semaphore_mem>>) src(%dma_wait3A_403 : memref<10000x128xf32, #tpu.memory_space<hbm>>) dst(%arg23 : memref<64x128xf32, #tpu.memory_space<vmem>>)
      %dma_start3A_406 = arith.constant 1 : i32
      %dma_start3A_407 = arith.constant 0 : i32
      %dma_start3A_408 = arith.constant 0 : i32
      %dma_start3A_409 = tpu.memref_slice %arg25[%dma_start3A_407, %dma_start3A_408] : memref<10000x128xf32, #tpu.memory_space<vmem_shared>> -> memref<10000x128xf32, #tpu.memory_space<vmem_shared>>
      %dma_start3A_410 = tpu.memref_slice %arg31[%dma_start3A_406] : memref<3x!tpu.dma_semaphore, #tpu.memory_space<semaphore_mem>> -> memref<1x!tpu.dma_semaphore, #tpu.memory_space<semaphore_mem>>
      %dma_start3A_411 = tpu.memref_squeeze %dma_start3A_410 : memref<1x!tpu.dma_semaphore, #tpu.memory_space<semaphore_mem>> -> memref<!tpu.dma_semaphore, #tpu.memory_space<semaphore_mem>>
      tpu.enqueue_indirect_dma source(%arg23 : memref<64x128xf32, #tpu.memory_space<vmem>>) target(%dma_start3A_409 : memref<10000x128xf32, #tpu.memory_space<vmem_shared>>) offsets(%arg15 : memref<64xi32, #tpu.memory_space<vmem>>) semaphore(%dma_start3A_411 : memref<!tpu.dma_semaphore, #tpu.memory_space<semaphore_mem>>) {add = true}
      %dma_wait3A_412 = arith.constant 2 : i32
      %dma_wait3A_413 = arith.constant 0 : i32
      %dma_wait3A_414 = arith.constant 0 : i32
      %dma_wait3A_415 = tpu.memref_slice %arg2[%dma_wait3A_413, %dma_wait3A_414] : memref<10000x128xf32, #tpu.memory_space<hbm>> -> memref<10000x128xf32, #tpu.memory_space<hbm>>
      %dma_wait3A_416 = tpu.memref_slice %arg29[%dma_wait3A_412] : memref<3x!tpu.dma_semaphore, #tpu.memory_space<semaphore_mem>> -> memref<1x!tpu.dma_semaphore, #tpu.memory_space<semaphore_mem>>
      %dma_wait3A_417 = tpu.memref_squeeze %dma_wait3A_416 : memref<1x!tpu.dma_semaphore, #tpu.memory_space<semaphore_mem>> -> memref<!tpu.dma_semaphore, #tpu.memory_space<semaphore_mem>>
      tpu.wait_indirect_dma semaphore(%dma_wait3A_417 : memref<!tpu.dma_semaphore, #tpu.memory_space<semaphore_mem>>) src(%dma_wait3A_415 : memref<10000x128xf32, #tpu.memory_space<hbm>>) dst(%arg24 : memref<64x128xf32, #tpu.memory_space<vmem>>)
      %dma_start3A_418 = arith.constant 2 : i32
      %dma_start3A_419 = arith.constant 0 : i32
      %dma_start3A_420 = arith.constant 0 : i32
      %dma_start3A_421 = tpu.memref_slice %arg25[%dma_start3A_419, %dma_start3A_420] : memref<10000x128xf32, #tpu.memory_space<vmem_shared>> -> memref<10000x128xf32, #tpu.memory_space<vmem_shared>>
      %dma_start3A_422 = tpu.memref_slice %arg31[%dma_start3A_418] : memref<3x!tpu.dma_semaphore, #tpu.memory_space<semaphore_mem>> -> memref<1x!tpu.dma_semaphore, #tpu.memory_space<semaphore_mem>>
      %dma_start3A_423 = tpu.memref_squeeze %dma_start3A_422 : memref<1x!tpu.dma_semaphore, #tpu.memory_space<semaphore_mem>> -> memref<!tpu.dma_semaphore, #tpu.memory_space<semaphore_mem>>
      tpu.enqueue_indirect_dma source(%arg24 : memref<64x128xf32, #tpu.memory_space<vmem>>) target(%dma_start3A_421 : memref<10000x128xf32, #tpu.memory_space<vmem_shared>>) offsets(%arg16 : memref<64xi32, #tpu.memory_space<vmem>>) semaphore(%dma_start3A_423 : memref<!tpu.dma_semaphore, #tpu.memory_space<semaphore_mem>>) {add = true}
    }
    %scan3A_48 = arith.constant 26 : i32
    %dma_wait3A = arith.constant 0 : i32
    %dma_wait3A_49 = arith.constant 0 : i32
    %dma_wait3A_50 = arith.constant 0 : i32
    %dma_wait3A_51 = tpu.memref_slice %arg25[%dma_wait3A_49, %dma_wait3A_50] : memref<10000x128xf32, #tpu.memory_space<vmem_shared>> -> memref<10000x128xf32, #tpu.memory_space<vmem_shared>>
    %dma_wait3A_52 = tpu.memref_slice %arg30[%dma_wait3A] : memref<3x!tpu.dma_semaphore, #tpu.memory_space<semaphore_mem>> -> memref<1x!tpu.dma_semaphore, #tpu.memory_space<semaphore_mem>>
    %dma_wait3A_53 = tpu.memref_squeeze %dma_wait3A_52 : memref<1x!tpu.dma_semaphore, #tpu.memory_space<semaphore_mem>> -> memref<!tpu.dma_semaphore, #tpu.memory_space<semaphore_mem>>
    tpu.wait_indirect_dma semaphore(%dma_wait3A_53 : memref<!tpu.dma_semaphore, #tpu.memory_space<semaphore_mem>>) src(%arg19 : memref<64x128xf32, #tpu.memory_space<vmem>>) dst(%dma_wait3A_51 : memref<10000x128xf32, #tpu.memory_space<vmem_shared>>)
    %dma_wait3A_54 = arith.constant 1 : i32
    %dma_wait3A_55 = arith.constant 0 : i32
    %dma_wait3A_56 = arith.constant 0 : i32
    %dma_wait3A_57 = tpu.memref_slice %arg25[%dma_wait3A_55, %dma_wait3A_56] : memref<10000x128xf32, #tpu.memory_space<vmem_shared>> -> memref<10000x128xf32, #tpu.memory_space<vmem_shared>>
    %dma_wait3A_58 = tpu.memref_slice %arg30[%dma_wait3A_54] : memref<3x!tpu.dma_semaphore, #tpu.memory_space<semaphore_mem>> -> memref<1x!tpu.dma_semaphore, #tpu.memory_space<semaphore_mem>>
    %dma_wait3A_59 = tpu.memref_squeeze %dma_wait3A_58 : memref<1x!tpu.dma_semaphore, #tpu.memory_space<semaphore_mem>> -> memref<!tpu.dma_semaphore, #tpu.memory_space<semaphore_mem>>
    tpu.wait_indirect_dma semaphore(%dma_wait3A_59 : memref<!tpu.dma_semaphore, #tpu.memory_space<semaphore_mem>>) src(%arg20 : memref<64x128xf32, #tpu.memory_space<vmem>>) dst(%dma_wait3A_57 : memref<10000x128xf32, #tpu.memory_space<vmem_shared>>)
    %dma_wait3A_60 = arith.constant 2 : i32
    %dma_wait3A_61 = arith.constant 0 : i32
    %dma_wait3A_62 = arith.constant 0 : i32
    %dma_wait3A_63 = tpu.memref_slice %arg25[%dma_wait3A_61, %dma_wait3A_62] : memref<10000x128xf32, #tpu.memory_space<vmem_shared>> -> memref<10000x128xf32, #tpu.memory_space<vmem_shared>>
    %dma_wait3A_64 = tpu.memref_slice %arg30[%dma_wait3A_60] : memref<3x!tpu.dma_semaphore, #tpu.memory_space<semaphore_mem>> -> memref<1x!tpu.dma_semaphore, #tpu.memory_space<semaphore_mem>>
    %dma_wait3A_65 = tpu.memref_squeeze %dma_wait3A_64 : memref<1x!tpu.dma_semaphore, #tpu.memory_space<semaphore_mem>> -> memref<!tpu.dma_semaphore, #tpu.memory_space<semaphore_mem>>
    tpu.wait_indirect_dma semaphore(%dma_wait3A_65 : memref<!tpu.dma_semaphore, #tpu.memory_space<semaphore_mem>>) src(%arg21 : memref<64x128xf32, #tpu.memory_space<vmem>>) dst(%dma_wait3A_63 : memref<10000x128xf32, #tpu.memory_space<vmem_shared>>)
    %dma_wait3A_66 = arith.constant 0 : i32
    %dma_wait3A_67 = arith.constant 0 : i32
    %dma_wait3A_68 = arith.constant 0 : i32
    %dma_wait3A_69 = tpu.memref_slice %arg25[%dma_wait3A_67, %dma_wait3A_68] : memref<10000x128xf32, #tpu.memory_space<vmem_shared>> -> memref<10000x128xf32, #tpu.memory_space<vmem_shared>>
    %dma_wait3A_70 = tpu.memref_slice %arg31[%dma_wait3A_66] : memref<3x!tpu.dma_semaphore, #tpu.memory_space<semaphore_mem>> -> memref<1x!tpu.dma_semaphore, #tpu.memory_space<semaphore_mem>>
    %dma_wait3A_71 = tpu.memref_squeeze %dma_wait3A_70 : memref<1x!tpu.dma_semaphore, #tpu.memory_space<semaphore_mem>> -> memref<!tpu.dma_semaphore, #tpu.memory_space<semaphore_mem>>
    tpu.wait_indirect_dma semaphore(%dma_wait3A_71 : memref<!tpu.dma_semaphore, #tpu.memory_space<semaphore_mem>>) src(%arg22 : memref<64x128xf32, #tpu.memory_space<vmem>>) dst(%dma_wait3A_69 : memref<10000x128xf32, #tpu.memory_space<vmem_shared>>)
    %dma_wait3A_72 = arith.constant 1 : i32
    %dma_wait3A_73 = arith.constant 0 : i32
    %dma_wait3A_74 = arith.constant 0 : i32
    %dma_wait3A_75 = tpu.memref_slice %arg25[%dma_wait3A_73, %dma_wait3A_74] : memref<10000x128xf32, #tpu.memory_space<vmem_shared>> -> memref<10000x128xf32, #tpu.memory_space<vmem_shared>>
    %dma_wait3A_76 = tpu.memref_slice %arg31[%dma_wait3A_72] : memref<3x!tpu.dma_semaphore, #tpu.memory_space<semaphore_mem>> -> memref<1x!tpu.dma_semaphore, #tpu.memory_space<semaphore_mem>>
    %dma_wait3A_77 = tpu.memref_squeeze %dma_wait3A_76 : memref<1x!tpu.dma_semaphore, #tpu.memory_space<semaphore_mem>> -> memref<!tpu.dma_semaphore, #tpu.memory_space<semaphore_mem>>
    tpu.wait_indirect_dma semaphore(%dma_wait3A_77 : memref<!tpu.dma_semaphore, #tpu.memory_space<semaphore_mem>>) src(%arg23 : memref<64x128xf32, #tpu.memory_space<vmem>>) dst(%dma_wait3A_75 : memref<10000x128xf32, #tpu.memory_space<vmem_shared>>)
    %dma_wait3A_78 = arith.constant 2 : i32
    %dma_wait3A_79 = arith.constant 0 : i32
    %dma_wait3A_80 = arith.constant 0 : i32
    %dma_wait3A_81 = tpu.memref_slice %arg25[%dma_wait3A_79, %dma_wait3A_80] : memref<10000x128xf32, #tpu.memory_space<vmem_shared>> -> memref<10000x128xf32, #tpu.memory_space<vmem_shared>>
    %dma_wait3A_82 = tpu.memref_slice %arg31[%dma_wait3A_78] : memref<3x!tpu.dma_semaphore, #tpu.memory_space<semaphore_mem>> -> memref<1x!tpu.dma_semaphore, #tpu.memory_space<semaphore_mem>>
    %dma_wait3A_83 = tpu.memref_squeeze %dma_wait3A_82 : memref<1x!tpu.dma_semaphore, #tpu.memory_space<semaphore_mem>> -> memref<!tpu.dma_semaphore, #tpu.memory_space<semaphore_mem>>
    tpu.wait_indirect_dma semaphore(%dma_wait3A_83 : memref<!tpu.dma_semaphore, #tpu.memory_space<semaphore_mem>>) src(%arg24 : memref<64x128xf32, #tpu.memory_space<vmem>>) dst(%dma_wait3A_81 : memref<10000x128xf32, #tpu.memory_space<vmem_shared>>)
    %mul3A_84 = arith.constant 160000 : i32
    %mul3A_85 = arith.muli %arg0, %mul3A_84 : i32
    %mul3A_86 = arith.constant 10000 : i32
    %mul3A_87 = arith.muli %arg1, %mul3A_86 : i32
    %add3A_88 = arith.addi %mul3A_85, %mul3A_87 : i32
    %add3A_89 = arith.constant 9984 : i32
    %add3A_90 = arith.addi %add3A_88, %add3A_89 : i32
    "tpu.region"() ({
      %run_scoped3A = tpu.sem_alloc : memref<!tpu.dma_semaphore, #tpu.memory_space<semaphore_mem>>
      %dma_start3A = tpu.memref_slice %arg3[%add3A_90] : memref<640000xi32, #tpu.memory_space<hbm>> -> memref<16xi32, #tpu.memory_space<hbm>>
      %dma_start3A_103 = tpu.memref_slice %arg3[%add3A_90] : memref<640000xi32, #tpu.memory_space<hbm>> -> memref<16xi32, #tpu.memory_space<hbm>>
      tpu.enqueue_dma source(%dma_start3A_103 : memref<16xi32, #tpu.memory_space<hbm>>) target(%arg17 : memref<16xi32, #tpu.memory_space<vmem>>) target_semaphore(%run_scoped3A : memref<!tpu.dma_semaphore, #tpu.memory_space<semaphore_mem>>)
      %dma_wait3A_104 = tpu.memref_slice %arg3[%add3A_90] : memref<640000xi32, #tpu.memory_space<hbm>> -> memref<16xi32, #tpu.memory_space<hbm>>
      %dma_wait3A_105 = tpu.memref_slice %arg3[%add3A_90] : memref<640000xi32, #tpu.memory_space<hbm>> -> memref<16xi32, #tpu.memory_space<hbm>>
      tpu.wait_dma2 semaphore(%run_scoped3A : memref<!tpu.dma_semaphore, #tpu.memory_space<semaphore_mem>>) src(%dma_wait3A_105 : memref<16xi32, #tpu.memory_space<hbm>>) dst(%arg17 : memref<16xi32, #tpu.memory_space<vmem>>)
      tpu.yield
    }) : () -> ()
    %add3A_91 = arith.constant 320000 : i32
    %add3A_92 = arith.addi %add3A_91, %add3A_90 : i32
    "tpu.region"() ({
      %run_scoped3A = tpu.sem_alloc : memref<!tpu.dma_semaphore, #tpu.memory_space<semaphore_mem>>
      %dma_start3A = tpu.memref_slice %arg3[%add3A_92] : memref<640000xi32, #tpu.memory_space<hbm>> -> memref<16xi32, #tpu.memory_space<hbm>>
      %dma_start3A_103 = tpu.memref_slice %arg3[%add3A_92] : memref<640000xi32, #tpu.memory_space<hbm>> -> memref<16xi32, #tpu.memory_space<hbm>>
      tpu.enqueue_dma source(%dma_start3A_103 : memref<16xi32, #tpu.memory_space<hbm>>) target(%arg18 : memref<16xi32, #tpu.memory_space<vmem>>) target_semaphore(%run_scoped3A : memref<!tpu.dma_semaphore, #tpu.memory_space<semaphore_mem>>)
      %dma_wait3A_104 = tpu.memref_slice %arg3[%add3A_92] : memref<640000xi32, #tpu.memory_space<hbm>> -> memref<16xi32, #tpu.memory_space<hbm>>
      %dma_wait3A_105 = tpu.memref_slice %arg3[%add3A_92] : memref<640000xi32, #tpu.memory_space<hbm>> -> memref<16xi32, #tpu.memory_space<hbm>>
      tpu.wait_dma2 semaphore(%run_scoped3A : memref<!tpu.dma_semaphore, #tpu.memory_space<semaphore_mem>>) src(%dma_wait3A_105 : memref<16xi32, #tpu.memory_space<hbm>>) dst(%arg18 : memref<16xi32, #tpu.memory_space<vmem>>)
      tpu.yield
    }) : () -> ()
    "tpu.region"() ({
      %run_scoped3A = tpu.sem_alloc : memref<!tpu.dma_semaphore, #tpu.memory_space<semaphore_mem>>
      %dma_start3A = arith.constant 0 : i32
      %dma_start3A_103 = arith.constant 0 : i32
      %dma_start3A_104 = tpu.memref_slice %arg19[%dma_start3A, %dma_start3A_103] : memref<64x128xf32, #tpu.memory_space<vmem>> -> memref<16x128xf32, #tpu.memory_space<vmem>>
      %dma_start3A_105 = arith.constant 0 : i32
      %dma_start3A_106 = arith.constant 0 : i32
      %dma_start3A_107 = tpu.memref_slice %arg2[%dma_start3A_105, %dma_start3A_106] : memref<10000x128xf32, #tpu.memory_space<hbm>> -> memref<10000x128xf32, #tpu.memory_space<hbm>>
      tpu.enqueue_indirect_dma source(%dma_start3A_107 : memref<10000x128xf32, #tpu.memory_space<hbm>>) target(%dma_start3A_104 : memref<16x128xf32, #tpu.memory_space<vmem>>) offsets(%arg17 : memref<16xi32, #tpu.memory_space<vmem>>) semaphore(%run_scoped3A : memref<!tpu.dma_semaphore, #tpu.memory_space<semaphore_mem>>)
      %dma_wait3A_108 = arith.constant 0 : i32
      %dma_wait3A_109 = arith.constant 0 : i32
      %dma_wait3A_110 = tpu.memref_slice %arg19[%dma_wait3A_108, %dma_wait3A_109] : memref<64x128xf32, #tpu.memory_space<vmem>> -> memref<16x128xf32, #tpu.memory_space<vmem>>
      %dma_wait3A_111 = arith.constant 0 : i32
      %dma_wait3A_112 = arith.constant 0 : i32
      %dma_wait3A_113 = tpu.memref_slice %arg2[%dma_wait3A_111, %dma_wait3A_112] : memref<10000x128xf32, #tpu.memory_space<hbm>> -> memref<10000x128xf32, #tpu.memory_space<hbm>>
      tpu.wait_indirect_dma semaphore(%run_scoped3A : memref<!tpu.dma_semaphore, #tpu.memory_space<semaphore_mem>>) src(%dma_wait3A_113 : memref<10000x128xf32, #tpu.memory_space<hbm>>) dst(%dma_wait3A_110 : memref<16x128xf32, #tpu.memory_space<vmem>>)
      tpu.yield
    }) : () -> ()
    "tpu.region"() ({
      %run_scoped3A = tpu.sem_alloc : memref<!tpu.dma_semaphore, #tpu.memory_space<semaphore_mem>>
      %dma_start3A = arith.constant 0 : i32
      %dma_start3A_103 = arith.constant 0 : i32
      %dma_start3A_104 = tpu.memref_slice %arg19[%dma_start3A, %dma_start3A_103] : memref<64x128xf32, #tpu.memory_space<vmem>> -> memref<16x128xf32, #tpu.memory_space<vmem>>
      %dma_start3A_105 = arith.constant 0 : i32
      %dma_start3A_106 = arith.constant 0 : i32
      %dma_start3A_107 = tpu.memref_slice %arg25[%dma_start3A_105, %dma_start3A_106] : memref<10000x128xf32, #tpu.memory_space<vmem_shared>> -> memref<10000x128xf32, #tpu.memory_space<vmem_shared>>
      tpu.enqueue_indirect_dma source(%dma_start3A_104 : memref<16x128xf32, #tpu.memory_space<vmem>>) target(%dma_start3A_107 : memref<10000x128xf32, #tpu.memory_space<vmem_shared>>) offsets(%arg18 : memref<16xi32, #tpu.memory_space<vmem>>) semaphore(%run_scoped3A : memref<!tpu.dma_semaphore, #tpu.memory_space<semaphore_mem>>) {add = true}
      %dma_wait3A_108 = arith.constant 0 : i32
      %dma_wait3A_109 = arith.constant 0 : i32
      %dma_wait3A_110 = tpu.memref_slice %arg19[%dma_wait3A_108, %dma_wait3A_109] : memref<64x128xf32, #tpu.memory_space<vmem>> -> memref<16x128xf32, #tpu.memory_space<vmem>>
      %dma_wait3A_111 = arith.constant 0 : i32
      %dma_wait3A_112 = arith.constant 0 : i32
      %dma_wait3A_113 = tpu.memref_slice %arg25[%dma_wait3A_111, %dma_wait3A_112] : memref<10000x128xf32, #tpu.memory_space<vmem_shared>> -> memref<10000x128xf32, #tpu.memory_space<vmem_shared>>
      tpu.wait_indirect_dma semaphore(%run_scoped3A : memref<!tpu.dma_semaphore, #tpu.memory_space<semaphore_mem>>) src(%dma_wait3A_110 : memref<16x128xf32, #tpu.memory_space<vmem>>) dst(%dma_wait3A_113 : memref<10000x128xf32, #tpu.memory_space<vmem_shared>>)
      tpu.yield
    }) : () -> ()
    %barrier3A_93 = arith.constant 0 : index
    tpu.barrier barrier_id(%barrier3A_93)
    %mul3A_94 = arith.constant 624 : i32
    %mul3A_95 = arith.muli %arg1, %mul3A_94 : i32
    %mul3A_96 = arith.constant 624 : i32
    %mul3A_97 = arith.muli %arg1, %mul3A_96 : i32
    "tpu.region"() ({
      %run_scoped3A = tpu.sem_alloc : memref<!tpu.dma_semaphore, #tpu.memory_space<semaphore_mem>>
      %dma_start3A = arith.constant 0 : i32
      %dma_start3A_103 = tpu.memref_slice %arg4[%arg0, %mul3A_97, %dma_start3A] : memref<2x10000x128xf32, #tpu.memory_space<hbm>> -> memref<1x624x128xf32, #tpu.memory_space<hbm>>
      %dma_start3A_104 = tpu.memref_squeeze %dma_start3A_103 : memref<1x624x128xf32, #tpu.memory_space<hbm>> -> memref<624x128xf32, #tpu.memory_space<hbm>>
      %dma_start3A_105 = arith.constant 0 : i32
      %dma_start3A_106 = tpu.memref_slice %arg25[%mul3A_95, %dma_start3A_105] : memref<10000x128xf32, #tpu.memory_space<vmem_shared>> -> memref<624x128xf32, #tpu.memory_space<vmem_shared>>
      tpu.enqueue_dma source(%dma_start3A_106 : memref<624x128xf32, #tpu.memory_space<vmem_shared>>) target(%dma_start3A_104 : memref<624x128xf32, #tpu.memory_space<hbm>>) target_semaphore(%run_scoped3A : memref<!tpu.dma_semaphore, #tpu.memory_space<semaphore_mem>>)
      %dma_wait3A_107 = arith.constant 0 : i32
      %dma_wait3A_108 = tpu.memref_slice %arg4[%arg0, %mul3A_97, %dma_wait3A_107] : memref<2x10000x128xf32, #tpu.memory_space<hbm>> -> memref<1x624x128xf32, #tpu.memory_space<hbm>>
      %dma_wait3A_109 = tpu.memref_squeeze %dma_wait3A_108 : memref<1x624x128xf32, #tpu.memory_space<hbm>> -> memref<624x128xf32, #tpu.memory_space<hbm>>
      %dma_wait3A_110 = arith.constant 0 : i32
      %dma_wait3A_111 = tpu.memref_slice %arg25[%mul3A_95, %dma_wait3A_110] : memref<10000x128xf32, #tpu.memory_space<vmem_shared>> -> memref<624x128xf32, #tpu.memory_space<vmem_shared>>
      tpu.wait_dma2 semaphore(%run_scoped3A : memref<!tpu.dma_semaphore, #tpu.memory_space<semaphore_mem>>) src(%dma_wait3A_111 : memref<624x128xf32, #tpu.memory_space<vmem_shared>>) dst(%dma_wait3A_109 : memref<624x128xf32, #tpu.memory_space<hbm>>)
      tpu.yield
    }) : () -> ()
    %eq3A_98 = arith.constant 15 : i32
    %eq3A_99 = arith.cmpi eq, %arg1, %eq3A_98 : i32
    %convert_element_type3A_100 = arith.extui %eq3A_99 : i1 to i32
    %cond3A_101 = arith.constant 0 : i32
    %cond3A_102 = arith.cmpi ne, %convert_element_type3A_100, %cond3A_101 : i32
    scf.if %cond3A_102 {
      "tpu.region"() ({
        %run_scoped3A = tpu.sem_alloc : memref<!tpu.dma_semaphore, #tpu.memory_space<semaphore_mem>>
        %dma_start3A = arith.constant 9984 : i32
        %dma_start3A_103 = arith.constant 0 : i32
        %dma_start3A_104 = tpu.memref_slice %arg4[%arg0, %dma_start3A, %dma_start3A_103] : memref<2x10000x128xf32, #tpu.memory_space<hbm>> -> memref<1x16x128xf32, #tpu.memory_space<hbm>>
        %dma_start3A_105 = tpu.memref_squeeze %dma_start3A_104 : memref<1x16x128xf32, #tpu.memory_space<hbm>> -> memref<16x128xf32, #tpu.memory_space<hbm>>
        %dma_start3A_106 = arith.constant 9984 : i32
        %dma_start3A_107 = arith.constant 0 : i32
        %dma_start3A_108 = tpu.memref_slice %arg25[%dma_start3A_106, %dma_start3A_107] : memref<10000x128xf32, #tpu.memory_space<vmem_shared>> -> memref<16x128xf32, #tpu.memory_space<vmem_shared>>
        tpu.enqueue_dma source(%dma_start3A_108 : memref<16x128xf32, #tpu.memory_space<vmem_shared>>) target(%dma_start3A_105 : memref<16x128xf32, #tpu.memory_space<hbm>>) target_semaphore(%run_scoped3A : memref<!tpu.dma_semaphore, #tpu.memory_space<semaphore_mem>>)
        %dma_wait3A_109 = arith.constant 9984 : i32
        %dma_wait3A_110 = arith.constant 0 : i32
        %dma_wait3A_111 = tpu.memref_slice %arg4[%arg0, %dma_wait3A_109, %dma_wait3A_110] : memref<2x10000x128xf32, #tpu.memory_space<hbm>> -> memref<1x16x128xf32, #tpu.memory_space<hbm>>
        %dma_wait3A_112 = tpu.memref_squeeze %dma_wait3A_111 : memref<1x16x128xf32, #tpu.memory_space<hbm>> -> memref<16x128xf32, #tpu.memory_space<hbm>>
        %dma_wait3A_113 = arith.constant 9984 : i32
        %dma_wait3A_114 = arith.constant 0 : i32
        %dma_wait3A_115 = tpu.memref_slice %arg25[%dma_wait3A_113, %dma_wait3A_114] : memref<10000x128xf32, #tpu.memory_space<vmem_shared>> -> memref<16x128xf32, #tpu.memory_space<vmem_shared>>
        tpu.wait_dma2 semaphore(%run_scoped3A : memref<!tpu.dma_semaphore, #tpu.memory_space<semaphore_mem>>) src(%dma_wait3A_115 : memref<16x128xf32, #tpu.memory_space<vmem_shared>>) dst(%dma_wait3A_112 : memref<16x128xf32, #tpu.memory_space<hbm>>)
        tpu.yield
      }) : () -> ()
    } else {
    }
    return
  }
}

#map = affine_map<(d0, d1) -> (0, 0)>
#map1 = affine_map<(d0, d1) -> (0)>
#map2 = affine_map<(d0, d1) -> (0, 0, 0)>
module attributes {stable_mosaic.version = 14 : i64} {
  func.func @k(%arg0: i32, %arg1: i32, %arg2: memref<10000x128xf32, #tpu.memory_space<hbm>>, %arg3: memref<640000xi32, #tpu.memory_space<hbm>>, %arg4: memref<2x10000x128xf32, #tpu.memory_space<hbm>>, %arg5: memref<64xi32, #tpu.memory_space<vmem>>, %arg6: memref<64xi32, #tpu.memory_space<vmem>>, %arg7: memref<64xi32, #tpu.memory_space<vmem>>, %arg8: memref<64xi32, #tpu.memory_space<vmem>>, %arg9: memref<64xi32, #tpu.memory_space<vmem>>, %arg10: memref<64xi32, #tpu.memory_space<vmem>>, %arg11: memref<64xi32, #tpu.memory_space<vmem>>, %arg12: memref<64xi32, #tpu.memory_space<vmem>>, %arg13: memref<64xi32, #tpu.memory_space<vmem>>, %arg14: memref<64xi32, #tpu.memory_space<vmem>>, %arg15: memref<64xi32, #tpu.memory_space<vmem>>, %arg16: memref<64xi32, #tpu.memory_space<vmem>>, %arg17: memref<16xi32, #tpu.memory_space<vmem>>, %arg18: memref<16xi32, #tpu.memory_space<vmem>>, %arg19: memref<64x128xf32, #tpu.memory_space<vmem>>, %arg20: memref<64x128xf32, #tpu.memory_space<vmem>>, %arg21: memref<64x128xf32, #tpu.memory_space<vmem>>, %arg22: memref<64x128xf32, #tpu.memory_space<vmem>>, %arg23: memref<64x128xf32, #tpu.memory_space<vmem>>, %arg24: memref<64x128xf32, #tpu.memory_space<vmem>>, %arg25: memref<10000x128xf32, #tpu.memory_space<vmem_shared>>, %arg26: memref<3x!tpu.dma_semaphore, #tpu.memory_space<semaphore_mem>>, %arg27: memref<3x!tpu.dma_semaphore, #tpu.memory_space<semaphore_mem>>, %arg28: memref<3x!tpu.dma_semaphore, #tpu.memory_space<semaphore_mem>>, %arg29: memref<3x!tpu.dma_semaphore, #tpu.memory_space<semaphore_mem>>, %arg30: memref<3x!tpu.dma_semaphore, #tpu.memory_space<semaphore_mem>>, %arg31: memref<3x!tpu.dma_semaphore, #tpu.memory_space<semaphore_mem>>) attributes {dimension_semantics = [#tpu.dimension_semantics<core_parallel>, #tpu.dimension_semantics<subcore_parallel>], iteration_bounds = array<i64: 2, 16>, scalar_prefetch = 0 : i64, scratch_operands = 27 : i64, tpu.core_type = #tpu.core_type<sc_vector_subcore>, window_params = [{transform_indices = #map}, {transform_indices = #map1}, {transform_indices = #map2}]} {
    %scan3A = arith.constant 0 : i32
    %scan3A_0 = arith.constant 64 : i32
    %scan3A_1 = arith.addi %scan3A, %scan3A_0 : i32
    %scan3A_2 = arith.constant 1 : i32
    scf.for %scan3A_103 = %scan3A to %scan3A_1 step %scan3A_2  : i32 {
      %mul3A_104 = arith.constant 1 : i32
      %mul3A_105 = arith.muli %scan3A_103, %mul3A_104 : i32
      %add3A_106 = arith.constant 0 : i32
      %add3A_107 = arith.addi %add3A_106, %mul3A_105 : i32
      %broadcast_in_dim3A = arith.constant 0.000000e+00 : f32
      %broadcast_in_dim3A_108 = vector.broadcast %broadcast_in_dim3A : f32 to vector<16xf32>
      %swap3A = arith.index_cast %add3A_107 : i32 to index
      %swap3A_109 = arith.constant 0 : index
      %swap3A_110 = tpu.vector_load %arg19[%swap3A, %swap3A_109] {strides = array<i32>} : memref<64x128xf32, #tpu.memory_space<vmem>>, vector<1x16xf32>,
      %swap3A_111 = vector.shape_cast %swap3A_110 : vector<1x16xf32> to vector<16xf32>
      %swap3A_112 = vector.shape_cast %broadcast_in_dim3A_108 : vector<16xf32> to vector<1x16xf32>
      tpu.vector_store %arg19[%swap3A, %swap3A_109], %swap3A_112 {strides = array<i32>} : memref<64x128xf32, #tpu.memory_space<vmem>>, vector<1x16xf32>,
      %broadcast_in_dim3A_113 = arith.constant 0.000000e+00 : f32
      %broadcast_in_dim3A_114 = vector.broadcast %broadcast_in_dim3A_113 : f32 to vector<16xf32>
      %swap3A_115 = arith.index_cast %add3A_107 : i32 to index
      %swap3A_116 = arith.constant 16 : index
      %swap3A_117 = tpu.vector_load %arg19[%swap3A_115, %swap3A_116] {strides = array<i32>} : memref<64x128xf32, #tpu.memory_space<vmem>>, vector<1x16xf32>,
      %swap3A_118 = vector.shape_cast %swap3A_117 : vector<1x16xf32> to vector<16xf32>
      %swap3A_119 = vector.shape_cast %broadcast_in_dim3A_114 : vector<16xf32> to vector<1x16xf32>
      tpu.vector_store %arg19[%swap3A_115, %swap3A_116], %swap3A_119 {strides = array<i32>} : memref<64x128xf32, #tpu.memory_space<vmem>>, vector<1x16xf32>,
      %broadcast_in_dim3A_120 = arith.constant 0.000000e+00 : f32
      %broadcast_in_dim3A_121 = vector.broadcast %broadcast_in_dim3A_120 : f32 to vector<16xf32>
      %swap3A_122 = arith.index_cast %add3A_107 : i32 to index
      %swap3A_123 = arith.constant 32 : index
      %swap3A_124 = tpu.vector_load %arg19[%swap3A_122, %swap3A_123] {strides = array<i32>} : memref<64x128xf32, #tpu.memory_space<vmem>>, vector<1x16xf32>,
      %swap3A_125 = vector.shape_cast %swap3A_124 : vector<1x16xf32> to vector<16xf32>
      %swap3A_126 = vector.shape_cast %broadcast_in_dim3A_121 : vector<16xf32> to vector<1x16xf32>
      tpu.vector_store %arg19[%swap3A_122, %swap3A_123], %swap3A_126 {strides = array<i32>} : memref<64x128xf32, #tpu.memory_space<vmem>>, vector<1x16xf32>,
      %broadcast_in_dim3A_127 = arith.constant 0.000000e+00 : f32
      %broadcast_in_dim3A_128 = vector.broadcast %broadcast_in_dim3A_127 : f32 to vector<16xf32>
      %swap3A_129 = arith.index_cast %add3A_107 : i32 to index
      %swap3A_130 = arith.constant 48 : index
      %swap3A_131 = tpu.vector_load %arg19[%swap3A_129, %swap3A_130] {strides = array<i32>} : memref<64x128xf32, #tpu.memory_space<vmem>>, vector<1x16xf32>,
      %swap3A_132 = vector.shape_cast %swap3A_131 : vector<1x16xf32> to vector<16xf32>
      %swap3A_133 = vector.shape_cast %broadcast_in_dim3A_128 : vector<16xf32> to vector<1x16xf32>
      tpu.vector_store %arg19[%swap3A_129, %swap3A_130], %swap3A_133 {strides = array<i32>} : memref<64x128xf32, #tpu.memory_space<vmem>>, vector<1x16xf32>,
      %broadcast_in_dim3A_134 = arith.constant 0.000000e+00 : f32
      %broadcast_in_dim3A_135 = vector.broadcast %broadcast_in_dim3A_134 : f32 to vector<16xf32>
      %swap3A_136 = arith.index_cast %add3A_107 : i32 to index
      %swap3A_137 = arith.constant 64 : index
      %swap3A_138 = tpu.vector_load %arg19[%swap3A_136, %swap3A_137] {strides = array<i32>} : memref<64x128xf32, #tpu.memory_space<vmem>>, vector<1x16xf32>,
      %swap3A_139 = vector.shape_cast %swap3A_138 : vector<1x16xf32> to vector<16xf32>
      %swap3A_140 = vector.shape_cast %broadcast_in_dim3A_135 : vector<16xf32> to vector<1x16xf32>
      tpu.vector_store %arg19[%swap3A_136, %swap3A_137], %swap3A_140 {strides = array<i32>} : memref<64x128xf32, #tpu.memory_space<vmem>>, vector<1x16xf32>,
      %broadcast_in_dim3A_141 = arith.constant 0.000000e+00 : f32
      %broadcast_in_dim3A_142 = vector.broadcast %broadcast_in_dim3A_141 : f32 to vector<16xf32>
      %swap3A_143 = arith.index_cast %add3A_107 : i32 to index
      %swap3A_144 = arith.constant 80 : index
      %swap3A_145 = tpu.vector_load %arg19[%swap3A_143, %swap3A_144] {strides = array<i32>} : memref<64x128xf32, #tpu.memory_space<vmem>>, vector<1x16xf32>,
      %swap3A_146 = vector.shape_cast %swap3A_145 : vector<1x16xf32> to vector<16xf32>
      %swap3A_147 = vector.shape_cast %broadcast_in_dim3A_142 : vector<16xf32> to vector<1x16xf32>
      tpu.vector_store %arg19[%swap3A_143, %swap3A_144], %swap3A_147 {strides = array<i32>} : memref<64x128xf32, #tpu.memory_space<vmem>>, vector<1x16xf32>,
      %broadcast_in_dim3A_148 = arith.constant 0.000000e+00 : f32
      %broadcast_in_dim3A_149 = vector.broadcast %broadcast_in_dim3A_148 : f32 to vector<16xf32>
      %swap3A_150 = arith.index_cast %add3A_107 : i32 to index
      %swap3A_151 = arith.constant 96 : index
      %swap3A_152 = tpu.vector_load %arg19[%swap3A_150, %swap3A_151] {strides = array<i32>} : memref<64x128xf32, #tpu.memory_space<vmem>>, vector<1x16xf32>,
      %swap3A_153 = vector.shape_cast %swap3A_152 : vector<1x16xf32> to vector<16xf32>
      %swap3A_154 = vector.shape_cast %broadcast_in_dim3A_149 : vector<16xf32> to vector<1x16xf32>
      tpu.vector_store %arg19[%swap3A_150, %swap3A_151], %swap3A_154 {strides = array<i32>} : memref<64x128xf32, #tpu.memory_space<vmem>>, vector<1x16xf32>,
      %broadcast_in_dim3A_155 = arith.constant 0.000000e+00 : f32
      %broadcast_in_dim3A_156 = vector.broadcast %broadcast_in_dim3A_155 : f32 to vector<16xf32>
      %swap3A_157 = arith.index_cast %add3A_107 : i32 to index
      %swap3A_158 = arith.constant 112 : index
      %swap3A_159 = tpu.vector_load %arg19[%swap3A_157, %swap3A_158] {strides = array<i32>} : memref<64x128xf32, #tpu.memory_space<vmem>>, vector<1x16xf32>,
      %swap3A_160 = vector.shape_cast %swap3A_159 : vector<1x16xf32> to vector<16xf32>
      %swap3A_161 = vector.shape_cast %broadcast_in_dim3A_156 : vector<16xf32> to vector<1x16xf32>
      tpu.vector_store %arg19[%swap3A_157, %swap3A_158], %swap3A_161 {strides = array<i32>} : memref<64x128xf32, #tpu.memory_space<vmem>>, vector<1x16xf32>,
    }
    %scan3A_3 = arith.constant 64 : i32
    %mul3A = arith.constant 624 : i32
    %mul3A_4 = arith.muli %arg1, %mul3A : i32
    %add3A = arith.constant 0 : i32
    %add3A_5 = arith.addi %mul3A_4, %add3A : i32
    "tpu.region"() ({
      %run_scoped3A = tpu.sem_alloc : memref<!tpu.dma_semaphore, #tpu.memory_space<semaphore_mem>>
      %dma_start3A = arith.constant 0 : i32
      %dma_start3A_103 = arith.constant 0 : i32
      %dma_start3A_104 = tpu.memref_slice %arg19[%dma_start3A, %dma_start3A_103] : memref<64x128xf32, #tpu.memory_space<vmem>> -> memref<64x128xf32, #tpu.memory_space<vmem>>
      %dma_start3A_105 = arith.constant 0 : i32
      %dma_start3A_106 = tpu.memref_slice %arg25[%add3A_5, %dma_start3A_105] : memref<10000x128xf32, #tpu.memory_space<vmem_shared>> -> memref<64x128xf32, #tpu.memory_space<vmem_shared>>
      %dma_start3A_107 = arith.constant 0 : i32
      %dma_start3A_108 = tpu.memref_slice %arg25[%add3A_5, %dma_start3A_107] : memref<10000x128xf32, #tpu.memory_space<vmem_shared>> -> memref<64x128xf32, #tpu.memory_space<vmem_shared>>
      %dma_start3A_109 = arith.constant 0 : i32
      %dma_start3A_110 = arith.constant 0 : i32
      %dma_start3A_111 = tpu.memref_slice %arg19[%dma_start3A_109, %dma_start3A_110] : memref<64x128xf32, #tpu.memory_space<vmem>> -> memref<64x128xf32, #tpu.memory_space<vmem>>
      tpu.enqueue_dma source(%dma_start3A_111 : memref<64x128xf32, #tpu.memory_space<vmem>>) target(%dma_start3A_108 : memref<64x128xf32, #tpu.memory_space<vmem_shared>>) target_semaphore(%run_scoped3A : memref<!tpu.dma_semaphore, #tpu.memory_space<semaphore_mem>>)
      %dma_wait3A_112 = arith.constant 0 : i32
      %dma_wait3A_113 = arith.constant 0 : i32
      %dma_wait3A_114 = tpu.memref_slice %arg19[%dma_wait3A_112, %dma_wait3A_113] : memref<64x128xf32, #tpu.memory_space<vmem>> -> memref<64x128xf32, #tpu.memory_space<vmem>>
      %dma_wait3A_115 = arith.constant 0 : i32
      %dma_wait3A_116 = tpu.memref_slice %arg25[%add3A_5, %dma_wait3A_115] : memref<10000x128xf32, #tpu.memory_space<vmem_shared>> -> memref<64x128xf32, #tpu.memory_space<vmem_shared>>
      %dma_wait3A_117 = arith.constant 0 : i32
      %dma_wait3A_118 = tpu.memref_slice %arg25[%add3A_5, %dma_wait3A_117] : memref<10000x128xf32, #tpu.memory_space<vmem_shared>> -> memref<64x128xf32, #tpu.memory_space<vmem_shared>>
      %dma_wait3A_119 = arith.constant 0 : i32
      %dma_wait3A_120 = arith.constant 0 : i32
      %dma_wait3A_121 = tpu.memref_slice %arg19[%dma_wait3A_119, %dma_wait3A_120] : memref<64x128xf32, #tpu.memory_space<vmem>> -> memref<64x128xf32, #tpu.memory_space<vmem>>
      tpu.wait_dma2 semaphore(%run_scoped3A : memref<!tpu.dma_semaphore, #tpu.memory_space<semaphore_mem>>) src(%dma_wait3A_121 : memref<64x128xf32, #tpu.memory_space<vmem>>) dst(%dma_wait3A_118 : memref<64x128xf32, #tpu.memory_space<vmem_shared>>)
      tpu.yield
    }) : () -> ()
    %mul3A_6 = arith.constant 624 : i32
    %mul3A_7 = arith.muli %arg1, %mul3A_6 : i32
    %add3A_8 = arith.constant 64 : i32
    %add3A_9 = arith.addi %mul3A_7, %add3A_8 : i32
    "tpu.region"() ({
      %run_scoped3A = tpu.sem_alloc : memref<!tpu.dma_semaphore, #tpu.memory_space<semaphore_mem>>
      %dma_start3A = arith.constant 0 : i32
      %dma_start3A_103 = arith.constant 0 : i32
      %dma_start3A_104 = tpu.memref_slice %arg19[%dma_start3A, %dma_start3A_103] : memref<64x128xf32, #tpu.memory_space<vmem>> -> memref<64x128xf32, #tpu.memory_space<vmem>>
      %dma_start3A_105 = arith.constant 0 : i32
      %dma_start3A_106 = tpu.memref_slice %arg25[%add3A_9, %dma_start3A_105] : memref<10000x128xf32, #tpu.memory_space<vmem_shared>> -> memref<64x128xf32, #tpu.memory_space<vmem_shared>>
      %dma_start3A_107 = arith.constant 0 : i32
      %dma_start3A_108 = tpu.memref_slice %arg25[%add3A_9, %dma_start3A_107] : memref<10000x128xf32, #tpu.memory_space<vmem_shared>> -> memref<64x128xf32, #tpu.memory_space<vmem_shared>>
      %dma_start3A_109 = arith.constant 0 : i32
      %dma_start3A_110 = arith.constant 0 : i32
      %dma_start3A_111 = tpu.memref_slice %arg19[%dma_start3A_109, %dma_start3A_110] : memref<64x128xf32, #tpu.memory_space<vmem>> -> memref<64x128xf32, #tpu.memory_space<vmem>>
      tpu.enqueue_dma source(%dma_start3A_111 : memref<64x128xf32, #tpu.memory_space<vmem>>) target(%dma_start3A_108 : memref<64x128xf32, #tpu.memory_space<vmem_shared>>) target_semaphore(%run_scoped3A : memref<!tpu.dma_semaphore, #tpu.memory_space<semaphore_mem>>)
      %dma_wait3A_112 = arith.constant 0 : i32
      %dma_wait3A_113 = arith.constant 0 : i32
      %dma_wait3A_114 = tpu.memref_slice %arg19[%dma_wait3A_112, %dma_wait3A_113] : memref<64x128xf32, #tpu.memory_space<vmem>> -> memref<64x128xf32, #tpu.memory_space<vmem>>
      %dma_wait3A_115 = arith.constant 0 : i32
      %dma_wait3A_116 = tpu.memref_slice %arg25[%add3A_9, %dma_wait3A_115] : memref<10000x128xf32, #tpu.memory_space<vmem_shared>> -> memref<64x128xf32, #tpu.memory_space<vmem_shared>>
      %dma_wait3A_117 = arith.constant 0 : i32
      %dma_wait3A_118 = tpu.memref_slice %arg25[%add3A_9, %dma_wait3A_117] : memref<10000x128xf32, #tpu.memory_space<vmem_shared>> -> memref<64x128xf32, #tpu.memory_space<vmem_shared>>
      %dma_wait3A_119 = arith.constant 0 : i32
      %dma_wait3A_120 = arith.constant 0 : i32
      %dma_wait3A_121 = tpu.memref_slice %arg19[%dma_wait3A_119, %dma_wait3A_120] : memref<64x128xf32, #tpu.memory_space<vmem>> -> memref<64x128xf32, #tpu.memory_space<vmem>>
      tpu.wait_dma2 semaphore(%run_scoped3A : memref<!tpu.dma_semaphore, #tpu.memory_space<semaphore_mem>>) src(%dma_wait3A_121 : memref<64x128xf32, #tpu.memory_space<vmem>>) dst(%dma_wait3A_118 : memref<64x128xf32, #tpu.memory_space<vmem_shared>>)
      tpu.yield
    }) : () -> ()
    %mul3A_10 = arith.constant 624 : i32
    %mul3A_11 = arith.muli %arg1, %mul3A_10 : i32
    %add3A_12 = arith.constant 128 : i32
    %add3A_13 = arith.addi %mul3A_11, %add3A_12 : i32
    "tpu.region"() ({
      %run_scoped3A = tpu.sem_alloc : memref<!tpu.dma_semaphore, #tpu.memory_space<semaphore_mem>>
      %dma_start3A = arith.constant 0 : i32
      %dma_start3A_103 = arith.constant 0 : i32
      %dma_start3A_104 = tpu.memref_slice %arg19[%dma_start3A, %dma_start3A_103] : memref<64x128xf32, #tpu.memory_space<vmem>> -> memref<64x128xf32, #tpu.memory_space<vmem>>
      %dma_start3A_105 = arith.constant 0 : i32
      %dma_start3A_106 = tpu.memref_slice %arg25[%add3A_13, %dma_start3A_105] : memref<10000x128xf32, #tpu.memory_space<vmem_shared>> -> memref<64x128xf32, #tpu.memory_space<vmem_shared>>
      %dma_start3A_107 = arith.constant 0 : i32
      %dma_start3A_108 = tpu.memref_slice %arg25[%add3A_13, %dma_start3A_107] : memref<10000x128xf32, #tpu.memory_space<vmem_shared>> -> memref<64x128xf32, #tpu.memory_space<vmem_shared>>
      %dma_start3A_109 = arith.constant 0 : i32
      %dma_start3A_110 = arith.constant 0 : i32
      %dma_start3A_111 = tpu.memref_slice %arg19[%dma_start3A_109, %dma_start3A_110] : memref<64x128xf32, #tpu.memory_space<vmem>> -> memref<64x128xf32, #tpu.memory_space<vmem>>
      tpu.enqueue_dma source(%dma_start3A_111 : memref<64x128xf32, #tpu.memory_space<vmem>>) target(%dma_start3A_108 : memref<64x128xf32, #tpu.memory_space<vmem_shared>>) target_semaphore(%run_scoped3A : memref<!tpu.dma_semaphore, #tpu.memory_space<semaphore_mem>>)
      %dma_wait3A_112 = arith.constant 0 : i32
      %dma_wait3A_113 = arith.constant 0 : i32
      %dma_wait3A_114 = tpu.memref_slice %arg19[%dma_wait3A_112, %dma_wait3A_113] : memref<64x128xf32, #tpu.memory_space<vmem>> -> memref<64x128xf32, #tpu.memory_space<vmem>>
      %dma_wait3A_115 = arith.constant 0 : i32
      %dma_wait3A_116 = tpu.memref_slice %arg25[%add3A_13, %dma_wait3A_115] : memref<10000x128xf32, #tpu.memory_space<vmem_shared>> -> memref<64x128xf32, #tpu.memory_space<vmem_shared>>
      %dma_wait3A_117 = arith.constant 0 : i32
      %dma_wait3A_118 = tpu.memref_slice %arg25[%add3A_13, %dma_wait3A_117] : memref<10000x128xf32, #tpu.memory_space<vmem_shared>> -> memref<64x128xf32, #tpu.memory_space<vmem_shared>>
      %dma_wait3A_119 = arith.constant 0 : i32
      %dma_wait3A_120 = arith.constant 0 : i32
      %dma_wait3A_121 = tpu.memref_slice %arg19[%dma_wait3A_119, %dma_wait3A_120] : memref<64x128xf32, #tpu.memory_space<vmem>> -> memref<64x128xf32, #tpu.memory_space<vmem>>
      tpu.wait_dma2 semaphore(%run_scoped3A : memref<!tpu.dma_semaphore, #tpu.memory_space<semaphore_mem>>) src(%dma_wait3A_121 : memref<64x128xf32, #tpu.memory_space<vmem>>) dst(%dma_wait3A_118 : memref<64x128xf32, #tpu.memory_space<vmem_shared>>)
      tpu.yield
    }) : () -> ()
    %mul3A_14 = arith.constant 624 : i32
    %mul3A_15 = arith.muli %arg1, %mul3A_14 : i32
    %add3A_16 = arith.constant 192 : i32
    %add3A_17 = arith.addi %mul3A_15, %add3A_16 : i32
    "tpu.region"() ({
      %run_scoped3A = tpu.sem_alloc : memref<!tpu.dma_semaphore, #tpu.memory_space<semaphore_mem>>
      %dma_start3A = arith.constant 0 : i32
      %dma_start3A_103 = arith.constant 0 : i32
      %dma_start3A_104 = tpu.memref_slice %arg19[%dma_start3A, %dma_start3A_103] : memref<64x128xf32, #tpu.memory_space<vmem>> -> memref<64x128xf32, #tpu.memory_space<vmem>>
      %dma_start3A_105 = arith.constant 0 : i32
      %dma_start3A_106 = tpu.memref_slice %arg25[%add3A_17, %dma_start3A_105] : memref<10000x128xf32, #tpu.memory_space<vmem_shared>> -> memref<64x128xf32, #tpu.memory_space<vmem_shared>>
      %dma_start3A_107 = arith.constant 0 : i32
      %dma_start3A_108 = tpu.memref_slice %arg25[%add3A_17, %dma_start3A_107] : memref<10000x128xf32, #tpu.memory_space<vmem_shared>> -> memref<64x128xf32, #tpu.memory_space<vmem_shared>>
      %dma_start3A_109 = arith.constant 0 : i32
      %dma_start3A_110 = arith.constant 0 : i32
      %dma_start3A_111 = tpu.memref_slice %arg19[%dma_start3A_109, %dma_start3A_110] : memref<64x128xf32, #tpu.memory_space<vmem>> -> memref<64x128xf32, #tpu.memory_space<vmem>>
      tpu.enqueue_dma source(%dma_start3A_111 : memref<64x128xf32, #tpu.memory_space<vmem>>) target(%dma_start3A_108 : memref<64x128xf32, #tpu.memory_space<vmem_shared>>) target_semaphore(%run_scoped3A : memref<!tpu.dma_semaphore, #tpu.memory_space<semaphore_mem>>)
      %dma_wait3A_112 = arith.constant 0 : i32
      %dma_wait3A_113 = arith.constant 0 : i32
      %dma_wait3A_114 = tpu.memref_slice %arg19[%dma_wait3A_112, %dma_wait3A_113] : memref<64x128xf32, #tpu.memory_space<vmem>> -> memref<64x128xf32, #tpu.memory_space<vmem>>
      %dma_wait3A_115 = arith.constant 0 : i32
      %dma_wait3A_116 = tpu.memref_slice %arg25[%add3A_17, %dma_wait3A_115] : memref<10000x128xf32, #tpu.memory_space<vmem_shared>> -> memref<64x128xf32, #tpu.memory_space<vmem_shared>>
      %dma_wait3A_117 = arith.constant 0 : i32
      %dma_wait3A_118 = tpu.memref_slice %arg25[%add3A_17, %dma_wait3A_117] : memref<10000x128xf32, #tpu.memory_space<vmem_shared>> -> memref<64x128xf32, #tpu.memory_space<vmem_shared>>
      %dma_wait3A_119 = arith.constant 0 : i32
      %dma_wait3A_120 = arith.constant 0 : i32
      %dma_wait3A_121 = tpu.memref_slice %arg19[%dma_wait3A_119, %dma_wait3A_120] : memref<64x128xf32, #tpu.memory_space<vmem>> -> memref<64x128xf32, #tpu.memory_space<vmem>>
      tpu.wait_dma2 semaphore(%run_scoped3A : memref<!tpu.dma_semaphore, #tpu.memory_space<semaphore_mem>>) src(%dma_wait3A_121 : memref<64x128xf32, #tpu.memory_space<vmem>>) dst(%dma_wait3A_118 : memref<64x128xf32, #tpu.memory_space<vmem_shared>>)
      tpu.yield
    }) : () -> ()
    %mul3A_18 = arith.constant 624 : i32
    %mul3A_19 = arith.muli %arg1, %mul3A_18 : i32
    %add3A_20 = arith.constant 256 : i32
    %add3A_21 = arith.addi %mul3A_19, %add3A_20 : i32
    "tpu.region"() ({
      %run_scoped3A = tpu.sem_alloc : memref<!tpu.dma_semaphore, #tpu.memory_space<semaphore_mem>>
      %dma_start3A = arith.constant 0 : i32
      %dma_start3A_103 = arith.constant 0 : i32
      %dma_start3A_104 = tpu.memref_slice %arg19[%dma_start3A, %dma_start3A_103] : memref<64x128xf32, #tpu.memory_space<vmem>> -> memref<64x128xf32, #tpu.memory_space<vmem>>
      %dma_start3A_105 = arith.constant 0 : i32
      %dma_start3A_106 = tpu.memref_slice %arg25[%add3A_21, %dma_start3A_105] : memref<10000x128xf32, #tpu.memory_space<vmem_shared>> -> memref<64x128xf32, #tpu.memory_space<vmem_shared>>
      %dma_start3A_107 = arith.constant 0 : i32
      %dma_start3A_108 = tpu.memref_slice %arg25[%add3A_21, %dma_start3A_107] : memref<10000x128xf32, #tpu.memory_space<vmem_shared>> -> memref<64x128xf32, #tpu.memory_space<vmem_shared>>
      %dma_start3A_109 = arith.constant 0 : i32
      %dma_start3A_110 = arith.constant 0 : i32
      %dma_start3A_111 = tpu.memref_slice %arg19[%dma_start3A_109, %dma_start3A_110] : memref<64x128xf32, #tpu.memory_space<vmem>> -> memref<64x128xf32, #tpu.memory_space<vmem>>
      tpu.enqueue_dma source(%dma_start3A_111 : memref<64x128xf32, #tpu.memory_space<vmem>>) target(%dma_start3A_108 : memref<64x128xf32, #tpu.memory_space<vmem_shared>>) target_semaphore(%run_scoped3A : memref<!tpu.dma_semaphore, #tpu.memory_space<semaphore_mem>>)
      %dma_wait3A_112 = arith.constant 0 : i32
      %dma_wait3A_113 = arith.constant 0 : i32
      %dma_wait3A_114 = tpu.memref_slice %arg19[%dma_wait3A_112, %dma_wait3A_113] : memref<64x128xf32, #tpu.memory_space<vmem>> -> memref<64x128xf32, #tpu.memory_space<vmem>>
      %dma_wait3A_115 = arith.constant 0 : i32
      %dma_wait3A_116 = tpu.memref_slice %arg25[%add3A_21, %dma_wait3A_115] : memref<10000x128xf32, #tpu.memory_space<vmem_shared>> -> memref<64x128xf32, #tpu.memory_space<vmem_shared>>
      %dma_wait3A_117 = arith.constant 0 : i32
      %dma_wait3A_118 = tpu.memref_slice %arg25[%add3A_21, %dma_wait3A_117] : memref<10000x128xf32, #tpu.memory_space<vmem_shared>> -> memref<64x128xf32, #tpu.memory_space<vmem_shared>>
      %dma_wait3A_119 = arith.constant 0 : i32
      %dma_wait3A_120 = arith.constant 0 : i32
      %dma_wait3A_121 = tpu.memref_slice %arg19[%dma_wait3A_119, %dma_wait3A_120] : memref<64x128xf32, #tpu.memory_space<vmem>> -> memref<64x128xf32, #tpu.memory_space<vmem>>
      tpu.wait_dma2 semaphore(%run_scoped3A : memref<!tpu.dma_semaphore, #tpu.memory_space<semaphore_mem>>) src(%dma_wait3A_121 : memref<64x128xf32, #tpu.memory_space<vmem>>) dst(%dma_wait3A_118 : memref<64x128xf32, #tpu.memory_space<vmem_shared>>)
      tpu.yield
    }) : () -> ()
    %mul3A_22 = arith.constant 624 : i32
    %mul3A_23 = arith.muli %arg1, %mul3A_22 : i32
    %add3A_24 = arith.constant 320 : i32
    %add3A_25 = arith.addi %mul3A_23, %add3A_24 : i32
    "tpu.region"() ({
      %run_scoped3A = tpu.sem_alloc : memref<!tpu.dma_semaphore, #tpu.memory_space<semaphore_mem>>
      %dma_start3A = arith.constant 0 : i32
      %dma_start3A_103 = arith.constant 0 : i32
      %dma_start3A_104 = tpu.memref_slice %arg19[%dma_start3A, %dma_start3A_103] : memref<64x128xf32, #tpu.memory_space<vmem>> -> memref<64x128xf32, #tpu.memory_space<vmem>>
      %dma_start3A_105 = arith.constant 0 : i32
      %dma_start3A_106 = tpu.memref_slice %arg25[%add3A_25, %dma_start3A_105] : memref<10000x128xf32, #tpu.memory_space<vmem_shared>> -> memref<64x128xf32, #tpu.memory_space<vmem_shared>>
      %dma_start3A_107 = arith.constant 0 : i32
      %dma_start3A_108 = tpu.memref_slice %arg25[%add3A_25, %dma_start3A_107] : memref<10000x128xf32, #tpu.memory_space<vmem_shared>> -> memref<64x128xf32, #tpu.memory_space<vmem_shared>>
      %dma_start3A_109 = arith.constant 0 : i32
      %dma_start3A_110 = arith.constant 0 : i32
      %dma_start3A_111 = tpu.memref_slice %arg19[%dma_start3A_109, %dma_start3A_110] : memref<64x128xf32, #tpu.memory_space<vmem>> -> memref<64x128xf32, #tpu.memory_space<vmem>>
      tpu.enqueue_dma source(%dma_start3A_111 : memref<64x128xf32, #tpu.memory_space<vmem>>) target(%dma_start3A_108 : memref<64x128xf32, #tpu.memory_space<vmem_shared>>) target_semaphore(%run_scoped3A : memref<!tpu.dma_semaphore, #tpu.memory_space<semaphore_mem>>)
      %dma_wait3A_112 = arith.constant 0 : i32
      %dma_wait3A_113 = arith.constant 0 : i32
      %dma_wait3A_114 = tpu.memref_slice %arg19[%dma_wait3A_112, %dma_wait3A_113] : memref<64x128xf32, #tpu.memory_space<vmem>> -> memref<64x128xf32, #tpu.memory_space<vmem>>
      %dma_wait3A_115 = arith.constant 0 : i32
      %dma_wait3A_116 = tpu.memref_slice %arg25[%add3A_25, %dma_wait3A_115] : memref<10000x128xf32, #tpu.memory_space<vmem_shared>> -> memref<64x128xf32, #tpu.memory_space<vmem_shared>>
      %dma_wait3A_117 = arith.constant 0 : i32
      %dma_wait3A_118 = tpu.memref_slice %arg25[%add3A_25, %dma_wait3A_117] : memref<10000x128xf32, #tpu.memory_space<vmem_shared>> -> memref<64x128xf32, #tpu.memory_space<vmem_shared>>
      %dma_wait3A_119 = arith.constant 0 : i32
      %dma_wait3A_120 = arith.constant 0 : i32
      %dma_wait3A_121 = tpu.memref_slice %arg19[%dma_wait3A_119, %dma_wait3A_120] : memref<64x128xf32, #tpu.memory_space<vmem>> -> memref<64x128xf32, #tpu.memory_space<vmem>>
      tpu.wait_dma2 semaphore(%run_scoped3A : memref<!tpu.dma_semaphore, #tpu.memory_space<semaphore_mem>>) src(%dma_wait3A_121 : memref<64x128xf32, #tpu.memory_space<vmem>>) dst(%dma_wait3A_118 : memref<64x128xf32, #tpu.memory_space<vmem_shared>>)
      tpu.yield
    }) : () -> ()
    %mul3A_26 = arith.constant 624 : i32
    %mul3A_27 = arith.muli %arg1, %mul3A_26 : i32
    %add3A_28 = arith.constant 384 : i32
    %add3A_29 = arith.addi %mul3A_27, %add3A_28 : i32
    "tpu.region"() ({
      %run_scoped3A = tpu.sem_alloc : memref<!tpu.dma_semaphore, #tpu.memory_space<semaphore_mem>>
      %dma_start3A = arith.constant 0 : i32
      %dma_start3A_103 = arith.constant 0 : i32
      %dma_start3A_104 = tpu.memref_slice %arg19[%dma_start3A, %dma_start3A_103] : memref<64x128xf32, #tpu.memory_space<vmem>> -> memref<64x128xf32, #tpu.memory_space<vmem>>
      %dma_start3A_105 = arith.constant 0 : i32
      %dma_start3A_106 = tpu.memref_slice %arg25[%add3A_29, %dma_start3A_105] : memref<10000x128xf32, #tpu.memory_space<vmem_shared>> -> memref<64x128xf32, #tpu.memory_space<vmem_shared>>
      %dma_start3A_107 = arith.constant 0 : i32
      %dma_start3A_108 = tpu.memref_slice %arg25[%add3A_29, %dma_start3A_107] : memref<10000x128xf32, #tpu.memory_space<vmem_shared>> -> memref<64x128xf32, #tpu.memory_space<vmem_shared>>
      %dma_start3A_109 = arith.constant 0 : i32
      %dma_start3A_110 = arith.constant 0 : i32
      %dma_start3A_111 = tpu.memref_slice %arg19[%dma_start3A_109, %dma_start3A_110] : memref<64x128xf32, #tpu.memory_space<vmem>> -> memref<64x128xf32, #tpu.memory_space<vmem>>
      tpu.enqueue_dma source(%dma_start3A_111 : memref<64x128xf32, #tpu.memory_space<vmem>>) target(%dma_start3A_108 : memref<64x128xf32, #tpu.memory_space<vmem_shared>>) target_semaphore(%run_scoped3A : memref<!tpu.dma_semaphore, #tpu.memory_space<semaphore_mem>>)
      %dma_wait3A_112 = arith.constant 0 : i32
      %dma_wait3A_113 = arith.constant 0 : i32
      %dma_wait3A_114 = tpu.memref_slice %arg19[%dma_wait3A_112, %dma_wait3A_113] : memref<64x128xf32, #tpu.memory_space<vmem>> -> memref<64x128xf32, #tpu.memory_space<vmem>>
      %dma_wait3A_115 = arith.constant 0 : i32
      %dma_wait3A_116 = tpu.memref_slice %arg25[%add3A_29, %dma_wait3A_115] : memref<10000x128xf32, #tpu.memory_space<vmem_shared>> -> memref<64x128xf32, #tpu.memory_space<vmem_shared>>
      %dma_wait3A_117 = arith.constant 0 : i32
      %dma_wait3A_118 = tpu.memref_slice %arg25[%add3A_29, %dma_wait3A_117] : memref<10000x128xf32, #tpu.memory_space<vmem_shared>> -> memref<64x128xf32, #tpu.memory_space<vmem_shared>>
      %dma_wait3A_119 = arith.constant 0 : i32
      %dma_wait3A_120 = arith.constant 0 : i32
      %dma_wait3A_121 = tpu.memref_slice %arg19[%dma_wait3A_119, %dma_wait3A_120] : memref<64x128xf32, #tpu.memory_space<vmem>> -> memref<64x128xf32, #tpu.memory_space<vmem>>
      tpu.wait_dma2 semaphore(%run_scoped3A : memref<!tpu.dma_semaphore, #tpu.memory_space<semaphore_mem>>) src(%dma_wait3A_121 : memref<64x128xf32, #tpu.memory_space<vmem>>) dst(%dma_wait3A_118 : memref<64x128xf32, #tpu.memory_space<vmem_shared>>)
      tpu.yield
    }) : () -> ()
    %mul3A_30 = arith.constant 624 : i32
    %mul3A_31 = arith.muli %arg1, %mul3A_30 : i32
    %add3A_32 = arith.constant 448 : i32
    %add3A_33 = arith.addi %mul3A_31, %add3A_32 : i32
    "tpu.region"() ({
      %run_scoped3A = tpu.sem_alloc : memref<!tpu.dma_semaphore, #tpu.memory_space<semaphore_mem>>
      %dma_start3A = arith.constant 0 : i32
      %dma_start3A_103 = arith.constant 0 : i32
      %dma_start3A_104 = tpu.memref_slice %arg19[%dma_start3A, %dma_start3A_103] : memref<64x128xf32, #tpu.memory_space<vmem>> -> memref<64x128xf32, #tpu.memory_space<vmem>>
      %dma_start3A_105 = arith.constant 0 : i32
      %dma_start3A_106 = tpu.memref_slice %arg25[%add3A_33, %dma_start3A_105] : memref<10000x128xf32, #tpu.memory_space<vmem_shared>> -> memref<64x128xf32, #tpu.memory_space<vmem_shared>>
      %dma_start3A_107 = arith.constant 0 : i32
      %dma_start3A_108 = tpu.memref_slice %arg25[%add3A_33, %dma_start3A_107] : memref<10000x128xf32, #tpu.memory_space<vmem_shared>> -> memref<64x128xf32, #tpu.memory_space<vmem_shared>>
      %dma_start3A_109 = arith.constant 0 : i32
      %dma_start3A_110 = arith.constant 0 : i32
      %dma_start3A_111 = tpu.memref_slice %arg19[%dma_start3A_109, %dma_start3A_110] : memref<64x128xf32, #tpu.memory_space<vmem>> -> memref<64x128xf32, #tpu.memory_space<vmem>>
      tpu.enqueue_dma source(%dma_start3A_111 : memref<64x128xf32, #tpu.memory_space<vmem>>) target(%dma_start3A_108 : memref<64x128xf32, #tpu.memory_space<vmem_shared>>) target_semaphore(%run_scoped3A : memref<!tpu.dma_semaphore, #tpu.memory_space<semaphore_mem>>)
      %dma_wait3A_112 = arith.constant 0 : i32
      %dma_wait3A_113 = arith.constant 0 : i32
      %dma_wait3A_114 = tpu.memref_slice %arg19[%dma_wait3A_112, %dma_wait3A_113] : memref<64x128xf32, #tpu.memory_space<vmem>> -> memref<64x128xf32, #tpu.memory_space<vmem>>
      %dma_wait3A_115 = arith.constant 0 : i32
      %dma_wait3A_116 = tpu.memref_slice %arg25[%add3A_33, %dma_wait3A_115] : memref<10000x128xf32, #tpu.memory_space<vmem_shared>> -> memref<64x128xf32, #tpu.memory_space<vmem_shared>>
      %dma_wait3A_117 = arith.constant 0 : i32
      %dma_wait3A_118 = tpu.memref_slice %arg25[%add3A_33, %dma_wait3A_117] : memref<10000x128xf32, #tpu.memory_space<vmem_shared>> -> memref<64x128xf32, #tpu.memory_space<vmem_shared>>
      %dma_wait3A_119 = arith.constant 0 : i32
      %dma_wait3A_120 = arith.constant 0 : i32
      %dma_wait3A_121 = tpu.memref_slice %arg19[%dma_wait3A_119, %dma_wait3A_120] : memref<64x128xf32, #tpu.memory_space<vmem>> -> memref<64x128xf32, #tpu.memory_space<vmem>>
      tpu.wait_dma2 semaphore(%run_scoped3A : memref<!tpu.dma_semaphore, #tpu.memory_space<semaphore_mem>>) src(%dma_wait3A_121 : memref<64x128xf32, #tpu.memory_space<vmem>>) dst(%dma_wait3A_118 : memref<64x128xf32, #tpu.memory_space<vmem_shared>>)
      tpu.yield
    }) : () -> ()
    %mul3A_34 = arith.constant 624 : i32
    %mul3A_35 = arith.muli %arg1, %mul3A_34 : i32
    %add3A_36 = arith.constant 512 : i32
    %add3A_37 = arith.addi %mul3A_35, %add3A_36 : i32
    "tpu.region"() ({
      %run_scoped3A = tpu.sem_alloc : memref<!tpu.dma_semaphore, #tpu.memory_space<semaphore_mem>>
      %dma_start3A = arith.constant 0 : i32
      %dma_start3A_103 = arith.constant 0 : i32
      %dma_start3A_104 = tpu.memref_slice %arg19[%dma_start3A, %dma_start3A_103] : memref<64x128xf32, #tpu.memory_space<vmem>> -> memref<64x128xf32, #tpu.memory_space<vmem>>
      %dma_start3A_105 = arith.constant 0 : i32
      %dma_start3A_106 = tpu.memref_slice %arg25[%add3A_37, %dma_start3A_105] : memref<10000x128xf32, #tpu.memory_space<vmem_shared>> -> memref<64x128xf32, #tpu.memory_space<vmem_shared>>
      %dma_start3A_107 = arith.constant 0 : i32
      %dma_start3A_108 = tpu.memref_slice %arg25[%add3A_37, %dma_start3A_107] : memref<10000x128xf32, #tpu.memory_space<vmem_shared>> -> memref<64x128xf32, #tpu.memory_space<vmem_shared>>
      %dma_start3A_109 = arith.constant 0 : i32
      %dma_start3A_110 = arith.constant 0 : i32
      %dma_start3A_111 = tpu.memref_slice %arg19[%dma_start3A_109, %dma_start3A_110] : memref<64x128xf32, #tpu.memory_space<vmem>> -> memref<64x128xf32, #tpu.memory_space<vmem>>
      tpu.enqueue_dma source(%dma_start3A_111 : memref<64x128xf32, #tpu.memory_space<vmem>>) target(%dma_start3A_108 : memref<64x128xf32, #tpu.memory_space<vmem_shared>>) target_semaphore(%run_scoped3A : memref<!tpu.dma_semaphore, #tpu.memory_space<semaphore_mem>>)
      %dma_wait3A_112 = arith.constant 0 : i32
      %dma_wait3A_113 = arith.constant 0 : i32
      %dma_wait3A_114 = tpu.memref_slice %arg19[%dma_wait3A_112, %dma_wait3A_113] : memref<64x128xf32, #tpu.memory_space<vmem>> -> memref<64x128xf32, #tpu.memory_space<vmem>>
      %dma_wait3A_115 = arith.constant 0 : i32
      %dma_wait3A_116 = tpu.memref_slice %arg25[%add3A_37, %dma_wait3A_115] : memref<10000x128xf32, #tpu.memory_space<vmem_shared>> -> memref<64x128xf32, #tpu.memory_space<vmem_shared>>
      %dma_wait3A_117 = arith.constant 0 : i32
      %dma_wait3A_118 = tpu.memref_slice %arg25[%add3A_37, %dma_wait3A_117] : memref<10000x128xf32, #tpu.memory_space<vmem_shared>> -> memref<64x128xf32, #tpu.memory_space<vmem_shared>>
      %dma_wait3A_119 = arith.constant 0 : i32
      %dma_wait3A_120 = arith.constant 0 : i32
      %dma_wait3A_121 = tpu.memref_slice %arg19[%dma_wait3A_119, %dma_wait3A_120] : memref<64x128xf32, #tpu.memory_space<vmem>> -> memref<64x128xf32, #tpu.memory_space<vmem>>
      tpu.wait_dma2 semaphore(%run_scoped3A : memref<!tpu.dma_semaphore, #tpu.memory_space<semaphore_mem>>) src(%dma_wait3A_121 : memref<64x128xf32, #tpu.memory_space<vmem>>) dst(%dma_wait3A_118 : memref<64x128xf32, #tpu.memory_space<vmem_shared>>)
      tpu.yield
    }) : () -> ()
    %mul3A_38 = arith.constant 624 : i32
    %mul3A_39 = arith.muli %arg1, %mul3A_38 : i32
    %add3A_40 = arith.constant 576 : i32
    %add3A_41 = arith.addi %mul3A_39, %add3A_40 : i32
    "tpu.region"() ({
      %run_scoped3A = tpu.sem_alloc : memref<!tpu.dma_semaphore, #tpu.memory_space<semaphore_mem>>
      %dma_start3A = arith.constant 0 : i32
      %dma_start3A_103 = arith.constant 0 : i32
      %dma_start3A_104 = tpu.memref_slice %arg19[%dma_start3A, %dma_start3A_103] : memref<64x128xf32, #tpu.memory_space<vmem>> -> memref<48x128xf32, #tpu.memory_space<vmem>>
      %dma_start3A_105 = arith.constant 0 : i32
      %dma_start3A_106 = tpu.memref_slice %arg25[%add3A_41, %dma_start3A_105] : memref<10000x128xf32, #tpu.memory_space<vmem_shared>> -> memref<48x128xf32, #tpu.memory_space<vmem_shared>>
      %dma_start3A_107 = arith.constant 0 : i32
      %dma_start3A_108 = tpu.memref_slice %arg25[%add3A_41, %dma_start3A_107] : memref<10000x128xf32, #tpu.memory_space<vmem_shared>> -> memref<48x128xf32, #tpu.memory_space<vmem_shared>>
      %dma_start3A_109 = arith.constant 0 : i32
      %dma_start3A_110 = arith.constant 0 : i32
      %dma_start3A_111 = tpu.memref_slice %arg19[%dma_start3A_109, %dma_start3A_110] : memref<64x128xf32, #tpu.memory_space<vmem>> -> memref<48x128xf32, #tpu.memory_space<vmem>>
      tpu.enqueue_dma source(%dma_start3A_111 : memref<48x128xf32, #tpu.memory_space<vmem>>) target(%dma_start3A_108 : memref<48x128xf32, #tpu.memory_space<vmem_shared>>) target_semaphore(%run_scoped3A : memref<!tpu.dma_semaphore, #tpu.memory_space<semaphore_mem>>)
      %dma_wait3A_112 = arith.constant 0 : i32
      %dma_wait3A_113 = arith.constant 0 : i32
      %dma_wait3A_114 = tpu.memref_slice %arg19[%dma_wait3A_112, %dma_wait3A_113] : memref<64x128xf32, #tpu.memory_space<vmem>> -> memref<48x128xf32, #tpu.memory_space<vmem>>
      %dma_wait3A_115 = arith.constant 0 : i32
      %dma_wait3A_116 = tpu.memref_slice %arg25[%add3A_41, %dma_wait3A_115] : memref<10000x128xf32, #tpu.memory_space<vmem_shared>> -> memref<48x128xf32, #tpu.memory_space<vmem_shared>>
      %dma_wait3A_117 = arith.constant 0 : i32
      %dma_wait3A_118 = tpu.memref_slice %arg25[%add3A_41, %dma_wait3A_117] : memref<10000x128xf32, #tpu.memory_space<vmem_shared>> -> memref<48x128xf32, #tpu.memory_space<vmem_shared>>
      %dma_wait3A_119 = arith.constant 0 : i32
      %dma_wait3A_120 = arith.constant 0 : i32
      %dma_wait3A_121 = tpu.memref_slice %arg19[%dma_wait3A_119, %dma_wait3A_120] : memref<64x128xf32, #tpu.memory_space<vmem>> -> memref<48x128xf32, #tpu.memory_space<vmem>>
      tpu.wait_dma2 semaphore(%run_scoped3A : memref<!tpu.dma_semaphore, #tpu.memory_space<semaphore_mem>>) src(%dma_wait3A_121 : memref<48x128xf32, #tpu.memory_space<vmem>>) dst(%dma_wait3A_118 : memref<48x128xf32, #tpu.memory_space<vmem_shared>>)
      tpu.yield
    }) : () -> ()
    %eq3A = arith.constant 15 : i32
    %eq3A_42 = arith.cmpi eq, %arg1, %eq3A : i32
    %convert_element_type3A = arith.extui %eq3A_42 : i1 to i32
    %cond3A = arith.constant 0 : i32
    %cond3A_43 = arith.cmpi ne, %convert_element_type3A, %cond3A : i32
    scf.if %cond3A_43 {
      "tpu.region"() ({
        %run_scoped3A = tpu.sem_alloc : memref<!tpu.dma_semaphore, #tpu.memory_space<semaphore_mem>>
        %dma_start3A = arith.constant 0 : i32
        %dma_start3A_103 = arith.constant 0 : i32
        %dma_start3A_104 = tpu.memref_slice %arg19[%dma_start3A, %dma_start3A_103] : memref<64x128xf32, #tpu.memory_space<vmem>> -> memref<16x128xf32, #tpu.memory_space<vmem>>
        %dma_start3A_105 = arith.constant 9984 : i32
        %dma_start3A_106 = arith.constant 0 : i32
        %dma_start3A_107 = tpu.memref_slice %arg25[%dma_start3A_105, %dma_start3A_106] : memref<10000x128xf32, #tpu.memory_space<vmem_shared>> -> memref<16x128xf32, #tpu.memory_space<vmem_shared>>
        %dma_start3A_108 = arith.constant 9984 : i32
        %dma_start3A_109 = arith.constant 0 : i32
        %dma_start3A_110 = tpu.memref_slice %arg25[%dma_start3A_108, %dma_start3A_109] : memref<10000x128xf32, #tpu.memory_space<vmem_shared>> -> memref<16x128xf32, #tpu.memory_space<vmem_shared>>
        %dma_start3A_111 = arith.constant 0 : i32
        %dma_start3A_112 = arith.constant 0 : i32
        %dma_start3A_113 = tpu.memref_slice %arg19[%dma_start3A_111, %dma_start3A_112] : memref<64x128xf32, #tpu.memory_space<vmem>> -> memref<16x128xf32, #tpu.memory_space<vmem>>
        tpu.enqueue_dma source(%dma_start3A_113 : memref<16x128xf32, #tpu.memory_space<vmem>>) target(%dma_start3A_110 : memref<16x128xf32, #tpu.memory_space<vmem_shared>>) target_semaphore(%run_scoped3A : memref<!tpu.dma_semaphore, #tpu.memory_space<semaphore_mem>>)
        %dma_wait3A_114 = arith.constant 0 : i32
        %dma_wait3A_115 = arith.constant 0 : i32
        %dma_wait3A_116 = tpu.memref_slice %arg19[%dma_wait3A_114, %dma_wait3A_115] : memref<64x128xf32, #tpu.memory_space<vmem>> -> memref<16x128xf32, #tpu.memory_space<vmem>>
        %dma_wait3A_117 = arith.constant 9984 : i32
        %dma_wait3A_118 = arith.constant 0 : i32
        %dma_wait3A_119 = tpu.memref_slice %arg25[%dma_wait3A_117, %dma_wait3A_118] : memref<10000x128xf32, #tpu.memory_space<vmem_shared>> -> memref<16x128xf32, #tpu.memory_space<vmem_shared>>
        %dma_wait3A_120 = arith.constant 9984 : i32
        %dma_wait3A_121 = arith.constant 0 : i32
        %dma_wait3A_122 = tpu.memref_slice %arg25[%dma_wait3A_120, %dma_wait3A_121] : memref<10000x128xf32, #tpu.memory_space<vmem_shared>> -> memref<16x128xf32, #tpu.memory_space<vmem_shared>>
        %dma_wait3A_123 = arith.constant 0 : i32
        %dma_wait3A_124 = arith.constant 0 : i32
        %dma_wait3A_125 = tpu.memref_slice %arg19[%dma_wait3A_123, %dma_wait3A_124] : memref<64x128xf32, #tpu.memory_space<vmem>> -> memref<16x128xf32, #tpu.memory_space<vmem>>
        tpu.wait_dma2 semaphore(%run_scoped3A : memref<!tpu.dma_semaphore, #tpu.memory_space<semaphore_mem>>) src(%dma_wait3A_125 : memref<16x128xf32, #tpu.memory_space<vmem>>) dst(%dma_wait3A_122 : memref<16x128xf32, #tpu.memory_space<vmem_shared>>)
        tpu.yield
      }) : () -> ()
    } else {
    }
    %barrier3A = arith.constant 0 : index
    tpu.barrier barrier_id(%barrier3A)
    %scan3A_44 = arith.constant 0 : i32
    %scan3A_45 = arith.constant 26 : i32
    %scan3A_46 = arith.addi %scan3A_44, %scan3A_45 : i32
    %scan3A_47 = arith.constant 1 : i32
    scf.for %scan3A_103 = %scan3A_44 to %scan3A_46 step %scan3A_47  : i32 {
      %mul3A_104 = arith.constant 1 : i32
      %mul3A_105 = arith.muli %scan3A_103, %mul3A_104 : i32
      %add3A_106 = arith.constant 0 : i32
      %add3A_107 = arith.addi %add3A_106, %mul3A_105 : i32
      %mul3A_108 = arith.constant 6 : i32
      %mul3A_109 = arith.muli %add3A_107, %mul3A_108 : i32
      %add3A_110 = arith.constant 0 : i32
      %add3A_111 = arith.addi %mul3A_109, %add3A_110 : i32
      %gt3A = arith.constant 0 : i32
      %gt3A_112 = arith.cmpi sgt, %add3A_107, %gt3A : i32
      %convert_element_type3A_113 = arith.extui %gt3A_112 : i1 to i32
      %cond3A_114 = arith.constant 0 : i32
      %cond3A_115 = arith.cmpi ne, %convert_element_type3A_113, %cond3A_114 : i32
      scf.if %cond3A_115 {
        %dma_wait3A_424 = arith.constant 0 : i32
        %dma_wait3A_425 = arith.constant 0 : i32
        %dma_wait3A_426 = arith.constant 0 : i32
        %dma_wait3A_427 = tpu.memref_slice %arg25[%dma_wait3A_425, %dma_wait3A_426] : memref<10000x128xf32, #tpu.memory_space<vmem_shared>> -> memref<10000x128xf32, #tpu.memory_space<vmem_shared>>
        %dma_wait3A_428 = tpu.memref_slice %arg30[%dma_wait3A_424] : memref<3x!tpu.dma_semaphore, #tpu.memory_space<semaphore_mem>> -> memref<1x!tpu.dma_semaphore, #tpu.memory_space<semaphore_mem>>
        %dma_wait3A_429 = tpu.memref_squeeze %dma_wait3A_428 : memref<1x!tpu.dma_semaphore, #tpu.memory_space<semaphore_mem>> -> memref<!tpu.dma_semaphore, #tpu.memory_space<semaphore_mem>>
        tpu.wait_indirect_dma semaphore(%dma_wait3A_429 : memref<!tpu.dma_semaphore, #tpu.memory_space<semaphore_mem>>) src(%arg19 : memref<64x128xf32, #tpu.memory_space<vmem>>) dst(%dma_wait3A_427 : memref<10000x128xf32, #tpu.memory_space<vmem_shared>>)
        %dma_wait3A_430 = arith.constant 1 : i32
        %dma_wait3A_431 = arith.constant 0 : i32
        %dma_wait3A_432 = arith.constant 0 : i32
        %dma_wait3A_433 = tpu.memref_slice %arg25[%dma_wait3A_431, %dma_wait3A_432] : memref<10000x128xf32, #tpu.memory_space<vmem_shared>> -> memref<10000x128xf32, #tpu.memory_space<vmem_shared>>
        %dma_wait3A_434 = tpu.memref_slice %arg30[%dma_wait3A_430] : memref<3x!tpu.dma_semaphore, #tpu.memory_space<semaphore_mem>> -> memref<1x!tpu.dma_semaphore, #tpu.memory_space<semaphore_mem>>
        %dma_wait3A_435 = tpu.memref_squeeze %dma_wait3A_434 : memref<1x!tpu.dma_semaphore, #tpu.memory_space<semaphore_mem>> -> memref<!tpu.dma_semaphore, #tpu.memory_space<semaphore_mem>>
        tpu.wait_indirect_dma semaphore(%dma_wait3A_435 : memref<!tpu.dma_semaphore, #tpu.memory_space<semaphore_mem>>) src(%arg20 : memref<64x128xf32, #tpu.memory_space<vmem>>) dst(%dma_wait3A_433 : memref<10000x128xf32, #tpu.memory_space<vmem_shared>>)
        %dma_wait3A_436 = arith.constant 2 : i32
        %dma_wait3A_437 = arith.constant 0 : i32
        %dma_wait3A_438 = arith.constant 0 : i32
        %dma_wait3A_439 = tpu.memref_slice %arg25[%dma_wait3A_437, %dma_wait3A_438] : memref<10000x128xf32, #tpu.memory_space<vmem_shared>> -> memref<10000x128xf32, #tpu.memory_space<vmem_shared>>
        %dma_wait3A_440 = tpu.memref_slice %arg30[%dma_wait3A_436] : memref<3x!tpu.dma_semaphore, #tpu.memory_space<semaphore_mem>> -> memref<1x!tpu.dma_semaphore, #tpu.memory_space<semaphore_mem>>
        %dma_wait3A_441 = tpu.memref_squeeze %dma_wait3A_440 : memref<1x!tpu.dma_semaphore, #tpu.memory_space<semaphore_mem>> -> memref<!tpu.dma_semaphore, #tpu.memory_space<semaphore_mem>>
        tpu.wait_indirect_dma semaphore(%dma_wait3A_441 : memref<!tpu.dma_semaphore, #tpu.memory_space<semaphore_mem>>) src(%arg21 : memref<64x128xf32, #tpu.memory_space<vmem>>) dst(%dma_wait3A_439 : memref<10000x128xf32, #tpu.memory_space<vmem_shared>>)
      } else {
      }
      %mul3A_116 = arith.constant 160000 : i32
      %mul3A_117 = arith.muli %arg0, %mul3A_116 : i32
      %mul3A_118 = arith.constant 10000 : i32
      %mul3A_119 = arith.muli %arg1, %mul3A_118 : i32
      %add3A_120 = arith.addi %mul3A_117, %mul3A_119 : i32
      %add3A_121 = arith.constant 0 : i32
      %add3A_122 = arith.addi %add3A_111, %add3A_121 : i32
      %mul3A_123 = arith.constant 64 : i32
      %mul3A_124 = arith.muli %add3A_122, %mul3A_123 : i32
      %add3A_125 = arith.addi %add3A_120, %mul3A_124 : i32
      %dma_start3A = arith.constant 0 : i32
      %dma_start3A_126 = tpu.memref_slice %arg3[%add3A_125] : memref<640000xi32, #tpu.memory_space<hbm>> -> memref<64xi32, #tpu.memory_space<hbm>>
      %dma_start3A_127 = tpu.memref_slice %arg26[%dma_start3A] : memref<3x!tpu.dma_semaphore, #tpu.memory_space<semaphore_mem>> -> memref<1x!tpu.dma_semaphore, #tpu.memory_space<semaphore_mem>>
      %dma_start3A_128 = tpu.memref_squeeze %dma_start3A_127 : memref<1x!tpu.dma_semaphore, #tpu.memory_space<semaphore_mem>> -> memref<!tpu.dma_semaphore, #tpu.memory_space<semaphore_mem>>
      %dma_start3A_129 = tpu.memref_slice %arg3[%add3A_125] : memref<640000xi32, #tpu.memory_space<hbm>> -> memref<64xi32, #tpu.memory_space<hbm>>
      tpu.enqueue_dma source(%dma_start3A_129 : memref<64xi32, #tpu.memory_space<hbm>>) target(%arg5 : memref<64xi32, #tpu.memory_space<vmem>>) target_semaphore(%dma_start3A_128 : memref<!tpu.dma_semaphore, #tpu.memory_space<semaphore_mem>>)
      %add3A_130 = arith.constant 320000 : i32
      %add3A_131 = arith.addi %add3A_130, %add3A_125 : i32
      %dma_start3A_132 = arith.constant 0 : i32
      %dma_start3A_133 = tpu.memref_slice %arg3[%add3A_131] : memref<640000xi32, #tpu.memory_space<hbm>> -> memref<64xi32, #tpu.memory_space<hbm>>
      %dma_start3A_134 = tpu.memref_slice %arg26[%dma_start3A_132] : memref<3x!tpu.dma_semaphore, #tpu.memory_space<semaphore_mem>> -> memref<1x!tpu.dma_semaphore, #tpu.memory_space<semaphore_mem>>
      %dma_start3A_135 = tpu.memref_squeeze %dma_start3A_134 : memref<1x!tpu.dma_semaphore, #tpu.memory_space<semaphore_mem>> -> memref<!tpu.dma_semaphore, #tpu.memory_space<semaphore_mem>>
      %dma_start3A_136 = tpu.memref_slice %arg3[%add3A_131] : memref<640000xi32, #tpu.memory_space<hbm>> -> memref<64xi32, #tpu.memory_space<hbm>>
      tpu.enqueue_dma source(%dma_start3A_136 : memref<64xi32, #tpu.memory_space<hbm>>) target(%arg11 : memref<64xi32, #tpu.memory_space<vmem>>) target_semaphore(%dma_start3A_135 : memref<!tpu.dma_semaphore, #tpu.memory_space<semaphore_mem>>)
      %mul3A_137 = arith.constant 160000 : i32
      %mul3A_138 = arith.muli %arg0, %mul3A_137 : i32
      %mul3A_139 = arith.constant 10000 : i32
      %mul3A_140 = arith.muli %arg1, %mul3A_139 : i32
      %add3A_141 = arith.addi %mul3A_138, %mul3A_140 : i32
      %add3A_142 = arith.constant 1 : i32
      %add3A_143 = arith.addi %add3A_111, %add3A_142 : i32
      %mul3A_144 = arith.constant 64 : i32
      %mul3A_145 = arith.muli %add3A_143, %mul3A_144 : i32
      %add3A_146 = arith.addi %add3A_141, %mul3A_145 : i32
      %dma_start3A_147 = arith.constant 1 : i32
      %dma_start3A_148 = tpu.memref_slice %arg3[%add3A_146] : memref<640000xi32, #tpu.memory_space<hbm>> -> memref<64xi32, #tpu.memory_space<hbm>>
      %dma_start3A_149 = tpu.memref_slice %arg26[%dma_start3A_147] : memref<3x!tpu.dma_semaphore, #tpu.memory_space<semaphore_mem>> -> memref<1x!tpu.dma_semaphore, #tpu.memory_space<semaphore_mem>>
      %dma_start3A_150 = tpu.memref_squeeze %dma_start3A_149 : memref<1x!tpu.dma_semaphore, #tpu.memory_space<semaphore_mem>> -> memref<!tpu.dma_semaphore, #tpu.memory_space<semaphore_mem>>
      %dma_start3A_151 = tpu.memref_slice %arg3[%add3A_146] : memref<640000xi32, #tpu.memory_space<hbm>> -> memref<64xi32, #tpu.memory_space<hbm>>
      tpu.enqueue_dma source(%dma_start3A_151 : memref<64xi32, #tpu.memory_space<hbm>>) target(%arg6 : memref<64xi32, #tpu.memory_space<vmem>>) target_semaphore(%dma_start3A_150 : memref<!tpu.dma_semaphore, #tpu.memory_space<semaphore_mem>>)
      %add3A_152 = arith.constant 320000 : i32
      %add3A_153 = arith.addi %add3A_152, %add3A_146 : i32
      %dma_start3A_154 = arith.constant 1 : i32
      %dma_start3A_155 = tpu.memref_slice %arg3[%add3A_153] : memref<640000xi32, #tpu.memory_space<hbm>> -> memref<64xi32, #tpu.memory_space<hbm>>
      %dma_start3A_156 = tpu.memref_slice %arg26[%dma_start3A_154] : memref<3x!tpu.dma_semaphore, #tpu.memory_space<semaphore_mem>> -> memref<1x!tpu.dma_semaphore, #tpu.memory_space<semaphore_mem>>
      %dma_start3A_157 = tpu.memref_squeeze %dma_start3A_156 : memref<1x!tpu.dma_semaphore, #tpu.memory_space<semaphore_mem>> -> memref<!tpu.dma_semaphore, #tpu.memory_space<semaphore_mem>>
      %dma_start3A_158 = tpu.memref_slice %arg3[%add3A_153] : memref<640000xi32, #tpu.memory_space<hbm>> -> memref<64xi32, #tpu.memory_space<hbm>>
      tpu.enqueue_dma source(%dma_start3A_158 : memref<64xi32, #tpu.memory_space<hbm>>) target(%arg12 : memref<64xi32, #tpu.memory_space<vmem>>) target_semaphore(%dma_start3A_157 : memref<!tpu.dma_semaphore, #tpu.memory_space<semaphore_mem>>)
      %mul3A_159 = arith.constant 160000 : i32
      %mul3A_160 = arith.muli %arg0, %mul3A_159 : i32
      %mul3A_161 = arith.constant 10000 : i32
      %mul3A_162 = arith.muli %arg1, %mul3A_161 : i32
      %add3A_163 = arith.addi %mul3A_160, %mul3A_162 : i32
      %add3A_164 = arith.constant 2 : i32
      %add3A_165 = arith.addi %add3A_111, %add3A_164 : i32
      %mul3A_166 = arith.constant 64 : i32
      %mul3A_167 = arith.muli %add3A_165, %mul3A_166 : i32
      %add3A_168 = arith.addi %add3A_163, %mul3A_167 : i32
      %dma_start3A_169 = arith.constant 2 : i32
      %dma_start3A_170 = tpu.memref_slice %arg3[%add3A_168] : memref<640000xi32, #tpu.memory_space<hbm>> -> memref<64xi32, #tpu.memory_space<hbm>>
      %dma_start3A_171 = tpu.memref_slice %arg26[%dma_start3A_169] : memref<3x!tpu.dma_semaphore, #tpu.memory_space<semaphore_mem>> -> memref<1x!tpu.dma_semaphore, #tpu.memory_space<semaphore_mem>>
      %dma_start3A_172 = tpu.memref_squeeze %dma_start3A_171 : memref<1x!tpu.dma_semaphore, #tpu.memory_space<semaphore_mem>> -> memref<!tpu.dma_semaphore, #tpu.memory_space<semaphore_mem>>
      %dma_start3A_173 = tpu.memref_slice %arg3[%add3A_168] : memref<640000xi32, #tpu.memory_space<hbm>> -> memref<64xi32, #tpu.memory_space<hbm>>
      tpu.enqueue_dma source(%dma_start3A_173 : memref<64xi32, #tpu.memory_space<hbm>>) target(%arg7 : memref<64xi32, #tpu.memory_space<vmem>>) target_semaphore(%dma_start3A_172 : memref<!tpu.dma_semaphore, #tpu.memory_space<semaphore_mem>>)
      %add3A_174 = arith.constant 320000 : i32
      %add3A_175 = arith.addi %add3A_174, %add3A_168 : i32
      %dma_start3A_176 = arith.constant 2 : i32
      %dma_start3A_177 = tpu.memref_slice %arg3[%add3A_175] : memref<640000xi32, #tpu.memory_space<hbm>> -> memref<64xi32, #tpu.memory_space<hbm>>
      %dma_start3A_178 = tpu.memref_slice %arg26[%dma_start3A_176] : memref<3x!tpu.dma_semaphore, #tpu.memory_space<semaphore_mem>> -> memref<1x!tpu.dma_semaphore, #tpu.memory_space<semaphore_mem>>
      %dma_start3A_179 = tpu.memref_squeeze %dma_start3A_178 : memref<1x!tpu.dma_semaphore, #tpu.memory_space<semaphore_mem>> -> memref<!tpu.dma_semaphore, #tpu.memory_space<semaphore_mem>>
      %dma_start3A_180 = tpu.memref_slice %arg3[%add3A_175] : memref<640000xi32, #tpu.memory_space<hbm>> -> memref<64xi32, #tpu.memory_space<hbm>>
      tpu.enqueue_dma source(%dma_start3A_180 : memref<64xi32, #tpu.memory_space<hbm>>) target(%arg13 : memref<64xi32, #tpu.memory_space<vmem>>) target_semaphore(%dma_start3A_179 : memref<!tpu.dma_semaphore, #tpu.memory_space<semaphore_mem>>)
      %dma_wait3A_181 = arith.constant 0 : i32
      %dma_wait3A_182 = tpu.memref_slice %arg3[%add3A_125] : memref<640000xi32, #tpu.memory_space<hbm>> -> memref<64xi32, #tpu.memory_space<hbm>>
      %dma_wait3A_183 = tpu.memref_slice %arg26[%dma_wait3A_181] : memref<3x!tpu.dma_semaphore, #tpu.memory_space<semaphore_mem>> -> memref<1x!tpu.dma_semaphore, #tpu.memory_space<semaphore_mem>>
      %dma_wait3A_184 = tpu.memref_squeeze %dma_wait3A_183 : memref<1x!tpu.dma_semaphore, #tpu.memory_space<semaphore_mem>> -> memref<!tpu.dma_semaphore, #tpu.memory_space<semaphore_mem>>
      %dma_wait3A_185 = tpu.memref_slice %arg3[%add3A_125] : memref<640000xi32, #tpu.memory_space<hbm>> -> memref<64xi32, #tpu.memory_space<hbm>>
      tpu.wait_dma2 semaphore(%dma_wait3A_184 : memref<!tpu.dma_semaphore, #tpu.memory_space<semaphore_mem>>) src(%dma_wait3A_185 : memref<64xi32, #tpu.memory_space<hbm>>) dst(%arg5 : memref<64xi32, #tpu.memory_space<vmem>>)
      %dma_wait3A_186 = arith.constant 0 : i32
      %dma_wait3A_187 = tpu.memref_slice %arg3[%add3A_131] : memref<640000xi32, #tpu.memory_space<hbm>> -> memref<64xi32, #tpu.memory_space<hbm>>
      %dma_wait3A_188 = tpu.memref_slice %arg26[%dma_wait3A_186] : memref<3x!tpu.dma_semaphore, #tpu.memory_space<semaphore_mem>> -> memref<1x!tpu.dma_semaphore, #tpu.memory_space<semaphore_mem>>
      %dma_wait3A_189 = tpu.memref_squeeze %dma_wait3A_188 : memref<1x!tpu.dma_semaphore, #tpu.memory_space<semaphore_mem>> -> memref<!tpu.dma_semaphore, #tpu.memory_space<semaphore_mem>>
      %dma_wait3A_190 = tpu.memref_slice %arg3[%add3A_131] : memref<640000xi32, #tpu.memory_space<hbm>> -> memref<64xi32, #tpu.memory_space<hbm>>
      tpu.wait_dma2 semaphore(%dma_wait3A_189 : memref<!tpu.dma_semaphore, #tpu.memory_space<semaphore_mem>>) src(%dma_wait3A_190 : memref<64xi32, #tpu.memory_space<hbm>>) dst(%arg11 : memref<64xi32, #tpu.memory_space<vmem>>)
      %dma_start3A_191 = arith.constant 0 : i32
      %dma_start3A_192 = arith.constant 0 : i32
      %dma_start3A_193 = arith.constant 0 : i32
      %dma_start3A_194 = tpu.memref_slice %arg2[%dma_start3A_192, %dma_start3A_193] : memref<10000x128xf32, #tpu.memory_space<hbm>> -> memref<10000x128xf32, #tpu.memory_space<hbm>>
      %dma_start3A_195 = tpu.memref_slice %arg28[%dma_start3A_191] : memref<3x!tpu.dma_semaphore, #tpu.memory_space<semaphore_mem>> -> memref<1x!tpu.dma_semaphore, #tpu.memory_space<semaphore_mem>>
      %dma_start3A_196 = tpu.memref_squeeze %dma_start3A_195 : memref<1x!tpu.dma_semaphore, #tpu.memory_space<semaphore_mem>> -> memref<!tpu.dma_semaphore, #tpu.memory_space<semaphore_mem>>
      tpu.enqueue_indirect_dma source(%dma_start3A_194 : memref<10000x128xf32, #tpu.memory_space<hbm>>) target(%arg19 : memref<64x128xf32, #tpu.memory_space<vmem>>) offsets(%arg5 : memref<64xi32, #tpu.memory_space<vmem>>) semaphore(%dma_start3A_196 : memref<!tpu.dma_semaphore, #tpu.memory_space<semaphore_mem>>)
      %dma_wait3A_197 = arith.constant 1 : i32
      %dma_wait3A_198 = tpu.memref_slice %arg3[%add3A_146] : memref<640000xi32, #tpu.memory_space<hbm>> -> memref<64xi32, #tpu.memory_space<hbm>>
      %dma_wait3A_199 = tpu.memref_slice %arg26[%dma_wait3A_197] : memref<3x!tpu.dma_semaphore, #tpu.memory_space<semaphore_mem>> -> memref<1x!tpu.dma_semaphore, #tpu.memory_space<semaphore_mem>>
      %dma_wait3A_200 = tpu.memref_squeeze %dma_wait3A_199 : memref<1x!tpu.dma_semaphore, #tpu.memory_space<semaphore_mem>> -> memref<!tpu.dma_semaphore, #tpu.memory_space<semaphore_mem>>
      %dma_wait3A_201 = tpu.memref_slice %arg3[%add3A_146] : memref<640000xi32, #tpu.memory_space<hbm>> -> memref<64xi32, #tpu.memory_space<hbm>>
      tpu.wait_dma2 semaphore(%dma_wait3A_200 : memref<!tpu.dma_semaphore, #tpu.memory_space<semaphore_mem>>) src(%dma_wait3A_201 : memref<64xi32, #tpu.memory_space<hbm>>) dst(%arg6 : memref<64xi32, #tpu.memory_space<vmem>>)
      %dma_wait3A_202 = arith.constant 1 : i32
      %dma_wait3A_203 = tpu.memref_slice %arg3[%add3A_153] : memref<640000xi32, #tpu.memory_space<hbm>> -> memref<64xi32, #tpu.memory_space<hbm>>
      %dma_wait3A_204 = tpu.memref_slice %arg26[%dma_wait3A_202] : memref<3x!tpu.dma_semaphore, #tpu.memory_space<semaphore_mem>> -> memref<1x!tpu.dma_semaphore, #tpu.memory_space<semaphore_mem>>
      %dma_wait3A_205 = tpu.memref_squeeze %dma_wait3A_204 : memref<1x!tpu.dma_semaphore, #tpu.memory_space<semaphore_mem>> -> memref<!tpu.dma_semaphore, #tpu.memory_space<semaphore_mem>>
      %dma_wait3A_206 = tpu.memref_slice %arg3[%add3A_153] : memref<640000xi32, #tpu.memory_space<hbm>> -> memref<64xi32, #tpu.memory_space<hbm>>
      tpu.wait_dma2 semaphore(%dma_wait3A_205 : memref<!tpu.dma_semaphore, #tpu.memory_space<semaphore_mem>>) src(%dma_wait3A_206 : memref<64xi32, #tpu.memory_space<hbm>>) dst(%arg12 : memref<64xi32, #tpu.memory_space<vmem>>)
      %dma_start3A_207 = arith.constant 1 : i32
      %dma_start3A_208 = arith.constant 0 : i32
      %dma_start3A_209 = arith.constant 0 : i32
      %dma_start3A_210 = tpu.memref_slice %arg2[%dma_start3A_208, %dma_start3A_209] : memref<10000x128xf32, #tpu.memory_space<hbm>> -> memref<10000x128xf32, #tpu.memory_space<hbm>>
      %dma_start3A_211 = tpu.memref_slice %arg28[%dma_start3A_207] : memref<3x!tpu.dma_semaphore, #tpu.memory_space<semaphore_mem>> -> memref<1x!tpu.dma_semaphore, #tpu.memory_space<semaphore_mem>>
      %dma_start3A_212 = tpu.memref_squeeze %dma_start3A_211 : memref<1x!tpu.dma_semaphore, #tpu.memory_space<semaphore_mem>> -> memref<!tpu.dma_semaphore, #tpu.memory_space<semaphore_mem>>
      tpu.enqueue_indirect_dma source(%dma_start3A_210 : memref<10000x128xf32, #tpu.memory_space<hbm>>) target(%arg20 : memref<64x128xf32, #tpu.memory_space<vmem>>) offsets(%arg6 : memref<64xi32, #tpu.memory_space<vmem>>) semaphore(%dma_start3A_212 : memref<!tpu.dma_semaphore, #tpu.memory_space<semaphore_mem>>)
      %dma_wait3A_213 = arith.constant 2 : i32
      %dma_wait3A_214 = tpu.memref_slice %arg3[%add3A_168] : memref<640000xi32, #tpu.memory_space<hbm>> -> memref<64xi32, #tpu.memory_space<hbm>>
      %dma_wait3A_215 = tpu.memref_slice %arg26[%dma_wait3A_213] : memref<3x!tpu.dma_semaphore, #tpu.memory_space<semaphore_mem>> -> memref<1x!tpu.dma_semaphore, #tpu.memory_space<semaphore_mem>>
      %dma_wait3A_216 = tpu.memref_squeeze %dma_wait3A_215 : memref<1x!tpu.dma_semaphore, #tpu.memory_space<semaphore_mem>> -> memref<!tpu.dma_semaphore, #tpu.memory_space<semaphore_mem>>
      %dma_wait3A_217 = tpu.memref_slice %arg3[%add3A_168] : memref<640000xi32, #tpu.memory_space<hbm>> -> memref<64xi32, #tpu.memory_space<hbm>>
      tpu.wait_dma2 semaphore(%dma_wait3A_216 : memref<!tpu.dma_semaphore, #tpu.memory_space<semaphore_mem>>) src(%dma_wait3A_217 : memref<64xi32, #tpu.memory_space<hbm>>) dst(%arg7 : memref<64xi32, #tpu.memory_space<vmem>>)
      %dma_wait3A_218 = arith.constant 2 : i32
      %dma_wait3A_219 = tpu.memref_slice %arg3[%add3A_175] : memref<640000xi32, #tpu.memory_space<hbm>> -> memref<64xi32, #tpu.memory_space<hbm>>
      %dma_wait3A_220 = tpu.memref_slice %arg26[%dma_wait3A_218] : memref<3x!tpu.dma_semaphore, #tpu.memory_space<semaphore_mem>> -> memref<1x!tpu.dma_semaphore, #tpu.memory_space<semaphore_mem>>
      %dma_wait3A_221 = tpu.memref_squeeze %dma_wait3A_220 : memref<1x!tpu.dma_semaphore, #tpu.memory_space<semaphore_mem>> -> memref<!tpu.dma_semaphore, #tpu.memory_space<semaphore_mem>>
      %dma_wait3A_222 = tpu.memref_slice %arg3[%add3A_175] : memref<640000xi32, #tpu.memory_space<hbm>> -> memref<64xi32, #tpu.memory_space<hbm>>
      tpu.wait_dma2 semaphore(%dma_wait3A_221 : memref<!tpu.dma_semaphore, #tpu.memory_space<semaphore_mem>>) src(%dma_wait3A_222 : memref<64xi32, #tpu.memory_space<hbm>>) dst(%arg13 : memref<64xi32, #tpu.memory_space<vmem>>)
      %dma_start3A_223 = arith.constant 2 : i32
      %dma_start3A_224 = arith.constant 0 : i32
      %dma_start3A_225 = arith.constant 0 : i32
      %dma_start3A_226 = tpu.memref_slice %arg2[%dma_start3A_224, %dma_start3A_225] : memref<10000x128xf32, #tpu.memory_space<hbm>> -> memref<10000x128xf32, #tpu.memory_space<hbm>>
      %dma_start3A_227 = tpu.memref_slice %arg28[%dma_start3A_223] : memref<3x!tpu.dma_semaphore, #tpu.memory_space<semaphore_mem>> -> memref<1x!tpu.dma_semaphore, #tpu.memory_space<semaphore_mem>>
      %dma_start3A_228 = tpu.memref_squeeze %dma_start3A_227 : memref<1x!tpu.dma_semaphore, #tpu.memory_space<semaphore_mem>> -> memref<!tpu.dma_semaphore, #tpu.memory_space<semaphore_mem>>
      tpu.enqueue_indirect_dma source(%dma_start3A_226 : memref<10000x128xf32, #tpu.memory_space<hbm>>) target(%arg21 : memref<64x128xf32, #tpu.memory_space<vmem>>) offsets(%arg7 : memref<64xi32, #tpu.memory_space<vmem>>) semaphore(%dma_start3A_228 : memref<!tpu.dma_semaphore, #tpu.memory_space<semaphore_mem>>)
      %dma_wait3A_229 = arith.constant 0 : i32
      %dma_wait3A_230 = arith.constant 0 : i32
      %dma_wait3A_231 = arith.constant 0 : i32
      %dma_wait3A_232 = tpu.memref_slice %arg2[%dma_wait3A_230, %dma_wait3A_231] : memref<10000x128xf32, #tpu.memory_space<hbm>> -> memref<10000x128xf32, #tpu.memory_space<hbm>>
      %dma_wait3A_233 = tpu.memref_slice %arg28[%dma_wait3A_229] : memref<3x!tpu.dma_semaphore, #tpu.memory_space<semaphore_mem>> -> memref<1x!tpu.dma_semaphore, #tpu.memory_space<semaphore_mem>>
      %dma_wait3A_234 = tpu.memref_squeeze %dma_wait3A_233 : memref<1x!tpu.dma_semaphore, #tpu.memory_space<semaphore_mem>> -> memref<!tpu.dma_semaphore, #tpu.memory_space<semaphore_mem>>
      tpu.wait_indirect_dma semaphore(%dma_wait3A_234 : memref<!tpu.dma_semaphore, #tpu.memory_space<semaphore_mem>>) src(%dma_wait3A_232 : memref<10000x128xf32, #tpu.memory_space<hbm>>) dst(%arg19 : memref<64x128xf32, #tpu.memory_space<vmem>>)
      %dma_start3A_235 = arith.constant 0 : i32
      %dma_start3A_236 = arith.constant 0 : i32
      %dma_start3A_237 = arith.constant 0 : i32
      %dma_start3A_238 = tpu.memref_slice %arg25[%dma_start3A_236, %dma_start3A_237] : memref<10000x128xf32, #tpu.memory_space<vmem_shared>> -> memref<10000x128xf32, #tpu.memory_space<vmem_shared>>
      %dma_start3A_239 = tpu.memref_slice %arg30[%dma_start3A_235] : memref<3x!tpu.dma_semaphore, #tpu.memory_space<semaphore_mem>> -> memref<1x!tpu.dma_semaphore, #tpu.memory_space<semaphore_mem>>
      %dma_start3A_240 = tpu.memref_squeeze %dma_start3A_239 : memref<1x!tpu.dma_semaphore, #tpu.memory_space<semaphore_mem>> -> memref<!tpu.dma_semaphore, #tpu.memory_space<semaphore_mem>>
      tpu.enqueue_indirect_dma source(%arg19 : memref<64x128xf32, #tpu.memory_space<vmem>>) target(%dma_start3A_238 : memref<10000x128xf32, #tpu.memory_space<vmem_shared>>) offsets(%arg11 : memref<64xi32, #tpu.memory_space<vmem>>) semaphore(%dma_start3A_240 : memref<!tpu.dma_semaphore, #tpu.memory_space<semaphore_mem>>) {add = true}
      %dma_wait3A_241 = arith.constant 1 : i32
      %dma_wait3A_242 = arith.constant 0 : i32
      %dma_wait3A_243 = arith.constant 0 : i32
      %dma_wait3A_244 = tpu.memref_slice %arg2[%dma_wait3A_242, %dma_wait3A_243] : memref<10000x128xf32, #tpu.memory_space<hbm>> -> memref<10000x128xf32, #tpu.memory_space<hbm>>
      %dma_wait3A_245 = tpu.memref_slice %arg28[%dma_wait3A_241] : memref<3x!tpu.dma_semaphore, #tpu.memory_space<semaphore_mem>> -> memref<1x!tpu.dma_semaphore, #tpu.memory_space<semaphore_mem>>
      %dma_wait3A_246 = tpu.memref_squeeze %dma_wait3A_245 : memref<1x!tpu.dma_semaphore, #tpu.memory_space<semaphore_mem>> -> memref<!tpu.dma_semaphore, #tpu.memory_space<semaphore_mem>>
      tpu.wait_indirect_dma semaphore(%dma_wait3A_246 : memref<!tpu.dma_semaphore, #tpu.memory_space<semaphore_mem>>) src(%dma_wait3A_244 : memref<10000x128xf32, #tpu.memory_space<hbm>>) dst(%arg20 : memref<64x128xf32, #tpu.memory_space<vmem>>)
      %dma_start3A_247 = arith.constant 1 : i32
      %dma_start3A_248 = arith.constant 0 : i32
      %dma_start3A_249 = arith.constant 0 : i32
      %dma_start3A_250 = tpu.memref_slice %arg25[%dma_start3A_248, %dma_start3A_249] : memref<10000x128xf32, #tpu.memory_space<vmem_shared>> -> memref<10000x128xf32, #tpu.memory_space<vmem_shared>>
      %dma_start3A_251 = tpu.memref_slice %arg30[%dma_start3A_247] : memref<3x!tpu.dma_semaphore, #tpu.memory_space<semaphore_mem>> -> memref<1x!tpu.dma_semaphore, #tpu.memory_space<semaphore_mem>>
      %dma_start3A_252 = tpu.memref_squeeze %dma_start3A_251 : memref<1x!tpu.dma_semaphore, #tpu.memory_space<semaphore_mem>> -> memref<!tpu.dma_semaphore, #tpu.memory_space<semaphore_mem>>
      tpu.enqueue_indirect_dma source(%arg20 : memref<64x128xf32, #tpu.memory_space<vmem>>) target(%dma_start3A_250 : memref<10000x128xf32, #tpu.memory_space<vmem_shared>>) offsets(%arg12 : memref<64xi32, #tpu.memory_space<vmem>>) semaphore(%dma_start3A_252 : memref<!tpu.dma_semaphore, #tpu.memory_space<semaphore_mem>>) {add = true}
      %dma_wait3A_253 = arith.constant 2 : i32
      %dma_wait3A_254 = arith.constant 0 : i32
      %dma_wait3A_255 = arith.constant 0 : i32
      %dma_wait3A_256 = tpu.memref_slice %arg2[%dma_wait3A_254, %dma_wait3A_255] : memref<10000x128xf32, #tpu.memory_space<hbm>> -> memref<10000x128xf32, #tpu.memory_space<hbm>>
      %dma_wait3A_257 = tpu.memref_slice %arg28[%dma_wait3A_253] : memref<3x!tpu.dma_semaphore, #tpu.memory_space<semaphore_mem>> -> memref<1x!tpu.dma_semaphore, #tpu.memory_space<semaphore_mem>>
      %dma_wait3A_258 = tpu.memref_squeeze %dma_wait3A_257 : memref<1x!tpu.dma_semaphore, #tpu.memory_space<semaphore_mem>> -> memref<!tpu.dma_semaphore, #tpu.memory_space<semaphore_mem>>
      tpu.wait_indirect_dma semaphore(%dma_wait3A_258 : memref<!tpu.dma_semaphore, #tpu.memory_space<semaphore_mem>>) src(%dma_wait3A_256 : memref<10000x128xf32, #tpu.memory_space<hbm>>) dst(%arg21 : memref<64x128xf32, #tpu.memory_space<vmem>>)
      %dma_start3A_259 = arith.constant 2 : i32
      %dma_start3A_260 = arith.constant 0 : i32
      %dma_start3A_261 = arith.constant 0 : i32
      %dma_start3A_262 = tpu.memref_slice %arg25[%dma_start3A_260, %dma_start3A_261] : memref<10000x128xf32, #tpu.memory_space<vmem_shared>> -> memref<10000x128xf32, #tpu.memory_space<vmem_shared>>
      %dma_start3A_263 = tpu.memref_slice %arg30[%dma_start3A_259] : memref<3x!tpu.dma_semaphore, #tpu.memory_space<semaphore_mem>> -> memref<1x!tpu.dma_semaphore, #tpu.memory_space<semaphore_mem>>
      %dma_start3A_264 = tpu.memref_squeeze %dma_start3A_263 : memref<1x!tpu.dma_semaphore, #tpu.memory_space<semaphore_mem>> -> memref<!tpu.dma_semaphore, #tpu.memory_space<semaphore_mem>>
      tpu.enqueue_indirect_dma source(%arg21 : memref<64x128xf32, #tpu.memory_space<vmem>>) target(%dma_start3A_262 : memref<10000x128xf32, #tpu.memory_space<vmem_shared>>) offsets(%arg13 : memref<64xi32, #tpu.memory_space<vmem>>) semaphore(%dma_start3A_264 : memref<!tpu.dma_semaphore, #tpu.memory_space<semaphore_mem>>) {add = true}
      %mul3A_265 = arith.constant 6 : i32
      %mul3A_266 = arith.muli %add3A_107, %mul3A_265 : i32
      %add3A_267 = arith.constant 3 : i32
      %add3A_268 = arith.addi %mul3A_266, %add3A_267 : i32
      %gt3A_269 = arith.constant 0 : i32
      %gt3A_270 = arith.cmpi sgt, %add3A_107, %gt3A_269 : i32
      %convert_element_type3A_271 = arith.extui %gt3A_270 : i1 to i32
      %cond3A_272 = arith.constant 0 : i32
      %cond3A_273 = arith.cmpi ne, %convert_element_type3A_271, %cond3A_272 : i32
      scf.if %cond3A_273 {
        %dma_wait3A_424 = arith.constant 0 : i32
        %dma_wait3A_425 = arith.constant 0 : i32
        %dma_wait3A_426 = arith.constant 0 : i32
        %dma_wait3A_427 = tpu.memref_slice %arg25[%dma_wait3A_425, %dma_wait3A_426] : memref<10000x128xf32, #tpu.memory_space<vmem_shared>> -> memref<10000x128xf32, #tpu.memory_space<vmem_shared>>
        %dma_wait3A_428 = tpu.memref_slice %arg31[%dma_wait3A_424] : memref<3x!tpu.dma_semaphore, #tpu.memory_space<semaphore_mem>> -> memref<1x!tpu.dma_semaphore, #tpu.memory_space<semaphore_mem>>
        %dma_wait3A_429 = tpu.memref_squeeze %dma_wait3A_428 : memref<1x!tpu.dma_semaphore, #tpu.memory_space<semaphore_mem>> -> memref<!tpu.dma_semaphore, #tpu.memory_space<semaphore_mem>>
        tpu.wait_indirect_dma semaphore(%dma_wait3A_429 : memref<!tpu.dma_semaphore, #tpu.memory_space<semaphore_mem>>) src(%arg22 : memref<64x128xf32, #tpu.memory_space<vmem>>) dst(%dma_wait3A_427 : memref<10000x128xf32, #tpu.memory_space<vmem_shared>>)
        %dma_wait3A_430 = arith.constant 1 : i32
        %dma_wait3A_431 = arith.constant 0 : i32
        %dma_wait3A_432 = arith.constant 0 : i32
        %dma_wait3A_433 = tpu.memref_slice %arg25[%dma_wait3A_431, %dma_wait3A_432] : memref<10000x128xf32, #tpu.memory_space<vmem_shared>> -> memref<10000x128xf32, #tpu.memory_space<vmem_shared>>
        %dma_wait3A_434 = tpu.memref_slice %arg31[%dma_wait3A_430] : memref<3x!tpu.dma_semaphore, #tpu.memory_space<semaphore_mem>> -> memref<1x!tpu.dma_semaphore, #tpu.memory_space<semaphore_mem>>
        %dma_wait3A_435 = tpu.memref_squeeze %dma_wait3A_434 : memref<1x!tpu.dma_semaphore, #tpu.memory_space<semaphore_mem>> -> memref<!tpu.dma_semaphore, #tpu.memory_space<semaphore_mem>>
        tpu.wait_indirect_dma semaphore(%dma_wait3A_435 : memref<!tpu.dma_semaphore, #tpu.memory_space<semaphore_mem>>) src(%arg23 : memref<64x128xf32, #tpu.memory_space<vmem>>) dst(%dma_wait3A_433 : memref<10000x128xf32, #tpu.memory_space<vmem_shared>>)
        %dma_wait3A_436 = arith.constant 2 : i32
        %dma_wait3A_437 = arith.constant 0 : i32
        %dma_wait3A_438 = arith.constant 0 : i32
        %dma_wait3A_439 = tpu.memref_slice %arg25[%dma_wait3A_437, %dma_wait3A_438] : memref<10000x128xf32, #tpu.memory_space<vmem_shared>> -> memref<10000x128xf32, #tpu.memory_space<vmem_shared>>
        %dma_wait3A_440 = tpu.memref_slice %arg31[%dma_wait3A_436] : memref<3x!tpu.dma_semaphore, #tpu.memory_space<semaphore_mem>> -> memref<1x!tpu.dma_semaphore, #tpu.memory_space<semaphore_mem>>
        %dma_wait3A_441 = tpu.memref_squeeze %dma_wait3A_440 : memref<1x!tpu.dma_semaphore, #tpu.memory_space<semaphore_mem>> -> memref<!tpu.dma_semaphore, #tpu.memory_space<semaphore_mem>>
        tpu.wait_indirect_dma semaphore(%dma_wait3A_441 : memref<!tpu.dma_semaphore, #tpu.memory_space<semaphore_mem>>) src(%arg24 : memref<64x128xf32, #tpu.memory_space<vmem>>) dst(%dma_wait3A_439 : memref<10000x128xf32, #tpu.memory_space<vmem_shared>>)
      } else {
      }
      %mul3A_274 = arith.constant 160000 : i32
      %mul3A_275 = arith.muli %arg0, %mul3A_274 : i32
      %mul3A_276 = arith.constant 10000 : i32
      %mul3A_277 = arith.muli %arg1, %mul3A_276 : i32
      %add3A_278 = arith.addi %mul3A_275, %mul3A_277 : i32
      %add3A_279 = arith.constant 0 : i32
      %add3A_280 = arith.addi %add3A_268, %add3A_279 : i32
      %mul3A_281 = arith.constant 64 : i32
      %mul3A_282 = arith.muli %add3A_280, %mul3A_281 : i32
      %add3A_283 = arith.addi %add3A_278, %mul3A_282 : i32
      %dma_start3A_284 = arith.constant 0 : i32
      %dma_start3A_285 = tpu.memref_slice %arg3[%add3A_283] : memref<640000xi32, #tpu.memory_space<hbm>> -> memref<64xi32, #tpu.memory_space<hbm>>
      %dma_start3A_286 = tpu.memref_slice %arg27[%dma_start3A_284] : memref<3x!tpu.dma_semaphore, #tpu.memory_space<semaphore_mem>> -> memref<1x!tpu.dma_semaphore, #tpu.memory_space<semaphore_mem>>
      %dma_start3A_287 = tpu.memref_squeeze %dma_start3A_286 : memref<1x!tpu.dma_semaphore, #tpu.memory_space<semaphore_mem>> -> memref<!tpu.dma_semaphore, #tpu.memory_space<semaphore_mem>>
      %dma_start3A_288 = tpu.memref_slice %arg3[%add3A_283] : memref<640000xi32, #tpu.memory_space<hbm>> -> memref<64xi32, #tpu.memory_space<hbm>>
      tpu.enqueue_dma source(%dma_start3A_288 : memref<64xi32, #tpu.memory_space<hbm>>) target(%arg8 : memref<64xi32, #tpu.memory_space<vmem>>) target_semaphore(%dma_start3A_287 : memref<!tpu.dma_semaphore, #tpu.memory_space<semaphore_mem>>)
      %add3A_289 = arith.constant 320000 : i32
      %add3A_290 = arith.addi %add3A_289, %add3A_283 : i32
      %dma_start3A_291 = arith.constant 0 : i32
      %dma_start3A_292 = tpu.memref_slice %arg3[%add3A_290] : memref<640000xi32, #tpu.memory_space<hbm>> -> memref<64xi32, #tpu.memory_space<hbm>>
      %dma_start3A_293 = tpu.memref_slice %arg27[%dma_start3A_291] : memref<3x!tpu.dma_semaphore, #tpu.memory_space<semaphore_mem>> -> memref<1x!tpu.dma_semaphore, #tpu.memory_space<semaphore_mem>>
      %dma_start3A_294 = tpu.memref_squeeze %dma_start3A_293 : memref<1x!tpu.dma_semaphore, #tpu.memory_space<semaphore_mem>> -> memref<!tpu.dma_semaphore, #tpu.memory_space<semaphore_mem>>
      %dma_start3A_295 = tpu.memref_slice %arg3[%add3A_290] : memref<640000xi32, #tpu.memory_space<hbm>> -> memref<64xi32, #tpu.memory_space<hbm>>
      tpu.enqueue_dma source(%dma_start3A_295 : memref<64xi32, #tpu.memory_space<hbm>>) target(%arg14 : memref<64xi32, #tpu.memory_space<vmem>>) target_semaphore(%dma_start3A_294 : memref<!tpu.dma_semaphore, #tpu.memory_space<semaphore_mem>>)
      %mul3A_296 = arith.constant 160000 : i32
      %mul3A_297 = arith.muli %arg0, %mul3A_296 : i32
      %mul3A_298 = arith.constant 10000 : i32
      %mul3A_299 = arith.muli %arg1, %mul3A_298 : i32
      %add3A_300 = arith.addi %mul3A_297, %mul3A_299 : i32
      %add3A_301 = arith.constant 1 : i32
      %add3A_302 = arith.addi %add3A_268, %add3A_301 : i32
      %mul3A_303 = arith.constant 64 : i32
      %mul3A_304 = arith.muli %add3A_302, %mul3A_303 : i32
      %add3A_305 = arith.addi %add3A_300, %mul3A_304 : i32
      %dma_start3A_306 = arith.constant 1 : i32
      %dma_start3A_307 = tpu.memref_slice %arg3[%add3A_305] : memref<640000xi32, #tpu.memory_space<hbm>> -> memref<64xi32, #tpu.memory_space<hbm>>
      %dma_start3A_308 = tpu.memref_slice %arg27[%dma_start3A_306] : memref<3x!tpu.dma_semaphore, #tpu.memory_space<semaphore_mem>> -> memref<1x!tpu.dma_semaphore, #tpu.memory_space<semaphore_mem>>
      %dma_start3A_309 = tpu.memref_squeeze %dma_start3A_308 : memref<1x!tpu.dma_semaphore, #tpu.memory_space<semaphore_mem>> -> memref<!tpu.dma_semaphore, #tpu.memory_space<semaphore_mem>>
      %dma_start3A_310 = tpu.memref_slice %arg3[%add3A_305] : memref<640000xi32, #tpu.memory_space<hbm>> -> memref<64xi32, #tpu.memory_space<hbm>>
      tpu.enqueue_dma source(%dma_start3A_310 : memref<64xi32, #tpu.memory_space<hbm>>) target(%arg9 : memref<64xi32, #tpu.memory_space<vmem>>) target_semaphore(%dma_start3A_309 : memref<!tpu.dma_semaphore, #tpu.memory_space<semaphore_mem>>)
      %add3A_311 = arith.constant 320000 : i32
      %add3A_312 = arith.addi %add3A_311, %add3A_305 : i32
      %dma_start3A_313 = arith.constant 1 : i32
      %dma_start3A_314 = tpu.memref_slice %arg3[%add3A_312] : memref<640000xi32, #tpu.memory_space<hbm>> -> memref<64xi32, #tpu.memory_space<hbm>>
      %dma_start3A_315 = tpu.memref_slice %arg27[%dma_start3A_313] : memref<3x!tpu.dma_semaphore, #tpu.memory_space<semaphore_mem>> -> memref<1x!tpu.dma_semaphore, #tpu.memory_space<semaphore_mem>>
      %dma_start3A_316 = tpu.memref_squeeze %dma_start3A_315 : memref<1x!tpu.dma_semaphore, #tpu.memory_space<semaphore_mem>> -> memref<!tpu.dma_semaphore, #tpu.memory_space<semaphore_mem>>
      %dma_start3A_317 = tpu.memref_slice %arg3[%add3A_312] : memref<640000xi32, #tpu.memory_space<hbm>> -> memref<64xi32, #tpu.memory_space<hbm>>
      tpu.enqueue_dma source(%dma_start3A_317 : memref<64xi32, #tpu.memory_space<hbm>>) target(%arg15 : memref<64xi32, #tpu.memory_space<vmem>>) target_semaphore(%dma_start3A_316 : memref<!tpu.dma_semaphore, #tpu.memory_space<semaphore_mem>>)
      %mul3A_318 = arith.constant 160000 : i32
      %mul3A_319 = arith.muli %arg0, %mul3A_318 : i32
      %mul3A_320 = arith.constant 10000 : i32
      %mul3A_321 = arith.muli %arg1, %mul3A_320 : i32
      %add3A_322 = arith.addi %mul3A_319, %mul3A_321 : i32
      %add3A_323 = arith.constant 2 : i32
      %add3A_324 = arith.addi %add3A_268, %add3A_323 : i32
      %mul3A_325 = arith.constant 64 : i32
      %mul3A_326 = arith.muli %add3A_324, %mul3A_325 : i32
      %add3A_327 = arith.addi %add3A_322, %mul3A_326 : i32
      %dma_start3A_328 = arith.constant 2 : i32
      %dma_start3A_329 = tpu.memref_slice %arg3[%add3A_327] : memref<640000xi32, #tpu.memory_space<hbm>> -> memref<64xi32, #tpu.memory_space<hbm>>
      %dma_start3A_330 = tpu.memref_slice %arg27[%dma_start3A_328] : memref<3x!tpu.dma_semaphore, #tpu.memory_space<semaphore_mem>> -> memref<1x!tpu.dma_semaphore, #tpu.memory_space<semaphore_mem>>
      %dma_start3A_331 = tpu.memref_squeeze %dma_start3A_330 : memref<1x!tpu.dma_semaphore, #tpu.memory_space<semaphore_mem>> -> memref<!tpu.dma_semaphore, #tpu.memory_space<semaphore_mem>>
      %dma_start3A_332 = tpu.memref_slice %arg3[%add3A_327] : memref<640000xi32, #tpu.memory_space<hbm>> -> memref<64xi32, #tpu.memory_space<hbm>>
      tpu.enqueue_dma source(%dma_start3A_332 : memref<64xi32, #tpu.memory_space<hbm>>) target(%arg10 : memref<64xi32, #tpu.memory_space<vmem>>) target_semaphore(%dma_start3A_331 : memref<!tpu.dma_semaphore, #tpu.memory_space<semaphore_mem>>)
      %add3A_333 = arith.constant 320000 : i32
      %add3A_334 = arith.addi %add3A_333, %add3A_327 : i32
      %dma_start3A_335 = arith.constant 2 : i32
      %dma_start3A_336 = tpu.memref_slice %arg3[%add3A_334] : memref<640000xi32, #tpu.memory_space<hbm>> -> memref<64xi32, #tpu.memory_space<hbm>>
      %dma_start3A_337 = tpu.memref_slice %arg27[%dma_start3A_335] : memref<3x!tpu.dma_semaphore, #tpu.memory_space<semaphore_mem>> -> memref<1x!tpu.dma_semaphore, #tpu.memory_space<semaphore_mem>>
      %dma_start3A_338 = tpu.memref_squeeze %dma_start3A_337 : memref<1x!tpu.dma_semaphore, #tpu.memory_space<semaphore_mem>> -> memref<!tpu.dma_semaphore, #tpu.memory_space<semaphore_mem>>
      %dma_start3A_339 = tpu.memref_slice %arg3[%add3A_334] : memref<640000xi32, #tpu.memory_space<hbm>> -> memref<64xi32, #tpu.memory_space<hbm>>
      tpu.enqueue_dma source(%dma_start3A_339 : memref<64xi32, #tpu.memory_space<hbm>>) target(%arg16 : memref<64xi32, #tpu.memory_space<vmem>>) target_semaphore(%dma_start3A_338 : memref<!tpu.dma_semaphore, #tpu.memory_space<semaphore_mem>>)
      %dma_wait3A_340 = arith.constant 0 : i32
      %dma_wait3A_341 = tpu.memref_slice %arg3[%add3A_283] : memref<640000xi32, #tpu.memory_space<hbm>> -> memref<64xi32, #tpu.memory_space<hbm>>
      %dma_wait3A_342 = tpu.memref_slice %arg27[%dma_wait3A_340] : memref<3x!tpu.dma_semaphore, #tpu.memory_space<semaphore_mem>> -> memref<1x!tpu.dma_semaphore, #tpu.memory_space<semaphore_mem>>
      %dma_wait3A_343 = tpu.memref_squeeze %dma_wait3A_342 : memref<1x!tpu.dma_semaphore, #tpu.memory_space<semaphore_mem>> -> memref<!tpu.dma_semaphore, #tpu.memory_space<semaphore_mem>>
      %dma_wait3A_344 = tpu.memref_slice %arg3[%add3A_283] : memref<640000xi32, #tpu.memory_space<hbm>> -> memref<64xi32, #tpu.memory_space<hbm>>
      tpu.wait_dma2 semaphore(%dma_wait3A_343 : memref<!tpu.dma_semaphore, #tpu.memory_space<semaphore_mem>>) src(%dma_wait3A_344 : memref<64xi32, #tpu.memory_space<hbm>>) dst(%arg8 : memref<64xi32, #tpu.memory_space<vmem>>)
      %dma_wait3A_345 = arith.constant 0 : i32
      %dma_wait3A_346 = tpu.memref_slice %arg3[%add3A_290] : memref<640000xi32, #tpu.memory_space<hbm>> -> memref<64xi32, #tpu.memory_space<hbm>>
      %dma_wait3A_347 = tpu.memref_slice %arg27[%dma_wait3A_345] : memref<3x!tpu.dma_semaphore, #tpu.memory_space<semaphore_mem>> -> memref<1x!tpu.dma_semaphore, #tpu.memory_space<semaphore_mem>>
      %dma_wait3A_348 = tpu.memref_squeeze %dma_wait3A_347 : memref<1x!tpu.dma_semaphore, #tpu.memory_space<semaphore_mem>> -> memref<!tpu.dma_semaphore, #tpu.memory_space<semaphore_mem>>
      %dma_wait3A_349 = tpu.memref_slice %arg3[%add3A_290] : memref<640000xi32, #tpu.memory_space<hbm>> -> memref<64xi32, #tpu.memory_space<hbm>>
      tpu.wait_dma2 semaphore(%dma_wait3A_348 : memref<!tpu.dma_semaphore, #tpu.memory_space<semaphore_mem>>) src(%dma_wait3A_349 : memref<64xi32, #tpu.memory_space<hbm>>) dst(%arg14 : memref<64xi32, #tpu.memory_space<vmem>>)
      %dma_start3A_350 = arith.constant 0 : i32
      %dma_start3A_351 = arith.constant 0 : i32
      %dma_start3A_352 = arith.constant 0 : i32
      %dma_start3A_353 = tpu.memref_slice %arg2[%dma_start3A_351, %dma_start3A_352] : memref<10000x128xf32, #tpu.memory_space<hbm>> -> memref<10000x128xf32, #tpu.memory_space<hbm>>
      %dma_start3A_354 = tpu.memref_slice %arg29[%dma_start3A_350] : memref<3x!tpu.dma_semaphore, #tpu.memory_space<semaphore_mem>> -> memref<1x!tpu.dma_semaphore, #tpu.memory_space<semaphore_mem>>
      %dma_start3A_355 = tpu.memref_squeeze %dma_start3A_354 : memref<1x!tpu.dma_semaphore, #tpu.memory_space<semaphore_mem>> -> memref<!tpu.dma_semaphore, #tpu.memory_space<semaphore_mem>>
      tpu.enqueue_indirect_dma source(%dma_start3A_353 : memref<10000x128xf32, #tpu.memory_space<hbm>>) target(%arg22 : memref<64x128xf32, #tpu.memory_space<vmem>>) offsets(%arg8 : memref<64xi32, #tpu.memory_space<vmem>>) semaphore(%dma_start3A_355 : memref<!tpu.dma_semaphore, #tpu.memory_space<semaphore_mem>>)
      %dma_wait3A_356 = arith.constant 1 : i32
      %dma_wait3A_357 = tpu.memref_slice %arg3[%add3A_305] : memref<640000xi32, #tpu.memory_space<hbm>> -> memref<64xi32, #tpu.memory_space<hbm>>
      %dma_wait3A_358 = tpu.memref_slice %arg27[%dma_wait3A_356] : memref<3x!tpu.dma_semaphore, #tpu.memory_space<semaphore_mem>> -> memref<1x!tpu.dma_semaphore, #tpu.memory_space<semaphore_mem>>
      %dma_wait3A_359 = tpu.memref_squeeze %dma_wait3A_358 : memref<1x!tpu.dma_semaphore, #tpu.memory_space<semaphore_mem>> -> memref<!tpu.dma_semaphore, #tpu.memory_space<semaphore_mem>>
      %dma_wait3A_360 = tpu.memref_slice %arg3[%add3A_305] : memref<640000xi32, #tpu.memory_space<hbm>> -> memref<64xi32, #tpu.memory_space<hbm>>
      tpu.wait_dma2 semaphore(%dma_wait3A_359 : memref<!tpu.dma_semaphore, #tpu.memory_space<semaphore_mem>>) src(%dma_wait3A_360 : memref<64xi32, #tpu.memory_space<hbm>>) dst(%arg9 : memref<64xi32, #tpu.memory_space<vmem>>)
      %dma_wait3A_361 = arith.constant 1 : i32
      %dma_wait3A_362 = tpu.memref_slice %arg3[%add3A_312] : memref<640000xi32, #tpu.memory_space<hbm>> -> memref<64xi32, #tpu.memory_space<hbm>>
      %dma_wait3A_363 = tpu.memref_slice %arg27[%dma_wait3A_361] : memref<3x!tpu.dma_semaphore, #tpu.memory_space<semaphore_mem>> -> memref<1x!tpu.dma_semaphore, #tpu.memory_space<semaphore_mem>>
      %dma_wait3A_364 = tpu.memref_squeeze %dma_wait3A_363 : memref<1x!tpu.dma_semaphore, #tpu.memory_space<semaphore_mem>> -> memref<!tpu.dma_semaphore, #tpu.memory_space<semaphore_mem>>
      %dma_wait3A_365 = tpu.memref_slice %arg3[%add3A_312] : memref<640000xi32, #tpu.memory_space<hbm>> -> memref<64xi32, #tpu.memory_space<hbm>>
      tpu.wait_dma2 semaphore(%dma_wait3A_364 : memref<!tpu.dma_semaphore, #tpu.memory_space<semaphore_mem>>) src(%dma_wait3A_365 : memref<64xi32, #tpu.memory_space<hbm>>) dst(%arg15 : memref<64xi32, #tpu.memory_space<vmem>>)
      %dma_start3A_366 = arith.constant 1 : i32
      %dma_start3A_367 = arith.constant 0 : i32
      %dma_start3A_368 = arith.constant 0 : i32
      %dma_start3A_369 = tpu.memref_slice %arg2[%dma_start3A_367, %dma_start3A_368] : memref<10000x128xf32, #tpu.memory_space<hbm>> -> memref<10000x128xf32, #tpu.memory_space<hbm>>
      %dma_start3A_370 = tpu.memref_slice %arg29[%dma_start3A_366] : memref<3x!tpu.dma_semaphore, #tpu.memory_space<semaphore_mem>> -> memref<1x!tpu.dma_semaphore, #tpu.memory_space<semaphore_mem>>
      %dma_start3A_371 = tpu.memref_squeeze %dma_start3A_370 : memref<1x!tpu.dma_semaphore, #tpu.memory_space<semaphore_mem>> -> memref<!tpu.dma_semaphore, #tpu.memory_space<semaphore_mem>>
      tpu.enqueue_indirect_dma source(%dma_start3A_369 : memref<10000x128xf32, #tpu.memory_space<hbm>>) target(%arg23 : memref<64x128xf32, #tpu.memory_space<vmem>>) offsets(%arg9 : memref<64xi32, #tpu.memory_space<vmem>>) semaphore(%dma_start3A_371 : memref<!tpu.dma_semaphore, #tpu.memory_space<semaphore_mem>>)
      %dma_wait3A_372 = arith.constant 2 : i32
      %dma_wait3A_373 = tpu.memref_slice %arg3[%add3A_327] : memref<640000xi32, #tpu.memory_space<hbm>> -> memref<64xi32, #tpu.memory_space<hbm>>
      %dma_wait3A_374 = tpu.memref_slice %arg27[%dma_wait3A_372] : memref<3x!tpu.dma_semaphore, #tpu.memory_space<semaphore_mem>> -> memref<1x!tpu.dma_semaphore, #tpu.memory_space<semaphore_mem>>
      %dma_wait3A_375 = tpu.memref_squeeze %dma_wait3A_374 : memref<1x!tpu.dma_semaphore, #tpu.memory_space<semaphore_mem>> -> memref<!tpu.dma_semaphore, #tpu.memory_space<semaphore_mem>>
      %dma_wait3A_376 = tpu.memref_slice %arg3[%add3A_327] : memref<640000xi32, #tpu.memory_space<hbm>> -> memref<64xi32, #tpu.memory_space<hbm>>
      tpu.wait_dma2 semaphore(%dma_wait3A_375 : memref<!tpu.dma_semaphore, #tpu.memory_space<semaphore_mem>>) src(%dma_wait3A_376 : memref<64xi32, #tpu.memory_space<hbm>>) dst(%arg10 : memref<64xi32, #tpu.memory_space<vmem>>)
      %dma_wait3A_377 = arith.constant 2 : i32
      %dma_wait3A_378 = tpu.memref_slice %arg3[%add3A_334] : memref<640000xi32, #tpu.memory_space<hbm>> -> memref<64xi32, #tpu.memory_space<hbm>>
      %dma_wait3A_379 = tpu.memref_slice %arg27[%dma_wait3A_377] : memref<3x!tpu.dma_semaphore, #tpu.memory_space<semaphore_mem>> -> memref<1x!tpu.dma_semaphore, #tpu.memory_space<semaphore_mem>>
      %dma_wait3A_380 = tpu.memref_squeeze %dma_wait3A_379 : memref<1x!tpu.dma_semaphore, #tpu.memory_space<semaphore_mem>> -> memref<!tpu.dma_semaphore, #tpu.memory_space<semaphore_mem>>
      %dma_wait3A_381 = tpu.memref_slice %arg3[%add3A_334] : memref<640000xi32, #tpu.memory_space<hbm>> -> memref<64xi32, #tpu.memory_space<hbm>>
      tpu.wait_dma2 semaphore(%dma_wait3A_380 : memref<!tpu.dma_semaphore, #tpu.memory_space<semaphore_mem>>) src(%dma_wait3A_381 : memref<64xi32, #tpu.memory_space<hbm>>) dst(%arg16 : memref<64xi32, #tpu.memory_space<vmem>>)
      %dma_start3A_382 = arith.constant 2 : i32
      %dma_start3A_383 = arith.constant 0 : i32
      %dma_start3A_384 = arith.constant 0 : i32
      %dma_start3A_385 = tpu.memref_slice %arg2[%dma_start3A_383, %dma_start3A_384] : memref<10000x128xf32, #tpu.memory_space<hbm>> -> memref<10000x128xf32, #tpu.memory_space<hbm>>
      %dma_start3A_386 = tpu.memref_slice %arg29[%dma_start3A_382] : memref<3x!tpu.dma_semaphore, #tpu.memory_space<semaphore_mem>> -> memref<1x!tpu.dma_semaphore, #tpu.memory_space<semaphore_mem>>
      %dma_start3A_387 = tpu.memref_squeeze %dma_start3A_386 : memref<1x!tpu.dma_semaphore, #tpu.memory_space<semaphore_mem>> -> memref<!tpu.dma_semaphore, #tpu.memory_space<semaphore_mem>>
      tpu.enqueue_indirect_dma source(%dma_start3A_385 : memref<10000x128xf32, #tpu.memory_space<hbm>>) target(%arg24 : memref<64x128xf32, #tpu.memory_space<vmem>>) offsets(%arg10 : memref<64xi32, #tpu.memory_space<vmem>>) semaphore(%dma_start3A_387 : memref<!tpu.dma_semaphore, #tpu.memory_space<semaphore_mem>>)
      %dma_wait3A_388 = arith.constant 0 : i32
      %dma_wait3A_389 = arith.constant 0 : i32
      %dma_wait3A_390 = arith.constant 0 : i32
      %dma_wait3A_391 = tpu.memref_slice %arg2[%dma_wait3A_389, %dma_wait3A_390] : memref<10000x128xf32, #tpu.memory_space<hbm>> -> memref<10000x128xf32, #tpu.memory_space<hbm>>
      %dma_wait3A_392 = tpu.memref_slice %arg29[%dma_wait3A_388] : memref<3x!tpu.dma_semaphore, #tpu.memory_space<semaphore_mem>> -> memref<1x!tpu.dma_semaphore, #tpu.memory_space<semaphore_mem>>
      %dma_wait3A_393 = tpu.memref_squeeze %dma_wait3A_392 : memref<1x!tpu.dma_semaphore, #tpu.memory_space<semaphore_mem>> -> memref<!tpu.dma_semaphore, #tpu.memory_space<semaphore_mem>>
      tpu.wait_indirect_dma semaphore(%dma_wait3A_393 : memref<!tpu.dma_semaphore, #tpu.memory_space<semaphore_mem>>) src(%dma_wait3A_391 : memref<10000x128xf32, #tpu.memory_space<hbm>>) dst(%arg22 : memref<64x128xf32, #tpu.memory_space<vmem>>)
      %dma_start3A_394 = arith.constant 0 : i32
      %dma_start3A_395 = arith.constant 0 : i32
      %dma_start3A_396 = arith.constant 0 : i32
      %dma_start3A_397 = tpu.memref_slice %arg25[%dma_start3A_395, %dma_start3A_396] : memref<10000x128xf32, #tpu.memory_space<vmem_shared>> -> memref<10000x128xf32, #tpu.memory_space<vmem_shared>>
      %dma_start3A_398 = tpu.memref_slice %arg31[%dma_start3A_394] : memref<3x!tpu.dma_semaphore, #tpu.memory_space<semaphore_mem>> -> memref<1x!tpu.dma_semaphore, #tpu.memory_space<semaphore_mem>>
      %dma_start3A_399 = tpu.memref_squeeze %dma_start3A_398 : memref<1x!tpu.dma_semaphore, #tpu.memory_space<semaphore_mem>> -> memref<!tpu.dma_semaphore, #tpu.memory_space<semaphore_mem>>
      tpu.enqueue_indirect_dma source(%arg22 : memref<64x128xf32, #tpu.memory_space<vmem>>) target(%dma_start3A_397 : memref<10000x128xf32, #tpu.memory_space<vmem_shared>>) offsets(%arg14 : memref<64xi32, #tpu.memory_space<vmem>>) semaphore(%dma_start3A_399 : memref<!tpu.dma_semaphore, #tpu.memory_space<semaphore_mem>>) {add = true}
      %dma_wait3A_400 = arith.constant 1 : i32
      %dma_wait3A_401 = arith.constant 0 : i32
      %dma_wait3A_402 = arith.constant 0 : i32
      %dma_wait3A_403 = tpu.memref_slice %arg2[%dma_wait3A_401, %dma_wait3A_402] : memref<10000x128xf32, #tpu.memory_space<hbm>> -> memref<10000x128xf32, #tpu.memory_space<hbm>>
      %dma_wait3A_404 = tpu.memref_slice %arg29[%dma_wait3A_400] : memref<3x!tpu.dma_semaphore, #tpu.memory_space<semaphore_mem>> -> memref<1x!tpu.dma_semaphore, #tpu.memory_space<semaphore_mem>>
      %dma_wait3A_405 = tpu.memref_squeeze %dma_wait3A_404 : memref<1x!tpu.dma_semaphore, #tpu.memory_space<semaphore_mem>> -> memref<!tpu.dma_semaphore, #tpu.memory_space<semaphore_mem>>
      tpu.wait_indirect_dma semaphore(%dma_wait3A_405 : memref<!tpu.dma_semaphore, #tpu.memory_space<semaphore_mem>>) src(%dma_wait3A_403 : memref<10000x128xf32, #tpu.memory_space<hbm>>) dst(%arg23 : memref<64x128xf32, #tpu.memory_space<vmem>>)
      %dma_start3A_406 = arith.constant 1 : i32
      %dma_start3A_407 = arith.constant 0 : i32
      %dma_start3A_408 = arith.constant 0 : i32
      %dma_start3A_409 = tpu.memref_slice %arg25[%dma_start3A_407, %dma_start3A_408] : memref<10000x128xf32, #tpu.memory_space<vmem_shared>> -> memref<10000x128xf32, #tpu.memory_space<vmem_shared>>
      %dma_start3A_410 = tpu.memref_slice %arg31[%dma_start3A_406] : memref<3x!tpu.dma_semaphore, #tpu.memory_space<semaphore_mem>> -> memref<1x!tpu.dma_semaphore, #tpu.memory_space<semaphore_mem>>
      %dma_start3A_411 = tpu.memref_squeeze %dma_start3A_410 : memref<1x!tpu.dma_semaphore, #tpu.memory_space<semaphore_mem>> -> memref<!tpu.dma_semaphore, #tpu.memory_space<semaphore_mem>>
      tpu.enqueue_indirect_dma source(%arg23 : memref<64x128xf32, #tpu.memory_space<vmem>>) target(%dma_start3A_409 : memref<10000x128xf32, #tpu.memory_space<vmem_shared>>) offsets(%arg15 : memref<64xi32, #tpu.memory_space<vmem>>) semaphore(%dma_start3A_411 : memref<!tpu.dma_semaphore, #tpu.memory_space<semaphore_mem>>) {add = true}
      %dma_wait3A_412 = arith.constant 2 : i32
      %dma_wait3A_413 = arith.constant 0 : i32
      %dma_wait3A_414 = arith.constant 0 : i32
      %dma_wait3A_415 = tpu.memref_slice %arg2[%dma_wait3A_413, %dma_wait3A_414] : memref<10000x128xf32, #tpu.memory_space<hbm>> -> memref<10000x128xf32, #tpu.memory_space<hbm>>
      %dma_wait3A_416 = tpu.memref_slice %arg29[%dma_wait3A_412] : memref<3x!tpu.dma_semaphore, #tpu.memory_space<semaphore_mem>> -> memref<1x!tpu.dma_semaphore, #tpu.memory_space<semaphore_mem>>
      %dma_wait3A_417 = tpu.memref_squeeze %dma_wait3A_416 : memref<1x!tpu.dma_semaphore, #tpu.memory_space<semaphore_mem>> -> memref<!tpu.dma_semaphore, #tpu.memory_space<semaphore_mem>>
      tpu.wait_indirect_dma semaphore(%dma_wait3A_417 : memref<!tpu.dma_semaphore, #tpu.memory_space<semaphore_mem>>) src(%dma_wait3A_415 : memref<10000x128xf32, #tpu.memory_space<hbm>>) dst(%arg24 : memref<64x128xf32, #tpu.memory_space<vmem>>)
      %dma_start3A_418 = arith.constant 2 : i32
      %dma_start3A_419 = arith.constant 0 : i32
      %dma_start3A_420 = arith.constant 0 : i32
      %dma_start3A_421 = tpu.memref_slice %arg25[%dma_start3A_419, %dma_start3A_420] : memref<10000x128xf32, #tpu.memory_space<vmem_shared>> -> memref<10000x128xf32, #tpu.memory_space<vmem_shared>>
      %dma_start3A_422 = tpu.memref_slice %arg31[%dma_start3A_418] : memref<3x!tpu.dma_semaphore, #tpu.memory_space<semaphore_mem>> -> memref<1x!tpu.dma_semaphore, #tpu.memory_space<semaphore_mem>>
      %dma_start3A_423 = tpu.memref_squeeze %dma_start3A_422 : memref<1x!tpu.dma_semaphore, #tpu.memory_space<semaphore_mem>> -> memref<!tpu.dma_semaphore, #tpu.memory_space<semaphore_mem>>
      tpu.enqueue_indirect_dma source(%arg24 : memref<64x128xf32, #tpu.memory_space<vmem>>) target(%dma_start3A_421 : memref<10000x128xf32, #tpu.memory_space<vmem_shared>>) offsets(%arg16 : memref<64xi32, #tpu.memory_space<vmem>>) semaphore(%dma_start3A_423 : memref<!tpu.dma_semaphore, #tpu.memory_space<semaphore_mem>>) {add = true}
    }
    %scan3A_48 = arith.constant 26 : i32
    %dma_wait3A = arith.constant 0 : i32
    %dma_wait3A_49 = arith.constant 0 : i32
    %dma_wait3A_50 = arith.constant 0 : i32
    %dma_wait3A_51 = tpu.memref_slice %arg25[%dma_wait3A_49, %dma_wait3A_50] : memref<10000x128xf32, #tpu.memory_space<vmem_shared>> -> memref<10000x128xf32, #tpu.memory_space<vmem_shared>>
    %dma_wait3A_52 = tpu.memref_slice %arg30[%dma_wait3A] : memref<3x!tpu.dma_semaphore, #tpu.memory_space<semaphore_mem>> -> memref<1x!tpu.dma_semaphore, #tpu.memory_space<semaphore_mem>>
    %dma_wait3A_53 = tpu.memref_squeeze %dma_wait3A_52 : memref<1x!tpu.dma_semaphore, #tpu.memory_space<semaphore_mem>> -> memref<!tpu.dma_semaphore, #tpu.memory_space<semaphore_mem>>
    tpu.wait_indirect_dma semaphore(%dma_wait3A_53 : memref<!tpu.dma_semaphore, #tpu.memory_space<semaphore_mem>>) src(%arg19 : memref<64x128xf32, #tpu.memory_space<vmem>>) dst(%dma_wait3A_51 : memref<10000x128xf32, #tpu.memory_space<vmem_shared>>)
    %dma_wait3A_54 = arith.constant 1 : i32
    %dma_wait3A_55 = arith.constant 0 : i32
    %dma_wait3A_56 = arith.constant 0 : i32
    %dma_wait3A_57 = tpu.memref_slice %arg25[%dma_wait3A_55, %dma_wait3A_56] : memref<10000x128xf32, #tpu.memory_space<vmem_shared>> -> memref<10000x128xf32, #tpu.memory_space<vmem_shared>>
    %dma_wait3A_58 = tpu.memref_slice %arg30[%dma_wait3A_54] : memref<3x!tpu.dma_semaphore, #tpu.memory_space<semaphore_mem>> -> memref<1x!tpu.dma_semaphore, #tpu.memory_space<semaphore_mem>>
    %dma_wait3A_59 = tpu.memref_squeeze %dma_wait3A_58 : memref<1x!tpu.dma_semaphore, #tpu.memory_space<semaphore_mem>> -> memref<!tpu.dma_semaphore, #tpu.memory_space<semaphore_mem>>
    tpu.wait_indirect_dma semaphore(%dma_wait3A_59 : memref<!tpu.dma_semaphore, #tpu.memory_space<semaphore_mem>>) src(%arg20 : memref<64x128xf32, #tpu.memory_space<vmem>>) dst(%dma_wait3A_57 : memref<10000x128xf32, #tpu.memory_space<vmem_shared>>)
    %dma_wait3A_60 = arith.constant 2 : i32
    %dma_wait3A_61 = arith.constant 0 : i32
    %dma_wait3A_62 = arith.constant 0 : i32
    %dma_wait3A_63 = tpu.memref_slice %arg25[%dma_wait3A_61, %dma_wait3A_62] : memref<10000x128xf32, #tpu.memory_space<vmem_shared>> -> memref<10000x128xf32, #tpu.memory_space<vmem_shared>>
    %dma_wait3A_64 = tpu.memref_slice %arg30[%dma_wait3A_60] : memref<3x!tpu.dma_semaphore, #tpu.memory_space<semaphore_mem>> -> memref<1x!tpu.dma_semaphore, #tpu.memory_space<semaphore_mem>>
    %dma_wait3A_65 = tpu.memref_squeeze %dma_wait3A_64 : memref<1x!tpu.dma_semaphore, #tpu.memory_space<semaphore_mem>> -> memref<!tpu.dma_semaphore, #tpu.memory_space<semaphore_mem>>
    tpu.wait_indirect_dma semaphore(%dma_wait3A_65 : memref<!tpu.dma_semaphore, #tpu.memory_space<semaphore_mem>>) src(%arg21 : memref<64x128xf32, #tpu.memory_space<vmem>>) dst(%dma_wait3A_63 : memref<10000x128xf32, #tpu.memory_space<vmem_shared>>)
    %dma_wait3A_66 = arith.constant 0 : i32
    %dma_wait3A_67 = arith.constant 0 : i32
    %dma_wait3A_68 = arith.constant 0 : i32
    %dma_wait3A_69 = tpu.memref_slice %arg25[%dma_wait3A_67, %dma_wait3A_68] : memref<10000x128xf32, #tpu.memory_space<vmem_shared>> -> memref<10000x128xf32, #tpu.memory_space<vmem_shared>>
    %dma_wait3A_70 = tpu.memref_slice %arg31[%dma_wait3A_66] : memref<3x!tpu.dma_semaphore, #tpu.memory_space<semaphore_mem>> -> memref<1x!tpu.dma_semaphore, #tpu.memory_space<semaphore_mem>>
    %dma_wait3A_71 = tpu.memref_squeeze %dma_wait3A_70 : memref<1x!tpu.dma_semaphore, #tpu.memory_space<semaphore_mem>> -> memref<!tpu.dma_semaphore, #tpu.memory_space<semaphore_mem>>
    tpu.wait_indirect_dma semaphore(%dma_wait3A_71 : memref<!tpu.dma_semaphore, #tpu.memory_space<semaphore_mem>>) src(%arg22 : memref<64x128xf32, #tpu.memory_space<vmem>>) dst(%dma_wait3A_69 : memref<10000x128xf32, #tpu.memory_space<vmem_shared>>)
    %dma_wait3A_72 = arith.constant 1 : i32
    %dma_wait3A_73 = arith.constant 0 : i32
    %dma_wait3A_74 = arith.constant 0 : i32
    %dma_wait3A_75 = tpu.memref_slice %arg25[%dma_wait3A_73, %dma_wait3A_74] : memref<10000x128xf32, #tpu.memory_space<vmem_shared>> -> memref<10000x128xf32, #tpu.memory_space<vmem_shared>>
    %dma_wait3A_76 = tpu.memref_slice %arg31[%dma_wait3A_72] : memref<3x!tpu.dma_semaphore, #tpu.memory_space<semaphore_mem>> -> memref<1x!tpu.dma_semaphore, #tpu.memory_space<semaphore_mem>>
    %dma_wait3A_77 = tpu.memref_squeeze %dma_wait3A_76 : memref<1x!tpu.dma_semaphore, #tpu.memory_space<semaphore_mem>> -> memref<!tpu.dma_semaphore, #tpu.memory_space<semaphore_mem>>
    tpu.wait_indirect_dma semaphore(%dma_wait3A_77 : memref<!tpu.dma_semaphore, #tpu.memory_space<semaphore_mem>>) src(%arg23 : memref<64x128xf32, #tpu.memory_space<vmem>>) dst(%dma_wait3A_75 : memref<10000x128xf32, #tpu.memory_space<vmem_shared>>)
    %dma_wait3A_78 = arith.constant 2 : i32
    %dma_wait3A_79 = arith.constant 0 : i32
    %dma_wait3A_80 = arith.constant 0 : i32
    %dma_wait3A_81 = tpu.memref_slice %arg25[%dma_wait3A_79, %dma_wait3A_80] : memref<10000x128xf32, #tpu.memory_space<vmem_shared>> -> memref<10000x128xf32, #tpu.memory_space<vmem_shared>>
    %dma_wait3A_82 = tpu.memref_slice %arg31[%dma_wait3A_78] : memref<3x!tpu.dma_semaphore, #tpu.memory_space<semaphore_mem>> -> memref<1x!tpu.dma_semaphore, #tpu.memory_space<semaphore_mem>>
    %dma_wait3A_83 = tpu.memref_squeeze %dma_wait3A_82 : memref<1x!tpu.dma_semaphore, #tpu.memory_space<semaphore_mem>> -> memref<!tpu.dma_semaphore, #tpu.memory_space<semaphore_mem>>
    tpu.wait_indirect_dma semaphore(%dma_wait3A_83 : memref<!tpu.dma_semaphore, #tpu.memory_space<semaphore_mem>>) src(%arg24 : memref<64x128xf32, #tpu.memory_space<vmem>>) dst(%dma_wait3A_81 : memref<10000x128xf32, #tpu.memory_space<vmem_shared>>)
    %mul3A_84 = arith.constant 160000 : i32
    %mul3A_85 = arith.muli %arg0, %mul3A_84 : i32
    %mul3A_86 = arith.constant 10000 : i32
    %mul3A_87 = arith.muli %arg1, %mul3A_86 : i32
    %add3A_88 = arith.addi %mul3A_85, %mul3A_87 : i32
    %add3A_89 = arith.constant 9984 : i32
    %add3A_90 = arith.addi %add3A_88, %add3A_89 : i32
    "tpu.region"() ({
      %run_scoped3A = tpu.sem_alloc : memref<!tpu.dma_semaphore, #tpu.memory_space<semaphore_mem>>
      %dma_start3A = tpu.memref_slice %arg3[%add3A_90] : memref<640000xi32, #tpu.memory_space<hbm>> -> memref<16xi32, #tpu.memory_space<hbm>>
      %dma_start3A_103 = tpu.memref_slice %arg3[%add3A_90] : memref<640000xi32, #tpu.memory_space<hbm>> -> memref<16xi32, #tpu.memory_space<hbm>>
      tpu.enqueue_dma source(%dma_start3A_103 : memref<16xi32, #tpu.memory_space<hbm>>) target(%arg17 : memref<16xi32, #tpu.memory_space<vmem>>) target_semaphore(%run_scoped3A : memref<!tpu.dma_semaphore, #tpu.memory_space<semaphore_mem>>)
      %dma_wait3A_104 = tpu.memref_slice %arg3[%add3A_90] : memref<640000xi32, #tpu.memory_space<hbm>> -> memref<16xi32, #tpu.memory_space<hbm>>
      %dma_wait3A_105 = tpu.memref_slice %arg3[%add3A_90] : memref<640000xi32, #tpu.memory_space<hbm>> -> memref<16xi32, #tpu.memory_space<hbm>>
      tpu.wait_dma2 semaphore(%run_scoped3A : memref<!tpu.dma_semaphore, #tpu.memory_space<semaphore_mem>>) src(%dma_wait3A_105 : memref<16xi32, #tpu.memory_space<hbm>>) dst(%arg17 : memref<16xi32, #tpu.memory_space<vmem>>)
      tpu.yield
    }) : () -> ()
    %add3A_91 = arith.constant 320000 : i32
    %add3A_92 = arith.addi %add3A_91, %add3A_90 : i32
    "tpu.region"() ({
      %run_scoped3A = tpu.sem_alloc : memref<!tpu.dma_semaphore, #tpu.memory_space<semaphore_mem>>
      %dma_start3A = tpu.memref_slice %arg3[%add3A_92] : memref<640000xi32, #tpu.memory_space<hbm>> -> memref<16xi32, #tpu.memory_space<hbm>>
      %dma_start3A_103 = tpu.memref_slice %arg3[%add3A_92] : memref<640000xi32, #tpu.memory_space<hbm>> -> memref<16xi32, #tpu.memory_space<hbm>>
      tpu.enqueue_dma source(%dma_start3A_103 : memref<16xi32, #tpu.memory_space<hbm>>) target(%arg18 : memref<16xi32, #tpu.memory_space<vmem>>) target_semaphore(%run_scoped3A : memref<!tpu.dma_semaphore, #tpu.memory_space<semaphore_mem>>)
      %dma_wait3A_104 = tpu.memref_slice %arg3[%add3A_92] : memref<640000xi32, #tpu.memory_space<hbm>> -> memref<16xi32, #tpu.memory_space<hbm>>
      %dma_wait3A_105 = tpu.memref_slice %arg3[%add3A_92] : memref<640000xi32, #tpu.memory_space<hbm>> -> memref<16xi32, #tpu.memory_space<hbm>>
      tpu.wait_dma2 semaphore(%run_scoped3A : memref<!tpu.dma_semaphore, #tpu.memory_space<semaphore_mem>>) src(%dma_wait3A_105 : memref<16xi32, #tpu.memory_space<hbm>>) dst(%arg18 : memref<16xi32, #tpu.memory_space<vmem>>)
      tpu.yield
    }) : () -> ()
    "tpu.region"() ({
      %run_scoped3A = tpu.sem_alloc : memref<!tpu.dma_semaphore, #tpu.memory_space<semaphore_mem>>
      %dma_start3A = arith.constant 0 : i32
      %dma_start3A_103 = arith.constant 0 : i32
      %dma_start3A_104 = tpu.memref_slice %arg19[%dma_start3A, %dma_start3A_103] : memref<64x128xf32, #tpu.memory_space<vmem>> -> memref<16x128xf32, #tpu.memory_space<vmem>>
      %dma_start3A_105 = arith.constant 0 : i32
      %dma_start3A_106 = arith.constant 0 : i32
      %dma_start3A_107 = tpu.memref_slice %arg2[%dma_start3A_105, %dma_start3A_106] : memref<10000x128xf32, #tpu.memory_space<hbm>> -> memref<10000x128xf32, #tpu.memory_space<hbm>>
      tpu.enqueue_indirect_dma source(%dma_start3A_107 : memref<10000x128xf32, #tpu.memory_space<hbm>>) target(%dma_start3A_104 : memref<16x128xf32, #tpu.memory_space<vmem>>) offsets(%arg17 : memref<16xi32, #tpu.memory_space<vmem>>) semaphore(%run_scoped3A : memref<!tpu.dma_semaphore, #tpu.memory_space<semaphore_mem>>)
      %dma_wait3A_108 = arith.constant 0 : i32
      %dma_wait3A_109 = arith.constant 0 : i32
      %dma_wait3A_110 = tpu.memref_slice %arg19[%dma_wait3A_108, %dma_wait3A_109] : memref<64x128xf32, #tpu.memory_space<vmem>> -> memref<16x128xf32, #tpu.memory_space<vmem>>
      %dma_wait3A_111 = arith.constant 0 : i32
      %dma_wait3A_112 = arith.constant 0 : i32
      %dma_wait3A_113 = tpu.memref_slice %arg2[%dma_wait3A_111, %dma_wait3A_112] : memref<10000x128xf32, #tpu.memory_space<hbm>> -> memref<10000x128xf32, #tpu.memory_space<hbm>>
      tpu.wait_indirect_dma semaphore(%run_scoped3A : memref<!tpu.dma_semaphore, #tpu.memory_space<semaphore_mem>>) src(%dma_wait3A_113 : memref<10000x128xf32, #tpu.memory_space<hbm>>) dst(%dma_wait3A_110 : memref<16x128xf32, #tpu.memory_space<vmem>>)
      tpu.yield
    }) : () -> ()
    "tpu.region"() ({
      %run_scoped3A = tpu.sem_alloc : memref<!tpu.dma_semaphore, #tpu.memory_space<semaphore_mem>>
      %dma_start3A = arith.constant 0 : i32
      %dma_start3A_103 = arith.constant 0 : i32
      %dma_start3A_104 = tpu.memref_slice %arg19[%dma_start3A, %dma_start3A_103] : memref<64x128xf32, #tpu.memory_space<vmem>> -> memref<16x128xf32, #tpu.memory_space<vmem>>
      %dma_start3A_105 = arith.constant 0 : i32
      %dma_start3A_106 = arith.constant 0 : i32
      %dma_start3A_107 = tpu.memref_slice %arg25[%dma_start3A_105, %dma_start3A_106] : memref<10000x128xf32, #tpu.memory_space<vmem_shared>> -> memref<10000x128xf32, #tpu.memory_space<vmem_shared>>
      tpu.enqueue_indirect_dma source(%dma_start3A_104 : memref<16x128xf32, #tpu.memory_space<vmem>>) target(%dma_start3A_107 : memref<10000x128xf32, #tpu.memory_space<vmem_shared>>) offsets(%arg18 : memref<16xi32, #tpu.memory_space<vmem>>) semaphore(%run_scoped3A : memref<!tpu.dma_semaphore, #tpu.memory_space<semaphore_mem>>) {add = true}
      %dma_wait3A_108 = arith.constant 0 : i32
      %dma_wait3A_109 = arith.constant 0 : i32
      %dma_wait3A_110 = tpu.memref_slice %arg19[%dma_wait3A_108, %dma_wait3A_109] : memref<64x128xf32, #tpu.memory_space<vmem>> -> memref<16x128xf32, #tpu.memory_space<vmem>>
      %dma_wait3A_111 = arith.constant 0 : i32
      %dma_wait3A_112 = arith.constant 0 : i32
      %dma_wait3A_113 = tpu.memref_slice %arg25[%dma_wait3A_111, %dma_wait3A_112] : memref<10000x128xf32, #tpu.memory_space<vmem_shared>> -> memref<10000x128xf32, #tpu.memory_space<vmem_shared>>
      tpu.wait_indirect_dma semaphore(%run_scoped3A : memref<!tpu.dma_semaphore, #tpu.memory_space<semaphore_mem>>) src(%dma_wait3A_110 : memref<16x128xf32, #tpu.memory_space<vmem>>) dst(%dma_wait3A_113 : memref<10000x128xf32, #tpu.memory_space<vmem_shared>>)
      tpu.yield
    }) : () -> ()
    %barrier3A_93 = arith.constant 0 : index
    tpu.barrier barrier_id(%barrier3A_93)
    %mul3A_94 = arith.constant 624 : i32
    %mul3A_95 = arith.muli %arg1, %mul3A_94 : i32
    %mul3A_96 = arith.constant 624 : i32
    %mul3A_97 = arith.muli %arg1, %mul3A_96 : i32
    "tpu.region"() ({
      %run_scoped3A = tpu.sem_alloc : memref<!tpu.dma_semaphore, #tpu.memory_space<semaphore_mem>>
      %dma_start3A = arith.constant 0 : i32
      %dma_start3A_103 = tpu.memref_slice %arg4[%arg0, %mul3A_97, %dma_start3A] : memref<2x10000x128xf32, #tpu.memory_space<hbm>> -> memref<1x624x128xf32, #tpu.memory_space<hbm>>
      %dma_start3A_104 = tpu.memref_squeeze %dma_start3A_103 : memref<1x624x128xf32, #tpu.memory_space<hbm>> -> memref<624x128xf32, #tpu.memory_space<hbm>>
      %dma_start3A_105 = arith.constant 0 : i32
      %dma_start3A_106 = tpu.memref_slice %arg25[%mul3A_95, %dma_start3A_105] : memref<10000x128xf32, #tpu.memory_space<vmem_shared>> -> memref<624x128xf32, #tpu.memory_space<vmem_shared>>
      tpu.enqueue_dma source(%dma_start3A_106 : memref<624x128xf32, #tpu.memory_space<vmem_shared>>) target(%dma_start3A_104 : memref<624x128xf32, #tpu.memory_space<hbm>>) target_semaphore(%run_scoped3A : memref<!tpu.dma_semaphore, #tpu.memory_space<semaphore_mem>>)
      %dma_wait3A_107 = arith.constant 0 : i32
      %dma_wait3A_108 = tpu.memref_slice %arg4[%arg0, %mul3A_97, %dma_wait3A_107] : memref<2x10000x128xf32, #tpu.memory_space<hbm>> -> memref<1x624x128xf32, #tpu.memory_space<hbm>>
      %dma_wait3A_109 = tpu.memref_squeeze %dma_wait3A_108 : memref<1x624x128xf32, #tpu.memory_space<hbm>> -> memref<624x128xf32, #tpu.memory_space<hbm>>
      %dma_wait3A_110 = arith.constant 0 : i32
      %dma_wait3A_111 = tpu.memref_slice %arg25[%mul3A_95, %dma_wait3A_110] : memref<10000x128xf32, #tpu.memory_space<vmem_shared>> -> memref<624x128xf32, #tpu.memory_space<vmem_shared>>
      tpu.wait_dma2 semaphore(%run_scoped3A : memref<!tpu.dma_semaphore, #tpu.memory_space<semaphore_mem>>) src(%dma_wait3A_111 : memref<624x128xf32, #tpu.memory_space<vmem_shared>>) dst(%dma_wait3A_109 : memref<624x128xf32, #tpu.memory_space<hbm>>)
      tpu.yield
    }) : () -> ()
    %eq3A_98 = arith.constant 15 : i32
    %eq3A_99 = arith.cmpi eq, %arg1, %eq3A_98 : i32
    %convert_element_type3A_100 = arith.extui %eq3A_99 : i1 to i32
    %cond3A_101 = arith.constant 0 : i32
    %cond3A_102 = arith.cmpi ne, %convert_element_type3A_100, %cond3A_101 : i32
    scf.if %cond3A_102 {
      "tpu.region"() ({
        %run_scoped3A = tpu.sem_alloc : memref<!tpu.dma_semaphore, #tpu.memory_space<semaphore_mem>>
        %dma_start3A = arith.constant 9984 : i32
        %dma_start3A_103 = arith.constant 0 : i32
        %dma_start3A_104 = tpu.memref_slice %arg4[%arg0, %dma_start3A, %dma_start3A_103] : memref<2x10000x128xf32, #tpu.memory_space<hbm>> -> memref<1x16x128xf32, #tpu.memory_space<hbm>>
        %dma_start3A_105 = tpu.memref_squeeze %dma_start3A_104 : memref<1x16x128xf32, #tpu.memory_space<hbm>> -> memref<16x128xf32, #tpu.memory_space<hbm>>
        %dma_start3A_106 = arith.constant 9984 : i32
        %dma_start3A_107 = arith.constant 0 : i32
        %dma_start3A_108 = tpu.memref_slice %arg25[%dma_start3A_106, %dma_start3A_107] : memref<10000x128xf32, #tpu.memory_space<vmem_shared>> -> memref<16x128xf32, #tpu.memory_space<vmem_shared>>
        tpu.enqueue_dma source(%dma_start3A_108 : memref<16x128xf32, #tpu.memory_space<vmem_shared>>) target(%dma_start3A_105 : memref<16x128xf32, #tpu.memory_space<hbm>>) target_semaphore(%run_scoped3A : memref<!tpu.dma_semaphore, #tpu.memory_space<semaphore_mem>>)
        %dma_wait3A_109 = arith.constant 9984 : i32
        %dma_wait3A_110 = arith.constant 0 : i32
        %dma_wait3A_111 = tpu.memref_slice %arg4[%arg0, %dma_wait3A_109, %dma_wait3A_110] : memref<2x10000x128xf32, #tpu.memory_space<hbm>> -> memref<1x16x128xf32, #tpu.memory_space<hbm>>
        %dma_wait3A_112 = tpu.memref_squeeze %dma_wait3A_111 : memref<1x16x128xf32, #tpu.memory_space<hbm>> -> memref<16x128xf32, #tpu.memory_space<hbm>>
        %dma_wait3A_113 = arith.constant 9984 : i32
        %dma_wait3A_114 = arith.constant 0 : i32
        %dma_wait3A_115 = tpu.memref_slice %arg25[%dma_wait3A_113, %dma_wait3A_114] : memref<10000x128xf32, #tpu.memory_space<vmem_shared>> -> memref<16x128xf32, #tpu.memory_space<vmem_shared>>
        tpu.wait_dma2 semaphore(%run_scoped3A : memref<!tpu.dma_semaphore, #tpu.memory_space<semaphore_mem>>) src(%dma_wait3A_115 : memref<16x128xf32, #tpu.memory_space<vmem_shared>>) dst(%dma_wait3A_112 : memref<16x128xf32, #tpu.memory_space<hbm>>)
        tpu.yield
      }) : () -> ()
    } else {
    }
    return
  }
}

module attributes {stable_mosaic.version = 14 : i64} {
  func.func @body(%arg0: i32, %arg1: memref<1x1000x128xf32, #tpu.memory_space<vmem>>, %arg2: memref<1000x128xf32, #tpu.memory_space<vmem>>, %arg3: memref<1000x128xf32, #tpu.memory_space<vmem>>) attributes {dimension_semantics = [#tpu.dimension_semantics<arbitrary>], iteration_bounds = array<i64: 10>, scalar_prefetch = 0 : i64, scratch_operands = 0 : i64, tpu.core_type = #tpu.core_type<tc>, window_params = [{transform_indices = @transform_0, window_bounds = array<i64: 1, 1000, 128>}, {transform_indices = @transform_1, window_bounds = array<i64: 1000, 128>}, {transform_indices = @transform_2, window_bounds = array<i64: 1000, 128>}]} {
    %get3A = arith.constant 0 : index
    %get3A_0 = arith.constant 0 : index
    %get3A_1 = arith.constant 0 : index
    %get3A_2 = vector.load %arg1[%get3A, %get3A_0, %get3A_1] : memref<1x1000x128xf32, #tpu.memory_space<vmem>>, vector<1x1000x1xf32>
    %get3A_3 = vector.shape_cast %get3A_2 : vector<1x1000x1xf32> to vector<1000xf32>
    %gt3A = arith.constant 0.000000e+00 : f32
    %gt3A_4 = vector.broadcast %gt3A : f32 to vector<1000xf32>
    %gt3A_5 = arith.cmpf ogt, %get3A_3, %gt3A_4 : vector<1000xf32>
    %jit3A = arith.constant 1.000000e+00 : f32
    %broadcast_in_dim3A = vector.broadcast %jit3A : f32 to vector<1000xf32>
    %select_n3A = arith.select %gt3A_5, %get3A_3, %broadcast_in_dim3A : vector<1000xi1>, vector<1000xf32>
    %rsqrt3A = math.rsqrt %select_n3A : vector<1000xf32>
    %get3A_6 = arith.constant 0 : index
    %get3A_7 = arith.constant 0 : index
    %get3A_8 = vector.load %arg2[%get3A_6, %get3A_7] : memref<1000x128xf32, #tpu.memory_space<vmem>>, vector<1000x128xf32>
    %broadcast_in_dim3A_9 = vector.shape_cast %rsqrt3A : vector<1000xf32> to vector<1000x1xf32>
    %mul3A = vector.broadcast %broadcast_in_dim3A_9 : vector<1000x1xf32> to vector<1000x128xf32>
    %mul3A_10 = arith.mulf %get3A_8, %mul3A : vector<1000x128xf32>
    %swap3A = arith.constant 0 : index
    %swap3A_11 = arith.constant 0 : index
    %swap3A_12 = vector.load %arg3[%swap3A, %swap3A_11] : memref<1000x128xf32, #tpu.memory_space<vmem>>, vector<1000x128xf32>
    tpu.vector_store %arg3[%swap3A, %swap3A_11], %mul3A_10 {strides = array<i32>} : memref<1000x128xf32, #tpu.memory_space<vmem>>, vector<1000x128xf32>,
    return
  }
  func.func @transform_0(%arg0: i32) -> (i32, i32, i32) {
    %c0_i32 = arith.constant 0 : i32
    %c0_i32_0 = arith.constant 0 : i32
    %c0_i32_1 = arith.constant 0 : i32
    return %c0_i32, %arg0, %c0_i32_0 : i32, i32, i32
  }
  func.func @transform_1(%arg0: i32) -> (i32, i32) {
    %c0_i32 = arith.constant 0 : i32
    %c0_i32_0 = arith.constant 0 : i32
    return %arg0, %c0_i32 : i32, i32
  }
  func.func @transform_2(%arg0: i32) -> (i32, i32) {
    %c0_i32 = arith.constant 0 : i32
    %c0_i32_0 = arith.constant 0 : i32
    return %arg0, %c0_i32 : i32, i32
  }
}

module attributes {stable_mosaic.version = 14 : i64} {
  func.func @body(%arg0: i32, %arg1: memref<1000x128xf32, #tpu.memory_space<vmem>>, %arg2: memref<128x128xf32, #tpu.memory_space<vmem>>, %arg3: memref<1000x128xf32, #tpu.memory_space<vmem>>) attributes {dimension_semantics = [#tpu.dimension_semantics<arbitrary>], iteration_bounds = array<i64: 10>, scalar_prefetch = 0 : i64, scratch_operands = 0 : i64, tpu.core_type = #tpu.core_type<tc>, window_params = [{transform_indices = @transform_0, window_bounds = array<i64: 1000, 128>}, {pipeline_mode = #tpu.pipeline_mode<synchronous>, transform_indices = @transform_1, window_bounds = array<i64: 128, 128>}, {transform_indices = @transform_2, window_bounds = array<i64: 1000, 128>}]} {
    %get3A = arith.constant 0 : index
    %get3A_0 = arith.constant 0 : index
    %get3A_1 = vector.load %arg1[%get3A, %get3A_0] : memref<1000x128xf32, #tpu.memory_space<vmem>>, vector<1000x128xf32>
    %get3A_2 = arith.constant 0 : index
    %get3A_3 = arith.constant 0 : index
    %get3A_4 = vector.load %arg2[%get3A_2, %get3A_3] : memref<128x128xf32, #tpu.memory_space<vmem>>, vector<128x128xf32>
    %dot_general3A = arith.constant dense<0.000000e+00> : vector<1000x128xf32>
    %dot_general3A_5 = tpu.matmul %get3A_1, %get3A_4, %dot_general3A {dimension_numbers = #tpu.dot_dimension_numbers<[1], [0], [0], [1], [0, 0, 1, 1], [], []>, precision = #tpu.contract_precision<fp32>, transpose_lhs_hint = false} : vector<1000x128xf32>, vector<128x128xf32>, vector<1000x128xf32> -> vector<1000x128xf32>
    %swap3A = arith.constant 0 : index
    %swap3A_6 = arith.constant 0 : index
    %swap3A_7 = vector.load %arg3[%swap3A, %swap3A_6] : memref<1000x128xf32, #tpu.memory_space<vmem>>, vector<1000x128xf32>
    tpu.vector_store %arg3[%swap3A, %swap3A_6], %dot_general3A_5 {strides = array<i32>} : memref<1000x128xf32, #tpu.memory_space<vmem>>, vector<1000x128xf32>,
    return
  }
  func.func @transform_0(%arg0: i32) -> (i32, i32) {
    %c0_i32 = arith.constant 0 : i32
    %c0_i32_0 = arith.constant 0 : i32
    return %arg0, %c0_i32 : i32, i32
  }
  func.func @transform_1(%arg0: i32) -> (i32, i32) {
    %c0_i32 = arith.constant 0 : i32
    %c0_i32_0 = arith.constant 0 : i32
    %c0_i32_1 = arith.constant 0 : i32
    return %c0_i32, %c0_i32_0 : i32, i32
  }
  func.func @transform_2(%arg0: i32) -> (i32, i32) {
    %c0_i32 = arith.constant 0 : i32
    %c0_i32_0 = arith.constant 0 : i32
    return %arg0, %c0_i32 : i32, i32
  }
}

module attributes {stable_mosaic.version = 14 : i64} {
  func.func @body(%arg0: i32, %arg1: memref<2x1000x128xf32, #tpu.memory_space<vmem>>, %arg2: memref<2x1000x128xf32, #tpu.memory_space<vmem>>, %arg3: memref<128xf32, #tpu.memory_space<vmem>>, %arg4: memref<128x128xf32, #tpu.memory_space<vmem>>, %arg5: memref<1000x128xf32, #tpu.memory_space<vmem>>) attributes {dimension_semantics = [#tpu.dimension_semantics<arbitrary>], iteration_bounds = array<i64: 10>, scalar_prefetch = 0 : i64, scratch_operands = 0 : i64, tpu.core_type = #tpu.core_type<tc>, window_params = [{transform_indices = @transform_0, window_bounds = array<i64: 2, 1000, 128>}, {transform_indices = @transform_1, window_bounds = array<i64: 2, 1000, 128>}, {pipeline_mode = #tpu.pipeline_mode<synchronous>, transform_indices = @transform_2, window_bounds = array<i64: 128>}, {pipeline_mode = #tpu.pipeline_mode<synchronous>, transform_indices = @transform_3, window_bounds = array<i64: 128, 128>}, {transform_indices = @transform_4, window_bounds = array<i64: 1000, 128>}]} {
    %get3A = arith.constant 0 : index
    %get3A_0 = arith.constant 0 : index
    %get3A_1 = arith.constant 0 : index
    %get3A_2 = vector.load %arg1[%get3A, %get3A_0, %get3A_1] : memref<2x1000x128xf32, #tpu.memory_space<vmem>>, vector<1x1000x128xf32>
    %get3A_3 = vector.shape_cast %get3A_2 : vector<1x1000x128xf32> to vector<1000x128xf32>
    %get3A_4 = arith.constant 1 : index
    %get3A_5 = arith.constant 0 : index
    %get3A_6 = arith.constant 0 : index
    %get3A_7 = vector.load %arg1[%get3A_4, %get3A_5, %get3A_6] : memref<2x1000x128xf32, #tpu.memory_space<vmem>>, vector<1x1000x128xf32>
    %get3A_8 = vector.shape_cast %get3A_7 : vector<1x1000x128xf32> to vector<1000x128xf32>
    %add3A = arith.addf %get3A_3, %get3A_8 : vector<1000x128xf32>
    %get3A_9 = arith.constant 1 : index
    %get3A_10 = arith.constant 0 : index
    %get3A_11 = arith.constant 0 : index
    %get3A_12 = vector.load %arg2[%get3A_9, %get3A_10, %get3A_11] : memref<2x1000x128xf32, #tpu.memory_space<vmem>>, vector<1x1000x1xf32>
    %get3A_13 = vector.shape_cast %get3A_12 : vector<1x1000x1xf32> to vector<1000xf32>
    %gt3A = arith.constant 0.000000e+00 : f32
    %gt3A_14 = vector.broadcast %gt3A : f32 to vector<1000xf32>
    %gt3A_15 = arith.cmpf ogt, %get3A_13, %gt3A_14 : vector<1000xf32>
    %jit3A = arith.constant 1.000000e+00 : f32
    %broadcast_in_dim3A = vector.broadcast %jit3A : f32 to vector<1000xf32>
    %select_n3A = arith.select %gt3A_15, %get3A_13, %broadcast_in_dim3A : vector<1000xi1>, vector<1000xf32>
    %rsqrt3A = math.rsqrt %select_n3A : vector<1000xf32>
    %broadcast_in_dim3A_16 = vector.shape_cast %rsqrt3A : vector<1000xf32> to vector<1000x1xf32>
    %mul3A = vector.broadcast %broadcast_in_dim3A_16 : vector<1000x1xf32> to vector<1000x128xf32>
    %mul3A_17 = arith.mulf %add3A, %mul3A : vector<1000x128xf32>
    %get3A_18 = arith.constant 0 : index
    %get3A_19 = vector.load %arg3[%get3A_18] : memref<128xf32, #tpu.memory_space<vmem>>, vector<128xf32>
    %broadcast_in_dim3A_20 = vector.shape_cast %get3A_19 : vector<128xf32> to vector<1x128xf32>
    %add3A_21 = vector.broadcast %broadcast_in_dim3A_20 : vector<1x128xf32> to vector<1000x128xf32>
    %add3A_22 = arith.addf %mul3A_17, %add3A_21 : vector<1000x128xf32>
    %max3A = arith.constant 0.000000e+00 : f32
    %max3A_23 = vector.broadcast %max3A : f32 to vector<1000x128xf32>
    %max3A_24 = arith.maximumf %add3A_22, %max3A_23 : vector<1000x128xf32>
    %get3A_25 = arith.constant 0 : index
    %get3A_26 = arith.constant 0 : index
    %get3A_27 = arith.constant 0 : index
    %get3A_28 = vector.load %arg2[%get3A_25, %get3A_26, %get3A_27] : memref<2x1000x128xf32, #tpu.memory_space<vmem>>, vector<1x1000x1xf32>
    %get3A_29 = vector.shape_cast %get3A_28 : vector<1x1000x1xf32> to vector<1000xf32>
    %gt3A_30 = arith.constant 0.000000e+00 : f32
    %gt3A_31 = vector.broadcast %gt3A_30 : f32 to vector<1000xf32>
    %gt3A_32 = arith.cmpf ogt, %get3A_29, %gt3A_31 : vector<1000xf32>
    %jit3A_33 = arith.constant 1.000000e+00 : f32
    %broadcast_in_dim3A_34 = vector.broadcast %jit3A_33 : f32 to vector<1000xf32>
    %select_n3A_35 = arith.select %gt3A_32, %get3A_29, %broadcast_in_dim3A_34 : vector<1000xi1>, vector<1000xf32>
    %rsqrt3A_36 = math.rsqrt %select_n3A_35 : vector<1000xf32>
    %get3A_37 = arith.constant 0 : index
    %get3A_38 = arith.constant 0 : index
    %get3A_39 = vector.load %arg4[%get3A_37, %get3A_38] : memref<128x128xf32, #tpu.memory_space<vmem>>, vector<128x128xf32>
    %dot_general3A = arith.constant dense<0.000000e+00> : vector<1000x128xf32>
    %dot_general3A_40 = tpu.matmul %max3A_24, %get3A_39, %dot_general3A {dimension_numbers = #tpu.dot_dimension_numbers<[1], [0], [0], [1], [0, 0, 1, 1], [], []>, precision = #tpu.contract_precision<fp32>, transpose_lhs_hint = false} : vector<1000x128xf32>, vector<128x128xf32>, vector<1000x128xf32> -> vector<1000x128xf32>
    %broadcast_in_dim3A_41 = vector.shape_cast %rsqrt3A_36 : vector<1000xf32> to vector<1000x1xf32>
    %mul3A_42 = vector.broadcast %broadcast_in_dim3A_41 : vector<1000x1xf32> to vector<1000x128xf32>
    %mul3A_43 = arith.mulf %dot_general3A_40, %mul3A_42 : vector<1000x128xf32>
    %swap3A = arith.constant 0 : index
    %swap3A_44 = arith.constant 0 : index
    %swap3A_45 = vector.load %arg5[%swap3A, %swap3A_44] : memref<1000x128xf32, #tpu.memory_space<vmem>>, vector<1000x128xf32>
    tpu.vector_store %arg5[%swap3A, %swap3A_44], %mul3A_43 {strides = array<i32>} : memref<1000x128xf32, #tpu.memory_space<vmem>>, vector<1000x128xf32>,
    return
  }
  func.func @transform_0(%arg0: i32) -> (i32, i32, i32) {
    %c0_i32 = arith.constant 0 : i32
    %c0_i32_0 = arith.constant 0 : i32
    %c0_i32_1 = arith.constant 0 : i32
    return %c0_i32, %arg0, %c0_i32_0 : i32, i32, i32
  }
  func.func @transform_1(%arg0: i32) -> (i32, i32, i32) {
    %c0_i32 = arith.constant 0 : i32
    %c0_i32_0 = arith.constant 0 : i32
    %c0_i32_1 = arith.constant 0 : i32
    return %c0_i32, %arg0, %c0_i32_0 : i32, i32, i32
  }
  func.func @transform_2(%arg0: i32) -> i32 {
    %c0_i32 = arith.constant 0 : i32
    %c0_i32_0 = arith.constant 0 : i32
    return %c0_i32 : i32
  }
  func.func @transform_3(%arg0: i32) -> (i32, i32) {
    %c0_i32 = arith.constant 0 : i32
    %c0_i32_0 = arith.constant 0 : i32
    %c0_i32_1 = arith.constant 0 : i32
    return %c0_i32, %c0_i32_0 : i32, i32
  }
  func.func @transform_4(%arg0: i32) -> (i32, i32) {
    %c0_i32 = arith.constant 0 : i32
    %c0_i32_0 = arith.constant 0 : i32
    return %arg0, %c0_i32 : i32, i32
  }
}

module attributes {stable_mosaic.version = 14 : i64} {
  func.func @body(%arg0: i32, %arg1: memref<2x1000x128xf32, #tpu.memory_space<vmem>>, %arg2: memref<2x1000x128xf32, #tpu.memory_space<vmem>>, %arg3: memref<128xf32, #tpu.memory_space<vmem>>, %arg4: memref<1x1x1000xi32, #tpu.memory_space<vmem>>, %arg5: memref<64x16xf32, #tpu.memory_space<vmem>>, %arg6: memref<144x144xf32, #tpu.memory_space<vmem>>, %arg7: memref<144xf32, #tpu.memory_space<vmem>>, %arg8: memref<144x144xf32, #tpu.memory_space<vmem>>, %arg9: memref<144xf32, #tpu.memory_space<vmem>>, %arg10: memref<144x1xf32, #tpu.memory_space<vmem>>, %arg11: memref<1xf32, #tpu.memory_space<vmem>>, %arg12: memref<64x1xf32, #tpu.memory_space<vmem>>, %arg13: memref<64x128xf32, #tpu.memory_space<vmem>>, %arg14: memref<64xf32, #tpu.memory_space<vmem>>) attributes {dimension_semantics = [#tpu.dimension_semantics<arbitrary>], iteration_bounds = array<i64: 10>, scalar_prefetch = 0 : i64, scratch_operands = 2 : i64, tpu.core_type = #tpu.core_type<tc>, window_params = [{transform_indices = @transform_0, window_bounds = array<i64: 2, 1000, 128>}, {transform_indices = @transform_1, window_bounds = array<i64: 2, 1000, 128>}, {pipeline_mode = #tpu.pipeline_mode<synchronous>, transform_indices = @transform_2, window_bounds = array<i64: 128>}, {transform_indices = @transform_3, window_bounds = array<i64: 1, 1, 1000>}, {pipeline_mode = #tpu.pipeline_mode<synchronous>, transform_indices = @transform_4, window_bounds = array<i64: 64, 16>}, {pipeline_mode = #tpu.pipeline_mode<synchronous>, transform_indices = @transform_5, window_bounds = array<i64: 144, 144>}, {pipeline_mode = #tpu.pipeline_mode<synchronous>, transform_indices = @transform_6, window_bounds = array<i64: 144>}, {pipeline_mode = #tpu.pipeline_mode<synchronous>, transform_indices = @transform_7, window_bounds = array<i64: 144, 144>}, {pipeline_mode = #tpu.pipeline_mode<synchronous>, transform_indices = @transform_8, window_bounds = array<i64: 144>}, {pipeline_mode = #tpu.pipeline_mode<synchronous>, transform_indices = @transform_9, window_bounds = array<i64: 144, 1>}, {pipeline_mode = #tpu.pipeline_mode<synchronous>, transform_indices = @transform_10, window_bounds = array<i64: 1>}, {pipeline_mode = #tpu.pipeline_mode<synchronous>, transform_indices = @transform_11, window_bounds = array<i64: 64, 1>}]} {
    %eq3A = arith.constant 0 : i32
    %eq3A_0 = arith.cmpi eq, %arg0, %eq3A : i32
    %convert_element_type3A = arith.extui %eq3A_0 : i1 to i32
    %cond3A = arith.constant 0 : i32
    %cond3A_1 = arith.cmpi ne, %convert_element_type3A, %cond3A : i32
    scf.if %cond3A_1 {
      %broadcast_in_dim3A_55 = arith.constant 0.000000e+00 : f32
      %broadcast_in_dim3A_56 = vector.broadcast %broadcast_in_dim3A_55 : f32 to vector<64x128xf32>
      %swap3A_57 = arith.constant 0 : index
      %swap3A_58 = arith.constant 0 : index
      %swap3A_59 = vector.load %arg13[%swap3A_57, %swap3A_58] : memref<64x128xf32, #tpu.memory_space<vmem>>, vector<64x128xf32>
      tpu.vector_store %arg13[%swap3A_57, %swap3A_58], %broadcast_in_dim3A_56 {strides = array<i32>} : memref<64x128xf32, #tpu.memory_space<vmem>>, vector<64x128xf32>,
      %broadcast_in_dim3A_60 = arith.constant 0.000000e+00 : f32
      %broadcast_in_dim3A_61 = vector.broadcast %broadcast_in_dim3A_60 : f32 to vector<64xf32>
      %swap3A_62 = arith.constant 0 : index
      %swap3A_63 = vector.load %arg14[%swap3A_62] : memref<64xf32, #tpu.memory_space<vmem>>, vector<64xf32>
      tpu.vector_store %arg14[%swap3A_62], %broadcast_in_dim3A_61 {strides = array<i32>} : memref<64xf32, #tpu.memory_space<vmem>>, vector<64xf32>,
    } else {
    }
    %get3A = arith.constant 0 : index
    %get3A_2 = arith.constant 0 : index
    %get3A_3 = arith.constant 0 : index
    %get3A_4 = vector.load %arg1[%get3A, %get3A_2, %get3A_3] : memref<2x1000x128xf32, #tpu.memory_space<vmem>>, vector<1x1000x128xf32>
    %get3A_5 = vector.shape_cast %get3A_4 : vector<1x1000x128xf32> to vector<1000x128xf32>
    %get3A_6 = arith.constant 1 : index
    %get3A_7 = arith.constant 0 : index
    %get3A_8 = arith.constant 0 : index
    %get3A_9 = vector.load %arg1[%get3A_6, %get3A_7, %get3A_8] : memref<2x1000x128xf32, #tpu.memory_space<vmem>>, vector<1x1000x128xf32>
    %get3A_10 = vector.shape_cast %get3A_9 : vector<1x1000x128xf32> to vector<1000x128xf32>
    %add3A = arith.addf %get3A_5, %get3A_10 : vector<1000x128xf32>
    %get3A_11 = arith.constant 1 : index
    %get3A_12 = arith.constant 0 : index
    %get3A_13 = arith.constant 0 : index
    %get3A_14 = vector.load %arg2[%get3A_11, %get3A_12, %get3A_13] : memref<2x1000x128xf32, #tpu.memory_space<vmem>>, vector<1x1000x1xf32>
    %get3A_15 = vector.shape_cast %get3A_14 : vector<1x1000x1xf32> to vector<1000xf32>
    %gt3A = arith.constant 0.000000e+00 : f32
    %gt3A_16 = vector.broadcast %gt3A : f32 to vector<1000xf32>
    %gt3A_17 = arith.cmpf ogt, %get3A_15, %gt3A_16 : vector<1000xf32>
    %jit3A = arith.constant 1.000000e+00 : f32
    %broadcast_in_dim3A = vector.broadcast %jit3A : f32 to vector<1000xf32>
    %select_n3A = arith.select %gt3A_17, %get3A_15, %broadcast_in_dim3A : vector<1000xi1>, vector<1000xf32>
    %rsqrt3A = math.rsqrt %select_n3A : vector<1000xf32>
    %broadcast_in_dim3A_18 = vector.shape_cast %rsqrt3A : vector<1000xf32> to vector<1000x1xf32>
    %mul3A = vector.broadcast %broadcast_in_dim3A_18 : vector<1000x1xf32> to vector<1000x128xf32>
    %mul3A_19 = arith.mulf %add3A, %mul3A : vector<1000x128xf32>
    %get3A_20 = arith.constant 0 : index
    %get3A_21 = vector.load %arg3[%get3A_20] : memref<128xf32, #tpu.memory_space<vmem>>, vector<128xf32>
    %broadcast_in_dim3A_22 = vector.shape_cast %get3A_21 : vector<128xf32> to vector<1x128xf32>
    %add3A_23 = vector.broadcast %broadcast_in_dim3A_22 : vector<1x128xf32> to vector<1000x128xf32>
    %add3A_24 = arith.addf %mul3A_19, %add3A_23 : vector<1000x128xf32>
    %max3A = arith.constant 0.000000e+00 : f32
    %max3A_25 = vector.broadcast %max3A : f32 to vector<1000x128xf32>
    %max3A_26 = arith.maximumf %add3A_24, %max3A_25 : vector<1000x128xf32>
    %get3A_27 = arith.constant 0 : index
    %get3A_28 = arith.constant 0 : index
    %get3A_29 = arith.constant 0 : index
    %get3A_30 = vector.load %arg4[%get3A_27, %get3A_28, %get3A_29] : memref<1x1x1000xi32, #tpu.memory_space<vmem>>, vector<1x1x1000xi32>
    %get3A_31 = vector.shape_cast %get3A_30 : vector<1x1x1000xi32> to vector<1000xi32>
    %iota3A = tpu.iota {dimensions = array<i32: 0>} : vector<64x1000xi32>
    %broadcast_in_dim3A_32 = vector.shape_cast %get3A_31 : vector<1000xi32> to vector<1x1000xi32>
    %eq3A_33 = vector.broadcast %broadcast_in_dim3A_32 : vector<1x1000xi32> to vector<64x1000xi32>
    %eq3A_34 = arith.cmpi eq, %iota3A, %eq3A_33 : vector<64x1000xi32>
    %convert_element_type3A_35 = arith.extui %eq3A_34 : vector<64x1000xi1> to vector<64x1000xi32>
    %convert_element_type3A_36 = arith.sitofp %convert_element_type3A_35 : vector<64x1000xi32> to vector<64x1000xf32>
    %get3A_37 = arith.constant 0 : index
    %get3A_38 = arith.constant 0 : index
    %get3A_39 = vector.load %arg13[%get3A_37, %get3A_38] : memref<64x128xf32, #tpu.memory_space<vmem>>, vector<64x128xf32>
    %dot_general3A = arith.constant dense<0.000000e+00> : vector<64x128xf32>
    %dot_general3A_40 = tpu.matmul %convert_element_type3A_36, %max3A_26, %dot_general3A {dimension_numbers = #tpu.dot_dimension_numbers<[1], [0], [0], [1], [0, 0, 1, 1], [], []>, precision = #tpu.contract_precision<fp32>, transpose_lhs_hint = false} : vector<64x1000xf32>, vector<1000x128xf32>, vector<64x128xf32> -> vector<64x128xf32>
    %add3A_41 = arith.addf %get3A_39, %dot_general3A_40 : vector<64x128xf32>
    %swap3A = arith.constant 0 : index
    %swap3A_42 = arith.constant 0 : index
    %swap3A_43 = vector.load %arg13[%swap3A, %swap3A_42] : memref<64x128xf32, #tpu.memory_space<vmem>>, vector<64x128xf32>
    tpu.vector_store %arg13[%swap3A, %swap3A_42], %add3A_41 {strides = array<i32>} : memref<64x128xf32, #tpu.memory_space<vmem>>, vector<64x128xf32>,
    %get3A_44 = arith.constant 0 : index
    %get3A_45 = vector.load %arg14[%get3A_44] : memref<64xf32, #tpu.memory_space<vmem>>, vector<64xf32>
    %reduce_sum3A = arith.constant dense<0.000000e+00> : vector<64xf32>
    %reduce_sum3A_46 = vector.multi_reduction <add>, %convert_element_type3A_36, %reduce_sum3A [1] : vector<64x1000xf32> to vector<64xf32>
    %add3A_47 = arith.addf %get3A_45, %reduce_sum3A_46 : vector<64xf32>
    %swap3A_48 = arith.constant 0 : index
    %swap3A_49 = vector.load %arg14[%swap3A_48] : memref<64xf32, #tpu.memory_space<vmem>>, vector<64xf32>
    tpu.vector_store %arg14[%swap3A_48], %add3A_47 {strides = array<i32>} : memref<64xf32, #tpu.memory_space<vmem>>, vector<64xf32>,
    %eq3A_50 = arith.constant 9 : i32
    %eq3A_51 = arith.cmpi eq, %arg0, %eq3A_50 : i32
    %convert_element_type3A_52 = arith.extui %eq3A_51 : i1 to i32
    %cond3A_53 = arith.constant 0 : i32
    %cond3A_54 = arith.cmpi ne, %convert_element_type3A_52, %cond3A_53 : i32
    scf.if %cond3A_54 {
      %get3A_55 = arith.constant 0 : index
      %get3A_56 = arith.constant 0 : index
      %get3A_57 = vector.load %arg13[%get3A_55, %get3A_56] : memref<64x128xf32, #tpu.memory_space<vmem>>, vector<64x128xf32>
      %get3A_58 = arith.constant 0 : index
      %get3A_59 = vector.load %arg14[%get3A_58] : memref<64xf32, #tpu.memory_space<vmem>>, vector<64xf32>
      %max3A_60 = arith.constant 1.000000e+00 : f32
      %max3A_61 = vector.broadcast %max3A_60 : f32 to vector<64xf32>
      %max3A_62 = arith.maximumf %get3A_59, %max3A_61 : vector<64xf32>
      %broadcast_in_dim3A_63 = vector.shape_cast %max3A_62 : vector<64xf32> to vector<64x1xf32>
      %div3A = vector.broadcast %broadcast_in_dim3A_63 : vector<64x1xf32> to vector<64x128xf32>
      %div3A_64 = arith.divf %get3A_57, %div3A : vector<64x128xf32>
      %get3A_65 = arith.constant 0 : index
      %get3A_66 = arith.constant 0 : index
      %get3A_67 = vector.load %arg6[%get3A_65, %get3A_66] : memref<144x144xf32, #tpu.memory_space<vmem>>, vector<128x144xf32>
      %dot_general3A_68 = arith.constant dense<0.000000e+00> : vector<64x144xf32>
      %dot_general3A_69 = tpu.matmul %div3A_64, %get3A_67, %dot_general3A_68 {dimension_numbers = #tpu.dot_dimension_numbers<[1], [0], [0], [1], [0, 0, 1, 1], [], []>, precision = #tpu.contract_precision<fp32>, transpose_lhs_hint = false} : vector<64x128xf32>, vector<128x144xf32>, vector<64x144xf32> -> vector<64x144xf32>
      %get3A_70 = arith.constant 0 : index
      %get3A_71 = arith.constant 0 : index
      %get3A_72 = vector.load %arg5[%get3A_70, %get3A_71] : memref<64x16xf32, #tpu.memory_space<vmem>>, vector<64x16xf32>
      %get3A_73 = arith.constant 128 : index
      %get3A_74 = arith.constant 0 : index
      %get3A_75 = vector.load %arg6[%get3A_73, %get3A_74] : memref<144x144xf32, #tpu.memory_space<vmem>>, vector<16x144xf32>
      %dot_general3A_76 = arith.constant dense<0.000000e+00> : vector<64x144xf32>
      %dot_general3A_77 = tpu.matmul %get3A_72, %get3A_75, %dot_general3A_76 {dimension_numbers = #tpu.dot_dimension_numbers<[1], [0], [0], [1], [0, 0, 1, 1], [], []>, precision = #tpu.contract_precision<fp32>, transpose_lhs_hint = false} : vector<64x16xf32>, vector<16x144xf32>, vector<64x144xf32> -> vector<64x144xf32>
      %add3A_78 = arith.addf %dot_general3A_69, %dot_general3A_77 : vector<64x144xf32>
      %get3A_79 = arith.constant 0 : index
      %get3A_80 = vector.load %arg7[%get3A_79] : memref<144xf32, #tpu.memory_space<vmem>>, vector<144xf32>
      %broadcast_in_dim3A_81 = vector.shape_cast %get3A_80 : vector<144xf32> to vector<1x144xf32>
      %add3A_82 = vector.broadcast %broadcast_in_dim3A_81 : vector<1x144xf32> to vector<64x144xf32>
      %add3A_83 = arith.addf %add3A_78, %add3A_82 : vector<64x144xf32>
      %max3A_84 = arith.constant 0.000000e+00 : f32
      %max3A_85 = vector.broadcast %max3A_84 : f32 to vector<64x144xf32>
      %max3A_86 = arith.maximumf %add3A_83, %max3A_85 : vector<64x144xf32>
      %get3A_87 = arith.constant 0 : index
      %get3A_88 = arith.constant 0 : index
      %get3A_89 = vector.load %arg8[%get3A_87, %get3A_88] : memref<144x144xf32, #tpu.memory_space<vmem>>, vector<144x144xf32>
      %dot_general3A_90 = arith.constant dense<0.000000e+00> : vector<64x144xf32>
      %dot_general3A_91 = tpu.matmul %max3A_86, %get3A_89, %dot_general3A_90 {dimension_numbers = #tpu.dot_dimension_numbers<[1], [0], [0], [1], [0, 0, 1, 1], [], []>, precision = #tpu.contract_precision<fp32>, transpose_lhs_hint = false} : vector<64x144xf32>, vector<144x144xf32>, vector<64x144xf32> -> vector<64x144xf32>
      %get3A_92 = arith.constant 0 : index
      %get3A_93 = vector.load %arg9[%get3A_92] : memref<144xf32, #tpu.memory_space<vmem>>, vector<144xf32>
      %broadcast_in_dim3A_94 = vector.shape_cast %get3A_93 : vector<144xf32> to vector<1x144xf32>
      %add3A_95 = vector.broadcast %broadcast_in_dim3A_94 : vector<1x144xf32> to vector<64x144xf32>
      %add3A_96 = arith.addf %dot_general3A_91, %add3A_95 : vector<64x144xf32>
      %max3A_97 = arith.constant 0.000000e+00 : f32
      %max3A_98 = vector.broadcast %max3A_97 : f32 to vector<64x144xf32>
      %max3A_99 = arith.maximumf %add3A_96, %max3A_98 : vector<64x144xf32>
      %get3A_100 = arith.constant 0 : index
      %get3A_101 = arith.constant 0 : index
      %get3A_102 = vector.load %arg10[%get3A_100, %get3A_101] : memref<144x1xf32, #tpu.memory_space<vmem>>, vector<144x1xf32>
      %dot_general3A_103 = arith.constant dense<0.000000e+00> : vector<64x1xf32>
      %dot_general3A_104 = tpu.matmul %max3A_99, %get3A_102, %dot_general3A_103 {dimension_numbers = #tpu.dot_dimension_numbers<[1], [0], [0], [1], [0, 0, 1, 1], [], []>, precision = #tpu.contract_precision<fp32>, transpose_lhs_hint = false} : vector<64x144xf32>, vector<144x1xf32>, vector<64x1xf32> -> vector<64x1xf32>
      %get3A_105 = arith.constant 0 : index
      %get3A_106 = vector.load %arg11[%get3A_105] : memref<1xf32, #tpu.memory_space<vmem>>, vector<1xf32>
      %broadcast_in_dim3A_107 = vector.shape_cast %get3A_106 : vector<1xf32> to vector<1x1xf32>
      %add3A_108 = vector.broadcast %broadcast_in_dim3A_107 : vector<1x1xf32> to vector<64x1xf32>
      %add3A_109 = arith.addf %dot_general3A_104, %add3A_108 : vector<64x1xf32>
      %swap3A_110 = arith.constant 0 : index
      %swap3A_111 = arith.constant 0 : index
      %swap3A_112 = vector.load %arg12[%swap3A_110, %swap3A_111] : memref<64x1xf32, #tpu.memory_space<vmem>>, vector<64x1xf32>
      tpu.vector_store %arg12[%swap3A_110, %swap3A_111], %add3A_109 {strides = array<i32>} : memref<64x1xf32, #tpu.memory_space<vmem>>, vector<64x1xf32>,
    } else {
    }
    return
  }
  func.func @transform_0(%arg0: i32) -> (i32, i32, i32) {
    %c0_i32 = arith.constant 0 : i32
    %c0_i32_0 = arith.constant 0 : i32
    %c0_i32_1 = arith.constant 0 : i32
    return %c0_i32, %arg0, %c0_i32_0 : i32, i32, i32
  }
  func.func @transform_1(%arg0: i32) -> (i32, i32, i32) {
    %c0_i32 = arith.constant 0 : i32
    %c0_i32_0 = arith.constant 0 : i32
    %c0_i32_1 = arith.constant 0 : i32
    return %c0_i32, %arg0, %c0_i32_0 : i32, i32, i32
  }
  func.func @transform_2(%arg0: i32) -> i32 {
    %c0_i32 = arith.constant 0 : i32
    %c0_i32_0 = arith.constant 0 : i32
    return %c0_i32 : i32
  }
  func.func @transform_3(%arg0: i32) -> (i32, i32, i32) {
    %c0_i32 = arith.constant 0 : i32
    %c0_i32_0 = arith.constant 0 : i32
    %c0_i32_1 = arith.constant 0 : i32
    return %arg0, %c0_i32, %c0_i32_0 : i32, i32, i32
  }
  func.func @transform_4(%arg0: i32) -> (i32, i32) {
    %c0_i32 = arith.constant 0 : i32
    %c0_i32_0 = arith.constant 0 : i32
    %c0_i32_1 = arith.constant 0 : i32
    return %c0_i32, %c0_i32_0 : i32, i32
  }
  func.func @transform_5(%arg0: i32) -> (i32, i32) {
    %c0_i32 = arith.constant 0 : i32
    %c0_i32_0 = arith.constant 0 : i32
    %c0_i32_1 = arith.constant 0 : i32
    return %c0_i32, %c0_i32_0 : i32, i32
  }
  func.func @transform_6(%arg0: i32) -> i32 {
    %c0_i32 = arith.constant 0 : i32
    %c0_i32_0 = arith.constant 0 : i32
    return %c0_i32 : i32
  }
  func.func @transform_7(%arg0: i32) -> (i32, i32) {
    %c0_i32 = arith.constant 0 : i32
    %c0_i32_0 = arith.constant 0 : i32
    %c0_i32_1 = arith.constant 0 : i32
    return %c0_i32, %c0_i32_0 : i32, i32
  }
  func.func @transform_8(%arg0: i32) -> i32 {
    %c0_i32 = arith.constant 0 : i32
    %c0_i32_0 = arith.constant 0 : i32
    return %c0_i32 : i32
  }
  func.func @transform_9(%arg0: i32) -> (i32, i32) {
    %c0_i32 = arith.constant 0 : i32
    %c0_i32_0 = arith.constant 0 : i32
    %c0_i32_1 = arith.constant 0 : i32
    return %c0_i32, %c0_i32_0 : i32, i32
  }
  func.func @transform_10(%arg0: i32) -> i32 {
    %c0_i32 = arith.constant 0 : i32
    %c0_i32_0 = arith.constant 0 : i32
    return %c0_i32 : i32
  }
  func.func @transform_11(%arg0: i32) -> (i32, i32) {
    %c0_i32 = arith.constant 0 : i32
    %c0_i32_0 = arith.constant 0 : i32
    %c0_i32_1 = arith.constant 0 : i32
    return %c0_i32, %c0_i32_0 : i32, i32
  }
}

</mosaic_0001>

<sc_bundles>
// kernel: kernel.12.cloned.1.call-start
scs
__scs_entry_jumppad:
0x0: {  	(pc) =	sbr.rel $0x88, $3  }
0x1: {  	(tag) =	ssettag $0x0;
	lr =	simm.s32 $0x1  }
0x2: {  	[smem:$0x3F93] =	sst lr;
	_ =	strace $0xD0000000  }
0x3: {  	_ = 	snop  }
0x4: {  	_ = 	snop  }
0x5: {  	_ = 	snop  }
0x6: {  	_ = 	snop  }
0x7: {  	_ = 	snop  }
__scs_overlays_trampoline_lowered:
0x8: {  	[smem:$0x3FA2] =	sst s0  }
0x9: {  	[smem:$0x3FA3] =	sst s1  }
0xa: {  	[smem:$0x3FA4] =	sst s2  }
0xb: {  	[smem:$0x3FA5] =	sst s3  }
0xc: {  	[smem:$0x3FA6] =	sst s4  }
0xd: {  	[smem:$0x3FA7] =	sst s5  }
0xe: {  	[smem:$0x3FA8] =	sst s6  }
0xf: {  	[smem:$0x3FA9] =	sst s7  }
0x10: {  	[smem:$0x3FAA] =	sst s8  }
0x11: {  	[smem:$0x3FAB] =	sst s9;
	s0 =	simm.s32 @!p0 $0x0  }
0x12: {  	s1 =	sld [smem:$0x3F91];
	s0 =	simm.s32 @p0 $0x1  }
0x13: {  	[smem:$0x3FAC] =	sst s0;
	s0 =	simm.s32 @!p1 $0x0  }
0x14: {  	s2 =	sld [smem:$0x3F90];
	s0 =	simm.s32 @p1 $0x1  }
0x15: {  	[smem:$0x3FAD] =	sst s0;
	s0 =	simm.s32 @!p2 $0x0  }
0x16: {  	s3 =	sld [smem:$0x3FDB];
	s0 =	simm.s32 @p2 $0x1  }
0x17: {  	s4 =	simm.s32 $0x1BF5;
	[smem:$0x3FAF] =	sst s0  }
0x18: {  	s0 =	sld [smem:$0x3F92];
	_ =	swait.ge [sflag:s4], $0x0  }
0x19: {  	s7 =	sld [smem:$0x3F93]  }
0x1a: {  	s8 =	sadd.s32 $0xFFFFE003, lr  }
0x1b: {  	s9 =	sadd.s32 $0xFFFFFEF7, lr;
	s5 =	simm.s32 $0xFFFFFFFF;
	p2 =	slt.u32 s8, $0xFFFFF086  }
0x1c: {  	p1 =	slt.u32 s9, $0xF7A;
	s5 =	simm.s32 @!p2 $0x0  }
0x1d: {  	s5 =	simm.s32 @p1 $0x1;
	p0 =	seq.s32 s7, s2  }
0x1e: {  	s7 =	smul.u32 @!p0 $0xF7A, s2;
	p2 =	seq.s32 @!p0 s5, $0x0  }
0x1f: {  	s9 =	smul.u32 $0xF7A, s1;
	s8 =	simm.s32 @!p0 $0x1BF5;
	p2 =	por !p2, p0  }
0x20: {  	[sflag:s8] =	ssyncset.s32 @!p0 $0xFFFFF086;
	s6 =	sadd.s32 @!p0 s3, s7;
	s7 =	simm.s32 @!p0 $0x108  }
0x21: {  	s3 =	sadd.s32 s3, s9;
	s6 =	sadd.s32 @!p0 $0x88, s6;
	s7 =	simm.s32 @p2 $0x1082  }
0x22: {  	[simem:s7], [sflag:s8] =	dma.local @!p0 [hbm:s6], $0xF7A  }
0x23: {  	s9 =	sor.u32 $0xD0000000, s2;
	s6 =	simm.s32 $0x108;
	_ =	swait.ge @!p0 [sflag:s8], $0x0  }
0x24: {  	s3 =	sadd.s32 $0x88, s3;
	s6 =	simm.s32 @!p1 $0x1082;
	[sflag:s4] =	ssyncset.s32 $0xFFFFF086  }
0x25: {  	[simem:s6], [sflag:s4] =	dma.local [hbm:s3], $0xF7A  }
0x26: {  	[smem:$0x3F93] =	sst s1;
	(tag) =	ssettag s2;
	_ =	strace s9  }
0x27: {  	s1 =	sld [smem:$0x3FA3]  }
0x28: {  	s2 =	sld [smem:$0x3FA4]  }
0x29: {  	s4 =	sld [smem:$0x3FA6]  }
0x2a: {  	p0 =	seq.s32 s5, $0x0;
	s5 =	sld [smem:$0x3FA7]  }
0x2b: {  	s6 =	sld [smem:$0x3FA8]  }
0x2c: {  	s7 =	sld [smem:$0x3FA9]  }
0x2d: {  	s3 =	simm.s32 $0x108;
	s8 =	sld [smem:$0x3FAA]  }
0x2e: {  	s3 =	simm.s32 @!p0 $0x1082;
	s9 =	sld [smem:$0x3FAB]  }
0x2f: {  	lr =	sadd.s32 s0, s3;
	s0 =	sld [smem:$0x3FA2]  }
0x30: {  	s3 =	sld [smem:$0x3FA5]  }
0x31: {  	[smem:$0x3FAE] =	sst s10  }
0x32: {  	s10 =	sld [smem:$0x3FAC];
	_ =	sdelay $0x3  }
0x33: {  	p0 =	seq.s32 s10, $0x1;
	s10 =	sld [smem:$0x3FAE];
	_ =	sdelay $0x3  }
0x34: {  	[smem:$0x3FAE] =	sst s10  }
0x35: {  	s10 =	sld [smem:$0x3FAD];
	_ =	sdelay $0x3  }
0x36: {  	p1 =	seq.s32 s10, $0x1;
	s10 =	sld [smem:$0x3FAE];
	_ =	sdelay $0x3  }
0x37: {  	[smem:$0x3FAE] =	sst s10  }
0x38: {  	s10 =	sld [smem:$0x3FAF]  }
0x39: {  	_ = 	snop;
	(pc) =	sbr.ind lr, $3  }
0x3a: {  	_ = 	snop  }
0x3b: {  	_ = 	snop  }
0x3c: {  	p2 =	seq.s32 s10, $0x1;
	s10 =	sld [smem:$0x3FAE]  }
0x3d: {  	_ =	shalt  }
0x3e: {  	_ =	shalt  }
0x3f: {  	_ =	shalt  }
0x40: {  	_ =	shalt  }
0x41: {  	_ =	shalt  }
0x42: {  	_ =	shalt  }
0x43: {  	_ =	shalt  }
0x44: {  	_ =	shalt  }
0x45: {  	_ =	shalt  }
0x46: {  	_ =	shalt  }
0x47: {  	_ =	shalt  }
0x48: {  	_ =	shalt  }
0x49: {  	_ =	shalt  }
0x4a: {  	_ =	shalt  }
0x4b: {  	_ =	shalt  }
0x4c: {  	_ =	shalt  }
0x4d: {  	_ =	shalt  }
0x4e: {  	_ =	shalt  }
0x4f: {  	_ =	shalt  }
0x50: {  	_ =	shalt  }
0x51: {  	_ =	shalt  }
0x52: {  	_ =	shalt  }
0x53: {  	_ =	shalt  }
0x54: {  	_ =	shalt  }
0x55: {  	_ =	shalt  }
0x56: {  	_ =	shalt  }
0x57: {  	_ =	shalt  }
0x58: {  	_ =	shalt  }
0x59: {  	_ =	shalt  }
0x5a: {  	_ =	shalt  }
0x5b: {  	_ =	shalt  }
0x5c: {  	_ =	shalt  }
0x5d: {  	_ =	shalt  }
0x5e: {  	_ =	shalt  }
0x5f: {  	_ =	shalt  }
0x60: {  	_ =	shalt  }
0x61: {  	_ =	shalt  }
0x62: {  	_ =	shalt  }
0x63: {  	_ =	shalt  }
0x64: {  	_ =	shalt  }
0x65: {  	_ =	shalt  }
0x66: {  	_ =	shalt  }
0x67: {  	_ =	shalt  }
0x68: {  	_ =	shalt  }
0x69: {  	_ =	shalt  }
0x6a: {  	_ =	shalt  }
0x6b: {  	_ =	shalt  }
0x6c: {  	_ =	shalt  }
0x6d: {  	_ =	shalt  }
0x6e: {  	_ =	shalt  }
0x6f: {  	_ =	shalt  }
0x70: {  	_ =	shalt  }
0x71: {  	_ =	shalt  }
0x72: {  	_ =	shalt  }
0x73: {  	_ =	shalt  }
0x74: {  	_ =	shalt  }
0x75: {  	_ =	shalt  }
0x76: {  	_ =	shalt  }
0x77: {  	_ =	shalt  }
0x78: {  	_ =	shalt  }
0x79: {  	_ =	shalt  }
0x7a: {  	_ =	shalt  }
0x7b: {  	_ =	shalt  }
0x7c: {  	_ =	shalt  }
0x7d: {  	_ =	shalt  }
0x7e: {  	_ =	shalt  }
0x7f: {  	_ =	shalt  }
0x80: {  	_ =	shalt  }
0x81: {  	_ =	shalt  }
0x82: {  	_ =	shalt  }
0x83: {  	_ =	shalt  }
0x84: {  	_ =	shalt  }
0x85: {  	_ =	shalt  }
0x86: {  	_ =	shalt  }
0x87: {  	_ =	shalt  }
.Lfunc_end0:
.L_simem_size_0:
called_computation.1_lowered:
.L_overlay_start_0:
0x88: {  	s2 =	sld [smem:$0x3FD9]  }
0x89: {  	s3 =	sld [smem:$0x3FFE];
	_ =	sdelay $0x1  }
0x8a: {  	s1 =	srdreg.scid  }
0x8b: {  	s0 =	sand.u32 $0x1, s1  }
0x8c: {  	s16 =	sshll.u32 s0, $0xA;
	s2 =	sadd.s32 s3, s2  }
0x8d: {  	s2 =	sadd.s32 s2, s16  }
0x8e: {  	[smem:$0x3FBA] =	sst s2  }
0x8f: {  	_ = 	snop  }
0x90: {  	(tm) =	ssettm $0x1  }
0x91: {  	s17 =	sld [smem:$0x3FFB];
	_ =	sdelay $0x3  }
0x92: {  	_ =	strace s17  }
0x93: {  	s2 =	sld [smem:$0x3FFC];
	_ =	sdelay $0x3  }
0x94: {  	_ =	strace s2  }
0x95: {  	s2 =	sld [smem:$0x3FFD];
	_ =	sdelay $0x3  }
0x96: {  	_ =	strace s2  }
0x97: {  	_ =	strace $0x8FFFFFFF  }
0x98: {  	s18 =	sld [smem:$0x3FDB];
	_ =	sdelay $0x1  }
0x99: {  	s19 =	simm.s32 $_scs_section_size  }
0x9a: {  	s4 =	simm.s32 $_size__tile_overlayer_lowered;
	s5 =	simm.s32 $_tile_overlayer_lowered  }
0x9b: {  	s22 =	simm.s32 $0x1BFF;
	s21 =	sshll.u32 s5, $0x1;
	s2 =	sadd.s32 s19, s18  }
0x9c: {  	s6 =	simm.s32 $0x0;
	s20 =	sshll.u32 s4, $0x1;
	s4 =	sadd.s32 s21, s2  }
0x9d: {  	[timem:s6], [sflag:s22] =	dma.local [hbm:s4], s20  }
0x9e: {  	_ =	swait.ge [sflag:s22], s20  }
0x9f: {  	s3 =	ssub.s32 $0x0, s20;
	[sflag:s22] =	ssyncset.done $0x0  }
0xa0: {  	[sflag:s22] =	ssyncadd.s32 s3;
	_ =	sdelay $0x1  }
0xa1: {  	s23 =	simm.s32 $0x1B8B  }
0xa2: {  	_ =	swait.ge [sflag:s23], $0x1  }
0xa3: {  	[sflag:s23] =	ssyncset.done $0x0  }
0xa4: {  	s25 =	simm.s32 $0x1B8E;
	s24 =	sld [smem:$0x3FFE];
	[sflag:s23] =	ssyncadd.s32 $0xFFFFFFFF  }
0xa5: {  	s26 =	simm.s32 $execute0_lowered;
	[smem:$0x3FD2] =	sst s25  }
0xa6: {  	s4 =	sshll.u32 s26, $0x1;
	_ =	strace $0x80000049;
	[dreg:$0x1] =	wrdreg $0xFFFFFFFF  }
0xa7: {  	s28 =	simm.s32 $_size_execute0_lowered;
	s2 =	sadd.s32 s2, s4;
	[dreg:$0x0] =	wrdreg $0x0  }
0xa8: {  	s4 =	sshll.u32 s28, $0x1;
	[dreg:$0x2] =	wrdreg s2  }
0xa9: {  	[dreg:$0x3] =	wrdreg s4  }
0xaa: {  	[dreg:$0x4] =	wrdreg $0xC0  }
0xab: {  	_ =	task [dreg:s6], $0x5FFFF  }
0xac: {  	[dreg:$0x1] =	wrdreg $0xFFFFFFFF  }
0xad: {  	[dreg:$0x0] =	wrdreg $0x60  }
0xae: {  	[dreg:$0x2] =	wrdreg s24  }
0xaf: {  	[dreg:$0x3] =	wrdreg $0xC7000  }
0xb0: {  	[dreg:$0x4] =	wrdreg $0x9  }
0xb1: {  	_ =	task.clear_ibuf [dreg:s6], $0x5FFFF;
	_ =	strace $0x90000049  }
0xb2: {  	s29 =	simm.s32 $0x9;
	_ =	strace $0x8000004B  }
0xb3: {  	_ =	swait.ge [sflag:s29], $0x1  }
0xb4: {  	[sflag:s29] =	ssyncadd.s32 $0xFFFFFFFF  }
0xb5: {  	_ =	strace $0x9000004B  }
0xb6: {  	_ =	sfence  }
0xb7: {  	s30 =	sld [smem:$0x0];
	_ =	sdelay $0x2  }
0xb8: {  	s31 =	sshll.u32 s1, $0xD;
	s1 =	sshrl.u32 s1, $0x2  }
0xb9: {  	s3 =	sand.u32 $0x4000, s31;
	s1 =	sadd.s32 s1, s30  }
0xba: {  	s0 =	sor.u32 s3, s0;
	s1 =	sshll.u32 s1, $0x11  }
0xbb: {  	s0 =	sor.u32 s1, s0  }
0xbc: {  	s0 =	sadd.s32 $0x8F2B, s0  }
0xbd: {  	[sflag:s0] =	ssyncadd.remote.s32 $0x1  }
0xbe: {  	_ =	sfence.sel $0xFFFF  }
0xbf: {  	[dreg:$0x0] =	wrdreg $0xFFFFFFFF;
	(pc) =	sbr.abs _section_cstart, $3  }
0xc0: {  	[dreg:$0x1] =	wrdreg $0xFFFFFFFF  }
0xc1: {  	_ =	task.clear_ibuf [dreg:s6], $0x2FFFF;
	_ =	strace $0x9FFFFFFF  }
0xc2: {  	(tm) =	ssettm $0x7FFFFFFF  }
0xc3: {  	_ =	shalt  }
tec
execute0_lowered:
.L_overlay_start_1:
0x0: {  	(tag) =	ssettag $0x1  }
0x1: {  	s2 =	rddreg [dreg:$0x0]  }
0x2: {  	s1 =	rddreg [dreg:$0x1];
	s3 =	simm.s32 $0x0;
	s0 =	srdreg.scid  }
0x3: {  	s10 =	stileid.u32;
	s30 =	simm.s32 $0x1;
	s31 =	simm.s32 $0x40  }
0x4: {  	[smem:$0x7FF] =	sst s3;
	s5 =	sand.u32 $0x1, s0;
	s6 =	smul.u32 $0x4E000, s10  }
0x5: {  	s4 =	sadd.s32 $0x65C00, s2;
	s0 =	sadd.s32 $0x4000, s2;
	s15 =	smul.u32 $0x2710, s10  }
0x6: {  	s2 =	sadd.s32 $0x8CE00, s2;
	s21 =	smul.u32 $0x13800, s10;
	s29 =	sadd.s32 $0x138000, s1  }
0x7: {  	p0 =	sne.s32 s10, $0xF;
	_ =	strace $0x8000004A;
	s6 =	sshrl.u32 s6, $0x2  }
0x8: {  	s7 =	ssub.s32 $0x2, s5;
	[dreg:$0x18] =	wrdreg s29;
	s28 =	sadd.s32 s6, s1  }
0x9: {  	s12 =	smul.u32 $0x27100, s5;
	s13 =	sadd.s32 $0x2000, s28;
	[dreg:$0xe] =	wrdreg s28  }
0xa: {  	s5 =	smul.u32 $0x138800, s5;
	s14 =	sadd.s32 $0x4000, s28;
	[dreg:$0xf] =	wrdreg s13  }
0xb: {  	s8 =	sshrl.u32 s7, $0x1;
	s9 =	sadd.s32 $0x6000, s28;
	[dreg:$0x10] =	wrdreg s14  }
0xc: {  	s7 =	ssub.s32 s7, s8;
	s16 =	sadd.s32 $0x8000, s28;
	[dreg:$0x11] =	wrdreg s9  }
0xd: {  	s6 =	sadd.s32 s15, s12;
	s17 =	sadd.s32 $0xA000, s28;
	[dreg:$0x12] =	wrdreg s16  }
0xe: {  	s23 =	sadd.s32 s21, s5;
	s18 =	sadd.s32 $0xC000, s28;
	[dreg:$0x13] =	wrdreg s17  }
0xf: {  	s5 =	sshrl.u32 s5, $0x3;
	s19 =	sadd.s32 $0xE000, s28;
	[dreg:$0x14] =	wrdreg s18  }
0x10: {  	s20 =	sshrl.u32 s6, $0x3;
	s11 =	sadd.s32 $0x10000, s28;
	[dreg:$0x15] =	wrdreg s19  }
0x11: {  	s22 =	sadd.s32 $0x12000, s28;
	s25 =	sadd.s32 $0x4E340, s6;
	[dreg:$0x16] =	wrdreg s11  }
0x12: {  	s21 =	sadd.s32 $0x40, s6;
	[dreg:$0x17] =	wrdreg s22;
	s12 =	sadd.s32 s20, s0  }
0x13: {  	s26 =	sshrl.u32 s25, $0x3;
	s9 =	sadd.s32 $0x4E300, s6;
	s8 =	sadd.s32 $0x4E0, s12  }
0x14: {  	s14 =	sadd.s32 $0x4E2C0, s6;
	s24 =	sadd.s32 $0xA120, s12;
	[dreg:$0x19] =	wrdreg s8  }
0x15: {  	s17 =	sadd.s32 $0x4E280, s6;
	s11 =	sadd.s32 $0x28, s12;
	[dreg:$0x1a] =	wrdreg s24  }
0x16: {  	s22 =	sshrl.u32 s21, $0x3;
	s15 =	sadd.s32 $0x20, s12;
	[dreg:$0x4] =	wrdreg s11  }
0x17: {  	s21 =	simm.s32 $0x5;
	s18 =	sadd.s32 $0x18, s12;
	[dreg:$0x6] =	wrdreg s15  }
0x18: {  	s20 =	sadd.s32 $0x10, s12;
	s8 =	sshrl.u32 s23, $0x3;
	[dreg:$0x8] =	wrdreg s18  }
0x19: {  	[dreg:$0xa] =	wrdreg s20;
	s23 =	sadd.s32 $0x4E240, s6;
	s6 =	sadd.s32 $0x4E200, s6  }
0x1a: {  	s15 =	simm.s32 $0x9;
	s8 =	sadd.s32 s2, s8;
	s2 =	sadd.s32 s2, s5  }
0x1b: {  	s5 =	sshrl.u32 s23, $0x3;
	[dreg:$0x1b] =	wrdreg s8;
	s8 =	sadd.s32 s26, s0  }
0x1c: {  	s25 =	sshrl.u32 s6, $0x3;
	s2 =	sadd.s32 $0x27000, s2;
	[dreg:$0x3] =	wrdreg s8  }
0x1d: {  	s6 =	simm.s32 $0x3;
	s26 =	smax.u32 s7, $0x1;
	[dreg:$0x1c] =	wrdreg s2  }
0x1e: {  	s23 =	simm.s32 $0x4700;
	s24 =	sadd.s32 s5, s0;
	[dreg:$0x1d] =	wrdreg s26  }
0x1f: {  	s8 =	sshrl.u32 s9, $0x3;
	s2 =	sadd.s32 s22, s0;
	[dreg:$0xc] =	wrdreg s24  }
0x20: {  	s13 =	sadd.s32 s8, s0;
	s8 =	sshrl.u32 s14, $0x3;
	[dreg:$0xb] =	wrdreg s2  }
0x21: {  	s5 =	simm.s32 $0x6;
	[dreg:$0x5] =	wrdreg s13;
	s16 =	sadd.s32 s8, s0  }
0x22: {  	s8 =	sshrl.u32 s17, $0x3;
	s13 =	simm.s32 $0xA700;
	[dreg:$0x7] =	wrdreg s16  }
0x23: {  	s19 =	sadd.s32 s8, s0;
	s0 =	sadd.s32 s25, s0;
	s8 =	simm.s32 $0x0  }
0x24: {  	s16 =	simm.s32 $0x2700;
	s25 =	simm.s32 $0xA700;
	[dreg:$0x9] =	wrdreg s19  }
0x25: {  	v0 =	vimm.f32 $0.0e+00;
	[dreg:$0xd] =	wrdreg s0;
	s0 =	simm.s32 $0x2;
	s19 =	simm.s32 $0x4  }
.LBB2_1:
0x26: {  	[dreg:$0x1e] =	wrdreg s8;
	s22 =	simm.s32 $0x0;
	s26 =	simm.s32 $0x200  }
.LBB2_2:
0x27: {  	p1 =	sne.s32 s26, $0x7E00;
	[tilespmem:s22+$0x770] =	vst v0  }
0x28: {  	[tilespmem:s22+$0x700] =	vst v0  }
0x29: {  	[tilespmem:s22+$0x710] =	vst v0  }
.Ltmp0:
0x2a: {  	[tilespmem:s22+$0x720] =	vst v0;
	(pc) =	sbr.rel @p1 .LBB2_2-.Ltmp0, $4  }
0x2b: {  	[tilespmem:s22+$0x730] =	vst v0  }
0x2c: {  	[tilespmem:s22+$0x740] =	vst v0  }
0x2d: {  	[tilespmem:s22+$0x750] =	vst v0  }
0x2e: {  	[tilespmem:s22+$0x760] =	vst v0;
	s22 =	sshra.s32 s26, $0x2;
	s26 =	sadd.s32 $0x200, s26  }
0x2f: {  	[tilespmem:s22+$0x770] =	vst v0  }
0x30: {  	[tilespmem:s22+$0x700] =	vst v0  }
0x31: {  	[tilespmem:s22+$0x710] =	vst v0  }
0x32: {  	[tilespmem:s22+$0x720] =	vst v0  }
0x33: {  	[tilespmem:s22+$0x730] =	vst v0  }
0x34: {  	[tilespmem:s22+$0x740] =	vst v0  }
0x35: {  	[tilespmem:s22+$0x750] =	vst v0  }
0x36: {  	[tilespmem:s22+$0x760] =	vst v0;
	s8 =	simm.s32 $0x700;
	s7 =	simm.s32 $0x13  }
0x37: {  	[spmem:s28] =	stream.linear.scatter [tilespmem:s8], [sflag:$0x13], $0x2000, $0x38;
	[tilespmem:$0x1FF80] =	vst v63  }
0x38: {  	_ =	swait.ge [sflag:s7], $0x2000  }
0x39: {  	[sflag:s7] =	ssyncset.done $0x0  }
0x3a: {  	s2 =	rddreg [dreg:$0xf];
	[sflag:s7] =	ssyncadd.s32 $0xFFFFE000  }
0x3b: {  	[spmem:s2] =	stream.linear.scatter [tilespmem:s8], [sflag:$0x13], $0x2000, $0x38;
	[tilespmem:$0x1FF80] =	vst v63  }
0x3c: {  	_ =	swait.ge [sflag:s7], $0x2000  }
0x3d: {  	[sflag:s7] =	ssyncset.done $0x0  }
0x3e: {  	s22 =	rddreg [dreg:$0x10];
	[sflag:s7] =	ssyncadd.s32 $0xFFFFE000  }
0x3f: {  	[spmem:s22] =	stream.linear.scatter [tilespmem:s8], [sflag:$0x13], $0x2000, $0x38;
	[tilespmem:$0x1FF80] =	vst v63  }
0x40: {  	_ =	swait.ge [sflag:s7], $0x2000  }
0x41: {  	[sflag:s7] =	ssyncset.done $0x0  }
0x42: {  	s24 =	rddreg [dreg:$0x11];
	[sflag:s7] =	ssyncadd.s32 $0xFFFFE000  }
0x43: {  	[spmem:s24] =	stream.linear.scatter [tilespmem:s8], [sflag:$0x13], $0x2000, $0x38;
	[tilespmem:$0x1FF80] =	vst v63  }
0x44: {  	_ =	swait.ge [sflag:s7], $0x2000  }
0x45: {  	[sflag:s7] =	ssyncset.done $0x0  }
0x46: {  	s26 =	rddreg [dreg:$0x12];
	[sflag:s7] =	ssyncadd.s32 $0xFFFFE000  }
0x47: {  	[spmem:s26] =	stream.linear.scatter [tilespmem:s8], [sflag:$0x13], $0x2000, $0x38;
	[tilespmem:$0x1FF80] =	vst v63  }
0x48: {  	_ =	swait.ge [sflag:s7], $0x2000  }
0x49: {  	[sflag:s7] =	ssyncset.done $0x0  }
0x4a: {  	s9 =	rddreg [dreg:$0x13];
	[sflag:s7] =	ssyncadd.s32 $0xFFFFE000  }
0x4b: {  	[spmem:s9] =	stream.linear.scatter [tilespmem:s8], [sflag:$0x13], $0x2000, $0x38;
	[tilespmem:$0x1FF80] =	vst v63  }
0x4c: {  	_ =	swait.ge [sflag:s7], $0x2000  }
0x4d: {  	[sflag:s7] =	ssyncset.done $0x0  }
0x4e: {  	s10 =	rddreg [dreg:$0x14];
	[sflag:s7] =	ssyncadd.s32 $0xFFFFE000  }
0x4f: {  	[spmem:s10] =	stream.linear.scatter [tilespmem:s8], [sflag:$0x13], $0x2000, $0x38;
	[tilespmem:$0x1FF80] =	vst v63  }
0x50: {  	_ =	swait.ge [sflag:s7], $0x2000  }
0x51: {  	[sflag:s7] =	ssyncset.done $0x0  }
0x52: {  	s11 =	rddreg [dreg:$0x15];
	[sflag:s7] =	ssyncadd.s32 $0xFFFFE000  }
0x53: {  	[spmem:s11] =	stream.linear.scatter [tilespmem:s8], [sflag:$0x13], $0x2000, $0x38;
	[tilespmem:$0x1FF80] =	vst v63  }
0x54: {  	_ =	swait.ge [sflag:s7], $0x2000  }
0x55: {  	[sflag:s7] =	ssyncset.done $0x0  }
0x56: {  	s14 =	rddreg [dreg:$0x16];
	[sflag:s7] =	ssyncadd.s32 $0xFFFFE000  }
0x57: {  	[spmem:s14] =	stream.linear.scatter [tilespmem:s8], [sflag:$0x13], $0x2000, $0x38;
	[tilespmem:$0x1FF80] =	vst v63  }
0x58: {  	_ =	swait.ge [sflag:s7], $0x2000  }
0x59: {  	[sflag:s7] =	ssyncset.done $0x0  }
0x5a: {  	s17 =	rddreg [dreg:$0x17];
	[sflag:s7] =	ssyncadd.s32 $0xFFFFE000  }
0x5b: {  	[spmem:s17] =	stream.linear.scatter [tilespmem:s8], [sflag:$0x13], $0x1800, $0x38;
	[tilespmem:$0x1FF80] =	vst v63  }
0x5c: {  	_ =	swait.ge [sflag:s7], $0x1800  }
0x5d: {  	[sflag:s7] =	ssyncset.done $0x0  }
0x5e: {  	s22 =	simm.s32 @!p0 $0x700;
	[sflag:s7] =	ssyncadd.s32 $0xFFFFE800  }
0x5f: {  	[spmem:s29] =	stream.linear.scatter @!p0 [tilespmem:s22], [sflag:$0x13], $0x800, $0x38;
	[tilespmem:$0x1FF80] =	vst v63  }
0x60: {  	s22 =	simm.s32 @!p0 $0x13  }
0x61: {  	_ =	swait.ge @!p0 [sflag:s22], $0x800  }
0x62: {  	[sflag:s22] =	ssyncset.done @!p0 $0x0  }
0x63: {  	p1 =	por $0x1, $0x1;
	[sflag:s22] =	ssyncadd.s32 @!p0 $0xFFFFF800  }
0x64: {  	s22 =	simm.s32 @!p1 $0xD;
	[bflag:$0x0] =	sbarrier.arrive $0xFFFF  }
0x65: {  	_ =	swait.ge @!p1 [sflag:s22], $0x2000  }
0x66: {  	[sflag:s22] =	ssyncset.done @!p1 $0x0  }
0x67: {  	[sflag:s22] =	ssyncadd.s32 @!p1 $0xFFFFE000;
	s22 =	simm.s32 @!p1 $0xE  }
0x68: {  	_ =	swait.ge @!p1 [sflag:s22], $0x2000  }
0x69: {  	[sflag:s22] =	ssyncset.done @!p1 $0x0  }
0x6a: {  	[sflag:s22] =	ssyncadd.s32 @!p1 $0xFFFFE000;
	s22 =	simm.s32 @!p1 $0xF  }
0x6b: {  	_ =	swait.ge @!p1 [sflag:s22], $0x2000  }
0x6c: {  	[sflag:s22] =	ssyncset.done @!p1 $0x0  }
0x6d: {  	s18 =	sadd.s32 $0x0, s12;
	s26 =	rddreg [dreg:$0xd];
	[sflag:s22] =	ssyncadd.s32 @!p1 $0xFFFFE000  }
0x6e: {  	[tilespmem:s3], [sflag:$0x1] =	stream.linear.gather [hbm4b:s18+s3], $0x40, $0x38;
	[tilespmem:$0x1FF80] =	vst v63  }
0x6f: {  	s29 =	simm.s32 $0x300;
	s28 =	rddreg [dreg:$0xb];
	s20 =	sadd.s32 $0x0, s26  }
0x70: {  	[tilespmem:s29], [sflag:$0x1] =	stream.linear.gather [hbm4b:s20+s3], $0x40, $0x38;
	[tilespmem:$0x1FF80] =	vst v63  }
0x71: {  	s10 =	simm.s32 $0x80;
	s24 =	rddreg [dreg:$0xc];
	s7 =	sadd.s32 $0x0, s28  }
0x72: {  	[tilespmem:s10], [sflag:$0x2] =	stream.linear.gather [hbm4b:s7+s3], $0x40, $0x38;
	[tilespmem:$0x1FF80] =	vst v63  }
0x73: {  	s11 =	simm.s32 $0x380;
	s28 =	rddreg [dreg:$0xa];
	s9 =	sadd.s32 $0x0, s24  }
0x74: {  	[tilespmem:s11], [sflag:$0x2] =	stream.linear.gather [hbm4b:s9+s3], $0x40, $0x38;
	[tilespmem:$0x1FF80] =	vst v63  }
0x75: {  	s14 =	rddreg [dreg:$0x9];
	s17 =	sadd.s32 $0x0, s28;
	s9 =	simm.s32 $0x100  }
0x76: {  	[tilespmem:s9], [sflag:$0x3] =	stream.linear.gather [hbm4b:s17+s3], $0x40, $0x38;
	[tilespmem:$0x1FF80] =	vst v63  }
0x77: {  	s18 =	sadd.s32 $0x0, s14;
	s20 =	simm.s32 $0x400  }
0x78: {  	[tilespmem:s20], [sflag:$0x3] =	stream.linear.gather [hbm4b:s18+s3], $0x40, $0x38;
	[tilespmem:$0x1FF80] =	vst v63  }
0x79: {  	_ =	swait.ge [sflag:s30], $0x40  }
0x7a: {  	[sflag:s30] =	ssyncset.done $0x0  }
0x7b: {  	[sflag:s30] =	ssyncadd.s32 $0xFFFFFFC0  }
0x7c: {  	_ =	swait.ge [sflag:s30], $0x40  }
0x7d: {  	[sflag:s30] =	ssyncset.done $0x0  }
0x7e: {  	[sflag:s30] =	ssyncadd.s32 $0xFFFFFFC0  }
0x7f: {  	[tilespmem:s8], [sflag:$0x7] =	stream.indirect.gather [hbm4b:s4+s31], $0x80, s3, s31, $0xb8;
	[tilespmem:$0x1FF80] =	vst v63  }
0x80: {  	_ =	swait.ge [sflag:s0], $0x40  }
0x81: {  	[sflag:s0] =	ssyncset.done $0x0  }
0x82: {  	[sflag:s0] =	ssyncadd.s32 $0xFFFFFFC0  }
0x83: {  	_ =	swait.ge [sflag:s0], $0x40  }
0x84: {  	[sflag:s0] =	ssyncset.done $0x0  }
0x85: {  	[sflag:s0] =	ssyncadd.s32 $0xFFFFFFC0  }
0x86: {  	[tilespmem:s16], [sflag:$0x8] =	stream.indirect.gather [hbm4b:s4+s31], $0x80, s10, s31, $0xb8;
	[tilespmem:$0x1FF80] =	vst v63  }
0x87: {  	_ =	swait.ge [sflag:s6], $0x40  }
0x88: {  	[sflag:s6] =	ssyncset.done $0x0  }
0x89: {  	[sflag:s6] =	ssyncadd.s32 $0xFFFFFFC0  }
0x8a: {  	_ =	swait.ge [sflag:s6], $0x40  }
0x8b: {  	[sflag:s6] =	ssyncset.done $0x0  }
0x8c: {  	[sflag:s6] =	ssyncadd.s32 $0xFFFFFFC0  }
0x8d: {  	[tilespmem:s23], [sflag:$0x9] =	stream.indirect.gather [hbm4b:s4+s31], $0x80, s9, s31, $0xb8;
	[tilespmem:$0x1FF80] =	vst v63  }
0x8e: {  	s9 =	simm.s32 $0x7  }
0x8f: {  	_ =	swait.ge [sflag:s9], $0x2000  }
0x90: {  	[sflag:s9] =	ssyncset.done $0x0  }
0x91: {  	s10 =	simm.s32 $0x8;
	[sflag:s9] =	ssyncadd.s32 $0xFFFFE000  }
0x92: {  	[spmem:s1] =	stream.indirect.scatter.add.f32 [tilespmem:s8], [sflag:$0xD], $0x80, s29, s31, $0xb8;
	[tilespmem:$0x1FF80] =	vst v63  }
0x93: {  	_ =	swait.ge [sflag:s10], $0x2000  }
0x94: {  	[sflag:s10] =	ssyncset.done $0x0  }
0x95: {  	[sflag:s10] =	ssyncadd.s32 $0xFFFFE000  }
0x96: {  	[spmem:s1] =	stream.indirect.scatter.add.f32 [tilespmem:s16], [sflag:$0xE], $0x80, s11, s31, $0xb8;
	[tilespmem:$0x1FF80] =	vst v63  }
0x97: {  	_ =	swait.ge [sflag:s15], $0x2000  }
0x98: {  	[sflag:s15] =	ssyncset.done $0x0  }
0x99: {  	s22 =	simm.s32 @!p1 $0x10;
	[sflag:s15] =	ssyncadd.s32 $0xFFFFE000  }
0x9a: {  	[spmem:s1] =	stream.indirect.scatter.add.f32 [tilespmem:s23], [sflag:$0xF], $0x80, s20, s31, $0xb8;
	[tilespmem:$0x1FF80] =	vst v63  }
0x9b: {  	_ =	swait.ge @!p1 [sflag:s22], $0x2000  }
0x9c: {  	[sflag:s22] =	ssyncset.done @!p1 $0x0  }
0x9d: {  	[sflag:s22] =	ssyncadd.s32 @!p1 $0xFFFFE000;
	s22 =	simm.s32 @!p1 $0x11  }
0x9e: {  	_ =	swait.ge @!p1 [sflag:s22], $0x2000  }
0x9f: {  	[sflag:s22] =	ssyncset.done @!p1 $0x0  }
0xa0: {  	[sflag:s22] =	ssyncadd.s32 @!p1 $0xFFFFE000;
	s22 =	simm.s32 @!p1 $0x12  }
0xa1: {  	_ =	swait.ge @!p1 [sflag:s22], $0x2000  }
0xa2: {  	s2 =	simm.s32 $0x180;
	s24 =	rddreg [dreg:$0x8];
	[sflag:s22] =	ssyncset.done @!p1 $0x0  }
0xa3: {  	s28 =	rddreg [dreg:$0x7];
	[sflag:s22] =	ssyncadd.s32 @!p1 $0xFFFFE000;
	s29 =	sadd.s32 $0x0, s24  }
0xa4: {  	[tilespmem:s2], [sflag:$0x4] =	stream.linear.gather [hbm4b:s29+s3], $0x40, $0x38;
	[tilespmem:$0x1FF80] =	vst v63  }
0xa5: {  	s14 =	simm.s32 $0x480;
	s7 =	rddreg [dreg:$0x6];
	s8 =	sadd.s32 $0x0, s28  }
0xa6: {  	[tilespmem:s14], [sflag:$0x4] =	stream.linear.gather [hbm4b:s8+s3], $0x40, $0x38;
	[tilespmem:$0x1FF80] =	vst v63  }
0xa7: {  	s20 =	simm.s32 $0x200;
	s17 =	rddreg [dreg:$0x5];
	s22 =	sadd.s32 $0x0, s7  }
0xa8: {  	[tilespmem:s20], [sflag:$0x5] =	stream.linear.gather [hbm4b:s22+s3], $0x40, $0x38;
	[tilespmem:$0x1FF80] =	vst v63  }
0xa9: {  	s18 =	rddreg [dreg:$0x4];
	s26 =	sadd.s32 $0x0, s17;
	s17 =	simm.s32 $0x500  }
0xaa: {  	[tilespmem:s17], [sflag:$0x5] =	stream.linear.gather [hbm4b:s26+s3], $0x40, $0x38;
	[tilespmem:$0x1FF80] =	vst v63  }
0xab: {  	s24 =	rddreg [dreg:$0x3];
	s22 =	sadd.s32 $0x0, s18;
	s18 =	simm.s32 $0x280  }
0xac: {  	[tilespmem:s18], [sflag:$0x6] =	stream.linear.gather [hbm4b:s22+s3], $0x40, $0x38;
	[tilespmem:$0x1FF80] =	vst v63  }
0xad: {  	s7 =	simm.s32 $0x580;
	s26 =	sadd.s32 $0x0, s24  }
0xae: {  	[tilespmem:s7], [sflag:$0x6] =	stream.linear.gather [hbm4b:s26+s3], $0x40, $0x38;
	[tilespmem:$0x1FF80] =	vst v63  }
0xaf: {  	_ =	swait.ge [sflag:s19], $0x40  }
0xb0: {  	[sflag:s19] =	ssyncset.done $0x0  }
0xb1: {  	[sflag:s19] =	ssyncadd.s32 $0xFFFFFFC0  }
0xb2: {  	_ =	swait.ge [sflag:s19], $0x40  }
0xb3: {  	[sflag:s19] =	ssyncset.done $0x0  }
0xb4: {  	s29 =	simm.s32 $0x6700;
	[sflag:s19] =	ssyncadd.s32 $0xFFFFFFC0  }
0xb5: {  	[tilespmem:s29], [sflag:$0xA] =	stream.indirect.gather [hbm4b:s4+s31], $0x80, s2, s31, $0xb8;
	[tilespmem:$0x1FF80] =	vst v63  }
0xb6: {  	_ =	swait.ge [sflag:s21], $0x40  }
0xb7: {  	[sflag:s21] =	ssyncset.done $0x0  }
0xb8: {  	[sflag:s21] =	ssyncadd.s32 $0xFFFFFFC0  }
0xb9: {  	_ =	swait.ge [sflag:s21], $0x40  }
0xba: {  	[sflag:s21] =	ssyncset.done $0x0  }
0xbb: {  	s11 =	simm.s32 $0x8700;
	[sflag:s21] =	ssyncadd.s32 $0xFFFFFFC0  }
0xbc: {  	[tilespmem:s11], [sflag:$0xB] =	stream.indirect.gather [hbm4b:s4+s31], $0x80, s20, s31, $0xb8;
	[tilespmem:$0x1FF80] =	vst v63  }
0xbd: {  	_ =	swait.ge [sflag:s5], $0x40  }
0xbe: {  	[sflag:s5] =	ssyncset.done $0x0  }
0xbf: {  	[sflag:s5] =	ssyncadd.s32 $0xFFFFFFC0  }
0xc0: {  	_ =	swait.ge [sflag:s5], $0x40  }
0xc1: {  	[sflag:s5] =	ssyncset.done $0x0  }
0xc2: {  	[sflag:s5] =	ssyncadd.s32 $0xFFFFFFC0  }
0xc3: {  	[tilespmem:s13], [sflag:$0xC] =	stream.indirect.gather [hbm4b:s4+s31], $0x80, s18, s31, $0xb8;
	[tilespmem:$0x1FF80] =	vst v63  }
0xc4: {  	s13 =	simm.s32 $0xA  }
0xc5: {  	_ =	swait.ge [sflag:s13], $0x2000  }
0xc6: {  	[sflag:s13] =	ssyncset.done $0x0  }
0xc7: {  	s20 =	simm.s32 $0xB;
	[sflag:s13] =	ssyncadd.s32 $0xFFFFE000  }
0xc8: {  	[spmem:s1] =	stream.indirect.scatter.add.f32 [tilespmem:s29], [sflag:$0x10], $0x80, s14, s31, $0xb8;
	[tilespmem:$0x1FF80] =	vst v63  }
0xc9: {  	_ =	swait.ge [sflag:s20], $0x2000  }
0xca: {  	[sflag:s20] =	ssyncset.done $0x0  }
0xcb: {  	s28 =	simm.s32 $0xC;
	[sflag:s20] =	ssyncadd.s32 $0xFFFFE000  }
0xcc: {  	[spmem:s1] =	stream.indirect.scatter.add.f32 [tilespmem:s11], [sflag:$0x11], $0x80, s17, s31, $0xb8;
	[tilespmem:$0x1FF80] =	vst v63  }
0xcd: {  	p1 =	por $0x0, $0x0;
	s22 =	simm.s32 $0x60;
	_ =	swait.ge [sflag:s28], $0x2000  }
0xce: {  	s26 =	simm.s32 $0x30;
	s17 =	smov.u32 s12;
	[sflag:s28] =	ssyncset.done $0x0  }
.LBB2_4:
0xcf: {  	s29 =	simm.s32 @!p1 $0xD;
	[sflag:s28] =	ssyncadd.s32 $0xFFFFE000  }
0xd0: {  	[spmem:s1] =	stream.indirect.scatter.add.f32 [tilespmem:s25], [sflag:$0x12], $0x80, s7, s31, $0xb8;
	[tilespmem:$0x1FF80] =	vst v63  }
0xd1: {  	_ =	swait.ge @!p1 [sflag:s29], $0x2000  }
0xd2: {  	[sflag:s29] =	ssyncset.done @!p1 $0x0  }
0xd3: {  	[sflag:s29] =	ssyncadd.s32 @!p1 $0xFFFFE000;
	s29 =	simm.s32 @!p1 $0xE  }
0xd4: {  	_ =	swait.ge @!p1 [sflag:s29], $0x2000  }
0xd5: {  	[sflag:s29] =	ssyncset.done @!p1 $0x0  }
0xd6: {  	[sflag:s29] =	ssyncadd.s32 @!p1 $0xFFFFE000;
	s29 =	simm.s32 @!p1 $0xF  }
0xd7: {  	_ =	swait.ge @!p1 [sflag:s29], $0x2000  }
0xd8: {  	[sflag:s29] =	ssyncset.done @!p1 $0x0  }
0xd9: {  	s2 =	rddreg [dreg:$0xd];
	[sflag:s29] =	ssyncadd.s32 @!p1 $0xFFFFE000;
	s29 =	sadd.s32 s26, s17  }
0xda: {  	[tilespmem:s3], [sflag:$0x1] =	stream.linear.gather [hbm4b:s29+s3], $0x40, $0x38;
	[tilespmem:$0x1FF80] =	vst v63  }
0xdb: {  	s8 =	simm.s32 $0x300;
	s24 =	rddreg [dreg:$0xb];
	s2 =	sadd.s32 s26, s2  }
0xdc: {  	[tilespmem:s8], [sflag:$0x1] =	stream.linear.gather [hbm4b:s2+s3], $0x40, $0x38;
	[tilespmem:$0x1FF80] =	vst v63  }
0xdd: {  	s12 =	simm.s32 $0x80;
	s7 =	sadd.s32 s26, s24;
	s29 =	rddreg [dreg:$0xc]  }
0xde: {  	[tilespmem:s12], [sflag:$0x2] =	stream.linear.gather [hbm4b:s7+s3], $0x40, $0x38;
	[tilespmem:$0x1FF80] =	vst v63  }
0xdf: {  	s18 =	simm.s32 $0x380;
	s14 =	rddreg [dreg:$0xa];
	s24 =	sadd.s32 s26, s29  }
0xe0: {  	[tilespmem:s18], [sflag:$0x2] =	stream.linear.gather [hbm4b:s24+s3], $0x40, $0x38;
	[tilespmem:$0x1FF80] =	vst v63  }
0xe1: {  	s29 =	rddreg [dreg:$0x9];
	s7 =	sadd.s32 s26, s14;
	s24 =	simm.s32 $0x100  }
0xe2: {  	[tilespmem:s24], [sflag:$0x3] =	stream.linear.gather [hbm4b:s7+s3], $0x40, $0x38;
	[tilespmem:$0x1FF80] =	vst v63  }
0xe3: {  	s14 =	sadd.s32 s26, s29;
	s7 =	simm.s32 $0x400  }
0xe4: {  	[tilespmem:s7], [sflag:$0x3] =	stream.linear.gather [hbm4b:s14+s3], $0x40, $0x38;
	[tilespmem:$0x1FF80] =	vst v63  }
0xe5: {  	_ =	swait.ge [sflag:s30], $0x40  }
0xe6: {  	[sflag:s30] =	ssyncset.done $0x0  }
0xe7: {  	[sflag:s30] =	ssyncadd.s32 $0xFFFFFFC0  }
0xe8: {  	_ =	swait.ge [sflag:s30], $0x40  }
0xe9: {  	[sflag:s30] =	ssyncset.done $0x0  }
0xea: {  	s14 =	simm.s32 $0x700;
	[sflag:s30] =	ssyncadd.s32 $0xFFFFFFC0  }
0xeb: {  	[tilespmem:s14], [sflag:$0x7] =	stream.indirect.gather [hbm4b:s4+s31], $0x80, s3, s31, $0xb8;
	[tilespmem:$0x1FF80] =	vst v63  }
0xec: {  	_ =	swait.ge [sflag:s0], $0x40  }
0xed: {  	[sflag:s0] =	ssyncset.done $0x0  }
0xee: {  	[sflag:s0] =	ssyncadd.s32 $0xFFFFFFC0  }
0xef: {  	_ =	swait.ge [sflag:s0], $0x40  }
0xf0: {  	[sflag:s0] =	ssyncset.done $0x0  }
0xf1: {  	[sflag:s0] =	ssyncadd.s32 $0xFFFFFFC0  }
0xf2: {  	[tilespmem:s16], [sflag:$0x8] =	stream.indirect.gather [hbm4b:s4+s31], $0x80, s12, s31, $0xb8;
	[tilespmem:$0x1FF80] =	vst v63  }
0xf3: {  	_ =	swait.ge [sflag:s6], $0x40  }
0xf4: {  	[sflag:s6] =	ssyncset.done $0x0  }
0xf5: {  	[sflag:s6] =	ssyncadd.s32 $0xFFFFFFC0  }
0xf6: {  	_ =	swait.ge [sflag:s6], $0x40  }
0xf7: {  	[sflag:s6] =	ssyncset.done $0x0  }
0xf8: {  	[sflag:s6] =	ssyncadd.s32 $0xFFFFFFC0  }
0xf9: {  	[tilespmem:s23], [sflag:$0x9] =	stream.indirect.gather [hbm4b:s4+s31], $0x80, s24, s31, $0xb8;
	[tilespmem:$0x1FF80] =	vst v63  }
0xfa: {  	_ =	swait.ge [sflag:s9], $0x2000  }
0xfb: {  	[sflag:s9] =	ssyncset.done $0x0  }
0xfc: {  	[sflag:s9] =	ssyncadd.s32 $0xFFFFE000  }
0xfd: {  	[spmem:s1] =	stream.indirect.scatter.add.f32 [tilespmem:s14], [sflag:$0xD], $0x80, s8, s31, $0xb8;
	[tilespmem:$0x1FF80] =	vst v63  }
0xfe: {  	_ =	swait.ge [sflag:s10], $0x2000  }
0xff: {  	[sflag:s10] =	ssyncset.done $0x0  }
0x100: {  	[sflag:s10] =	ssyncadd.s32 $0xFFFFE000  }
0x101: {  	[spmem:s1] =	stream.indirect.scatter.add.f32 [tilespmem:s16], [sflag:$0xE], $0x80, s18, s31, $0xb8;
	[tilespmem:$0x1FF80] =	vst v63  }
0x102: {  	_ =	swait.ge [sflag:s15], $0x2000  }
0x103: {  	[sflag:s15] =	ssyncset.done $0x0  }
0x104: {  	s2 =	simm.s32 @!p1 $0x10;
	[sflag:s15] =	ssyncadd.s32 $0xFFFFE000  }
0x105: {  	[spmem:s1] =	stream.indirect.scatter.add.f32 [tilespmem:s23], [sflag:$0xF], $0x80, s7, s31, $0xb8;
	[tilespmem:$0x1FF80] =	vst v63  }
0x106: {  	_ =	swait.ge @!p1 [sflag:s2], $0x2000  }
0x107: {  	[sflag:s2] =	ssyncset.done @!p1 $0x0  }
0x108: {  	[sflag:s2] =	ssyncadd.s32 @!p1 $0xFFFFE000;
	s2 =	simm.s32 @!p1 $0x11  }
0x109: {  	_ =	swait.ge @!p1 [sflag:s2], $0x2000  }
0x10a: {  	[sflag:s2] =	ssyncset.done @!p1 $0x0  }
0x10b: {  	[sflag:s2] =	ssyncadd.s32 @!p1 $0xFFFFE000;
	s2 =	simm.s32 @!p1 $0x12  }
0x10c: {  	_ =	swait.ge @!p1 [sflag:s2], $0x2000  }
0x10d: {  	s14 =	rddreg [dreg:$0x8]  }
0x10e: {  	[sflag:s2] =	ssyncset.done @!p1 $0x0;
	s29 =	rddreg [dreg:$0x7]  }
0x10f: {  	[sflag:s2] =	ssyncadd.s32 @!p1 $0xFFFFE000;
	s18 =	sadd.s32 s26, s14;
	s14 =	simm.s32 $0x180  }
0x110: {  	[tilespmem:s14], [sflag:$0x4] =	stream.linear.gather [hbm4b:s18+s3], $0x40, $0x38;
	[tilespmem:$0x1FF80] =	vst v63  }
0x111: {  	s8 =	simm.s32 $0x480;
	s24 =	rddreg [dreg:$0x6];
	s12 =	sadd.s32 s26, s29  }
0x112: {  	[tilespmem:s8], [sflag:$0x4] =	stream.linear.gather [hbm4b:s12+s3], $0x40, $0x38;
	[tilespmem:$0x1FF80] =	vst v63  }
0x113: {  	s29 =	rddreg [dreg:$0x5];
	s18 =	sadd.s32 s26, s24;
	s12 =	simm.s32 $0x200  }
0x114: {  	[tilespmem:s12], [sflag:$0x5] =	stream.linear.gather [hbm4b:s18+s3], $0x40, $0x38;
	[tilespmem:$0x1FF80] =	vst v63  }
0x115: {  	s7 =	rddreg [dreg:$0x4];
	s24 =	sadd.s32 s26, s29;
	s18 =	simm.s32 $0x500  }
0x116: {  	[tilespmem:s18], [sflag:$0x5] =	stream.linear.gather [hbm4b:s24+s3], $0x40, $0x38;
	[tilespmem:$0x1FF80] =	vst v63  }
0x117: {  	s2 =	sadd.s32 s26, s7;
	s29 =	rddreg [dreg:$0x3];
	s24 =	simm.s32 $0x280  }
0x118: {  	[tilespmem:s24], [sflag:$0x6] =	stream.linear.gather [hbm4b:s2+s3], $0x40, $0x38;
	[tilespmem:$0x1FF80] =	vst v63  }
0x119: {  	s7 =	simm.s32 $0x580;
	s2 =	sadd.s32 s26, s29  }
0x11a: {  	[tilespmem:s7], [sflag:$0x6] =	stream.linear.gather [hbm4b:s2+s3], $0x40, $0x38;
	[tilespmem:$0x1FF80] =	vst v63  }
0x11b: {  	_ =	swait.ge [sflag:s19], $0x40  }
0x11c: {  	[sflag:s19] =	ssyncset.done $0x0  }
0x11d: {  	[sflag:s19] =	ssyncadd.s32 $0xFFFFFFC0  }
0x11e: {  	_ =	swait.ge [sflag:s19], $0x40  }
0x11f: {  	[sflag:s19] =	ssyncset.done $0x0  }
0x120: {  	s29 =	simm.s32 $0x6700;
	[sflag:s19] =	ssyncadd.s32 $0xFFFFFFC0  }
0x121: {  	[tilespmem:s29], [sflag:$0xA] =	stream.indirect.gather [hbm4b:s4+s31], $0x80, s14, s31, $0xb8;
	[tilespmem:$0x1FF80] =	vst v63  }
0x122: {  	_ =	swait.ge [sflag:s21], $0x40  }
0x123: {  	[sflag:s21] =	ssyncset.done $0x0  }
0x124: {  	[sflag:s21] =	ssyncadd.s32 $0xFFFFFFC0  }
0x125: {  	_ =	swait.ge [sflag:s21], $0x40  }
0x126: {  	[sflag:s21] =	ssyncset.done $0x0  }
0x127: {  	[sflag:s21] =	ssyncadd.s32 $0xFFFFFFC0  }
0x128: {  	[tilespmem:s11], [sflag:$0xB] =	stream.indirect.gather [hbm4b:s4+s31], $0x80, s12, s31, $0xb8;
	[tilespmem:$0x1FF80] =	vst v63  }
0x129: {  	_ =	swait.ge [sflag:s5], $0x40  }
0x12a: {  	[sflag:s5] =	ssyncset.done $0x0  }
0x12b: {  	[sflag:s5] =	ssyncadd.s32 $0xFFFFFFC0  }
0x12c: {  	_ =	swait.ge [sflag:s5], $0x40  }
0x12d: {  	[sflag:s5] =	ssyncset.done $0x0  }
0x12e: {  	[sflag:s5] =	ssyncadd.s32 $0xFFFFFFC0  }
0x12f: {  	[tilespmem:s25], [sflag:$0xC] =	stream.indirect.gather [hbm4b:s4+s31], $0x80, s24, s31, $0xb8;
	[tilespmem:$0x1FF80] =	vst v63  }
0x130: {  	_ =	swait.ge [sflag:s13], $0x2000  }
0x131: {  	[sflag:s13] =	ssyncset.done $0x0  }
0x132: {  	s28 =	smov.u32 s22;
	s22 =	sadd.s32 $0x30, s22;
	[sflag:s13] =	ssyncadd.s32 $0xFFFFE000  }
0x133: {  	[spmem:s1] =	stream.indirect.scatter.add.f32 [tilespmem:s29], [sflag:$0x10], $0x80, s8, s31, $0xb8;
	[tilespmem:$0x1FF80] =	vst v63  }
0x134: {  	p2 =	sne.s32 s22, $0x4E0;
	_ =	swait.ge [sflag:s20], $0x2000  }
.Ltmp1:
0x135: {  	[sflag:s20] =	ssyncset.done $0x0;
	(pc) =	sbr.rel @p2 .LBB2_4-.Ltmp1, $4  }
0x136: {  	s26 =	smov.u32 s28;
	s28 =	simm.s32 $0xC;
	[sflag:s20] =	ssyncadd.s32 $0xFFFFE000  }
0x137: {  	[spmem:s1] =	stream.indirect.scatter.add.f32 [tilespmem:s11], [sflag:$0x11], $0x80, s18, s31, $0xb8;
	[tilespmem:$0x1FF80] =	vst v63  }
0x138: {  	_ =	swait.ge [sflag:s28], $0x2000  }
0x139: {  	p1 =	seq.s32 s26, $0x0;
	[sflag:s28] =	ssyncset.done $0x0  }
0x13a: {  	s2 =	simm.s32 @!p1 $0xD;
	[sflag:s28] =	ssyncadd.s32 $0xFFFFE000  }
0x13b: {  	[spmem:s1] =	stream.indirect.scatter.add.f32 [tilespmem:s25], [sflag:$0x12], $0x80, s7, s31, $0xb8;
	[tilespmem:$0x1FF80] =	vst v63  }
0x13c: {  	_ =	swait.ge @!p1 [sflag:s2], $0x2000  }
0x13d: {  	[sflag:s2] =	ssyncset.done @!p1 $0x0  }
0x13e: {  	[sflag:s2] =	ssyncadd.s32 @!p1 $0xFFFFE000;
	s2 =	simm.s32 @!p1 $0xE  }
0x13f: {  	_ =	swait.ge @!p1 [sflag:s2], $0x2000  }
0x140: {  	[sflag:s2] =	ssyncset.done @!p1 $0x0  }
0x141: {  	[sflag:s2] =	ssyncadd.s32 @!p1 $0xFFFFE000;
	s2 =	simm.s32 @!p1 $0xF  }
0x142: {  	_ =	swait.ge @!p1 [sflag:s2], $0x2000  }
0x143: {  	[sflag:s2] =	ssyncset.done @!p1 $0x0  }
0x144: {  	s8 =	sadd.s32 s26, s17;
	s18 =	rddreg [dreg:$0xd];
	[sflag:s2] =	ssyncadd.s32 @!p1 $0xFFFFE000  }
0x145: {  	[tilespmem:s3], [sflag:$0x1] =	stream.linear.gather [hbm4b:s8+s3], $0x40, $0x38;
	[tilespmem:$0x1FF80] =	vst v63  }
0x146: {  	s22 =	rddreg [dreg:$0xb];
	s12 =	sadd.s32 s26, s18;
	s8 =	simm.s32 $0x300  }
0x147: {  	[tilespmem:s8], [sflag:$0x1] =	stream.linear.gather [hbm4b:s12+s3], $0x40, $0x38;
	[tilespmem:$0x1FF80] =	vst v63  }
0x148: {  	s14 =	rddreg [dreg:$0xc];
	s18 =	sadd.s32 s26, s22;
	s12 =	simm.s32 $0x80  }
0x149: {  	[tilespmem:s12], [sflag:$0x2] =	stream.linear.gather [hbm4b:s18+s3], $0x40, $0x38;
	[tilespmem:$0x1FF80] =	vst v63  }
0x14a: {  	s22 =	rddreg [dreg:$0xa];
	s14 =	sadd.s32 s26, s14;
	s18 =	simm.s32 $0x380  }
0x14b: {  	[tilespmem:s18], [sflag:$0x2] =	stream.linear.gather [hbm4b:s14+s3], $0x40, $0x38;
	[tilespmem:$0x1FF80] =	vst v63  }
0x14c: {  	s7 =	rddreg [dreg:$0x9];
	s14 =	sadd.s32 s26, s22;
	s22 =	simm.s32 $0x100  }
0x14d: {  	[tilespmem:s22], [sflag:$0x3] =	stream.linear.gather [hbm4b:s14+s3], $0x40, $0x38;
	[tilespmem:$0x1FF80] =	vst v63  }
0x14e: {  	s7 =	sadd.s32 s26, s7;
	s14 =	simm.s32 $0x400  }
0x14f: {  	[tilespmem:s14], [sflag:$0x3] =	stream.linear.gather [hbm4b:s7+s3], $0x40, $0x38;
	[tilespmem:$0x1FF80] =	vst v63  }
0x150: {  	_ =	swait.ge [sflag:s30], $0x40  }
0x151: {  	[sflag:s30] =	ssyncset.done $0x0  }
0x152: {  	[sflag:s30] =	ssyncadd.s32 $0xFFFFFFC0  }
0x153: {  	_ =	swait.ge [sflag:s30], $0x40  }
0x154: {  	[sflag:s30] =	ssyncset.done $0x0  }
0x155: {  	s28 =	simm.s32 $0x700;
	[sflag:s30] =	ssyncadd.s32 $0xFFFFFFC0  }
0x156: {  	[tilespmem:s28], [sflag:$0x7] =	stream.indirect.gather [hbm4b:s4+s31], $0x80, s3, s31, $0xb8;
	[tilespmem:$0x1FF80] =	vst v63  }
0x157: {  	_ =	swait.ge [sflag:s0], $0x40  }
0x158: {  	[sflag:s0] =	ssyncset.done $0x0  }
0x159: {  	[sflag:s0] =	ssyncadd.s32 $0xFFFFFFC0  }
0x15a: {  	_ =	swait.ge [sflag:s0], $0x40  }
0x15b: {  	[sflag:s0] =	ssyncset.done $0x0  }
0x15c: {  	[sflag:s0] =	ssyncadd.s32 $0xFFFFFFC0  }
0x15d: {  	[tilespmem:s16], [sflag:$0x8] =	stream.indirect.gather [hbm4b:s4+s31], $0x80, s12, s31, $0xb8;
	[tilespmem:$0x1FF80] =	vst v63  }
0x15e: {  	_ =	swait.ge [sflag:s6], $0x40  }
0x15f: {  	[sflag:s6] =	ssyncset.done $0x0  }
0x160: {  	[sflag:s6] =	ssyncadd.s32 $0xFFFFFFC0  }
0x161: {  	_ =	swait.ge [sflag:s6], $0x40  }
0x162: {  	[sflag:s6] =	ssyncset.done $0x0  }
0x163: {  	[sflag:s6] =	ssyncadd.s32 $0xFFFFFFC0  }
0x164: {  	[tilespmem:s23], [sflag:$0x9] =	stream.indirect.gather [hbm4b:s4+s31], $0x80, s22, s31, $0xb8;
	[tilespmem:$0x1FF80] =	vst v63  }
0x165: {  	_ =	swait.ge [sflag:s9], $0x2000  }
0x166: {  	[sflag:s9] =	ssyncset.done $0x0  }
0x167: {  	[sflag:s9] =	ssyncadd.s32 $0xFFFFE000  }
0x168: {  	[spmem:s1] =	stream.indirect.scatter.add.f32 [tilespmem:s28], [sflag:$0xD], $0x80, s8, s31, $0xb8;
	[tilespmem:$0x1FF80] =	vst v63  }
0x169: {  	_ =	swait.ge [sflag:s10], $0x2000  }
0x16a: {  	[sflag:s10] =	ssyncset.done $0x0  }
0x16b: {  	[sflag:s10] =	ssyncadd.s32 $0xFFFFE000  }
0x16c: {  	[spmem:s1] =	stream.indirect.scatter.add.f32 [tilespmem:s16], [sflag:$0xE], $0x80, s18, s31, $0xb8;
	[tilespmem:$0x1FF80] =	vst v63  }
0x16d: {  	_ =	swait.ge [sflag:s15], $0x2000  }
0x16e: {  	[sflag:s15] =	ssyncset.done $0x0  }
0x16f: {  	s2 =	simm.s32 @!p1 $0x10;
	[sflag:s15] =	ssyncadd.s32 $0xFFFFE000  }
0x170: {  	[spmem:s1] =	stream.indirect.scatter.add.f32 [tilespmem:s23], [sflag:$0xF], $0x80, s14, s31, $0xb8;
	[tilespmem:$0x1FF80] =	vst v63  }
0x171: {  	_ =	swait.ge @!p1 [sflag:s2], $0x2000  }
0x172: {  	[sflag:s2] =	ssyncset.done @!p1 $0x0  }
0x173: {  	[sflag:s2] =	ssyncadd.s32 @!p1 $0xFFFFE000;
	s2 =	simm.s32 @!p1 $0x11  }
0x174: {  	_ =	swait.ge @!p1 [sflag:s2], $0x2000  }
0x175: {  	[sflag:s2] =	ssyncset.done @!p1 $0x0  }
0x176: {  	[sflag:s2] =	ssyncadd.s32 @!p1 $0xFFFFE000;
	s2 =	simm.s32 @!p1 $0x12  }
0x177: {  	_ =	swait.ge @!p1 [sflag:s2], $0x2000  }
0x178: {  	s14 =	simm.s32 $0x180;
	s9 =	rddreg [dreg:$0x8];
	[sflag:s2] =	ssyncset.done @!p1 $0x0  }
0x179: {  	s10 =	rddreg [dreg:$0x7];
	[sflag:s2] =	ssyncadd.s32 @!p1 $0xFFFFE000;
	s12 =	sadd.s32 s26, s9  }
0x17a: {  	[tilespmem:s14], [sflag:$0x4] =	stream.linear.gather [hbm4b:s12+s3], $0x40, $0x38;
	[tilespmem:$0x1FF80] =	vst v63  }
0x17b: {  	s8 =	simm.s32 $0x480;
	s18 =	rddreg [dreg:$0x6];
	s22 =	sadd.s32 s26, s10  }
0x17c: {  	[tilespmem:s8], [sflag:$0x4] =	stream.linear.gather [hbm4b:s22+s3], $0x40, $0x38;
	[tilespmem:$0x1FF80] =	vst v63  }
0x17d: {  	s9 =	rddreg [dreg:$0x5];
	s2 =	sadd.s32 s26, s18;
	s12 =	simm.s32 $0x200  }
0x17e: {  	[tilespmem:s12], [sflag:$0x5] =	stream.linear.gather [hbm4b:s2+s3], $0x40, $0x38;
	[tilespmem:$0x1FF80] =	vst v63  }
0x17f: {  	s10 =	rddreg [dreg:$0x4];
	s7 =	sadd.s32 s26, s9;
	s9 =	simm.s32 $0x500  }
0x180: {  	[tilespmem:s9], [sflag:$0x5] =	stream.linear.gather [hbm4b:s7+s3], $0x40, $0x38;
	[tilespmem:$0x1FF80] =	vst v63  }
0x181: {  	s18 =	rddreg [dreg:$0x3];
	s22 =	simm.s32 $0x280;
	s2 =	sadd.s32 s26, s10  }
0x182: {  	[tilespmem:s22], [sflag:$0x6] =	stream.linear.gather [hbm4b:s2+s3], $0x40, $0x38;
	[tilespmem:$0x1FF80] =	vst v63  }
0x183: {  	s24 =	simm.s32 $0x580;
	s7 =	sadd.s32 s26, s18  }
0x184: {  	[tilespmem:s24], [sflag:$0x6] =	stream.linear.gather [hbm4b:s7+s3], $0x40, $0x38;
	[tilespmem:$0x1FF80] =	vst v63  }
0x185: {  	_ =	swait.ge [sflag:s19], $0x40  }
0x186: {  	[sflag:s19] =	ssyncset.done $0x0  }
0x187: {  	[sflag:s19] =	ssyncadd.s32 $0xFFFFFFC0  }
0x188: {  	_ =	swait.ge [sflag:s19], $0x40  }
0x189: {  	[sflag:s19] =	ssyncset.done $0x0  }
0x18a: {  	[sflag:s19] =	ssyncadd.s32 $0xFFFFFFC0  }
0x18b: {  	[tilespmem:s29], [sflag:$0xA] =	stream.indirect.gather [hbm4b:s4+s31], $0x80, s14, s31, $0xb8;
	[tilespmem:$0x1FF80] =	vst v63  }
0x18c: {  	_ =	swait.ge [sflag:s21], $0x40  }
0x18d: {  	[sflag:s21] =	ssyncset.done $0x0  }
0x18e: {  	[sflag:s21] =	ssyncadd.s32 $0xFFFFFFC0  }
0x18f: {  	_ =	swait.ge [sflag:s21], $0x40  }
0x190: {  	[sflag:s21] =	ssyncset.done $0x0  }
0x191: {  	[sflag:s21] =	ssyncadd.s32 $0xFFFFFFC0  }
0x192: {  	[tilespmem:s11], [sflag:$0xB] =	stream.indirect.gather [hbm4b:s4+s31], $0x80, s12, s31, $0xb8;
	[tilespmem:$0x1FF80] =	vst v63  }
0x193: {  	_ =	swait.ge [sflag:s5], $0x40  }
0x194: {  	[sflag:s5] =	ssyncset.done $0x0  }
0x195: {  	[sflag:s5] =	ssyncadd.s32 $0xFFFFFFC0  }
0x196: {  	_ =	swait.ge [sflag:s5], $0x40  }
0x197: {  	[sflag:s5] =	ssyncset.done $0x0  }
0x198: {  	[sflag:s5] =	ssyncadd.s32 $0xFFFFFFC0  }
0x199: {  	[tilespmem:s25], [sflag:$0xC] =	stream.indirect.gather [hbm4b:s4+s31], $0x80, s22, s31, $0xb8;
	[tilespmem:$0x1FF80] =	vst v63  }
0x19a: {  	_ =	swait.ge [sflag:s13], $0x2000  }
0x19b: {  	[sflag:s13] =	ssyncset.done $0x0  }
0x19c: {  	[sflag:s13] =	ssyncadd.s32 $0xFFFFE000  }
0x19d: {  	[spmem:s1] =	stream.indirect.scatter.add.f32 [tilespmem:s29], [sflag:$0x10], $0x80, s8, s31, $0xb8;
	[tilespmem:$0x1FF80] =	vst v63  }
0x19e: {  	_ =	swait.ge [sflag:s20], $0x2000  }
0x19f: {  	[sflag:s20] =	ssyncset.done $0x0  }
0x1a0: {  	s14 =	simm.s32 $0xC;
	[sflag:s20] =	ssyncadd.s32 $0xFFFFE000  }
0x1a1: {  	[spmem:s1] =	stream.indirect.scatter.add.f32 [tilespmem:s11], [sflag:$0x11], $0x80, s9, s31, $0xb8;
	[tilespmem:$0x1FF80] =	vst v63  }
0x1a2: {  	_ =	swait.ge [sflag:s14], $0x2000  }
0x1a3: {  	[sflag:s14] =	ssyncset.done $0x0  }
0x1a4: {  	s18 =	simm.s32 $0xD;
	[sflag:s14] =	ssyncadd.s32 $0xFFFFE000  }
0x1a5: {  	[spmem:s1] =	stream.indirect.scatter.add.f32 [tilespmem:s25], [sflag:$0x12], $0x80, s24, s31, $0xb8;
	[tilespmem:$0x1FF80] =	vst v63  }
0x1a6: {  	_ =	swait.ge [sflag:s18], $0x2000  }
0x1a7: {  	[sflag:s18] =	ssyncset.done $0x0  }
0x1a8: {  	s20 =	simm.s32 $0xE;
	[sflag:s18] =	ssyncadd.s32 $0xFFFFE000  }
0x1a9: {  	_ =	swait.ge [sflag:s20], $0x2000  }
0x1aa: {  	[sflag:s20] =	ssyncset.done $0x0  }
0x1ab: {  	s22 =	simm.s32 $0xF;
	[sflag:s20] =	ssyncadd.s32 $0xFFFFE000  }
0x1ac: {  	_ =	swait.ge [sflag:s22], $0x2000  }
0x1ad: {  	[sflag:s22] =	ssyncset.done $0x0  }
0x1ae: {  	s24 =	simm.s32 $0x10;
	[sflag:s22] =	ssyncadd.s32 $0xFFFFE000  }
0x1af: {  	_ =	swait.ge [sflag:s24], $0x2000  }
0x1b0: {  	[sflag:s24] =	ssyncset.done $0x0  }
0x1b1: {  	s26 =	simm.s32 $0x11;
	[sflag:s24] =	ssyncadd.s32 $0xFFFFE000  }
0x1b2: {  	_ =	swait.ge [sflag:s26], $0x2000  }
0x1b3: {  	[sflag:s26] =	ssyncset.done $0x0  }
0x1b4: {  	s8 =	simm.s32 $0x12;
	[sflag:s26] =	ssyncadd.s32 $0xFFFFE000  }
0x1b5: {  	_ =	swait.ge [sflag:s8], $0x2000  }
0x1b6: {  	s10 =	simm.s32 $0x600;
	[sflag:s8] =	ssyncset.done $0x0  }
0x1b7: {  	s11 =	simm.s32 $0x13;
	s9 =	rddreg [dreg:$0x19];
	[sflag:s8] =	ssyncadd.s32 $0xFFFFE000  }
0x1b8: {  	[tilespmem:s10], [sflag:$0x13] =	stream.linear.gather [hbm4b:s9+s3], $0x10, $0x38;
	[tilespmem:$0x1FF80] =	vst v63  }
0x1b9: {  	_ =	swait.ge [sflag:s11], $0x10  }
0x1ba: {  	[sflag:s11] =	ssyncset.done $0x0  }
0x1bb: {  	s13 =	simm.s32 $0x680;
	s12 =	rddreg [dreg:$0x1a];
	[sflag:s11] =	ssyncadd.s32 $0xFFFFFFF0  }
0x1bc: {  	[tilespmem:s13], [sflag:$0x13] =	stream.linear.gather [hbm4b:s12+s3], $0x10, $0x38;
	[tilespmem:$0x1FF80] =	vst v63  }
0x1bd: {  	_ =	swait.ge [sflag:s11], $0x10  }
0x1be: {  	[sflag:s11] =	ssyncset.done $0x0  }
0x1bf: {  	[sflag:s11] =	ssyncadd.s32 $0xFFFFFFF0  }
0x1c0: {  	[tilespmem:s28], [sflag:$0x13] =	stream.indirect.gather [hbm4b:s4+s24], $0x80, s10, s24, $0xb8;
	[tilespmem:$0x1FF80] =	vst v63  }
0x1c1: {  	_ =	swait.ge [sflag:s11], $0x800  }
0x1c2: {  	[sflag:s11] =	ssyncset.done $0x0  }
0x1c3: {  	[sflag:s11] =	ssyncadd.s32 $0xFFFFF800  }
0x1c4: {  	[spmem:s1] =	stream.indirect.scatter.add.f32 [tilespmem:s28], [sflag:$0x13], $0x80, s13, s24, $0xb8;
	[tilespmem:$0x1FF80] =	vst v63  }
0x1c5: {  	_ =	swait.ge [sflag:s11], $0x800  }
0x1c6: {  	[sflag:s11] =	ssyncset.done $0x0  }
0x1c7: {  	[sflag:s11] =	ssyncadd.s32 $0xFFFFF800  }
0x1c8: {  	s14 =	stileid.u32;
	[bflag:$0x0] =	sbarrier.arrive $0xFFFF  }
0x1c9: {  	s2 =	sshll.u32 s14, $0x6;
	s28 =	rddreg [dreg:$0xe]  }
0x1ca: {  	s2 =	sor.u32 $0x1C13, s2;
	s20 =	rddreg [dreg:$0x1b];
	s18 =	sshrl.u32 s28, $0x3  }
0x1cb: {  	[hbm:s20], [sflag:s2] =	dma.local [spmem:s18], $0x2700  }
0x1cc: {  	_ =	swait.ge [sflag:s11], $0x2700  }
0x1cd: {  	[sflag:s11] =	ssyncset.done $0x0;
	s29 =	rddreg [dreg:$0x18]  }
0x1ce: {  	s22 =	rddreg [dreg:$0x1c];
	[sflag:s11] =	ssyncadd.s32 $0xFFFFD900;
	s7 =	sshrl.u32 @!p0 s29, $0x3  }
0x1cf: {  	[hbm:s22], [sflag:s2] =	dma.local @!p0 [spmem:s7], $0x100  }
0x1d0: {  	s2 =	simm.s32 @!p0 $0x13  }
0x1d1: {  	_ =	swait.ge @!p0 [sflag:s2], $0x100  }
0x1d2: {  	s24 =	rddreg [dreg:$0x1e]  }
0x1d3: {  	s26 =	rddreg [dreg:$0x1d];
	s8 =	sadd.s32 $0x1, s24  }
0x1d4: {  	p1 =	sne.s32 s8, s26  }
.Ltmp2:
0x1d5: {  	_ = 	snop;
	(pc) =	sbr.rel @p1 .LBB2_1-.Ltmp2, $3  }
0x1d6: {  	_ =	sdelay $0x1  }
0x1d7: {  	[sflag:s2] =	ssyncset.done @!p0 $0x0  }
0x1d8: {  	s12 =	smov.u32 s17;
	s13 =	simm.s32 $0xA700;
	[sflag:s2] =	ssyncadd.s32 @!p0 $0xFFFFFF00  }
0x1d9: {  	_ =	sfence.sel $0x180000  }
0x1da: {  	[bflag:$0x0] =	sbarrier.arrive $0xFFFF  }
0x1db: {  	_ =	strace $0x9000004A  }
0x1dc: {  	s0 =	stileid.u32;
	[bflag:$0x2] =	sbarrier.arrive $0xFFFF  }
0x1dd: {  	p0 =	sne.s32 s0, $0x0;
	s0 =	rddreg [dreg:$0x2]  }
0x1de: {  	s0 =	sadd.s32 @!p0 $0x100000, s0  }
0x1df: {  	[sflag:s0] =	ssyncadd.tile.s32 @!p0 $0x1;
	_ =	shalt  }
.Lfunc_end2:
_tile_overlayer_lowered:
.L_overlay_start_2:
0x1e0: {  	(tag) =	ssettag $0x2  }
0x1e1: {  	s0 =	rddreg [dreg:$0x0];
	s2 =	stileid.u32  }
0x1e2: {  	s1 =	rddreg [dreg:$0x1];
	p0 =	sne.s32 s2, $0x0  }
0x1e3: {  	s3 =	rddreg [dreg:$0x2];
	[bflag:$0x3] =	sbarrier.arrive $0xFFFF;
	s2 =	simm.s32 @!p0 $0x1C13  }
0x1e4: {  	[timem:s3], [sflag:s2] =	dma.local @!p0 [hbm:s0], s1  }
0x1e5: {  	s0 =	simm.s32 @!p0 $0x13  }
0x1e6: {  	_ =	swait.ge @!p0 [sflag:s0], s1  }
0x1e7: {  	s1 =	ssub.s32 @!p0 $0x0, s1;
	[sflag:s0] =	ssyncset.done @!p0 $0x0  }
0x1e8: {  	[sflag:s0] =	ssyncadd.s32 @!p0 s1  }
0x1e9: {  	[bflag:$0x3] =	sbarrier.arrive $0xFFFF  }
0x1ea: {  	_ =	shalt  }

// kernel: kernel.15.cloned.1.call-start
scs
__scs_entry_jumppad:
0x0: {  	(pc) =	sbr.rel $0x88, $3  }
0x1: {  	(tag) =	ssettag $0x0;
	lr =	simm.s32 $0x1  }
0x2: {  	[smem:$0x3F93] =	sst lr;
	_ =	strace $0xD0000000  }
0x3: {  	_ = 	snop  }
0x4: {  	_ = 	snop  }
0x5: {  	_ = 	snop  }
0x6: {  	_ = 	snop  }
0x7: {  	_ = 	snop  }
__scs_overlays_trampoline_lowered:
0x8: {  	[smem:$0x3FA2] =	sst s0  }
0x9: {  	[smem:$0x3FA3] =	sst s1  }
0xa: {  	[smem:$0x3FA4] =	sst s2  }
0xb: {  	[smem:$0x3FA5] =	sst s3  }
0xc: {  	[smem:$0x3FA6] =	sst s4  }
0xd: {  	[smem:$0x3FA7] =	sst s5  }
0xe: {  	[smem:$0x3FA8] =	sst s6  }
0xf: {  	[smem:$0x3FA9] =	sst s7  }
0x10: {  	[smem:$0x3FAA] =	sst s8  }
0x11: {  	[smem:$0x3FAB] =	sst s9;
	s0 =	simm.s32 @!p0 $0x0  }
0x12: {  	s1 =	sld [smem:$0x3F91];
	s0 =	simm.s32 @p0 $0x1  }
0x13: {  	[smem:$0x3FAC] =	sst s0;
	s0 =	simm.s32 @!p1 $0x0  }
0x14: {  	s2 =	sld [smem:$0x3F90];
	s0 =	simm.s32 @p1 $0x1  }
0x15: {  	[smem:$0x3FAD] =	sst s0;
	s0 =	simm.s32 @!p2 $0x0  }
0x16: {  	s3 =	sld [smem:$0x3FDB];
	s0 =	simm.s32 @p2 $0x1  }
0x17: {  	s4 =	simm.s32 $0x1BF5;
	[smem:$0x3FAF] =	sst s0  }
0x18: {  	s0 =	sld [smem:$0x3F92];
	_ =	swait.ge [sflag:s4], $0x0  }
0x19: {  	s7 =	sld [smem:$0x3F93]  }
0x1a: {  	s8 =	sadd.s32 $0xFFFFE003, lr  }
0x1b: {  	s9 =	sadd.s32 $0xFFFFFEF7, lr;
	s5 =	simm.s32 $0xFFFFFFFF;
	p2 =	slt.u32 s8, $0xFFFFF086  }
0x1c: {  	p1 =	slt.u32 s9, $0xF7A;
	s5 =	simm.s32 @!p2 $0x0  }
0x1d: {  	s5 =	simm.s32 @p1 $0x1;
	p0 =	seq.s32 s7, s2  }
0x1e: {  	s7 =	smul.u32 @!p0 $0xF7A, s2;
	p2 =	seq.s32 @!p0 s5, $0x0  }
0x1f: {  	s9 =	smul.u32 $0xF7A, s1;
	s8 =	simm.s32 @!p0 $0x1BF5;
	p2 =	por !p2, p0  }
0x20: {  	[sflag:s8] =	ssyncset.s32 @!p0 $0xFFFFF086;
	s6 =	sadd.s32 @!p0 s3, s7;
	s7 =	simm.s32 @!p0 $0x108  }
0x21: {  	s3 =	sadd.s32 s3, s9;
	s6 =	sadd.s32 @!p0 $0x88, s6;
	s7 =	simm.s32 @p2 $0x1082  }
0x22: {  	[simem:s7], [sflag:s8] =	dma.local @!p0 [hbm:s6], $0xF7A  }
0x23: {  	s9 =	sor.u32 $0xD0000000, s2;
	s6 =	simm.s32 $0x108;
	_ =	swait.ge @!p0 [sflag:s8], $0x0  }
0x24: {  	s3 =	sadd.s32 $0x88, s3;
	s6 =	simm.s32 @!p1 $0x1082;
	[sflag:s4] =	ssyncset.s32 $0xFFFFF086  }
0x25: {  	[simem:s6], [sflag:s4] =	dma.local [hbm:s3], $0xF7A  }
0x26: {  	[smem:$0x3F93] =	sst s1;
	(tag) =	ssettag s2;
	_ =	strace s9  }
0x27: {  	s1 =	sld [smem:$0x3FA3]  }
0x28: {  	s2 =	sld [smem:$0x3FA4]  }
0x29: {  	s4 =	sld [smem:$0x3FA6]  }
0x2a: {  	p0 =	seq.s32 s5, $0x0;
	s5 =	sld [smem:$0x3FA7]  }
0x2b: {  	s6 =	sld [smem:$0x3FA8]  }
0x2c: {  	s7 =	sld [smem:$0x3FA9]  }
0x2d: {  	s3 =	simm.s32 $0x108;
	s8 =	sld [smem:$0x3FAA]  }
0x2e: {  	s3 =	simm.s32 @!p0 $0x1082;
	s9 =	sld [smem:$0x3FAB]  }
0x2f: {  	lr =	sadd.s32 s0, s3;
	s0 =	sld [smem:$0x3FA2]  }
0x30: {  	s3 =	sld [smem:$0x3FA5]  }
0x31: {  	[smem:$0x3FAE] =	sst s10  }
0x32: {  	s10 =	sld [smem:$0x3FAC];
	_ =	sdelay $0x3  }
0x33: {  	p0 =	seq.s32 s10, $0x1;
	s10 =	sld [smem:$0x3FAE];
	_ =	sdelay $0x3  }
0x34: {  	[smem:$0x3FAE] =	sst s10  }
0x35: {  	s10 =	sld [smem:$0x3FAD];
	_ =	sdelay $0x3  }
0x36: {  	p1 =	seq.s32 s10, $0x1;
	s10 =	sld [smem:$0x3FAE];
	_ =	sdelay $0x3  }
0x37: {  	[smem:$0x3FAE] =	sst s10  }
0x38: {  	s10 =	sld [smem:$0x3FAF]  }
0x39: {  	_ = 	snop;
	(pc) =	sbr.ind lr, $3  }
0x3a: {  	_ = 	snop  }
0x3b: {  	_ = 	snop  }
0x3c: {  	p2 =	seq.s32 s10, $0x1;
	s10 =	sld [smem:$0x3FAE]  }
0x3d: {  	_ =	shalt  }
0x3e: {  	_ =	shalt  }
0x3f: {  	_ =	shalt  }
0x40: {  	_ =	shalt  }
0x41: {  	_ =	shalt  }
0x42: {  	_ =	shalt  }
0x43: {  	_ =	shalt  }
0x44: {  	_ =	shalt  }
0x45: {  	_ =	shalt  }
0x46: {  	_ =	shalt  }
0x47: {  	_ =	shalt  }
0x48: {  	_ =	shalt  }
0x49: {  	_ =	shalt  }
0x4a: {  	_ =	shalt  }
0x4b: {  	_ =	shalt  }
0x4c: {  	_ =	shalt  }
0x4d: {  	_ =	shalt  }
0x4e: {  	_ =	shalt  }
0x4f: {  	_ =	shalt  }
0x50: {  	_ =	shalt  }
0x51: {  	_ =	shalt  }
0x52: {  	_ =	shalt  }
0x53: {  	_ =	shalt  }
0x54: {  	_ =	shalt  }
0x55: {  	_ =	shalt  }
0x56: {  	_ =	shalt  }
0x57: {  	_ =	shalt  }
0x58: {  	_ =	shalt  }
0x59: {  	_ =	shalt  }
0x5a: {  	_ =	shalt  }
0x5b: {  	_ =	shalt  }
0x5c: {  	_ =	shalt  }
0x5d: {  	_ =	shalt  }
0x5e: {  	_ =	shalt  }
0x5f: {  	_ =	shalt  }
0x60: {  	_ =	shalt  }
0x61: {  	_ =	shalt  }
0x62: {  	_ =	shalt  }
0x63: {  	_ =	shalt  }
0x64: {  	_ =	shalt  }
0x65: {  	_ =	shalt  }
0x66: {  	_ =	shalt  }
0x67: {  	_ =	shalt  }
0x68: {  	_ =	shalt  }
0x69: {  	_ =	shalt  }
0x6a: {  	_ =	shalt  }
0x6b: {  	_ =	shalt  }
0x6c: {  	_ =	shalt  }
0x6d: {  	_ =	shalt  }
0x6e: {  	_ =	shalt  }
0x6f: {  	_ =	shalt  }
0x70: {  	_ =	shalt  }
0x71: {  	_ =	shalt  }
0x72: {  	_ =	shalt  }
0x73: {  	_ =	shalt  }
0x74: {  	_ =	shalt  }
0x75: {  	_ =	shalt  }
0x76: {  	_ =	shalt  }
0x77: {  	_ =	shalt  }
0x78: {  	_ =	shalt  }
0x79: {  	_ =	shalt  }
0x7a: {  	_ =	shalt  }
0x7b: {  	_ =	shalt  }
0x7c: {  	_ =	shalt  }
0x7d: {  	_ =	shalt  }
0x7e: {  	_ =	shalt  }
0x7f: {  	_ =	shalt  }
0x80: {  	_ =	shalt  }
0x81: {  	_ =	shalt  }
0x82: {  	_ =	shalt  }
0x83: {  	_ =	shalt  }
0x84: {  	_ =	shalt  }
0x85: {  	_ =	shalt  }
0x86: {  	_ =	shalt  }
0x87: {  	_ =	shalt  }
.Lfunc_end0:
.L_simem_size_0:
called_computation.2_lowered:
.L_overlay_start_0:
0x88: {  	s2 =	sld [smem:$0x3FD9]  }
0x89: {  	s3 =	sld [smem:$0x3FFE];
	_ =	sdelay $0x1  }
0x8a: {  	s1 =	srdreg.scid  }
0x8b: {  	s0 =	sand.u32 $0x1, s1  }
0x8c: {  	s16 =	sshll.u32 s0, $0xA;
	s2 =	sadd.s32 s3, s2  }
0x8d: {  	s2 =	sadd.s32 s2, s16  }
0x8e: {  	[smem:$0x3FBA] =	sst s2  }
0x8f: {  	_ = 	snop  }
0x90: {  	(tm) =	ssettm $0x1  }
0x91: {  	s17 =	sld [smem:$0x3FFB];
	_ =	sdelay $0x3  }
0x92: {  	_ =	strace s17  }
0x93: {  	s2 =	sld [smem:$0x3FFC];
	_ =	sdelay $0x3  }
0x94: {  	_ =	strace s2  }
0x95: {  	s2 =	sld [smem:$0x3FFD];
	_ =	sdelay $0x3  }
0x96: {  	_ =	strace s2  }
0x97: {  	_ =	strace $0x8FFFFFFF  }
0x98: {  	s18 =	sld [smem:$0x3FDB];
	_ =	sdelay $0x1  }
0x99: {  	s19 =	simm.s32 $_scs_section_size  }
0x9a: {  	s4 =	simm.s32 $_size__tile_overlayer_lowered;
	s5 =	simm.s32 $_tile_overlayer_lowered  }
0x9b: {  	s22 =	simm.s32 $0x1BFF;
	s21 =	sshll.u32 s5, $0x1;
	s2 =	sadd.s32 s19, s18  }
0x9c: {  	s6 =	simm.s32 $0x0;
	s20 =	sshll.u32 s4, $0x1;
	s4 =	sadd.s32 s21, s2  }
0x9d: {  	[timem:s6], [sflag:s22] =	dma.local [hbm:s4], s20  }
0x9e: {  	_ =	swait.ge [sflag:s22], s20  }
0x9f: {  	s3 =	ssub.s32 $0x0, s20;
	[sflag:s22] =	ssyncset.done $0x0  }
0xa0: {  	[sflag:s22] =	ssyncadd.s32 s3;
	_ =	sdelay $0x1  }
0xa1: {  	s23 =	simm.s32 $0x1B8B  }
0xa2: {  	_ =	swait.ge [sflag:s23], $0x1  }
0xa3: {  	[sflag:s23] =	ssyncset.done $0x0  }
0xa4: {  	s25 =	simm.s32 $0x1B8E;
	s24 =	sld [smem:$0x3FFE];
	[sflag:s23] =	ssyncadd.s32 $0xFFFFFFFF  }
0xa5: {  	s26 =	simm.s32 $execute0_lowered;
	[smem:$0x3FD2] =	sst s25  }
0xa6: {  	s4 =	sshll.u32 s26, $0x1;
	_ =	strace $0x8000004C;
	[dreg:$0x1] =	wrdreg $0xFFFFFFFF  }
0xa7: {  	s28 =	simm.s32 $_size_execute0_lowered;
	s2 =	sadd.s32 s2, s4;
	[dreg:$0x0] =	wrdreg $0x0  }
0xa8: {  	s4 =	sshll.u32 s28, $0x1;
	[dreg:$0x2] =	wrdreg s2  }
0xa9: {  	[dreg:$0x3] =	wrdreg s4  }
0xaa: {  	[dreg:$0x4] =	wrdreg $0xC0  }
0xab: {  	_ =	task [dreg:s6], $0x5FFFF  }
0xac: {  	[dreg:$0x1] =	wrdreg $0xFFFFFFFF  }
0xad: {  	[dreg:$0x0] =	wrdreg $0x60  }
0xae: {  	[dreg:$0x2] =	wrdreg s24  }
0xaf: {  	[dreg:$0x3] =	wrdreg $0xC7000  }
0xb0: {  	[dreg:$0x4] =	wrdreg $0x9  }
0xb1: {  	_ =	task.clear_ibuf [dreg:s6], $0x5FFFF;
	_ =	strace $0x9000004C  }
0xb2: {  	s29 =	simm.s32 $0x9;
	_ =	strace $0x8000004E  }
0xb3: {  	_ =	swait.ge [sflag:s29], $0x1  }
0xb4: {  	[sflag:s29] =	ssyncadd.s32 $0xFFFFFFFF  }
0xb5: {  	_ =	strace $0x9000004E  }
0xb6: {  	_ =	sfence  }
0xb7: {  	s30 =	sld [smem:$0x0];
	_ =	sdelay $0x2  }
0xb8: {  	s31 =	sshll.u32 s1, $0xD;
	s1 =	sshrl.u32 s1, $0x2  }
0xb9: {  	s3 =	sand.u32 $0x4000, s31;
	s1 =	sadd.s32 s1, s30  }
0xba: {  	s0 =	sor.u32 s3, s0;
	s1 =	sshll.u32 s1, $0x11  }
0xbb: {  	s0 =	sor.u32 s1, s0  }
0xbc: {  	s0 =	sadd.s32 $0x8F2B, s0  }
0xbd: {  	[sflag:s0] =	ssyncadd.remote.s32 $0x1  }
0xbe: {  	_ =	sfence.sel $0xFFFF  }
0xbf: {  	[dreg:$0x0] =	wrdreg $0xFFFFFFFF;
	(pc) =	sbr.abs _section_cstart, $3  }
0xc0: {  	[dreg:$0x1] =	wrdreg $0xFFFFFFFF  }
0xc1: {  	_ =	task.clear_ibuf [dreg:s6], $0x2FFFF;
	_ =	strace $0x9FFFFFFF  }
0xc2: {  	(tm) =	ssettm $0x7FFFFFFF  }
0xc3: {  	_ =	shalt  }
tec
execute0_lowered:
.L_overlay_start_1:
0x0: {  	(tag) =	ssettag $0x1  }
0x1: {  	s2 =	rddreg [dreg:$0x0]  }
0x2: {  	s1 =	rddreg [dreg:$0x1];
	s3 =	simm.s32 $0x0;
	s0 =	srdreg.scid  }
0x3: {  	s10 =	stileid.u32;
	s30 =	simm.s32 $0x1;
	s31 =	simm.s32 $0x40  }
0x4: {  	[smem:$0x7FF] =	sst s3;
	s5 =	sand.u32 $0x1, s0;
	s6 =	smul.u32 $0x4E000, s10  }
0x5: {  	s4 =	sadd.s32 $0x65C00, s2;
	s0 =	sadd.s32 $0x4000, s2;
	s15 =	smul.u32 $0x2710, s10  }
0x6: {  	s2 =	sadd.s32 $0x8CE00, s2;
	s21 =	smul.u32 $0x13800, s10;
	s29 =	sadd.s32 $0x138000, s1  }
0x7: {  	p0 =	sne.s32 s10, $0xF;
	_ =	strace $0x8000004D;
	s6 =	sshrl.u32 s6, $0x2  }
0x8: {  	s7 =	ssub.s32 $0x2, s5;
	[dreg:$0x18] =	wrdreg s29;
	s28 =	sadd.s32 s6, s1  }
0x9: {  	s12 =	smul.u32 $0x27100, s5;
	s13 =	sadd.s32 $0x2000, s28;
	[dreg:$0xe] =	wrdreg s28  }
0xa: {  	s5 =	smul.u32 $0x138800, s5;
	s14 =	sadd.s32 $0x4000, s28;
	[dreg:$0xf] =	wrdreg s13  }
0xb: {  	s8 =	sshrl.u32 s7, $0x1;
	s9 =	sadd.s32 $0x6000, s28;
	[dreg:$0x10] =	wrdreg s14  }
0xc: {  	s7 =	ssub.s32 s7, s8;
	s16 =	sadd.s32 $0x8000, s28;
	[dreg:$0x11] =	wrdreg s9  }
0xd: {  	s6 =	sadd.s32 s15, s12;
	s17 =	sadd.s32 $0xA000, s28;
	[dreg:$0x12] =	wrdreg s16  }
0xe: {  	s23 =	sadd.s32 s21, s5;
	s18 =	sadd.s32 $0xC000, s28;
	[dreg:$0x13] =	wrdreg s17  }
0xf: {  	s5 =	sshrl.u32 s5, $0x3;
	s19 =	sadd.s32 $0xE000, s28;
	[dreg:$0x14] =	wrdreg s18  }
0x10: {  	s20 =	sshrl.u32 s6, $0x3;
	s11 =	sadd.s32 $0x10000, s28;
	[dreg:$0x15] =	wrdreg s19  }
0x11: {  	s22 =	sadd.s32 $0x12000, s28;
	s25 =	sadd.s32 $0x4E340, s6;
	[dreg:$0x16] =	wrdreg s11  }
0x12: {  	s21 =	sadd.s32 $0x40, s6;
	[dreg:$0x17] =	wrdreg s22;
	s12 =	sadd.s32 s20, s0  }
0x13: {  	s26 =	sshrl.u32 s25, $0x3;
	s9 =	sadd.s32 $0x4E300, s6;
	s8 =	sadd.s32 $0x4E0, s12  }
0x14: {  	s14 =	sadd.s32 $0x4E2C0, s6;
	s24 =	sadd.s32 $0xA120, s12;
	[dreg:$0x19] =	wrdreg s8  }
0x15: {  	s17 =	sadd.s32 $0x4E280, s6;
	s11 =	sadd.s32 $0x28, s12;
	[dreg:$0x1a] =	wrdreg s24  }
0x16: {  	s22 =	sshrl.u32 s21, $0x3;
	s15 =	sadd.s32 $0x20, s12;
	[dreg:$0x4] =	wrdreg s11  }
0x17: {  	s21 =	simm.s32 $0x5;
	s18 =	sadd.s32 $0x18, s12;
	[dreg:$0x6] =	wrdreg s15  }
0x18: {  	s20 =	sadd.s32 $0x10, s12;
	s8 =	sshrl.u32 s23, $0x3;
	[dreg:$0x8] =	wrdreg s18  }
0x19: {  	[dreg:$0xa] =	wrdreg s20;
	s23 =	sadd.s32 $0x4E240, s6;
	s6 =	sadd.s32 $0x4E200, s6  }
0x1a: {  	s15 =	simm.s32 $0x9;
	s8 =	sadd.s32 s2, s8;
	s2 =	sadd.s32 s2, s5  }
0x1b: {  	s5 =	sshrl.u32 s23, $0x3;
	[dreg:$0x1b] =	wrdreg s8;
	s8 =	sadd.s32 s26, s0  }
0x1c: {  	s25 =	sshrl.u32 s6, $0x3;
	s2 =	sadd.s32 $0x27000, s2;
	[dreg:$0x3] =	wrdreg s8  }
0x1d: {  	s6 =	simm.s32 $0x3;
	s26 =	smax.u32 s7, $0x1;
	[dreg:$0x1c] =	wrdreg s2  }
0x1e: {  	s23 =	simm.s32 $0x4700;
	s24 =	sadd.s32 s5, s0;
	[dreg:$0x1d] =	wrdreg s26  }
0x1f: {  	s8 =	sshrl.u32 s9, $0x3;
	s2 =	sadd.s32 s22, s0;
	[dreg:$0xc] =	wrdreg s24  }
0x20: {  	s13 =	sadd.s32 s8, s0;
	s8 =	sshrl.u32 s14, $0x3;
	[dreg:$0xb] =	wrdreg s2  }
0x21: {  	s5 =	simm.s32 $0x6;
	[dreg:$0x5] =	wrdreg s13;
	s16 =	sadd.s32 s8, s0  }
0x22: {  	s8 =	sshrl.u32 s17, $0x3;
	s13 =	simm.s32 $0xA700;
	[dreg:$0x7] =	wrdreg s16  }
0x23: {  	s19 =	sadd.s32 s8, s0;
	s0 =	sadd.s32 s25, s0;
	s8 =	simm.s32 $0x0  }
0x24: {  	s16 =	simm.s32 $0x2700;
	s25 =	simm.s32 $0xA700;
	[dreg:$0x9] =	wrdreg s19  }
0x25: {  	v0 =	vimm.f32 $0.0e+00;
	[dreg:$0xd] =	wrdreg s0;
	s0 =	simm.s32 $0x2;
	s19 =	simm.s32 $0x4  }
.LBB2_1:
0x26: {  	[dreg:$0x1e] =	wrdreg s8;
	s22 =	simm.s32 $0x0;
	s26 =	simm.s32 $0x200  }
.LBB2_2:
0x27: {  	p1 =	sne.s32 s26, $0x7E00;
	[tilespmem:s22+$0x770] =	vst v0  }
0x28: {  	[tilespmem:s22+$0x700] =	vst v0  }
0x29: {  	[tilespmem:s22+$0x710] =	vst v0  }
.Ltmp0:
0x2a: {  	[tilespmem:s22+$0x720] =	vst v0;
	(pc) =	sbr.rel @p1 .LBB2_2-.Ltmp0, $4  }
0x2b: {  	[tilespmem:s22+$0x730] =	vst v0  }
0x2c: {  	[tilespmem:s22+$0x740] =	vst v0  }
0x2d: {  	[tilespmem:s22+$0x750] =	vst v0  }
0x2e: {  	[tilespmem:s22+$0x760] =	vst v0;
	s22 =	sshra.s32 s26, $0x2;
	s26 =	sadd.s32 $0x200, s26  }
0x2f: {  	[tilespmem:s22+$0x770] =	vst v0  }
0x30: {  	[tilespmem:s22+$0x700] =	vst v0  }
0x31: {  	[tilespmem:s22+$0x710] =	vst v0  }
0x32: {  	[tilespmem:s22+$0x720] =	vst v0  }
0x33: {  	[tilespmem:s22+$0x730] =	vst v0  }
0x34: {  	[tilespmem:s22+$0x740] =	vst v0  }
0x35: {  	[tilespmem:s22+$0x750] =	vst v0  }
0x36: {  	[tilespmem:s22+$0x760] =	vst v0;
	s8 =	simm.s32 $0x700;
	s7 =	simm.s32 $0x13  }
0x37: {  	[spmem:s28] =	stream.linear.scatter [tilespmem:s8], [sflag:$0x13], $0x2000, $0x38;
	[tilespmem:$0x1FF80] =	vst v63  }
0x38: {  	_ =	swait.ge [sflag:s7], $0x2000  }
0x39: {  	[sflag:s7] =	ssyncset.done $0x0  }
0x3a: {  	s2 =	rddreg [dreg:$0xf];
	[sflag:s7] =	ssyncadd.s32 $0xFFFFE000  }
0x3b: {  	[spmem:s2] =	stream.linear.scatter [tilespmem:s8], [sflag:$0x13], $0x2000, $0x38;
	[tilespmem:$0x1FF80] =	vst v63  }
0x3c: {  	_ =	swait.ge [sflag:s7], $0x2000  }
0x3d: {  	[sflag:s7] =	ssyncset.done $0x0  }
0x3e: {  	s22 =	rddreg [dreg:$0x10];
	[sflag:s7] =	ssyncadd.s32 $0xFFFFE000  }
0x3f: {  	[spmem:s22] =	stream.linear.scatter [tilespmem:s8], [sflag:$0x13], $0x2000, $0x38;
	[tilespmem:$0x1FF80] =	vst v63  }
0x40: {  	_ =	swait.ge [sflag:s7], $0x2000  }
0x41: {  	[sflag:s7] =	ssyncset.done $0x0  }
0x42: {  	s24 =	rddreg [dreg:$0x11];
	[sflag:s7] =	ssyncadd.s32 $0xFFFFE000  }
0x43: {  	[spmem:s24] =	stream.linear.scatter [tilespmem:s8], [sflag:$0x13], $0x2000, $0x38;
	[tilespmem:$0x1FF80] =	vst v63  }
0x44: {  	_ =	swait.ge [sflag:s7], $0x2000  }
0x45: {  	[sflag:s7] =	ssyncset.done $0x0  }
0x46: {  	s26 =	rddreg [dreg:$0x12];
	[sflag:s7] =	ssyncadd.s32 $0xFFFFE000  }
0x47: {  	[spmem:s26] =	stream.linear.scatter [tilespmem:s8], [sflag:$0x13], $0x2000, $0x38;
	[tilespmem:$0x1FF80] =	vst v63  }
0x48: {  	_ =	swait.ge [sflag:s7], $0x2000  }
0x49: {  	[sflag:s7] =	ssyncset.done $0x0  }
0x4a: {  	s9 =	rddreg [dreg:$0x13];
	[sflag:s7] =	ssyncadd.s32 $0xFFFFE000  }
0x4b: {  	[spmem:s9] =	stream.linear.scatter [tilespmem:s8], [sflag:$0x13], $0x2000, $0x38;
	[tilespmem:$0x1FF80] =	vst v63  }
0x4c: {  	_ =	swait.ge [sflag:s7], $0x2000  }
0x4d: {  	[sflag:s7] =	ssyncset.done $0x0  }
0x4e: {  	s10 =	rddreg [dreg:$0x14];
	[sflag:s7] =	ssyncadd.s32 $0xFFFFE000  }
0x4f: {  	[spmem:s10] =	stream.linear.scatter [tilespmem:s8], [sflag:$0x13], $0x2000, $0x38;
	[tilespmem:$0x1FF80] =	vst v63  }
0x50: {  	_ =	swait.ge [sflag:s7], $0x2000  }
0x51: {  	[sflag:s7] =	ssyncset.done $0x0  }
0x52: {  	s11 =	rddreg [dreg:$0x15];
	[sflag:s7] =	ssyncadd.s32 $0xFFFFE000  }
0x53: {  	[spmem:s11] =	stream.linear.scatter [tilespmem:s8], [sflag:$0x13], $0x2000, $0x38;
	[tilespmem:$0x1FF80] =	vst v63  }
0x54: {  	_ =	swait.ge [sflag:s7], $0x2000  }
0x55: {  	[sflag:s7] =	ssyncset.done $0x0  }
0x56: {  	s14 =	rddreg [dreg:$0x16];
	[sflag:s7] =	ssyncadd.s32 $0xFFFFE000  }
0x57: {  	[spmem:s14] =	stream.linear.scatter [tilespmem:s8], [sflag:$0x13], $0x2000, $0x38;
	[tilespmem:$0x1FF80] =	vst v63  }
0x58: {  	_ =	swait.ge [sflag:s7], $0x2000  }
0x59: {  	[sflag:s7] =	ssyncset.done $0x0  }
0x5a: {  	s17 =	rddreg [dreg:$0x17];
	[sflag:s7] =	ssyncadd.s32 $0xFFFFE000  }
0x5b: {  	[spmem:s17] =	stream.linear.scatter [tilespmem:s8], [sflag:$0x13], $0x1800, $0x38;
	[tilespmem:$0x1FF80] =	vst v63  }
0x5c: {  	_ =	swait.ge [sflag:s7], $0x1800  }
0x5d: {  	[sflag:s7] =	ssyncset.done $0x0  }
0x5e: {  	s22 =	simm.s32 @!p0 $0x700;
	[sflag:s7] =	ssyncadd.s32 $0xFFFFE800  }
0x5f: {  	[spmem:s29] =	stream.linear.scatter @!p0 [tilespmem:s22], [sflag:$0x13], $0x800, $0x38;
	[tilespmem:$0x1FF80] =	vst v63  }
0x60: {  	s22 =	simm.s32 @!p0 $0x13  }
0x61: {  	_ =	swait.ge @!p0 [sflag:s22], $0x800  }
0x62: {  	[sflag:s22] =	ssyncset.done @!p0 $0x0  }
0x63: {  	p1 =	por $0x1, $0x1;
	[sflag:s22] =	ssyncadd.s32 @!p0 $0xFFFFF800  }
0x64: {  	s22 =	simm.s32 @!p1 $0xD;
	[bflag:$0x0] =	sbarrier.arrive $0xFFFF  }
0x65: {  	_ =	swait.ge @!p1 [sflag:s22], $0x2000  }
0x66: {  	[sflag:s22] =	ssyncset.done @!p1 $0x0  }
0x67: {  	[sflag:s22] =	ssyncadd.s32 @!p1 $0xFFFFE000;
	s22 =	simm.s32 @!p1 $0xE  }
0x68: {  	_ =	swait.ge @!p1 [sflag:s22], $0x2000  }
0x69: {  	[sflag:s22] =	ssyncset.done @!p1 $0x0  }
0x6a: {  	[sflag:s22] =	ssyncadd.s32 @!p1 $0xFFFFE000;
	s22 =	simm.s32 @!p1 $0xF  }
0x6b: {  	_ =	swait.ge @!p1 [sflag:s22], $0x2000  }
0x6c: {  	[sflag:s22] =	ssyncset.done @!p1 $0x0  }
0x6d: {  	s18 =	sadd.s32 $0x0, s12;
	s26 =	rddreg [dreg:$0xd];
	[sflag:s22] =	ssyncadd.s32 @!p1 $0xFFFFE000  }
0x6e: {  	[tilespmem:s3], [sflag:$0x1] =	stream.linear.gather [hbm4b:s18+s3], $0x40, $0x38;
	[tilespmem:$0x1FF80] =	vst v63  }
0x6f: {  	s29 =	simm.s32 $0x300;
	s28 =	rddreg [dreg:$0xb];
	s20 =	sadd.s32 $0x0, s26  }
0x70: {  	[tilespmem:s29], [sflag:$0x1] =	stream.linear.gather [hbm4b:s20+s3], $0x40, $0x38;
	[tilespmem:$0x1FF80] =	vst v63  }
0x71: {  	s10 =	simm.s32 $0x80;
	s24 =	rddreg [dreg:$0xc];
	s7 =	sadd.s32 $0x0, s28  }
0x72: {  	[tilespmem:s10], [sflag:$0x2] =	stream.linear.gather [hbm4b:s7+s3], $0x40, $0x38;
	[tilespmem:$0x1FF80] =	vst v63  }
0x73: {  	s11 =	simm.s32 $0x380;
	s28 =	rddreg [dreg:$0xa];
	s9 =	sadd.s32 $0x0, s24  }
0x74: {  	[tilespmem:s11], [sflag:$0x2] =	stream.linear.gather [hbm4b:s9+s3], $0x40, $0x38;
	[tilespmem:$0x1FF80] =	vst v63  }
0x75: {  	s14 =	rddreg [dreg:$0x9];
	s17 =	sadd.s32 $0x0, s28;
	s9 =	simm.s32 $0x100  }
0x76: {  	[tilespmem:s9], [sflag:$0x3] =	stream.linear.gather [hbm4b:s17+s3], $0x40, $0x38;
	[tilespmem:$0x1FF80] =	vst v63  }
0x77: {  	s18 =	sadd.s32 $0x0, s14;
	s20 =	simm.s32 $0x400  }
0x78: {  	[tilespmem:s20], [sflag:$0x3] =	stream.linear.gather [hbm4b:s18+s3], $0x40, $0x38;
	[tilespmem:$0x1FF80] =	vst v63  }
0x79: {  	_ =	swait.ge [sflag:s30], $0x40  }
0x7a: {  	[sflag:s30] =	ssyncset.done $0x0  }
0x7b: {  	[sflag:s30] =	ssyncadd.s32 $0xFFFFFFC0  }
0x7c: {  	_ =	swait.ge [sflag:s30], $0x40  }
0x7d: {  	[sflag:s30] =	ssyncset.done $0x0  }
0x7e: {  	[sflag:s30] =	ssyncadd.s32 $0xFFFFFFC0  }
0x7f: {  	[tilespmem:s8], [sflag:$0x7] =	stream.indirect.gather [hbm4b:s4+s31], $0x80, s3, s31, $0xb8;
	[tilespmem:$0x1FF80] =	vst v63  }
0x80: {  	_ =	swait.ge [sflag:s0], $0x40  }
0x81: {  	[sflag:s0] =	ssyncset.done $0x0  }
0x82: {  	[sflag:s0] =	ssyncadd.s32 $0xFFFFFFC0  }
0x83: {  	_ =	swait.ge [sflag:s0], $0x40  }
0x84: {  	[sflag:s0] =	ssyncset.done $0x0  }
0x85: {  	[sflag:s0] =	ssyncadd.s32 $0xFFFFFFC0  }
0x86: {  	[tilespmem:s16], [sflag:$0x8] =	stream.indirect.gather [hbm4b:s4+s31], $0x80, s10, s31, $0xb8;
	[tilespmem:$0x1FF80] =	vst v63  }
0x87: {  	_ =	swait.ge [sflag:s6], $0x40  }
0x88: {  	[sflag:s6] =	ssyncset.done $0x0  }
0x89: {  	[sflag:s6] =	ssyncadd.s32 $0xFFFFFFC0  }
0x8a: {  	_ =	swait.ge [sflag:s6], $0x40  }
0x8b: {  	[sflag:s6] =	ssyncset.done $0x0  }
0x8c: {  	[sflag:s6] =	ssyncadd.s32 $0xFFFFFFC0  }
0x8d: {  	[tilespmem:s23], [sflag:$0x9] =	stream.indirect.gather [hbm4b:s4+s31], $0x80, s9, s31, $0xb8;
	[tilespmem:$0x1FF80] =	vst v63  }
0x8e: {  	s9 =	simm.s32 $0x7  }
0x8f: {  	_ =	swait.ge [sflag:s9], $0x2000  }
0x90: {  	[sflag:s9] =	ssyncset.done $0x0  }
0x91: {  	s10 =	simm.s32 $0x8;
	[sflag:s9] =	ssyncadd.s32 $0xFFFFE000  }
0x92: {  	[spmem:s1] =	stream.indirect.scatter.add.f32 [tilespmem:s8], [sflag:$0xD], $0x80, s29, s31, $0xb8;
	[tilespmem:$0x1FF80] =	vst v63  }
0x93: {  	_ =	swait.ge [sflag:s10], $0x2000  }
0x94: {  	[sflag:s10] =	ssyncset.done $0x0  }
0x95: {  	[sflag:s10] =	ssyncadd.s32 $0xFFFFE000  }
0x96: {  	[spmem:s1] =	stream.indirect.scatter.add.f32 [tilespmem:s16], [sflag:$0xE], $0x80, s11, s31, $0xb8;
	[tilespmem:$0x1FF80] =	vst v63  }
0x97: {  	_ =	swait.ge [sflag:s15], $0x2000  }
0x98: {  	[sflag:s15] =	ssyncset.done $0x0  }
0x99: {  	s22 =	simm.s32 @!p1 $0x10;
	[sflag:s15] =	ssyncadd.s32 $0xFFFFE000  }
0x9a: {  	[spmem:s1] =	stream.indirect.scatter.add.f32 [tilespmem:s23], [sflag:$0xF], $0x80, s20, s31, $0xb8;
	[tilespmem:$0x1FF80] =	vst v63  }
0x9b: {  	_ =	swait.ge @!p1 [sflag:s22], $0x2000  }
0x9c: {  	[sflag:s22] =	ssyncset.done @!p1 $0x0  }
0x9d: {  	[sflag:s22] =	ssyncadd.s32 @!p1 $0xFFFFE000;
	s22 =	simm.s32 @!p1 $0x11  }
0x9e: {  	_ =	swait.ge @!p1 [sflag:s22], $0x2000  }
0x9f: {  	[sflag:s22] =	ssyncset.done @!p1 $0x0  }
0xa0: {  	[sflag:s22] =	ssyncadd.s32 @!p1 $0xFFFFE000;
	s22 =	simm.s32 @!p1 $0x12  }
0xa1: {  	_ =	swait.ge @!p1 [sflag:s22], $0x2000  }
0xa2: {  	s2 =	simm.s32 $0x180;
	s24 =	rddreg [dreg:$0x8];
	[sflag:s22] =	ssyncset.done @!p1 $0x0  }
0xa3: {  	s28 =	rddreg [dreg:$0x7];
	[sflag:s22] =	ssyncadd.s32 @!p1 $0xFFFFE000;
	s29 =	sadd.s32 $0x0, s24  }
0xa4: {  	[tilespmem:s2], [sflag:$0x4] =	stream.linear.gather [hbm4b:s29+s3], $0x40, $0x38;
	[tilespmem:$0x1FF80] =	vst v63  }
0xa5: {  	s14 =	simm.s32 $0x480;
	s7 =	rddreg [dreg:$0x6];
	s8 =	sadd.s32 $0x0, s28  }
0xa6: {  	[tilespmem:s14], [sflag:$0x4] =	stream.linear.gather [hbm4b:s8+s3], $0x40, $0x38;
	[tilespmem:$0x1FF80] =	vst v63  }
0xa7: {  	s20 =	simm.s32 $0x200;
	s17 =	rddreg [dreg:$0x5];
	s22 =	sadd.s32 $0x0, s7  }
0xa8: {  	[tilespmem:s20], [sflag:$0x5] =	stream.linear.gather [hbm4b:s22+s3], $0x40, $0x38;
	[tilespmem:$0x1FF80] =	vst v63  }
0xa9: {  	s18 =	rddreg [dreg:$0x4];
	s26 =	sadd.s32 $0x0, s17;
	s17 =	simm.s32 $0x500  }
0xaa: {  	[tilespmem:s17], [sflag:$0x5] =	stream.linear.gather [hbm4b:s26+s3], $0x40, $0x38;
	[tilespmem:$0x1FF80] =	vst v63  }
0xab: {  	s24 =	rddreg [dreg:$0x3];
	s22 =	sadd.s32 $0x0, s18;
	s18 =	simm.s32 $0x280  }
0xac: {  	[tilespmem:s18], [sflag:$0x6] =	stream.linear.gather [hbm4b:s22+s3], $0x40, $0x38;
	[tilespmem:$0x1FF80] =	vst v63  }
0xad: {  	s7 =	simm.s32 $0x580;
	s26 =	sadd.s32 $0x0, s24  }
0xae: {  	[tilespmem:s7], [sflag:$0x6] =	stream.linear.gather [hbm4b:s26+s3], $0x40, $0x38;
	[tilespmem:$0x1FF80] =	vst v63  }
0xaf: {  	_ =	swait.ge [sflag:s19], $0x40  }
0xb0: {  	[sflag:s19] =	ssyncset.done $0x0  }
0xb1: {  	[sflag:s19] =	ssyncadd.s32 $0xFFFFFFC0  }
0xb2: {  	_ =	swait.ge [sflag:s19], $0x40  }
0xb3: {  	[sflag:s19] =	ssyncset.done $0x0  }
0xb4: {  	s29 =	simm.s32 $0x6700;
	[sflag:s19] =	ssyncadd.s32 $0xFFFFFFC0  }
0xb5: {  	[tilespmem:s29], [sflag:$0xA] =	stream.indirect.gather [hbm4b:s4+s31], $0x80, s2, s31, $0xb8;
	[tilespmem:$0x1FF80] =	vst v63  }
0xb6: {  	_ =	swait.ge [sflag:s21], $0x40  }
0xb7: {  	[sflag:s21] =	ssyncset.done $0x0  }
0xb8: {  	[sflag:s21] =	ssyncadd.s32 $0xFFFFFFC0  }
0xb9: {  	_ =	swait.ge [sflag:s21], $0x40  }
0xba: {  	[sflag:s21] =	ssyncset.done $0x0  }
0xbb: {  	s11 =	simm.s32 $0x8700;
	[sflag:s21] =	ssyncadd.s32 $0xFFFFFFC0  }
0xbc: {  	[tilespmem:s11], [sflag:$0xB] =	stream.indirect.gather [hbm4b:s4+s31], $0x80, s20, s31, $0xb8;
	[tilespmem:$0x1FF80] =	vst v63  }
0xbd: {  	_ =	swait.ge [sflag:s5], $0x40  }
0xbe: {  	[sflag:s5] =	ssyncset.done $0x0  }
0xbf: {  	[sflag:s5] =	ssyncadd.s32 $0xFFFFFFC0  }
0xc0: {  	_ =	swait.ge [sflag:s5], $0x40  }
0xc1: {  	[sflag:s5] =	ssyncset.done $0x0  }
0xc2: {  	[sflag:s5] =	ssyncadd.s32 $0xFFFFFFC0  }
0xc3: {  	[tilespmem:s13], [sflag:$0xC] =	stream.indirect.gather [hbm4b:s4+s31], $0x80, s18, s31, $0xb8;
	[tilespmem:$0x1FF80] =	vst v63  }
0xc4: {  	s13 =	simm.s32 $0xA  }
0xc5: {  	_ =	swait.ge [sflag:s13], $0x2000  }
0xc6: {  	[sflag:s13] =	ssyncset.done $0x0  }
0xc7: {  	s20 =	simm.s32 $0xB;
	[sflag:s13] =	ssyncadd.s32 $0xFFFFE000  }
0xc8: {  	[spmem:s1] =	stream.indirect.scatter.add.f32 [tilespmem:s29], [sflag:$0x10], $0x80, s14, s31, $0xb8;
	[tilespmem:$0x1FF80] =	vst v63  }
0xc9: {  	_ =	swait.ge [sflag:s20], $0x2000  }
0xca: {  	[sflag:s20] =	ssyncset.done $0x0  }
0xcb: {  	s28 =	simm.s32 $0xC;
	[sflag:s20] =	ssyncadd.s32 $0xFFFFE000  }
0xcc: {  	[spmem:s1] =	stream.indirect.scatter.add.f32 [tilespmem:s11], [sflag:$0x11], $0x80, s17, s31, $0xb8;
	[tilespmem:$0x1FF80] =	vst v63  }
0xcd: {  	p1 =	por $0x0, $0x0;
	s22 =	simm.s32 $0x60;
	_ =	swait.ge [sflag:s28], $0x2000  }
0xce: {  	s26 =	simm.s32 $0x30;
	s17 =	smov.u32 s12;
	[sflag:s28] =	ssyncset.done $0x0  }
.LBB2_4:
0xcf: {  	s29 =	simm.s32 @!p1 $0xD;
	[sflag:s28] =	ssyncadd.s32 $0xFFFFE000  }
0xd0: {  	[spmem:s1] =	stream.indirect.scatter.add.f32 [tilespmem:s25], [sflag:$0x12], $0x80, s7, s31, $0xb8;
	[tilespmem:$0x1FF80] =	vst v63  }
0xd1: {  	_ =	swait.ge @!p1 [sflag:s29], $0x2000  }
0xd2: {  	[sflag:s29] =	ssyncset.done @!p1 $0x0  }
0xd3: {  	[sflag:s29] =	ssyncadd.s32 @!p1 $0xFFFFE000;
	s29 =	simm.s32 @!p1 $0xE  }
0xd4: {  	_ =	swait.ge @!p1 [sflag:s29], $0x2000  }
0xd5: {  	[sflag:s29] =	ssyncset.done @!p1 $0x0  }
0xd6: {  	[sflag:s29] =	ssyncadd.s32 @!p1 $0xFFFFE000;
	s29 =	simm.s32 @!p1 $0xF  }
0xd7: {  	_ =	swait.ge @!p1 [sflag:s29], $0x2000  }
0xd8: {  	[sflag:s29] =	ssyncset.done @!p1 $0x0  }
0xd9: {  	s2 =	rddreg [dreg:$0xd];
	[sflag:s29] =	ssyncadd.s32 @!p1 $0xFFFFE000;
	s29 =	sadd.s32 s26, s17  }
0xda: {  	[tilespmem:s3], [sflag:$0x1] =	stream.linear.gather [hbm4b:s29+s3], $0x40, $0x38;
	[tilespmem:$0x1FF80] =	vst v63  }
0xdb: {  	s8 =	simm.s32 $0x300;
	s24 =	rddreg [dreg:$0xb];
	s2 =	sadd.s32 s26, s2  }
0xdc: {  	[tilespmem:s8], [sflag:$0x1] =	stream.linear.gather [hbm4b:s2+s3], $0x40, $0x38;
	[tilespmem:$0x1FF80] =	vst v63  }
0xdd: {  	s12 =	simm.s32 $0x80;
	s7 =	sadd.s32 s26, s24;
	s29 =	rddreg [dreg:$0xc]  }
0xde: {  	[tilespmem:s12], [sflag:$0x2] =	stream.linear.gather [hbm4b:s7+s3], $0x40, $0x38;
	[tilespmem:$0x1FF80] =	vst v63  }
0xdf: {  	s18 =	simm.s32 $0x380;
	s14 =	rddreg [dreg:$0xa];
	s24 =	sadd.s32 s26, s29  }
0xe0: {  	[tilespmem:s18], [sflag:$0x2] =	stream.linear.gather [hbm4b:s24+s3], $0x40, $0x38;
	[tilespmem:$0x1FF80] =	vst v63  }
0xe1: {  	s29 =	rddreg [dreg:$0x9];
	s7 =	sadd.s32 s26, s14;
	s24 =	simm.s32 $0x100  }
0xe2: {  	[tilespmem:s24], [sflag:$0x3] =	stream.linear.gather [hbm4b:s7+s3], $0x40, $0x38;
	[tilespmem:$0x1FF80] =	vst v63  }
0xe3: {  	s14 =	sadd.s32 s26, s29;
	s7 =	simm.s32 $0x400  }
0xe4: {  	[tilespmem:s7], [sflag:$0x3] =	stream.linear.gather [hbm4b:s14+s3], $0x40, $0x38;
	[tilespmem:$0x1FF80] =	vst v63  }
0xe5: {  	_ =	swait.ge [sflag:s30], $0x40  }
0xe6: {  	[sflag:s30] =	ssyncset.done $0x0  }
0xe7: {  	[sflag:s30] =	ssyncadd.s32 $0xFFFFFFC0  }
0xe8: {  	_ =	swait.ge [sflag:s30], $0x40  }
0xe9: {  	[sflag:s30] =	ssyncset.done $0x0  }
0xea: {  	s14 =	simm.s32 $0x700;
	[sflag:s30] =	ssyncadd.s32 $0xFFFFFFC0  }
0xeb: {  	[tilespmem:s14], [sflag:$0x7] =	stream.indirect.gather [hbm4b:s4+s31], $0x80, s3, s31, $0xb8;
	[tilespmem:$0x1FF80] =	vst v63  }
0xec: {  	_ =	swait.ge [sflag:s0], $0x40  }
0xed: {  	[sflag:s0] =	ssyncset.done $0x0  }
0xee: {  	[sflag:s0] =	ssyncadd.s32 $0xFFFFFFC0  }
0xef: {  	_ =	swait.ge [sflag:s0], $0x40  }
0xf0: {  	[sflag:s0] =	ssyncset.done $0x0  }
0xf1: {  	[sflag:s0] =	ssyncadd.s32 $0xFFFFFFC0  }
0xf2: {  	[tilespmem:s16], [sflag:$0x8] =	stream.indirect.gather [hbm4b:s4+s31], $0x80, s12, s31, $0xb8;
	[tilespmem:$0x1FF80] =	vst v63  }
0xf3: {  	_ =	swait.ge [sflag:s6], $0x40  }
0xf4: {  	[sflag:s6] =	ssyncset.done $0x0  }
0xf5: {  	[sflag:s6] =	ssyncadd.s32 $0xFFFFFFC0  }
0xf6: {  	_ =	swait.ge [sflag:s6], $0x40  }
0xf7: {  	[sflag:s6] =	ssyncset.done $0x0  }
0xf8: {  	[sflag:s6] =	ssyncadd.s32 $0xFFFFFFC0  }
0xf9: {  	[tilespmem:s23], [sflag:$0x9] =	stream.indirect.gather [hbm4b:s4+s31], $0x80, s24, s31, $0xb8;
	[tilespmem:$0x1FF80] =	vst v63  }
0xfa: {  	_ =	swait.ge [sflag:s9], $0x2000  }
0xfb: {  	[sflag:s9] =	ssyncset.done $0x0  }
0xfc: {  	[sflag:s9] =	ssyncadd.s32 $0xFFFFE000  }
0xfd: {  	[spmem:s1] =	stream.indirect.scatter.add.f32 [tilespmem:s14], [sflag:$0xD], $0x80, s8, s31, $0xb8;
	[tilespmem:$0x1FF80] =	vst v63  }
0xfe: {  	_ =	swait.ge [sflag:s10], $0x2000  }
0xff: {  	[sflag:s10] =	ssyncset.done $0x0  }
0x100: {  	[sflag:s10] =	ssyncadd.s32 $0xFFFFE000  }
0x101: {  	[spmem:s1] =	stream.indirect.scatter.add.f32 [tilespmem:s16], [sflag:$0xE], $0x80, s18, s31, $0xb8;
	[tilespmem:$0x1FF80] =	vst v63  }
0x102: {  	_ =	swait.ge [sflag:s15], $0x2000  }
0x103: {  	[sflag:s15] =	ssyncset.done $0x0  }
0x104: {  	s2 =	simm.s32 @!p1 $0x10;
	[sflag:s15] =	ssyncadd.s32 $0xFFFFE000  }
0x105: {  	[spmem:s1] =	stream.indirect.scatter.add.f32 [tilespmem:s23], [sflag:$0xF], $0x80, s7, s31, $0xb8;
	[tilespmem:$0x1FF80] =	vst v63  }
0x106: {  	_ =	swait.ge @!p1 [sflag:s2], $0x2000  }
0x107: {  	[sflag:s2] =	ssyncset.done @!p1 $0x0  }
0x108: {  	[sflag:s2] =	ssyncadd.s32 @!p1 $0xFFFFE000;
	s2 =	simm.s32 @!p1 $0x11  }
0x109: {  	_ =	swait.ge @!p1 [sflag:s2], $0x2000  }
0x10a: {  	[sflag:s2] =	ssyncset.done @!p1 $0x0  }
0x10b: {  	[sflag:s2] =	ssyncadd.s32 @!p1 $0xFFFFE000;
	s2 =	simm.s32 @!p1 $0x12  }
0x10c: {  	_ =	swait.ge @!p1 [sflag:s2], $0x2000  }
0x10d: {  	s14 =	rddreg [dreg:$0x8]  }
0x10e: {  	[sflag:s2] =	ssyncset.done @!p1 $0x0;
	s29 =	rddreg [dreg:$0x7]  }
0x10f: {  	[sflag:s2] =	ssyncadd.s32 @!p1 $0xFFFFE000;
	s18 =	sadd.s32 s26, s14;
	s14 =	simm.s32 $0x180  }
0x110: {  	[tilespmem:s14], [sflag:$0x4] =	stream.linear.gather [hbm4b:s18+s3], $0x40, $0x38;
	[tilespmem:$0x1FF80] =	vst v63  }
0x111: {  	s8 =	simm.s32 $0x480;
	s24 =	rddreg [dreg:$0x6];
	s12 =	sadd.s32 s26, s29  }
0x112: {  	[tilespmem:s8], [sflag:$0x4] =	stream.linear.gather [hbm4b:s12+s3], $0x40, $0x38;
	[tilespmem:$0x1FF80] =	vst v63  }
0x113: {  	s29 =	rddreg [dreg:$0x5];
	s18 =	sadd.s32 s26, s24;
	s12 =	simm.s32 $0x200  }
0x114: {  	[tilespmem:s12], [sflag:$0x5] =	stream.linear.gather [hbm4b:s18+s3], $0x40, $0x38;
	[tilespmem:$0x1FF80] =	vst v63  }
0x115: {  	s7 =	rddreg [dreg:$0x4];
	s24 =	sadd.s32 s26, s29;
	s18 =	simm.s32 $0x500  }
0x116: {  	[tilespmem:s18], [sflag:$0x5] =	stream.linear.gather [hbm4b:s24+s3], $0x40, $0x38;
	[tilespmem:$0x1FF80] =	vst v63  }
0x117: {  	s2 =	sadd.s32 s26, s7;
	s29 =	rddreg [dreg:$0x3];
	s24 =	simm.s32 $0x280  }
0x118: {  	[tilespmem:s24], [sflag:$0x6] =	stream.linear.gather [hbm4b:s2+s3], $0x40, $0x38;
	[tilespmem:$0x1FF80] =	vst v63  }
0x119: {  	s7 =	simm.s32 $0x580;
	s2 =	sadd.s32 s26, s29  }
0x11a: {  	[tilespmem:s7], [sflag:$0x6] =	stream.linear.gather [hbm4b:s2+s3], $0x40, $0x38;
	[tilespmem:$0x1FF80] =	vst v63  }
0x11b: {  	_ =	swait.ge [sflag:s19], $0x40  }
0x11c: {  	[sflag:s19] =	ssyncset.done $0x0  }
0x11d: {  	[sflag:s19] =	ssyncadd.s32 $0xFFFFFFC0  }
0x11e: {  	_ =	swait.ge [sflag:s19], $0x40  }
0x11f: {  	[sflag:s19] =	ssyncset.done $0x0  }
0x120: {  	s29 =	simm.s32 $0x6700;
	[sflag:s19] =	ssyncadd.s32 $0xFFFFFFC0  }
0x121: {  	[tilespmem:s29], [sflag:$0xA] =	stream.indirect.gather [hbm4b:s4+s31], $0x80, s14, s31, $0xb8;
	[tilespmem:$0x1FF80] =	vst v63  }
0x122: {  	_ =	swait.ge [sflag:s21], $0x40  }
0x123: {  	[sflag:s21] =	ssyncset.done $0x0  }
0x124: {  	[sflag:s21] =	ssyncadd.s32 $0xFFFFFFC0  }
0x125: {  	_ =	swait.ge [sflag:s21], $0x40  }
0x126: {  	[sflag:s21] =	ssyncset.done $0x0  }
0x127: {  	[sflag:s21] =	ssyncadd.s32 $0xFFFFFFC0  }
0x128: {  	[tilespmem:s11], [sflag:$0xB] =	stream.indirect.gather [hbm4b:s4+s31], $0x80, s12, s31, $0xb8;
	[tilespmem:$0x1FF80] =	vst v63  }
0x129: {  	_ =	swait.ge [sflag:s5], $0x40  }
0x12a: {  	[sflag:s5] =	ssyncset.done $0x0  }
0x12b: {  	[sflag:s5] =	ssyncadd.s32 $0xFFFFFFC0  }
0x12c: {  	_ =	swait.ge [sflag:s5], $0x40  }
0x12d: {  	[sflag:s5] =	ssyncset.done $0x0  }
0x12e: {  	[sflag:s5] =	ssyncadd.s32 $0xFFFFFFC0  }
0x12f: {  	[tilespmem:s25], [sflag:$0xC] =	stream.indirect.gather [hbm4b:s4+s31], $0x80, s24, s31, $0xb8;
	[tilespmem:$0x1FF80] =	vst v63  }
0x130: {  	_ =	swait.ge [sflag:s13], $0x2000  }
0x131: {  	[sflag:s13] =	ssyncset.done $0x0  }
0x132: {  	s28 =	smov.u32 s22;
	s22 =	sadd.s32 $0x30, s22;
	[sflag:s13] =	ssyncadd.s32 $0xFFFFE000  }
0x133: {  	[spmem:s1] =	stream.indirect.scatter.add.f32 [tilespmem:s29], [sflag:$0x10], $0x80, s8, s31, $0xb8;
	[tilespmem:$0x1FF80] =	vst v63  }
0x134: {  	p2 =	sne.s32 s22, $0x4E0;
	_ =	swait.ge [sflag:s20], $0x2000  }
.Ltmp1:
0x135: {  	[sflag:s20] =	ssyncset.done $0x0;
	(pc) =	sbr.rel @p2 .LBB2_4-.Ltmp1, $4  }
0x136: {  	s26 =	smov.u32 s28;
	s28 =	simm.s32 $0xC;
	[sflag:s20] =	ssyncadd.s32 $0xFFFFE000  }
0x137: {  	[spmem:s1] =	stream.indirect.scatter.add.f32 [tilespmem:s11], [sflag:$0x11], $0x80, s18, s31, $0xb8;
	[tilespmem:$0x1FF80] =	vst v63  }
0x138: {  	_ =	swait.ge [sflag:s28], $0x2000  }
0x139: {  	p1 =	seq.s32 s26, $0x0;
	[sflag:s28] =	ssyncset.done $0x0  }
0x13a: {  	s2 =	simm.s32 @!p1 $0xD;
	[sflag:s28] =	ssyncadd.s32 $0xFFFFE000  }
0x13b: {  	[spmem:s1] =	stream.indirect.scatter.add.f32 [tilespmem:s25], [sflag:$0x12], $0x80, s7, s31, $0xb8;
	[tilespmem:$0x1FF80] =	vst v63  }
0x13c: {  	_ =	swait.ge @!p1 [sflag:s2], $0x2000  }
0x13d: {  	[sflag:s2] =	ssyncset.done @!p1 $0x0  }
0x13e: {  	[sflag:s2] =	ssyncadd.s32 @!p1 $0xFFFFE000;
	s2 =	simm.s32 @!p1 $0xE  }
0x13f: {  	_ =	swait.ge @!p1 [sflag:s2], $0x2000  }
0x140: {  	[sflag:s2] =	ssyncset.done @!p1 $0x0  }
0x141: {  	[sflag:s2] =	ssyncadd.s32 @!p1 $0xFFFFE000;
	s2 =	simm.s32 @!p1 $0xF  }
0x142: {  	_ =	swait.ge @!p1 [sflag:s2], $0x2000  }
0x143: {  	[sflag:s2] =	ssyncset.done @!p1 $0x0  }
0x144: {  	s8 =	sadd.s32 s26, s17;
	s18 =	rddreg [dreg:$0xd];
	[sflag:s2] =	ssyncadd.s32 @!p1 $0xFFFFE000  }
0x145: {  	[tilespmem:s3], [sflag:$0x1] =	stream.linear.gather [hbm4b:s8+s3], $0x40, $0x38;
	[tilespmem:$0x1FF80] =	vst v63  }
0x146: {  	s22 =	rddreg [dreg:$0xb];
	s12 =	sadd.s32 s26, s18;
	s8 =	simm.s32 $0x300  }
0x147: {  	[tilespmem:s8], [sflag:$0x1] =	stream.linear.gather [hbm4b:s12+s3], $0x40, $0x38;
	[tilespmem:$0x1FF80] =	vst v63  }
0x148: {  	s14 =	rddreg [dreg:$0xc];
	s18 =	sadd.s32 s26, s22;
	s12 =	simm.s32 $0x80  }
0x149: {  	[tilespmem:s12], [sflag:$0x2] =	stream.linear.gather [hbm4b:s18+s3], $0x40, $0x38;
	[tilespmem:$0x1FF80] =	vst v63  }
0x14a: {  	s22 =	rddreg [dreg:$0xa];
	s14 =	sadd.s32 s26, s14;
	s18 =	simm.s32 $0x380  }
0x14b: {  	[tilespmem:s18], [sflag:$0x2] =	stream.linear.gather [hbm4b:s14+s3], $0x40, $0x38;
	[tilespmem:$0x1FF80] =	vst v63  }
0x14c: {  	s7 =	rddreg [dreg:$0x9];
	s14 =	sadd.s32 s26, s22;
	s22 =	simm.s32 $0x100  }
0x14d: {  	[tilespmem:s22], [sflag:$0x3] =	stream.linear.gather [hbm4b:s14+s3], $0x40, $0x38;
	[tilespmem:$0x1FF80] =	vst v63  }
0x14e: {  	s7 =	sadd.s32 s26, s7;
	s14 =	simm.s32 $0x400  }
0x14f: {  	[tilespmem:s14], [sflag:$0x3] =	stream.linear.gather [hbm4b:s7+s3], $0x40, $0x38;
	[tilespmem:$0x1FF80] =	vst v63  }
0x150: {  	_ =	swait.ge [sflag:s30], $0x40  }
0x151: {  	[sflag:s30] =	ssyncset.done $0x0  }
0x152: {  	[sflag:s30] =	ssyncadd.s32 $0xFFFFFFC0  }
0x153: {  	_ =	swait.ge [sflag:s30], $0x40  }
0x154: {  	[sflag:s30] =	ssyncset.done $0x0  }
0x155: {  	s28 =	simm.s32 $0x700;
	[sflag:s30] =	ssyncadd.s32 $0xFFFFFFC0  }
0x156: {  	[tilespmem:s28], [sflag:$0x7] =	stream.indirect.gather [hbm4b:s4+s31], $0x80, s3, s31, $0xb8;
	[tilespmem:$0x1FF80] =	vst v63  }
0x157: {  	_ =	swait.ge [sflag:s0], $0x40  }
0x158: {  	[sflag:s0] =	ssyncset.done $0x0  }
0x159: {  	[sflag:s0] =	ssyncadd.s32 $0xFFFFFFC0  }
0x15a: {  	_ =	swait.ge [sflag:s0], $0x40  }
0x15b: {  	[sflag:s0] =	ssyncset.done $0x0  }
0x15c: {  	[sflag:s0] =	ssyncadd.s32 $0xFFFFFFC0  }
0x15d: {  	[tilespmem:s16], [sflag:$0x8] =	stream.indirect.gather [hbm4b:s4+s31], $0x80, s12, s31, $0xb8;
	[tilespmem:$0x1FF80] =	vst v63  }
0x15e: {  	_ =	swait.ge [sflag:s6], $0x40  }
0x15f: {  	[sflag:s6] =	ssyncset.done $0x0  }
0x160: {  	[sflag:s6] =	ssyncadd.s32 $0xFFFFFFC0  }
0x161: {  	_ =	swait.ge [sflag:s6], $0x40  }
0x162: {  	[sflag:s6] =	ssyncset.done $0x0  }
0x163: {  	[sflag:s6] =	ssyncadd.s32 $0xFFFFFFC0  }
0x164: {  	[tilespmem:s23], [sflag:$0x9] =	stream.indirect.gather [hbm4b:s4+s31], $0x80, s22, s31, $0xb8;
	[tilespmem:$0x1FF80] =	vst v63  }
0x165: {  	_ =	swait.ge [sflag:s9], $0x2000  }
0x166: {  	[sflag:s9] =	ssyncset.done $0x0  }
0x167: {  	[sflag:s9] =	ssyncadd.s32 $0xFFFFE000  }
0x168: {  	[spmem:s1] =	stream.indirect.scatter.add.f32 [tilespmem:s28], [sflag:$0xD], $0x80, s8, s31, $0xb8;
	[tilespmem:$0x1FF80] =	vst v63  }
0x169: {  	_ =	swait.ge [sflag:s10], $0x2000  }
0x16a: {  	[sflag:s10] =	ssyncset.done $0x0  }
0x16b: {  	[sflag:s10] =	ssyncadd.s32 $0xFFFFE000  }
0x16c: {  	[spmem:s1] =	stream.indirect.scatter.add.f32 [tilespmem:s16], [sflag:$0xE], $0x80, s18, s31, $0xb8;
	[tilespmem:$0x1FF80] =	vst v63  }
0x16d: {  	_ =	swait.ge [sflag:s15], $0x2000  }
0x16e: {  	[sflag:s15] =	ssyncset.done $0x0  }
0x16f: {  	s2 =	simm.s32 @!p1 $0x10;
	[sflag:s15] =	ssyncadd.s32 $0xFFFFE000  }
0x170: {  	[spmem:s1] =	stream.indirect.scatter.add.f32 [tilespmem:s23], [sflag:$0xF], $0x80, s14, s31, $0xb8;
	[tilespmem:$0x1FF80] =	vst v63  }
0x171: {  	_ =	swait.ge @!p1 [sflag:s2], $0x2000  }
0x172: {  	[sflag:s2] =	ssyncset.done @!p1 $0x0  }
0x173: {  	[sflag:s2] =	ssyncadd.s32 @!p1 $0xFFFFE000;
	s2 =	simm.s32 @!p1 $0x11  }
0x174: {  	_ =	swait.ge @!p1 [sflag:s2], $0x2000  }
0x175: {  	[sflag:s2] =	ssyncset.done @!p1 $0x0  }
0x176: {  	[sflag:s2] =	ssyncadd.s32 @!p1 $0xFFFFE000;
	s2 =	simm.s32 @!p1 $0x12  }
0x177: {  	_ =	swait.ge @!p1 [sflag:s2], $0x2000  }
0x178: {  	s14 =	simm.s32 $0x180;
	s9 =	rddreg [dreg:$0x8];
	[sflag:s2] =	ssyncset.done @!p1 $0x0  }
0x179: {  	s10 =	rddreg [dreg:$0x7];
	[sflag:s2] =	ssyncadd.s32 @!p1 $0xFFFFE000;
	s12 =	sadd.s32 s26, s9  }
0x17a: {  	[tilespmem:s14], [sflag:$0x4] =	stream.linear.gather [hbm4b:s12+s3], $0x40, $0x38;
	[tilespmem:$0x1FF80] =	vst v63  }
0x17b: {  	s8 =	simm.s32 $0x480;
	s18 =	rddreg [dreg:$0x6];
	s22 =	sadd.s32 s26, s10  }
0x17c: {  	[tilespmem:s8], [sflag:$0x4] =	stream.linear.gather [hbm4b:s22+s3], $0x40, $0x38;
	[tilespmem:$0x1FF80] =	vst v63  }
0x17d: {  	s9 =	rddreg [dreg:$0x5];
	s2 =	sadd.s32 s26, s18;
	s12 =	simm.s32 $0x200  }
0x17e: {  	[tilespmem:s12], [sflag:$0x5] =	stream.linear.gather [hbm4b:s2+s3], $0x40, $0x38;
	[tilespmem:$0x1FF80] =	vst v63  }
0x17f: {  	s10 =	rddreg [dreg:$0x4];
	s7 =	sadd.s32 s26, s9;
	s9 =	simm.s32 $0x500  }
0x180: {  	[tilespmem:s9], [sflag:$0x5] =	stream.linear.gather [hbm4b:s7+s3], $0x40, $0x38;
	[tilespmem:$0x1FF80] =	vst v63  }
0x181: {  	s18 =	rddreg [dreg:$0x3];
	s22 =	simm.s32 $0x280;
	s2 =	sadd.s32 s26, s10  }
0x182: {  	[tilespmem:s22], [sflag:$0x6] =	stream.linear.gather [hbm4b:s2+s3], $0x40, $0x38;
	[tilespmem:$0x1FF80] =	vst v63  }
0x183: {  	s24 =	simm.s32 $0x580;
	s7 =	sadd.s32 s26, s18  }
0x184: {  	[tilespmem:s24], [sflag:$0x6] =	stream.linear.gather [hbm4b:s7+s3], $0x40, $0x38;
	[tilespmem:$0x1FF80] =	vst v63  }
0x185: {  	_ =	swait.ge [sflag:s19], $0x40  }
0x186: {  	[sflag:s19] =	ssyncset.done $0x0  }
0x187: {  	[sflag:s19] =	ssyncadd.s32 $0xFFFFFFC0  }
0x188: {  	_ =	swait.ge [sflag:s19], $0x40  }
0x189: {  	[sflag:s19] =	ssyncset.done $0x0  }
0x18a: {  	[sflag:s19] =	ssyncadd.s32 $0xFFFFFFC0  }
0x18b: {  	[tilespmem:s29], [sflag:$0xA] =	stream.indirect.gather [hbm4b:s4+s31], $0x80, s14, s31, $0xb8;
	[tilespmem:$0x1FF80] =	vst v63  }
0x18c: {  	_ =	swait.ge [sflag:s21], $0x40  }
0x18d: {  	[sflag:s21] =	ssyncset.done $0x0  }
0x18e: {  	[sflag:s21] =	ssyncadd.s32 $0xFFFFFFC0  }
0x18f: {  	_ =	swait.ge [sflag:s21], $0x40  }
0x190: {  	[sflag:s21] =	ssyncset.done $0x0  }
0x191: {  	[sflag:s21] =	ssyncadd.s32 $0xFFFFFFC0  }
0x192: {  	[tilespmem:s11], [sflag:$0xB] =	stream.indirect.gather [hbm4b:s4+s31], $0x80, s12, s31, $0xb8;
	[tilespmem:$0x1FF80] =	vst v63  }
0x193: {  	_ =	swait.ge [sflag:s5], $0x40  }
0x194: {  	[sflag:s5] =	ssyncset.done $0x0  }
0x195: {  	[sflag:s5] =	ssyncadd.s32 $0xFFFFFFC0  }
0x196: {  	_ =	swait.ge [sflag:s5], $0x40  }
0x197: {  	[sflag:s5] =	ssyncset.done $0x0  }
0x198: {  	[sflag:s5] =	ssyncadd.s32 $0xFFFFFFC0  }
0x199: {  	[tilespmem:s25], [sflag:$0xC] =	stream.indirect.gather [hbm4b:s4+s31], $0x80, s22, s31, $0xb8;
	[tilespmem:$0x1FF80] =	vst v63  }
0x19a: {  	_ =	swait.ge [sflag:s13], $0x2000  }
0x19b: {  	[sflag:s13] =	ssyncset.done $0x0  }
0x19c: {  	[sflag:s13] =	ssyncadd.s32 $0xFFFFE000  }
0x19d: {  	[spmem:s1] =	stream.indirect.scatter.add.f32 [tilespmem:s29], [sflag:$0x10], $0x80, s8, s31, $0xb8;
	[tilespmem:$0x1FF80] =	vst v63  }
0x19e: {  	_ =	swait.ge [sflag:s20], $0x2000  }
0x19f: {  	[sflag:s20] =	ssyncset.done $0x0  }
0x1a0: {  	s14 =	simm.s32 $0xC;
	[sflag:s20] =	ssyncadd.s32 $0xFFFFE000  }
0x1a1: {  	[spmem:s1] =	stream.indirect.scatter.add.f32 [tilespmem:s11], [sflag:$0x11], $0x80, s9, s31, $0xb8;
	[tilespmem:$0x1FF80] =	vst v63  }
0x1a2: {  	_ =	swait.ge [sflag:s14], $0x2000  }
0x1a3: {  	[sflag:s14] =	ssyncset.done $0x0  }
0x1a4: {  	s18 =	simm.s32 $0xD;
	[sflag:s14] =	ssyncadd.s32 $0xFFFFE000  }
0x1a5: {  	[spmem:s1] =	stream.indirect.scatter.add.f32 [tilespmem:s25], [sflag:$0x12], $0x80, s24, s31, $0xb8;
	[tilespmem:$0x1FF80] =	vst v63  }
0x1a6: {  	_ =	swait.ge [sflag:s18], $0x2000  }
0x1a7: {  	[sflag:s18] =	ssyncset.done $0x0  }
0x1a8: {  	s20 =	simm.s32 $0xE;
	[sflag:s18] =	ssyncadd.s32 $0xFFFFE000  }
0x1a9: {  	_ =	swait.ge [sflag:s20], $0x2000  }
0x1aa: {  	[sflag:s20] =	ssyncset.done $0x0  }
0x1ab: {  	s22 =	simm.s32 $0xF;
	[sflag:s20] =	ssyncadd.s32 $0xFFFFE000  }
0x1ac: {  	_ =	swait.ge [sflag:s22], $0x2000  }
0x1ad: {  	[sflag:s22] =	ssyncset.done $0x0  }
0x1ae: {  	s24 =	simm.s32 $0x10;
	[sflag:s22] =	ssyncadd.s32 $0xFFFFE000  }
0x1af: {  	_ =	swait.ge [sflag:s24], $0x2000  }
0x1b0: {  	[sflag:s24] =	ssyncset.done $0x0  }
0x1b1: {  	s26 =	simm.s32 $0x11;
	[sflag:s24] =	ssyncadd.s32 $0xFFFFE000  }
0x1b2: {  	_ =	swait.ge [sflag:s26], $0x2000  }
0x1b3: {  	[sflag:s26] =	ssyncset.done $0x0  }
0x1b4: {  	s8 =	simm.s32 $0x12;
	[sflag:s26] =	ssyncadd.s32 $0xFFFFE000  }
0x1b5: {  	_ =	swait.ge [sflag:s8], $0x2000  }
0x1b6: {  	s10 =	simm.s32 $0x600;
	[sflag:s8] =	ssyncset.done $0x0  }
0x1b7: {  	s11 =	simm.s32 $0x13;
	s9 =	rddreg [dreg:$0x19];
	[sflag:s8] =	ssyncadd.s32 $0xFFFFE000  }
0x1b8: {  	[tilespmem:s10], [sflag:$0x13] =	stream.linear.gather [hbm4b:s9+s3], $0x10, $0x38;
	[tilespmem:$0x1FF80] =	vst v63  }
0x1b9: {  	_ =	swait.ge [sflag:s11], $0x10  }
0x1ba: {  	[sflag:s11] =	ssyncset.done $0x0  }
0x1bb: {  	s13 =	simm.s32 $0x680;
	s12 =	rddreg [dreg:$0x1a];
	[sflag:s11] =	ssyncadd.s32 $0xFFFFFFF0  }
0x1bc: {  	[tilespmem:s13], [sflag:$0x13] =	stream.linear.gather [hbm4b:s12+s3], $0x10, $0x38;
	[tilespmem:$0x1FF80] =	vst v63  }
0x1bd: {  	_ =	swait.ge [sflag:s11], $0x10  }
0x1be: {  	[sflag:s11] =	ssyncset.done $0x0  }
0x1bf: {  	[sflag:s11] =	ssyncadd.s32 $0xFFFFFFF0  }
0x1c0: {  	[tilespmem:s28], [sflag:$0x13] =	stream.indirect.gather [hbm4b:s4+s24], $0x80, s10, s24, $0xb8;
	[tilespmem:$0x1FF80] =	vst v63  }
0x1c1: {  	_ =	swait.ge [sflag:s11], $0x800  }
0x1c2: {  	[sflag:s11] =	ssyncset.done $0x0  }
0x1c3: {  	[sflag:s11] =	ssyncadd.s32 $0xFFFFF800  }
0x1c4: {  	[spmem:s1] =	stream.indirect.scatter.add.f32 [tilespmem:s28], [sflag:$0x13], $0x80, s13, s24, $0xb8;
	[tilespmem:$0x1FF80] =	vst v63  }
0x1c5: {  	_ =	swait.ge [sflag:s11], $0x800  }
0x1c6: {  	[sflag:s11] =	ssyncset.done $0x0  }
0x1c7: {  	[sflag:s11] =	ssyncadd.s32 $0xFFFFF800  }
0x1c8: {  	s14 =	stileid.u32;
	[bflag:$0x0] =	sbarrier.arrive $0xFFFF  }
0x1c9: {  	s2 =	sshll.u32 s14, $0x6;
	s28 =	rddreg [dreg:$0xe]  }
0x1ca: {  	s2 =	sor.u32 $0x1C13, s2;
	s20 =	rddreg [dreg:$0x1b];
	s18 =	sshrl.u32 s28, $0x3  }
0x1cb: {  	[hbm:s20], [sflag:s2] =	dma.local [spmem:s18], $0x2700  }
0x1cc: {  	_ =	swait.ge [sflag:s11], $0x2700  }
0x1cd: {  	[sflag:s11] =	ssyncset.done $0x0;
	s29 =	rddreg [dreg:$0x18]  }
0x1ce: {  	s22 =	rddreg [dreg:$0x1c];
	[sflag:s11] =	ssyncadd.s32 $0xFFFFD900;
	s7 =	sshrl.u32 @!p0 s29, $0x3  }
0x1cf: {  	[hbm:s22], [sflag:s2] =	dma.local @!p0 [spmem:s7], $0x100  }
0x1d0: {  	s2 =	simm.s32 @!p0 $0x13  }
0x1d1: {  	_ =	swait.ge @!p0 [sflag:s2], $0x100  }
0x1d2: {  	s24 =	rddreg [dreg:$0x1e]  }
0x1d3: {  	s26 =	rddreg [dreg:$0x1d];
	s8 =	sadd.s32 $0x1, s24  }
0x1d4: {  	p1 =	sne.s32 s8, s26  }
.Ltmp2:
0x1d5: {  	_ = 	snop;
	(pc) =	sbr.rel @p1 .LBB2_1-.Ltmp2, $3  }
0x1d6: {  	_ =	sdelay $0x1  }
0x1d7: {  	[sflag:s2] =	ssyncset.done @!p0 $0x0  }
0x1d8: {  	s12 =	smov.u32 s17;
	s13 =	simm.s32 $0xA700;
	[sflag:s2] =	ssyncadd.s32 @!p0 $0xFFFFFF00  }
0x1d9: {  	_ =	sfence.sel $0x180000  }
0x1da: {  	[bflag:$0x0] =	sbarrier.arrive $0xFFFF  }
0x1db: {  	_ =	strace $0x9000004D  }
0x1dc: {  	s0 =	stileid.u32;
	[bflag:$0x2] =	sbarrier.arrive $0xFFFF  }
0x1dd: {  	p0 =	sne.s32 s0, $0x0;
	s0 =	rddreg [dreg:$0x2]  }
0x1de: {  	s0 =	sadd.s32 @!p0 $0x100000, s0  }
0x1df: {  	[sflag:s0] =	ssyncadd.tile.s32 @!p0 $0x1;
	_ =	shalt  }
.Lfunc_end2:
_tile_overlayer_lowered:
.L_overlay_start_2:
0x1e0: {  	(tag) =	ssettag $0x2  }
0x1e1: {  	s0 =	rddreg [dreg:$0x0];
	s2 =	stileid.u32  }
0x1e2: {  	s1 =	rddreg [dreg:$0x1];
	p0 =	sne.s32 s2, $0x0  }
0x1e3: {  	s3 =	rddreg [dreg:$0x2];
	[bflag:$0x3] =	sbarrier.arrive $0xFFFF;
	s2 =	simm.s32 @!p0 $0x1C13  }
0x1e4: {  	[timem:s3], [sflag:s2] =	dma.local @!p0 [hbm:s0], s1  }
0x1e5: {  	s0 =	simm.s32 @!p0 $0x13  }
0x1e6: {  	_ =	swait.ge @!p0 [sflag:s0], s1  }
0x1e7: {  	s1 =	ssub.s32 @!p0 $0x0, s1;
	[sflag:s0] =	ssyncset.done @!p0 $0x0  }
0x1e8: {  	[sflag:s0] =	ssyncadd.s32 @!p0 s1  }
0x1e9: {  	[bflag:$0x3] =	sbarrier.arrive $0xFFFF  }
0x1ea: {  	_ =	shalt  }

// kernel: kernel.9.cloned.1.call-start
scs
__scs_entry_jumppad:
0x0: {  	(pc) =	sbr.rel $0x88, $3  }
0x1: {  	(tag) =	ssettag $0x0;
	lr =	simm.s32 $0x1  }
0x2: {  	[smem:$0x3F93] =	sst lr;
	_ =	strace $0xD0000000  }
0x3: {  	_ = 	snop  }
0x4: {  	_ = 	snop  }
0x5: {  	_ = 	snop  }
0x6: {  	_ = 	snop  }
0x7: {  	_ = 	snop  }
__scs_overlays_trampoline_lowered:
0x8: {  	[smem:$0x3FA2] =	sst s0  }
0x9: {  	[smem:$0x3FA3] =	sst s1  }
0xa: {  	[smem:$0x3FA4] =	sst s2  }
0xb: {  	[smem:$0x3FA5] =	sst s3  }
0xc: {  	[smem:$0x3FA6] =	sst s4  }
0xd: {  	[smem:$0x3FA7] =	sst s5  }
0xe: {  	[smem:$0x3FA8] =	sst s6  }
0xf: {  	[smem:$0x3FA9] =	sst s7  }
0x10: {  	[smem:$0x3FAA] =	sst s8  }
0x11: {  	[smem:$0x3FAB] =	sst s9;
	s0 =	simm.s32 @!p0 $0x0  }
0x12: {  	s1 =	sld [smem:$0x3F91];
	s0 =	simm.s32 @p0 $0x1  }
0x13: {  	[smem:$0x3FAC] =	sst s0;
	s0 =	simm.s32 @!p1 $0x0  }
0x14: {  	s2 =	sld [smem:$0x3F90];
	s0 =	simm.s32 @p1 $0x1  }
0x15: {  	[smem:$0x3FAD] =	sst s0;
	s0 =	simm.s32 @!p2 $0x0  }
0x16: {  	s3 =	sld [smem:$0x3FDB];
	s0 =	simm.s32 @p2 $0x1  }
0x17: {  	s4 =	simm.s32 $0x1BF5;
	[smem:$0x3FAF] =	sst s0  }
0x18: {  	s0 =	sld [smem:$0x3F92];
	_ =	swait.ge [sflag:s4], $0x0  }
0x19: {  	s7 =	sld [smem:$0x3F93]  }
0x1a: {  	s8 =	sadd.s32 $0xFFFFE003, lr  }
0x1b: {  	s9 =	sadd.s32 $0xFFFFFEF7, lr;
	s5 =	simm.s32 $0xFFFFFFFF;
	p2 =	slt.u32 s8, $0xFFFFF086  }
0x1c: {  	p1 =	slt.u32 s9, $0xF7A;
	s5 =	simm.s32 @!p2 $0x0  }
0x1d: {  	s5 =	simm.s32 @p1 $0x1;
	p0 =	seq.s32 s7, s2  }
0x1e: {  	s7 =	smul.u32 @!p0 $0xF7A, s2;
	p2 =	seq.s32 @!p0 s5, $0x0  }
0x1f: {  	s9 =	smul.u32 $0xF7A, s1;
	s8 =	simm.s32 @!p0 $0x1BF5;
	p2 =	por !p2, p0  }
0x20: {  	[sflag:s8] =	ssyncset.s32 @!p0 $0xFFFFF086;
	s6 =	sadd.s32 @!p0 s3, s7;
	s7 =	simm.s32 @!p0 $0x108  }
0x21: {  	s3 =	sadd.s32 s3, s9;
	s6 =	sadd.s32 @!p0 $0x88, s6;
	s7 =	simm.s32 @p2 $0x1082  }
0x22: {  	[simem:s7], [sflag:s8] =	dma.local @!p0 [hbm:s6], $0xF7A  }
0x23: {  	s9 =	sor.u32 $0xD0000000, s2;
	s6 =	simm.s32 $0x108;
	_ =	swait.ge @!p0 [sflag:s8], $0x0  }
0x24: {  	s3 =	sadd.s32 $0x88, s3;
	s6 =	simm.s32 @!p1 $0x1082;
	[sflag:s4] =	ssyncset.s32 $0xFFFFF086  }
0x25: {  	[simem:s6], [sflag:s4] =	dma.local [hbm:s3], $0xF7A  }
0x26: {  	[smem:$0x3F93] =	sst s1;
	(tag) =	ssettag s2;
	_ =	strace s9  }
0x27: {  	s1 =	sld [smem:$0x3FA3]  }
0x28: {  	s2 =	sld [smem:$0x3FA4]  }
0x29: {  	s4 =	sld [smem:$0x3FA6]  }
0x2a: {  	p0 =	seq.s32 s5, $0x0;
	s5 =	sld [smem:$0x3FA7]  }
0x2b: {  	s6 =	sld [smem:$0x3FA8]  }
0x2c: {  	s7 =	sld [smem:$0x3FA9]  }
0x2d: {  	s3 =	simm.s32 $0x108;
	s8 =	sld [smem:$0x3FAA]  }
0x2e: {  	s3 =	simm.s32 @!p0 $0x1082;
	s9 =	sld [smem:$0x3FAB]  }
0x2f: {  	lr =	sadd.s32 s0, s3;
	s0 =	sld [smem:$0x3FA2]  }
0x30: {  	s3 =	sld [smem:$0x3FA5]  }
0x31: {  	[smem:$0x3FAE] =	sst s10  }
0x32: {  	s10 =	sld [smem:$0x3FAC];
	_ =	sdelay $0x3  }
0x33: {  	p0 =	seq.s32 s10, $0x1;
	s10 =	sld [smem:$0x3FAE];
	_ =	sdelay $0x3  }
0x34: {  	[smem:$0x3FAE] =	sst s10  }
0x35: {  	s10 =	sld [smem:$0x3FAD];
	_ =	sdelay $0x3  }
0x36: {  	p1 =	seq.s32 s10, $0x1;
	s10 =	sld [smem:$0x3FAE];
	_ =	sdelay $0x3  }
0x37: {  	[smem:$0x3FAE] =	sst s10  }
0x38: {  	s10 =	sld [smem:$0x3FAF]  }
0x39: {  	_ = 	snop;
	(pc) =	sbr.ind lr, $3  }
0x3a: {  	_ = 	snop  }
0x3b: {  	_ = 	snop  }
0x3c: {  	p2 =	seq.s32 s10, $0x1;
	s10 =	sld [smem:$0x3FAE]  }
0x3d: {  	_ =	shalt  }
0x3e: {  	_ =	shalt  }
0x3f: {  	_ =	shalt  }
0x40: {  	_ =	shalt  }
0x41: {  	_ =	shalt  }
0x42: {  	_ =	shalt  }
0x43: {  	_ =	shalt  }
0x44: {  	_ =	shalt  }
0x45: {  	_ =	shalt  }
0x46: {  	_ =	shalt  }
0x47: {  	_ =	shalt  }
0x48: {  	_ =	shalt  }
0x49: {  	_ =	shalt  }
0x4a: {  	_ =	shalt  }
0x4b: {  	_ =	shalt  }
0x4c: {  	_ =	shalt  }
0x4d: {  	_ =	shalt  }
0x4e: {  	_ =	shalt  }
0x4f: {  	_ =	shalt  }
0x50: {  	_ =	shalt  }
0x51: {  	_ =	shalt  }
0x52: {  	_ =	shalt  }
0x53: {  	_ =	shalt  }
0x54: {  	_ =	shalt  }
0x55: {  	_ =	shalt  }
0x56: {  	_ =	shalt  }
0x57: {  	_ =	shalt  }
0x58: {  	_ =	shalt  }
0x59: {  	_ =	shalt  }
0x5a: {  	_ =	shalt  }
0x5b: {  	_ =	shalt  }
0x5c: {  	_ =	shalt  }
0x5d: {  	_ =	shalt  }
0x5e: {  	_ =	shalt  }
0x5f: {  	_ =	shalt  }
0x60: {  	_ =	shalt  }
0x61: {  	_ =	shalt  }
0x62: {  	_ =	shalt  }
0x63: {  	_ =	shalt  }
0x64: {  	_ =	shalt  }
0x65: {  	_ =	shalt  }
0x66: {  	_ =	shalt  }
0x67: {  	_ =	shalt  }
0x68: {  	_ =	shalt  }
0x69: {  	_ =	shalt  }
0x6a: {  	_ =	shalt  }
0x6b: {  	_ =	shalt  }
0x6c: {  	_ =	shalt  }
0x6d: {  	_ =	shalt  }
0x6e: {  	_ =	shalt  }
0x6f: {  	_ =	shalt  }
0x70: {  	_ =	shalt  }
0x71: {  	_ =	shalt  }
0x72: {  	_ =	shalt  }
0x73: {  	_ =	shalt  }
0x74: {  	_ =	shalt  }
0x75: {  	_ =	shalt  }
0x76: {  	_ =	shalt  }
0x77: {  	_ =	shalt  }
0x78: {  	_ =	shalt  }
0x79: {  	_ =	shalt  }
0x7a: {  	_ =	shalt  }
0x7b: {  	_ =	shalt  }
0x7c: {  	_ =	shalt  }
0x7d: {  	_ =	shalt  }
0x7e: {  	_ =	shalt  }
0x7f: {  	_ =	shalt  }
0x80: {  	_ =	shalt  }
0x81: {  	_ =	shalt  }
0x82: {  	_ =	shalt  }
0x83: {  	_ =	shalt  }
0x84: {  	_ =	shalt  }
0x85: {  	_ =	shalt  }
0x86: {  	_ =	shalt  }
0x87: {  	_ =	shalt  }
.Lfunc_end0:
.L_simem_size_0:
called_computation_lowered:
.L_overlay_start_0:
0x88: {  	s2 =	sld [smem:$0x3FD9]  }
0x89: {  	s3 =	sld [smem:$0x3FFE];
	_ =	sdelay $0x1  }
0x8a: {  	s1 =	srdreg.scid  }
0x8b: {  	s0 =	sand.u32 $0x1, s1  }
0x8c: {  	s16 =	sshll.u32 s0, $0xA;
	s2 =	sadd.s32 s3, s2  }
0x8d: {  	s2 =	sadd.s32 s2, s16  }
0x8e: {  	[smem:$0x3FBA] =	sst s2  }
0x8f: {  	_ = 	snop  }
0x90: {  	(tm) =	ssettm $0x1  }
0x91: {  	s17 =	sld [smem:$0x3FFB];
	_ =	sdelay $0x3  }
0x92: {  	_ =	strace s17  }
0x93: {  	s2 =	sld [smem:$0x3FFC];
	_ =	sdelay $0x3  }
0x94: {  	_ =	strace s2  }
0x95: {  	s2 =	sld [smem:$0x3FFD];
	_ =	sdelay $0x3  }
0x96: {  	_ =	strace s2  }
0x97: {  	_ =	strace $0x8FFFFFFF  }
0x98: {  	s18 =	sld [smem:$0x3FDB];
	_ =	sdelay $0x1  }
0x99: {  	s19 =	simm.s32 $_scs_section_size  }
0x9a: {  	s4 =	simm.s32 $_size__tile_overlayer_lowered;
	s5 =	simm.s32 $_tile_overlayer_lowered  }
0x9b: {  	s22 =	simm.s32 $0x1BFF;
	s21 =	sshll.u32 s5, $0x1;
	s2 =	sadd.s32 s19, s18  }
0x9c: {  	s6 =	simm.s32 $0x0;
	s20 =	sshll.u32 s4, $0x1;
	s4 =	sadd.s32 s21, s2  }
0x9d: {  	[timem:s6], [sflag:s22] =	dma.local [hbm:s4], s20  }
0x9e: {  	_ =	swait.ge [sflag:s22], s20  }
0x9f: {  	s3 =	ssub.s32 $0x0, s20;
	[sflag:s22] =	ssyncset.done $0x0  }
0xa0: {  	[sflag:s22] =	ssyncadd.s32 s3;
	_ =	sdelay $0x1  }
0xa1: {  	s23 =	simm.s32 $0x1B8B  }
0xa2: {  	_ =	swait.ge [sflag:s23], $0x1  }
0xa3: {  	[sflag:s23] =	ssyncset.done $0x0  }
0xa4: {  	s25 =	simm.s32 $0x1B8E;
	s24 =	sld [smem:$0x3FFE];
	[sflag:s23] =	ssyncadd.s32 $0xFFFFFFFF  }
0xa5: {  	s26 =	simm.s32 $execute0_lowered;
	[smem:$0x3FD2] =	sst s25  }
0xa6: {  	s4 =	sshll.u32 s26, $0x1;
	_ =	strace $0x80000046;
	[dreg:$0x1] =	wrdreg $0xFFFFFFFF  }
0xa7: {  	s28 =	simm.s32 $_size_execute0_lowered;
	s2 =	sadd.s32 s2, s4;
	[dreg:$0x0] =	wrdreg $0x0  }
0xa8: {  	s4 =	sshll.u32 s28, $0x1;
	[dreg:$0x2] =	wrdreg s2  }
0xa9: {  	[dreg:$0x3] =	wrdreg s4  }
0xaa: {  	[dreg:$0x4] =	wrdreg $0xC0  }
0xab: {  	_ =	task [dreg:s6], $0x5FFFF  }
0xac: {  	[dreg:$0x1] =	wrdreg $0xFFFFFFFF  }
0xad: {  	[dreg:$0x0] =	wrdreg $0x60  }
0xae: {  	[dreg:$0x2] =	wrdreg s24  }
0xaf: {  	[dreg:$0x3] =	wrdreg $0x46800  }
0xb0: {  	[dreg:$0x4] =	wrdreg $0x9  }
0xb1: {  	_ =	task.clear_ibuf [dreg:s6], $0x5FFFF;
	_ =	strace $0x90000046  }
0xb2: {  	s29 =	simm.s32 $0x9;
	_ =	strace $0x80000048  }
0xb3: {  	_ =	swait.ge [sflag:s29], $0x1  }
0xb4: {  	[sflag:s29] =	ssyncadd.s32 $0xFFFFFFFF  }
0xb5: {  	_ =	strace $0x90000048  }
0xb6: {  	_ =	sfence  }
0xb7: {  	s30 =	sld [smem:$0x0];
	_ =	sdelay $0x2  }
0xb8: {  	s31 =	sshll.u32 s1, $0xD;
	s1 =	sshrl.u32 s1, $0x2  }
0xb9: {  	s3 =	sand.u32 $0x4000, s31;
	s1 =	sadd.s32 s1, s30  }
0xba: {  	s0 =	sor.u32 s3, s0;
	s1 =	sshll.u32 s1, $0x11  }
0xbb: {  	s0 =	sor.u32 s1, s0  }
0xbc: {  	s0 =	sadd.s32 $0x8F2B, s0  }
0xbd: {  	[sflag:s0] =	ssyncadd.remote.s32 $0x1  }
0xbe: {  	_ =	sfence.sel $0xFFFF  }
0xbf: {  	[dreg:$0x0] =	wrdreg $0xFFFFFFFF;
	(pc) =	sbr.abs _section_cstart, $3  }
0xc0: {  	[dreg:$0x1] =	wrdreg $0xFFFFFFFF  }
0xc1: {  	_ =	task.clear_ibuf [dreg:s6], $0x2FFFF;
	_ =	strace $0x9FFFFFFF  }
0xc2: {  	(tm) =	ssettm $0x7FFFFFFF  }
0xc3: {  	_ =	shalt  }
tec
execute0_lowered:
.L_overlay_start_1:
0x0: {  	(tag) =	ssettag $0x1  }
0x1: {  	s0 =	srdreg.scid;
	s1 =	rddreg [dreg:$0x0]  }
0x2: {  	s8 =	stileid.u32;
	s2 =	rddreg [dreg:$0x1];
	s3 =	simm.s32 $0x0  }
0x3: {  	s28 =	simm.s32 $0x300;
	s0 =	sand.u32 $0x1, s0;
	s5 =	smul.u32 $0x4E20, s8  }
0x4: {  	[smem:$0x7FF] =	sst s3;
	s24 =	smul.u32 $0x4E000, s8;
	s6 =	ssub.s32 $0x2, s0  }
0x5: {  	s13 =	sadd.s32 $0x138000, s2;
	s4 =	smul.u32 $0x4E200, s0;
	s7 =	sshrl.u32 s6, $0x1  }
0x6: {  	_ =	strace $0x80000047;
	[dreg:$0x14] =	wrdreg s13;
	s25 =	ssub.s32 s6, s7  }
0x7: {  	s4 =	sadd.s32 s5, s4;
	s5 =	sshrl.u32 s24, $0x2;
	s25 =	smax.u32 s25, $0x1  }
0x8: {  	s29 =	simm.s32 $0x380;
	s12 =	sadd.s32 s5, s2;
	[dreg:$0x18] =	wrdreg s25  }
0x9: {  	s30 =	simm.s32 $0x400;
	s26 =	sadd.s32 $0x4000, s12;
	[dreg:$0xf] =	wrdreg s12  }
0xa: {  	s31 =	simm.s32 $0x400;
	s7 =	sadd.s32 $0x8000, s12;
	[dreg:$0x10] =	wrdreg s26  }
0xb: {  	s4 =	sshrl.u32 s4, $0x3;
	s9 =	sadd.s32 $0xC000, s12;
	[dreg:$0x11] =	wrdreg s7  }
0xc: {  	s4 =	sadd.s32 s4, s1;
	s10 =	sadd.s32 $0x10000, s12;
	[dreg:$0x12] =	wrdreg s9  }
0xd: {  	s16 =	smul.u32 $0x13800, s8;
	[dreg:$0x13] =	wrdreg s10;
	s11 =	sadd.s32 $0x40B0, s4  }
0xe: {  	p0 =	sne.s32 s8, $0xF;
	s14 =	sadd.s32 $0x40A0, s4;
	[dreg:$0x3] =	wrdreg s11  }
0xf: {  	s8 =	simm.s32 $0xA;
	s15 =	sadd.s32 $0x4090, s4;
	[dreg:$0x4] =	wrdreg s14  }
0x10: {  	s0 =	smul.u32 $0x138800, s0;
	s9 =	sadd.s32 $0x49C0, s4;
	[dreg:$0x5] =	wrdreg s15  }
0x11: {  	s6 =	simm.s32 $0x8;
	s17 =	sadd.s32 $0x4080, s4;
	[dreg:$0x15] =	wrdreg s9  }
0x12: {  	s5 =	simm.s32 $0x7;
	s18 =	sadd.s32 $0x4070, s4;
	[dreg:$0x6] =	wrdreg s17  }
0x13: {  	s1 =	sadd.s32 $0x17A00, s1;
	s19 =	sadd.s32 $0x4060, s4;
	[dreg:$0x7] =	wrdreg s18  }
0x14: {  	s25 =	simm.s32 $0x5;
	s20 =	sadd.s32 $0x4050, s4;
	[dreg:$0x8] =	wrdreg s19  }
0x15: {  	s7 =	sadd.s32 s16, s0;
	s21 =	sadd.s32 $0x4040, s4;
	[dreg:$0x9] =	wrdreg s20  }
0x16: {  	s0 =	sshrl.u32 s0, $0x3;
	s22 =	sadd.s32 $0x4030, s4;
	[dreg:$0xa] =	wrdreg s21  }
0x17: {  	s23 =	sadd.s32 $0x4020, s4;
	s24 =	sadd.s32 $0x4010, s4;
	[dreg:$0xb] =	wrdreg s22  }
0x18: {  	s26 =	sadd.s32 $0x4000, s4;
	s16 =	simm.s32 $0x80;
	[dreg:$0xc] =	wrdreg s23  }
0x19: {  	s10 =	simm.s32 $0xB;
	s7 =	sshrl.u32 s7, $0x3;
	[dreg:$0xd] =	wrdreg s24  }
0x1a: {  	s0 =	sadd.s32 s1, s0;
	[dreg:$0xe] =	wrdreg s26;
	s14 =	simm.s32 $0x680  }
0x1b: {  	s17 =	simm.s32 $0x19;
	s18 =	simm.s32 $0x180;
	s19 =	simm.s32 $0x200  }
0x1c: {  	s20 =	simm.s32 $0x280;
	s21 =	simm.s32 $0x1;
	s22 =	simm.s32 $0x2  }
0x1d: {  	s23 =	simm.s32 $0x3;
	s24 =	simm.s32 $0x4;
	s26 =	simm.s32 $0x6  }
0x1e: {  	s11 =	simm.s32 $0xC;
	s15 =	simm.s32 $0x0;
	s7 =	sadd.s32 s1, s7  }
0x1f: {  	s0 =	sadd.s32 $0x27000, s0;
	s1 =	simm.s32 $0x480;
	[dreg:$0x16] =	wrdreg s7  }
0x20: {  	v0 =	vimm.f32 $0.0e+00;
	v1 =	vimm.f32 $1.000000000e+00;
	[dreg:$0x17] =	wrdreg s0;
	s0 =	simm.s32 $0x580;
	s7 =	simm.s32 $0x9  }
.LBB2_1:
0x21: {  	[dreg:$0x19] =	wrdreg s15;
	s4 =	simm.s32 $0x0;
	s9 =	simm.s32 $0x200  }
.LBB2_2:
0x22: {  	p1 =	sne.s32 s9, $0xFE00;
	[tilespmem:s4+$0x6F0] =	vst v0  }
0x23: {  	[tilespmem:s4+$0x680] =	vst v0  }
0x24: {  	[tilespmem:s4+$0x690] =	vst v0  }
.Ltmp0:
0x25: {  	[tilespmem:s4+$0x6A0] =	vst v0;
	(pc) =	sbr.rel @p1 .LBB2_2-.Ltmp0, $4  }
0x26: {  	[tilespmem:s4+$0x6B0] =	vst v0  }
0x27: {  	[tilespmem:s4+$0x6C0] =	vst v0  }
0x28: {  	[tilespmem:s4+$0x6D0] =	vst v0  }
0x29: {  	[tilespmem:s4+$0x6E0] =	vst v0;
	s4 =	sshra.s32 s9, $0x2;
	s9 =	sadd.s32 $0x200, s9  }
0x2a: {  	[tilespmem:s4+$0x6F0] =	vst v0  }
0x2b: {  	[tilespmem:s4+$0x680] =	vst v0  }
0x2c: {  	[tilespmem:s4+$0x690] =	vst v0  }
0x2d: {  	[tilespmem:s4+$0x6A0] =	vst v0  }
0x2e: {  	[tilespmem:s4+$0x6B0] =	vst v0  }
0x2f: {  	[tilespmem:s4+$0x6C0] =	vst v0  }
0x30: {  	[tilespmem:s4+$0x6D0] =	vst v0  }
0x31: {  	[tilespmem:s4+$0x6E0] =	vst v0  }
0x32: {  	[spmem:s12] =	stream.linear.scatter [tilespmem:s14], [sflag:$0x19], $0x4000, $0x38;
	[tilespmem:$0x17F00] =	vst v63  }
0x33: {  	_ =	swait.ge [sflag:s17], $0x4000  }
0x34: {  	[sflag:s17] =	ssyncset.done $0x0  }
0x35: {  	s15 =	rddreg [dreg:$0x10];
	[sflag:s17] =	ssyncadd.s32 $0xFFFFC000  }
0x36: {  	[spmem:s15] =	stream.linear.scatter [tilespmem:s14], [sflag:$0x19], $0x4000, $0x38;
	[tilespmem:$0x17F00] =	vst v63  }
0x37: {  	_ =	swait.ge [sflag:s17], $0x4000  }
0x38: {  	[sflag:s17] =	ssyncset.done $0x0  }
0x39: {  	s9 =	rddreg [dreg:$0x11];
	[sflag:s17] =	ssyncadd.s32 $0xFFFFC000  }
0x3a: {  	[spmem:s9] =	stream.linear.scatter [tilespmem:s14], [sflag:$0x19], $0x4000, $0x38;
	[tilespmem:$0x17F00] =	vst v63  }
0x3b: {  	_ =	swait.ge [sflag:s17], $0x4000  }
0x3c: {  	[sflag:s17] =	ssyncset.done $0x0  }
0x3d: {  	s12 =	rddreg [dreg:$0x12];
	[sflag:s17] =	ssyncadd.s32 $0xFFFFC000  }
0x3e: {  	[spmem:s12] =	stream.linear.scatter [tilespmem:s14], [sflag:$0x19], $0x4000, $0x38;
	[tilespmem:$0x17F00] =	vst v63  }
0x3f: {  	_ =	swait.ge [sflag:s17], $0x4000  }
0x40: {  	[sflag:s17] =	ssyncset.done $0x0  }
0x41: {  	s15 =	rddreg [dreg:$0x13];
	[sflag:s17] =	ssyncadd.s32 $0xFFFFC000  }
0x42: {  	[spmem:s15] =	stream.linear.scatter [tilespmem:s14], [sflag:$0x19], $0x3800, $0x38;
	[tilespmem:$0x17F00] =	vst v63  }
0x43: {  	_ =	swait.ge [sflag:s17], $0x3800  }
0x44: {  	[sflag:s17] =	ssyncset.done $0x0  }
0x45: {  	s4 =	simm.s32 @!p0 $0x680;
	[sflag:s17] =	ssyncadd.s32 $0xFFFFC800  }
0x46: {  	[spmem:s13] =	stream.linear.scatter @!p0 [tilespmem:s4], [sflag:$0x19], $0x800, $0x38;
	[tilespmem:$0x17F00] =	vst v63  }
0x47: {  	s4 =	simm.s32 @!p0 $0x19  }
0x48: {  	_ =	swait.ge @!p0 [sflag:s4], $0x800  }
0x49: {  	[sflag:s4] =	ssyncset.done @!p0 $0x0  }
0x4a: {  	s9 =	simm.s32 $0x200;
	[sflag:s4] =	ssyncadd.s32 @!p0 $0xFFFFF800  }
0x4b: {  	s15 =	simm.s32 $0x100;
	s4 =	simm.s32 $0x0;
	[bflag:$0x0] =	sbarrier.arrive $0xFFFF  }
.LBB2_4:
0x4c: {  	p1 =	sne.s32 s9, $0xFE00;
	[tilespmem:s4+$0x6F0] =	vst v1  }
0x4d: {  	[tilespmem:s4+$0x680] =	vst v1  }
0x4e: {  	[tilespmem:s4+$0x690] =	vst v1  }
.Ltmp1:
0x4f: {  	[tilespmem:s4+$0x6A0] =	vst v1;
	(pc) =	sbr.rel @p1 .LBB2_4-.Ltmp1, $4  }
0x50: {  	[tilespmem:s4+$0x6B0] =	vst v1  }
0x51: {  	[tilespmem:s4+$0x6C0] =	vst v1  }
0x52: {  	[tilespmem:s4+$0x6D0] =	vst v1  }
0x53: {  	[tilespmem:s4+$0x6E0] =	vst v1;
	s4 =	sshra.s32 s9, $0x2;
	s9 =	sadd.s32 $0x200, s9  }
0x54: {  	[tilespmem:s4+$0x6F0] =	vst v1  }
0x55: {  	[tilespmem:s4+$0x680] =	vst v1  }
0x56: {  	[tilespmem:s4+$0x690] =	vst v1  }
0x57: {  	[tilespmem:s4+$0x6A0] =	vst v1  }
0x58: {  	[tilespmem:s4+$0x6B0] =	vst v1  }
0x59: {  	[tilespmem:s4+$0x6C0] =	vst v1  }
0x5a: {  	[tilespmem:s4+$0x6D0] =	vst v1;
	p1 =	por $0x1, $0x1  }
0x5b: {  	[tilespmem:s4+$0x6E0] =	vst v1;
	s4 =	simm.s32 @!p1 $0xD  }
0x5c: {  	_ =	swait.ge @!p1 [sflag:s4], $0x4000  }
0x5d: {  	[sflag:s4] =	ssyncset.done @!p1 $0x0  }
0x5e: {  	[sflag:s4] =	ssyncadd.s32 @!p1 $0xFFFFC000;
	s4 =	simm.s32 @!p1 $0xE  }
0x5f: {  	_ =	swait.ge @!p1 [sflag:s4], $0x4000  }
0x60: {  	[sflag:s4] =	ssyncset.done @!p1 $0x0  }
0x61: {  	[sflag:s4] =	ssyncadd.s32 @!p1 $0xFFFFC000;
	s4 =	simm.s32 @!p1 $0xF  }
0x62: {  	_ =	swait.ge @!p1 [sflag:s4], $0x4000  }
0x63: {  	[sflag:s4] =	ssyncset.done @!p1 $0x0  }
0x64: {  	[sflag:s4] =	ssyncadd.s32 @!p1 $0xFFFFC000;
	s4 =	simm.s32 @!p1 $0x10  }
0x65: {  	_ =	swait.ge @!p1 [sflag:s4], $0x4000  }
0x66: {  	[sflag:s4] =	ssyncset.done @!p1 $0x0  }
0x67: {  	[sflag:s4] =	ssyncadd.s32 @!p1 $0xFFFFC000;
	s4 =	simm.s32 @!p1 $0x11  }
0x68: {  	_ =	swait.ge @!p1 [sflag:s4], $0x4000  }
0x69: {  	[sflag:s4] =	ssyncset.done @!p1 $0x0  }
0x6a: {  	[sflag:s4] =	ssyncadd.s32 @!p1 $0xFFFFC000;
	s4 =	simm.s32 @!p1 $0x12  }
0x6b: {  	_ =	swait.ge @!p1 [sflag:s4], $0x4000  }
0x6c: {  	s9 =	rddreg [dreg:$0xe];
	[sflag:s4] =	ssyncset.done @!p1 $0x0  }
0x6d: {  	s13 =	rddreg [dreg:$0xd];
	[sflag:s4] =	ssyncadd.s32 @!p1 $0xFFFFC000;
	s9 =	sadd.s32 $0x0, s9  }
0x6e: {  	[tilespmem:s3], [sflag:$0x1] =	stream.linear.gather [hbm4b:s9+s3], $0x80, $0x38;
	[tilespmem:$0x17F00] =	vst v63  }
0x6f: {  	s12 =	rddreg [dreg:$0xc];
	s13 =	sadd.s32 $0x0, s13  }
0x70: {  	[tilespmem:s16], [sflag:$0x2] =	stream.linear.gather [hbm4b:s13+s3], $0x80, $0x38;
	[tilespmem:$0x17F00] =	vst v63  }
0x71: {  	s17 =	rddreg [dreg:$0xb];
	s9 =	sadd.s32 $0x0, s12  }
0x72: {  	[tilespmem:s15], [sflag:$0x3] =	stream.linear.gather [hbm4b:s9+s3], $0x80, $0x38;
	[tilespmem:$0x17F00] =	vst v63  }
0x73: {  	s12 =	rddreg [dreg:$0xa];
	s13 =	sadd.s32 $0x0, s17  }
0x74: {  	[tilespmem:s18], [sflag:$0x4] =	stream.linear.gather [hbm4b:s13+s3], $0x80, $0x38;
	[tilespmem:$0x17F00] =	vst v63  }
0x75: {  	s12 =	sadd.s32 $0x0, s12;
	s17 =	rddreg [dreg:$0x9]  }
0x76: {  	[tilespmem:s19], [sflag:$0x5] =	stream.linear.gather [hbm4b:s12+s3], $0x80, $0x38;
	[tilespmem:$0x17F00] =	vst v63  }
0x77: {  	s17 =	sadd.s32 $0x0, s17  }
0x78: {  	[tilespmem:s20], [sflag:$0x6] =	stream.linear.gather [hbm4b:s17+s3], $0x80, $0x38;
	[tilespmem:$0x17F00] =	vst v63  }
0x79: {  	_ =	swait.ge [sflag:s21], $0x80  }
0x7a: {  	[sflag:s21] =	ssyncset.done $0x0  }
0x7b: {  	[sflag:s21] =	ssyncadd.s32 $0xFFFFFF80  }
0x7c: {  	[spmem:s2] =	stream.indirect.scatter.add.f32 [tilespmem:s14], [sflag:$0xD], $0x80, s3, s16, $0xb8;
	[tilespmem:$0x17F00] =	vst v63  }
0x7d: {  	_ =	swait.ge [sflag:s22], $0x80  }
0x7e: {  	[sflag:s22] =	ssyncset.done $0x0  }
0x7f: {  	[sflag:s22] =	ssyncadd.s32 $0xFFFFFF80  }
0x80: {  	[spmem:s2] =	stream.indirect.scatter.add.f32 [tilespmem:s14], [sflag:$0xE], $0x80, s16, s16, $0xb8;
	[tilespmem:$0x17F00] =	vst v63  }
0x81: {  	_ =	swait.ge [sflag:s23], $0x80  }
0x82: {  	[sflag:s23] =	ssyncset.done $0x0  }
0x83: {  	[sflag:s23] =	ssyncadd.s32 $0xFFFFFF80  }
0x84: {  	[spmem:s2] =	stream.indirect.scatter.add.f32 [tilespmem:s14], [sflag:$0xF], $0x80, s15, s16, $0xb8;
	[tilespmem:$0x17F00] =	vst v63  }
0x85: {  	_ =	swait.ge [sflag:s24], $0x80  }
0x86: {  	[sflag:s24] =	ssyncset.done $0x0  }
0x87: {  	[sflag:s24] =	ssyncadd.s32 $0xFFFFFF80  }
0x88: {  	[spmem:s2] =	stream.indirect.scatter.add.f32 [tilespmem:s14], [sflag:$0x10], $0x80, s18, s16, $0xb8;
	[tilespmem:$0x17F00] =	vst v63  }
0x89: {  	_ =	swait.ge [sflag:s25], $0x80  }
0x8a: {  	[sflag:s25] =	ssyncset.done $0x0  }
0x8b: {  	[sflag:s25] =	ssyncadd.s32 $0xFFFFFF80  }
0x8c: {  	[spmem:s2] =	stream.indirect.scatter.add.f32 [tilespmem:s14], [sflag:$0x11], $0x80, s19, s16, $0xb8;
	[tilespmem:$0x17F00] =	vst v63  }
0x8d: {  	_ =	swait.ge [sflag:s26], $0x80  }
0x8e: {  	[sflag:s26] =	ssyncset.done $0x0  }
0x8f: {  	s4 =	simm.s32 @!p1 $0x13;
	[sflag:s26] =	ssyncadd.s32 $0xFFFFFF80  }
0x90: {  	[spmem:s2] =	stream.indirect.scatter.add.f32 [tilespmem:s14], [sflag:$0x12], $0x80, s20, s16, $0xb8;
	[tilespmem:$0x17F00] =	vst v63  }
0x91: {  	_ =	swait.ge @!p1 [sflag:s4], $0x4000  }
0x92: {  	[sflag:s4] =	ssyncset.done @!p1 $0x0  }
0x93: {  	[sflag:s4] =	ssyncadd.s32 @!p1 $0xFFFFC000;
	s4 =	simm.s32 @!p1 $0x14  }
0x94: {  	_ =	swait.ge @!p1 [sflag:s4], $0x4000  }
0x95: {  	[sflag:s4] =	ssyncset.done @!p1 $0x0  }
0x96: {  	[sflag:s4] =	ssyncadd.s32 @!p1 $0xFFFFC000;
	s4 =	simm.s32 @!p1 $0x15  }
0x97: {  	_ =	swait.ge @!p1 [sflag:s4], $0x4000  }
0x98: {  	[sflag:s4] =	ssyncset.done @!p1 $0x0  }
0x99: {  	[sflag:s4] =	ssyncadd.s32 @!p1 $0xFFFFC000;
	s4 =	simm.s32 @!p1 $0x16  }
0x9a: {  	_ =	swait.ge @!p1 [sflag:s4], $0x4000  }
0x9b: {  	[sflag:s4] =	ssyncset.done @!p1 $0x0  }
0x9c: {  	[sflag:s4] =	ssyncadd.s32 @!p1 $0xFFFFC000;
	s4 =	simm.s32 @!p1 $0x17  }
0x9d: {  	_ =	swait.ge @!p1 [sflag:s4], $0x4000  }
0x9e: {  	[sflag:s4] =	ssyncset.done @!p1 $0x0  }
0x9f: {  	[sflag:s4] =	ssyncadd.s32 @!p1 $0xFFFFC000;
	s4 =	simm.s32 @!p1 $0x18  }
0xa0: {  	_ =	swait.ge @!p1 [sflag:s4], $0x4000  }
0xa1: {  	s19 =	rddreg [dreg:$0x8];
	[sflag:s4] =	ssyncset.done @!p1 $0x0  }
0xa2: {  	s20 =	rddreg [dreg:$0x7];
	[sflag:s4] =	ssyncadd.s32 @!p1 $0xFFFFC000;
	s9 =	sadd.s32 $0x0, s19  }
0xa3: {  	[tilespmem:s28], [sflag:$0x7] =	stream.linear.gather [hbm4b:s9+s3], $0x80, $0x38;
	[tilespmem:$0x17F00] =	vst v63  }
0xa4: {  	s12 =	rddreg [dreg:$0x6];
	s15 =	sadd.s32 $0x0, s20  }
0xa5: {  	[tilespmem:s29], [sflag:$0x8] =	stream.linear.gather [hbm4b:s15+s3], $0x80, $0x38;
	[tilespmem:$0x17F00] =	vst v63  }
0xa6: {  	s17 =	rddreg [dreg:$0x5];
	s4 =	sadd.s32 $0x0, s12  }
0xa7: {  	[tilespmem:s30], [sflag:$0x9] =	stream.linear.gather [hbm4b:s4+s3], $0x80, $0x38;
	[tilespmem:$0x17F00] =	vst v63  }
0xa8: {  	s18 =	rddreg [dreg:$0x4];
	s9 =	sadd.s32 $0x0, s17  }
0xa9: {  	[tilespmem:s1], [sflag:$0xA] =	stream.linear.gather [hbm4b:s9+s3], $0x80, $0x38;
	[tilespmem:$0x17F00] =	vst v63  }
0xaa: {  	s19 =	rddreg [dreg:$0x3];
	s12 =	simm.s32 $0x500;
	s4 =	sadd.s32 $0x0, s18  }
0xab: {  	[tilespmem:s12], [sflag:$0xB] =	stream.linear.gather [hbm4b:s4+s3], $0x80, $0x38;
	[tilespmem:$0x17F00] =	vst v63  }
0xac: {  	s20 =	sadd.s32 $0x0, s19  }
0xad: {  	[tilespmem:s0], [sflag:$0xC] =	stream.linear.gather [hbm4b:s20+s3], $0x80, $0x38;
	[tilespmem:$0x17F00] =	vst v63  }
0xae: {  	_ =	swait.ge [sflag:s5], $0x80  }
0xaf: {  	[sflag:s5] =	ssyncset.done $0x0  }
0xb0: {  	[sflag:s5] =	ssyncadd.s32 $0xFFFFFF80  }
0xb1: {  	[spmem:s2] =	stream.indirect.scatter.add.f32 [tilespmem:s14], [sflag:$0x13], $0x80, s28, s16, $0xb8;
	[tilespmem:$0x17F00] =	vst v63  }
0xb2: {  	_ =	swait.ge [sflag:s6], $0x80  }
0xb3: {  	[sflag:s6] =	ssyncset.done $0x0  }
0xb4: {  	[sflag:s6] =	ssyncadd.s32 $0xFFFFFF80  }
0xb5: {  	[spmem:s2] =	stream.indirect.scatter.add.f32 [tilespmem:s14], [sflag:$0x14], $0x80, s29, s16, $0xb8;
	[tilespmem:$0x17F00] =	vst v63  }
0xb6: {  	_ =	swait.ge [sflag:s7], $0x80  }
0xb7: {  	[sflag:s7] =	ssyncset.done $0x0  }
0xb8: {  	[sflag:s7] =	ssyncadd.s32 $0xFFFFFF80  }
0xb9: {  	[spmem:s2] =	stream.indirect.scatter.add.f32 [tilespmem:s14], [sflag:$0x15], $0x80, s30, s16, $0xb8;
	[tilespmem:$0x17F00] =	vst v63  }
0xba: {  	_ =	swait.ge [sflag:s8], $0x80  }
0xbb: {  	[sflag:s8] =	ssyncset.done $0x0  }
0xbc: {  	[sflag:s8] =	ssyncadd.s32 $0xFFFFFF80  }
0xbd: {  	[spmem:s2] =	stream.indirect.scatter.add.f32 [tilespmem:s14], [sflag:$0x16], $0x80, s1, s16, $0xb8;
	[tilespmem:$0x17F00] =	vst v63  }
0xbe: {  	s13 =	simm.s32 $0xC0;
	p1 =	por $0x0, $0x0;
	_ =	swait.ge [sflag:s10], $0x80  }
0xbf: {  	s19 =	simm.s32 $0x180;
	s18 =	simm.s32 $0x100;
	[sflag:s10] =	ssyncset.done $0x0  }
0xc0: {  	s9 =	simm.s32 $0x180;
	s20 =	simm.s32 $0x200;
	[sflag:s10] =	ssyncadd.s32 $0xFFFFFF80  }
0xc1: {  	[spmem:s2] =	stream.indirect.scatter.add.f32 [tilespmem:s14], [sflag:$0x17], $0x80, s12, s16, $0xb8;
	[tilespmem:$0x17F00] =	vst v63  }
0xc2: {  	s28 =	simm.s32 $0x280;
	s29 =	simm.s32 $0x300;
	_ =	swait.ge [sflag:s11], $0x80  }
0xc3: {  	s30 =	simm.s32 $0x380;
	s1 =	simm.s32 $0x480;
	[sflag:s11] =	ssyncset.done $0x0  }
.LBB2_6:
0xc4: {  	s12 =	simm.s32 @!p1 $0xD;
	[sflag:s11] =	ssyncadd.s32 $0xFFFFFF80  }
0xc5: {  	[spmem:s2] =	stream.indirect.scatter.add.f32 [tilespmem:s14], [sflag:$0x18], $0x80, s0, s16, $0xb8;
	[tilespmem:$0x17F00] =	vst v63  }
0xc6: {  	_ =	swait.ge @!p1 [sflag:s12], $0x4000  }
0xc7: {  	[sflag:s12] =	ssyncset.done @!p1 $0x0  }
0xc8: {  	[sflag:s12] =	ssyncadd.s32 @!p1 $0xFFFFC000;
	s12 =	simm.s32 @!p1 $0xE  }
0xc9: {  	_ =	swait.ge @!p1 [sflag:s12], $0x4000  }
0xca: {  	[sflag:s12] =	ssyncset.done @!p1 $0x0  }
0xcb: {  	[sflag:s12] =	ssyncadd.s32 @!p1 $0xFFFFC000;
	s12 =	simm.s32 @!p1 $0xF  }
0xcc: {  	_ =	swait.ge @!p1 [sflag:s12], $0x4000  }
0xcd: {  	[sflag:s12] =	ssyncset.done @!p1 $0x0  }
0xce: {  	[sflag:s12] =	ssyncadd.s32 @!p1 $0xFFFFC000;
	s12 =	simm.s32 @!p1 $0x10  }
0xcf: {  	_ =	swait.ge @!p1 [sflag:s12], $0x4000  }
0xd0: {  	[sflag:s12] =	ssyncset.done @!p1 $0x0  }
0xd1: {  	[sflag:s12] =	ssyncadd.s32 @!p1 $0xFFFFC000;
	s12 =	simm.s32 @!p1 $0x11  }
0xd2: {  	_ =	swait.ge @!p1 [sflag:s12], $0x4000  }
0xd3: {  	[sflag:s12] =	ssyncset.done @!p1 $0x0  }
0xd4: {  	[sflag:s12] =	ssyncadd.s32 @!p1 $0xFFFFC000;
	s12 =	simm.s32 @!p1 $0x12  }
0xd5: {  	_ =	swait.ge @!p1 [sflag:s12], $0x4000  }
0xd6: {  	s15 =	rddreg [dreg:$0xe];
	[sflag:s12] =	ssyncset.done @!p1 $0x0  }
0xd7: {  	s17 =	rddreg [dreg:$0xd];
	[sflag:s12] =	ssyncadd.s32 @!p1 $0xFFFFC000;
	s12 =	sadd.s32 s13, s15  }
0xd8: {  	[tilespmem:s3], [sflag:$0x1] =	stream.linear.gather [hbm4b:s12+s3], $0x80, $0x38;
	[tilespmem:$0x17F00] =	vst v63  }
0xd9: {  	s15 =	rddreg [dreg:$0xc];
	s12 =	sadd.s32 s13, s17  }
0xda: {  	[tilespmem:s16], [sflag:$0x2] =	stream.linear.gather [hbm4b:s12+s3], $0x80, $0x38;
	[tilespmem:$0x17F00] =	vst v63  }
0xdb: {  	s17 =	rddreg [dreg:$0xb];
	s12 =	sadd.s32 s13, s15  }
0xdc: {  	[tilespmem:s18], [sflag:$0x3] =	stream.linear.gather [hbm4b:s12+s3], $0x80, $0x38;
	[tilespmem:$0x17F00] =	vst v63  }
0xdd: {  	s15 =	rddreg [dreg:$0xa];
	s12 =	sadd.s32 s13, s17  }
0xde: {  	[tilespmem:s19], [sflag:$0x4] =	stream.linear.gather [hbm4b:s12+s3], $0x80, $0x38;
	[tilespmem:$0x17F00] =	vst v63  }
0xdf: {  	s15 =	sadd.s32 s13, s15;
	s17 =	rddreg [dreg:$0x9]  }
0xe0: {  	[tilespmem:s20], [sflag:$0x5] =	stream.linear.gather [hbm4b:s15+s3], $0x80, $0x38;
	[tilespmem:$0x17F00] =	vst v63  }
0xe1: {  	s15 =	sadd.s32 s13, s17  }
0xe2: {  	[tilespmem:s28], [sflag:$0x6] =	stream.linear.gather [hbm4b:s15+s3], $0x80, $0x38;
	[tilespmem:$0x17F00] =	vst v63  }
0xe3: {  	_ =	swait.ge [sflag:s21], $0x80  }
0xe4: {  	[sflag:s21] =	ssyncset.done $0x0  }
0xe5: {  	[sflag:s21] =	ssyncadd.s32 $0xFFFFFF80  }
0xe6: {  	[spmem:s2] =	stream.indirect.scatter.add.f32 [tilespmem:s14], [sflag:$0xD], $0x80, s3, s16, $0xb8;
	[tilespmem:$0x17F00] =	vst v63  }
0xe7: {  	_ =	swait.ge [sflag:s22], $0x80  }
0xe8: {  	[sflag:s22] =	ssyncset.done $0x0  }
0xe9: {  	[sflag:s22] =	ssyncadd.s32 $0xFFFFFF80  }
0xea: {  	[spmem:s2] =	stream.indirect.scatter.add.f32 [tilespmem:s14], [sflag:$0xE], $0x80, s16, s16, $0xb8;
	[tilespmem:$0x17F00] =	vst v63  }
0xeb: {  	_ =	swait.ge [sflag:s23], $0x80  }
0xec: {  	[sflag:s23] =	ssyncset.done $0x0  }
0xed: {  	[sflag:s23] =	ssyncadd.s32 $0xFFFFFF80  }
0xee: {  	[spmem:s2] =	stream.indirect.scatter.add.f32 [tilespmem:s14], [sflag:$0xF], $0x80, s18, s16, $0xb8;
	[tilespmem:$0x17F00] =	vst v63  }
0xef: {  	_ =	swait.ge [sflag:s24], $0x80  }
0xf0: {  	[sflag:s24] =	ssyncset.done $0x0  }
0xf1: {  	[sflag:s24] =	ssyncadd.s32 $0xFFFFFF80  }
0xf2: {  	[spmem:s2] =	stream.indirect.scatter.add.f32 [tilespmem:s14], [sflag:$0x10], $0x80, s19, s16, $0xb8;
	[tilespmem:$0x17F00] =	vst v63  }
0xf3: {  	_ =	swait.ge [sflag:s25], $0x80  }
0xf4: {  	[sflag:s25] =	ssyncset.done $0x0  }
0xf5: {  	[sflag:s25] =	ssyncadd.s32 $0xFFFFFF80  }
0xf6: {  	[spmem:s2] =	stream.indirect.scatter.add.f32 [tilespmem:s14], [sflag:$0x11], $0x80, s20, s16, $0xb8;
	[tilespmem:$0x17F00] =	vst v63  }
0xf7: {  	_ =	swait.ge [sflag:s26], $0x80  }
0xf8: {  	[sflag:s26] =	ssyncset.done $0x0  }
0xf9: {  	s12 =	simm.s32 @!p1 $0x13;
	[sflag:s26] =	ssyncadd.s32 $0xFFFFFF80  }
0xfa: {  	[spmem:s2] =	stream.indirect.scatter.add.f32 [tilespmem:s14], [sflag:$0x12], $0x80, s28, s16, $0xb8;
	[tilespmem:$0x17F00] =	vst v63  }
0xfb: {  	_ =	swait.ge @!p1 [sflag:s12], $0x4000  }
0xfc: {  	[sflag:s12] =	ssyncset.done @!p1 $0x0  }
0xfd: {  	[sflag:s12] =	ssyncadd.s32 @!p1 $0xFFFFC000;
	s12 =	simm.s32 @!p1 $0x14  }
0xfe: {  	_ =	swait.ge @!p1 [sflag:s12], $0x4000  }
0xff: {  	[sflag:s12] =	ssyncset.done @!p1 $0x0  }
0x100: {  	[sflag:s12] =	ssyncadd.s32 @!p1 $0xFFFFC000;
	s12 =	simm.s32 @!p1 $0x15  }
0x101: {  	_ =	swait.ge @!p1 [sflag:s12], $0x4000  }
0x102: {  	[sflag:s12] =	ssyncset.done @!p1 $0x0  }
0x103: {  	[sflag:s12] =	ssyncadd.s32 @!p1 $0xFFFFC000;
	s12 =	simm.s32 @!p1 $0x16  }
0x104: {  	_ =	swait.ge @!p1 [sflag:s12], $0x4000  }
0x105: {  	[sflag:s12] =	ssyncset.done @!p1 $0x0  }
0x106: {  	[sflag:s12] =	ssyncadd.s32 @!p1 $0xFFFFC000;
	s12 =	simm.s32 @!p1 $0x17  }
0x107: {  	_ =	swait.ge @!p1 [sflag:s12], $0x4000  }
0x108: {  	[sflag:s12] =	ssyncset.done @!p1 $0x0  }
0x109: {  	[sflag:s12] =	ssyncadd.s32 @!p1 $0xFFFFC000;
	s12 =	simm.s32 @!p1 $0x18  }
0x10a: {  	_ =	swait.ge @!p1 [sflag:s12], $0x4000  }
0x10b: {  	s15 =	rddreg [dreg:$0x8];
	[sflag:s12] =	ssyncset.done @!p1 $0x0  }
0x10c: {  	s17 =	rddreg [dreg:$0x7];
	[sflag:s12] =	ssyncadd.s32 @!p1 $0xFFFFC000;
	s12 =	sadd.s32 s13, s15  }
0x10d: {  	[tilespmem:s29], [sflag:$0x7] =	stream.linear.gather [hbm4b:s12+s3], $0x80, $0x38;
	[tilespmem:$0x17F00] =	vst v63  }
0x10e: {  	s15 =	rddreg [dreg:$0x6];
	s12 =	sadd.s32 s13, s17  }
0x10f: {  	[tilespmem:s30], [sflag:$0x8] =	stream.linear.gather [hbm4b:s12+s3], $0x80, $0x38;
	[tilespmem:$0x17F00] =	vst v63  }
0x110: {  	s17 =	rddreg [dreg:$0x5];
	s12 =	sadd.s32 s13, s15  }
0x111: {  	[tilespmem:s31], [sflag:$0x9] =	stream.linear.gather [hbm4b:s12+s3], $0x80, $0x38;
	[tilespmem:$0x17F00] =	vst v63  }
0x112: {  	s15 =	rddreg [dreg:$0x4];
	s12 =	sadd.s32 s13, s17  }
0x113: {  	[tilespmem:s1], [sflag:$0xA] =	stream.linear.gather [hbm4b:s12+s3], $0x80, $0x38;
	[tilespmem:$0x17F00] =	vst v63  }
0x114: {  	s17 =	rddreg [dreg:$0x3];
	s12 =	sadd.s32 s13, s15;
	s15 =	simm.s32 $0x500  }
0x115: {  	[tilespmem:s15], [sflag:$0xB] =	stream.linear.gather [hbm4b:s12+s3], $0x80, $0x38;
	[tilespmem:$0x17F00] =	vst v63  }
0x116: {  	s17 =	sadd.s32 s13, s17  }
0x117: {  	[tilespmem:s0], [sflag:$0xC] =	stream.linear.gather [hbm4b:s17+s3], $0x80, $0x38;
	[tilespmem:$0x17F00] =	vst v63  }
0x118: {  	_ =	swait.ge [sflag:s5], $0x80  }
0x119: {  	[sflag:s5] =	ssyncset.done $0x0  }
0x11a: {  	[sflag:s5] =	ssyncadd.s32 $0xFFFFFF80  }
0x11b: {  	[spmem:s2] =	stream.indirect.scatter.add.f32 [tilespmem:s14], [sflag:$0x13], $0x80, s29, s16, $0xb8;
	[tilespmem:$0x17F00] =	vst v63  }
0x11c: {  	_ =	swait.ge [sflag:s6], $0x80  }
0x11d: {  	[sflag:s6] =	ssyncset.done $0x0  }
0x11e: {  	[sflag:s6] =	ssyncadd.s32 $0xFFFFFF80  }
0x11f: {  	[spmem:s2] =	stream.indirect.scatter.add.f32 [tilespmem:s14], [sflag:$0x14], $0x80, s30, s16, $0xb8;
	[tilespmem:$0x17F00] =	vst v63  }
0x120: {  	_ =	swait.ge [sflag:s7], $0x80  }
0x121: {  	[sflag:s7] =	ssyncset.done $0x0  }
0x122: {  	[sflag:s7] =	ssyncadd.s32 $0xFFFFFF80  }
0x123: {  	[spmem:s2] =	stream.indirect.scatter.add.f32 [tilespmem:s14], [sflag:$0x15], $0x80, s31, s16, $0xb8;
	[tilespmem:$0x17F00] =	vst v63  }
0x124: {  	_ =	swait.ge [sflag:s8], $0x80  }
0x125: {  	[sflag:s8] =	ssyncset.done $0x0  }
0x126: {  	s4 =	smov.u32 s9;
	s9 =	sadd.s32 $0xC0, s9;
	[sflag:s8] =	ssyncadd.s32 $0xFFFFFF80  }
0x127: {  	[spmem:s2] =	stream.indirect.scatter.add.f32 [tilespmem:s14], [sflag:$0x16], $0x80, s1, s16, $0xb8;
	[tilespmem:$0x17F00] =	vst v63  }
0x128: {  	p2 =	sne.s32 s9, $0x9C0;
	_ =	swait.ge [sflag:s10], $0x80  }
.Ltmp2:
0x129: {  	[sflag:s10] =	ssyncset.done $0x0;
	(pc) =	sbr.rel @p2 .LBB2_6-.Ltmp2, $4  }
0x12a: {  	[sflag:s10] =	ssyncadd.s32 $0xFFFFFF80  }
0x12b: {  	[spmem:s2] =	stream.indirect.scatter.add.f32 [tilespmem:s14], [sflag:$0x17], $0x80, s15, s16, $0xb8;
	[tilespmem:$0x17F00] =	vst v63  }
0x12c: {  	s13 =	smov.u32 s4;
	_ =	swait.ge [sflag:s11], $0x80  }
0x12d: {  	p1 =	seq.s32 s13, $0x0;
	[sflag:s11] =	ssyncset.done $0x0  }
0x12e: {  	s4 =	simm.s32 @!p1 $0xD;
	[sflag:s11] =	ssyncadd.s32 $0xFFFFFF80  }
0x12f: {  	[spmem:s2] =	stream.indirect.scatter.add.f32 [tilespmem:s14], [sflag:$0x18], $0x80, s0, s16, $0xb8;
	[tilespmem:$0x17F00] =	vst v63  }
0x130: {  	_ =	swait.ge @!p1 [sflag:s4], $0x4000  }
0x131: {  	[sflag:s4] =	ssyncset.done @!p1 $0x0  }
0x132: {  	[sflag:s4] =	ssyncadd.s32 @!p1 $0xFFFFC000;
	s4 =	simm.s32 @!p1 $0xE  }
0x133: {  	_ =	swait.ge @!p1 [sflag:s4], $0x4000  }
0x134: {  	[sflag:s4] =	ssyncset.done @!p1 $0x0  }
0x135: {  	[sflag:s4] =	ssyncadd.s32 @!p1 $0xFFFFC000;
	s4 =	simm.s32 @!p1 $0xF  }
0x136: {  	_ =	swait.ge @!p1 [sflag:s4], $0x4000  }
0x137: {  	[sflag:s4] =	ssyncset.done @!p1 $0x0  }
0x138: {  	[sflag:s4] =	ssyncadd.s32 @!p1 $0xFFFFC000;
	s4 =	simm.s32 @!p1 $0x10  }
0x139: {  	_ =	swait.ge @!p1 [sflag:s4], $0x4000  }
0x13a: {  	[sflag:s4] =	ssyncset.done @!p1 $0x0  }
0x13b: {  	[sflag:s4] =	ssyncadd.s32 @!p1 $0xFFFFC000;
	s4 =	simm.s32 @!p1 $0x11  }
0x13c: {  	_ =	swait.ge @!p1 [sflag:s4], $0x4000  }
0x13d: {  	[sflag:s4] =	ssyncset.done @!p1 $0x0  }
0x13e: {  	[sflag:s4] =	ssyncadd.s32 @!p1 $0xFFFFC000;
	s4 =	simm.s32 @!p1 $0x12  }
0x13f: {  	_ =	swait.ge @!p1 [sflag:s4], $0x4000  }
0x140: {  	s9 =	rddreg [dreg:$0xe];
	[sflag:s4] =	ssyncset.done @!p1 $0x0  }
0x141: {  	s12 =	rddreg [dreg:$0xd];
	[sflag:s4] =	ssyncadd.s32 @!p1 $0xFFFFC000;
	s17 =	sadd.s32 s13, s9  }
0x142: {  	[tilespmem:s3], [sflag:$0x1] =	stream.linear.gather [hbm4b:s17+s3], $0x80, $0x38;
	[tilespmem:$0x17F00] =	vst v63  }
0x143: {  	s9 =	rddreg [dreg:$0xc];
	s17 =	sadd.s32 s13, s12  }
0x144: {  	[tilespmem:s16], [sflag:$0x2] =	stream.linear.gather [hbm4b:s17+s3], $0x80, $0x38;
	[tilespmem:$0x17F00] =	vst v63  }
0x145: {  	s12 =	rddreg [dreg:$0xb];
	s17 =	sadd.s32 s13, s9  }
0x146: {  	[tilespmem:s18], [sflag:$0x3] =	stream.linear.gather [hbm4b:s17+s3], $0x80, $0x38;
	[tilespmem:$0x17F00] =	vst v63  }
0x147: {  	s12 =	sadd.s32 s13, s12;
	s9 =	rddreg [dreg:$0xa]  }
0x148: {  	[tilespmem:s19], [sflag:$0x4] =	stream.linear.gather [hbm4b:s12+s3], $0x80, $0x38;
	[tilespmem:$0x17F00] =	vst v63  }
0x149: {  	s9 =	sadd.s32 s13, s9;
	s17 =	rddreg [dreg:$0x9]  }
0x14a: {  	[tilespmem:s20], [sflag:$0x5] =	stream.linear.gather [hbm4b:s9+s3], $0x80, $0x38;
	[tilespmem:$0x17F00] =	vst v63  }
0x14b: {  	s17 =	sadd.s32 s13, s17  }
0x14c: {  	[tilespmem:s28], [sflag:$0x6] =	stream.linear.gather [hbm4b:s17+s3], $0x80, $0x38;
	[tilespmem:$0x17F00] =	vst v63  }
0x14d: {  	_ =	swait.ge [sflag:s21], $0x80  }
0x14e: {  	[sflag:s21] =	ssyncset.done $0x0  }
0x14f: {  	[sflag:s21] =	ssyncadd.s32 $0xFFFFFF80  }
0x150: {  	[spmem:s2] =	stream.indirect.scatter.add.f32 [tilespmem:s14], [sflag:$0xD], $0x80, s3, s16, $0xb8;
	[tilespmem:$0x17F00] =	vst v63  }
0x151: {  	_ =	swait.ge [sflag:s22], $0x80  }
0x152: {  	[sflag:s22] =	ssyncset.done $0x0  }
0x153: {  	[sflag:s22] =	ssyncadd.s32 $0xFFFFFF80  }
0x154: {  	[spmem:s2] =	stream.indirect.scatter.add.f32 [tilespmem:s14], [sflag:$0xE], $0x80, s16, s16, $0xb8;
	[tilespmem:$0x17F00] =	vst v63  }
0x155: {  	_ =	swait.ge [sflag:s23], $0x80  }
0x156: {  	[sflag:s23] =	ssyncset.done $0x0  }
0x157: {  	[sflag:s23] =	ssyncadd.s32 $0xFFFFFF80  }
0x158: {  	[spmem:s2] =	stream.indirect.scatter.add.f32 [tilespmem:s14], [sflag:$0xF], $0x80, s18, s16, $0xb8;
	[tilespmem:$0x17F00] =	vst v63  }
0x159: {  	_ =	swait.ge [sflag:s24], $0x80  }
0x15a: {  	[sflag:s24] =	ssyncset.done $0x0  }
0x15b: {  	[sflag:s24] =	ssyncadd.s32 $0xFFFFFF80  }
0x15c: {  	[spmem:s2] =	stream.indirect.scatter.add.f32 [tilespmem:s14], [sflag:$0x10], $0x80, s19, s16, $0xb8;
	[tilespmem:$0x17F00] =	vst v63  }
0x15d: {  	_ =	swait.ge [sflag:s25], $0x80  }
0x15e: {  	[sflag:s25] =	ssyncset.done $0x0  }
0x15f: {  	[sflag:s25] =	ssyncadd.s32 $0xFFFFFF80  }
0x160: {  	[spmem:s2] =	stream.indirect.scatter.add.f32 [tilespmem:s14], [sflag:$0x11], $0x80, s20, s16, $0xb8;
	[tilespmem:$0x17F00] =	vst v63  }
0x161: {  	_ =	swait.ge [sflag:s26], $0x80  }
0x162: {  	[sflag:s26] =	ssyncset.done $0x0  }
0x163: {  	s4 =	simm.s32 @!p1 $0x13;
	[sflag:s26] =	ssyncadd.s32 $0xFFFFFF80  }
0x164: {  	[spmem:s2] =	stream.indirect.scatter.add.f32 [tilespmem:s14], [sflag:$0x12], $0x80, s28, s16, $0xb8;
	[tilespmem:$0x17F00] =	vst v63  }
0x165: {  	_ =	swait.ge @!p1 [sflag:s4], $0x4000  }
0x166: {  	[sflag:s4] =	ssyncset.done @!p1 $0x0  }
0x167: {  	[sflag:s4] =	ssyncadd.s32 @!p1 $0xFFFFC000;
	s4 =	simm.s32 @!p1 $0x14  }
0x168: {  	_ =	swait.ge @!p1 [sflag:s4], $0x4000  }
0x169: {  	[sflag:s4] =	ssyncset.done @!p1 $0x0  }
0x16a: {  	[sflag:s4] =	ssyncadd.s32 @!p1 $0xFFFFC000;
	s4 =	simm.s32 @!p1 $0x15  }
0x16b: {  	_ =	swait.ge @!p1 [sflag:s4], $0x4000  }
0x16c: {  	[sflag:s4] =	ssyncset.done @!p1 $0x0  }
0x16d: {  	[sflag:s4] =	ssyncadd.s32 @!p1 $0xFFFFC000;
	s4 =	simm.s32 @!p1 $0x16  }
0x16e: {  	_ =	swait.ge @!p1 [sflag:s4], $0x4000  }
0x16f: {  	[sflag:s4] =	ssyncset.done @!p1 $0x0  }
0x170: {  	[sflag:s4] =	ssyncadd.s32 @!p1 $0xFFFFC000;
	s4 =	simm.s32 @!p1 $0x17  }
0x171: {  	_ =	swait.ge @!p1 [sflag:s4], $0x4000  }
0x172: {  	[sflag:s4] =	ssyncset.done @!p1 $0x0  }
0x173: {  	[sflag:s4] =	ssyncadd.s32 @!p1 $0xFFFFC000;
	s4 =	simm.s32 @!p1 $0x18  }
0x174: {  	_ =	swait.ge @!p1 [sflag:s4], $0x4000  }
0x175: {  	s19 =	rddreg [dreg:$0x8];
	[sflag:s4] =	ssyncset.done @!p1 $0x0  }
0x176: {  	s20 =	rddreg [dreg:$0x7];
	[sflag:s4] =	ssyncadd.s32 @!p1 $0xFFFFC000;
	s9 =	sadd.s32 s13, s19  }
0x177: {  	[tilespmem:s29], [sflag:$0x7] =	stream.linear.gather [hbm4b:s9+s3], $0x80, $0x38;
	[tilespmem:$0x17F00] =	vst v63  }
0x178: {  	s17 =	rddreg [dreg:$0x6];
	s18 =	sadd.s32 s13, s20  }
0x179: {  	[tilespmem:s30], [sflag:$0x8] =	stream.linear.gather [hbm4b:s18+s3], $0x80, $0x38;
	[tilespmem:$0x17F00] =	vst v63  }
0x17a: {  	s19 =	rddreg [dreg:$0x5];
	s4 =	sadd.s32 s13, s17  }
0x17b: {  	[tilespmem:s31], [sflag:$0x9] =	stream.linear.gather [hbm4b:s4+s3], $0x80, $0x38;
	[tilespmem:$0x17F00] =	vst v63  }
0x17c: {  	s20 =	rddreg [dreg:$0x4];
	s9 =	sadd.s32 s13, s19  }
0x17d: {  	[tilespmem:s1], [sflag:$0xA] =	stream.linear.gather [hbm4b:s9+s3], $0x80, $0x38;
	[tilespmem:$0x17F00] =	vst v63  }
0x17e: {  	s12 =	rddreg [dreg:$0x3];
	s4 =	sadd.s32 s13, s20  }
0x17f: {  	[tilespmem:s15], [sflag:$0xB] =	stream.linear.gather [hbm4b:s4+s3], $0x80, $0x38;
	[tilespmem:$0x17F00] =	vst v63  }
0x180: {  	s17 =	sadd.s32 s13, s12  }
0x181: {  	[tilespmem:s0], [sflag:$0xC] =	stream.linear.gather [hbm4b:s17+s3], $0x80, $0x38;
	[tilespmem:$0x17F00] =	vst v63  }
0x182: {  	_ =	swait.ge [sflag:s5], $0x80  }
0x183: {  	[sflag:s5] =	ssyncset.done $0x0  }
0x184: {  	[sflag:s5] =	ssyncadd.s32 $0xFFFFFF80  }
0x185: {  	[spmem:s2] =	stream.indirect.scatter.add.f32 [tilespmem:s14], [sflag:$0x13], $0x80, s29, s16, $0xb8;
	[tilespmem:$0x17F00] =	vst v63  }
0x186: {  	_ =	swait.ge [sflag:s6], $0x80  }
0x187: {  	[sflag:s6] =	ssyncset.done $0x0  }
0x188: {  	[sflag:s6] =	ssyncadd.s32 $0xFFFFFF80  }
0x189: {  	[spmem:s2] =	stream.indirect.scatter.add.f32 [tilespmem:s14], [sflag:$0x14], $0x80, s30, s16, $0xb8;
	[tilespmem:$0x17F00] =	vst v63  }
0x18a: {  	_ =	swait.ge [sflag:s7], $0x80  }
0x18b: {  	[sflag:s7] =	ssyncset.done $0x0  }
0x18c: {  	[sflag:s7] =	ssyncadd.s32 $0xFFFFFF80  }
0x18d: {  	[spmem:s2] =	stream.indirect.scatter.add.f32 [tilespmem:s14], [sflag:$0x15], $0x80, s31, s16, $0xb8;
	[tilespmem:$0x17F00] =	vst v63  }
0x18e: {  	_ =	swait.ge [sflag:s8], $0x80  }
0x18f: {  	[sflag:s8] =	ssyncset.done $0x0  }
0x190: {  	[sflag:s8] =	ssyncadd.s32 $0xFFFFFF80  }
0x191: {  	[spmem:s2] =	stream.indirect.scatter.add.f32 [tilespmem:s14], [sflag:$0x16], $0x80, s1, s16, $0xb8;
	[tilespmem:$0x17F00] =	vst v63  }
0x192: {  	_ =	swait.ge [sflag:s10], $0x80  }
0x193: {  	[sflag:s10] =	ssyncset.done $0x0  }
0x194: {  	[sflag:s10] =	ssyncadd.s32 $0xFFFFFF80  }
0x195: {  	[spmem:s2] =	stream.indirect.scatter.add.f32 [tilespmem:s14], [sflag:$0x17], $0x80, s15, s16, $0xb8;
	[tilespmem:$0x17F00] =	vst v63  }
0x196: {  	_ =	swait.ge [sflag:s11], $0x80  }
0x197: {  	[sflag:s11] =	ssyncset.done $0x0  }
0x198: {  	s18 =	simm.s32 $0xD;
	[sflag:s11] =	ssyncadd.s32 $0xFFFFFF80  }
0x199: {  	[spmem:s2] =	stream.indirect.scatter.add.f32 [tilespmem:s14], [sflag:$0x18], $0x80, s0, s16, $0xb8;
	[tilespmem:$0x17F00] =	vst v63  }
0x19a: {  	_ =	swait.ge [sflag:s18], $0x4000  }
0x19b: {  	[sflag:s18] =	ssyncset.done $0x0  }
0x19c: {  	s19 =	simm.s32 $0xE;
	[sflag:s18] =	ssyncadd.s32 $0xFFFFC000  }
0x19d: {  	_ =	swait.ge [sflag:s19], $0x4000  }
0x19e: {  	[sflag:s19] =	ssyncset.done $0x0  }
0x19f: {  	s20 =	simm.s32 $0xF;
	[sflag:s19] =	ssyncadd.s32 $0xFFFFC000  }
0x1a0: {  	_ =	swait.ge [sflag:s20], $0x4000  }
0x1a1: {  	[sflag:s20] =	ssyncset.done $0x0  }
0x1a2: {  	s4 =	simm.s32 $0x10;
	[sflag:s20] =	ssyncadd.s32 $0xFFFFC000  }
0x1a3: {  	_ =	swait.ge [sflag:s4], $0x4000  }
0x1a4: {  	[sflag:s4] =	ssyncset.done $0x0  }
0x1a5: {  	s9 =	simm.s32 $0x11;
	[sflag:s4] =	ssyncadd.s32 $0xFFFFC000  }
0x1a6: {  	_ =	swait.ge [sflag:s9], $0x4000  }
0x1a7: {  	[sflag:s9] =	ssyncset.done $0x0  }
0x1a8: {  	s12 =	simm.s32 $0x12;
	[sflag:s9] =	ssyncadd.s32 $0xFFFFC000  }
0x1a9: {  	_ =	swait.ge [sflag:s12], $0x4000  }
0x1aa: {  	[sflag:s12] =	ssyncset.done $0x0  }
0x1ab: {  	s13 =	simm.s32 $0x13;
	[sflag:s12] =	ssyncadd.s32 $0xFFFFC000  }
0x1ac: {  	_ =	swait.ge [sflag:s13], $0x4000  }
0x1ad: {  	[sflag:s13] =	ssyncset.done $0x0  }
0x1ae: {  	s15 =	simm.s32 $0x14;
	[sflag:s13] =	ssyncadd.s32 $0xFFFFC000  }
0x1af: {  	_ =	swait.ge [sflag:s15], $0x4000  }
0x1b0: {  	[sflag:s15] =	ssyncset.done $0x0  }
0x1b1: {  	s17 =	simm.s32 $0x15;
	[sflag:s15] =	ssyncadd.s32 $0xFFFFC000  }
0x1b2: {  	_ =	swait.ge [sflag:s17], $0x4000  }
0x1b3: {  	[sflag:s17] =	ssyncset.done $0x0  }
0x1b4: {  	s18 =	simm.s32 $0x16;
	[sflag:s17] =	ssyncadd.s32 $0xFFFFC000  }
0x1b5: {  	_ =	swait.ge [sflag:s18], $0x4000  }
0x1b6: {  	[sflag:s18] =	ssyncset.done $0x0  }
0x1b7: {  	s19 =	simm.s32 $0x17;
	[sflag:s18] =	ssyncadd.s32 $0xFFFFC000  }
0x1b8: {  	_ =	swait.ge [sflag:s19], $0x4000  }
0x1b9: {  	[sflag:s19] =	ssyncset.done $0x0  }
0x1ba: {  	s20 =	simm.s32 $0x18;
	[sflag:s19] =	ssyncadd.s32 $0xFFFFC000  }
0x1bb: {  	_ =	swait.ge [sflag:s20], $0x4000  }
0x1bc: {  	s9 =	simm.s32 $0x600;
	[sflag:s20] =	ssyncset.done $0x0  }
0x1bd: {  	s17 =	simm.s32 $0x19;
	s1 =	rddreg [dreg:$0x15];
	[sflag:s20] =	ssyncadd.s32 $0xFFFFC000  }
0x1be: {  	[tilespmem:s9], [sflag:$0x19] =	stream.linear.gather [hbm4b:s1+s3], $0x20, $0x38;
	[tilespmem:$0x17F00] =	vst v63  }
0x1bf: {  	_ =	swait.ge [sflag:s17], $0x20  }
0x1c0: {  	[sflag:s17] =	ssyncset.done $0x0  }
0x1c1: {  	s12 =	simm.s32 $0x20;
	[sflag:s17] =	ssyncadd.s32 $0xFFFFFFE0  }
0x1c2: {  	[spmem:s2] =	stream.indirect.scatter.add.f32 [tilespmem:s14], [sflag:$0x19], $0x80, s9, s12, $0xb8;
	[tilespmem:$0x17F00] =	vst v63  }
0x1c3: {  	_ =	swait.ge [sflag:s17], $0x1000  }
0x1c4: {  	[sflag:s17] =	ssyncset.done $0x0  }
0x1c5: {  	[sflag:s17] =	ssyncadd.s32 $0xFFFFF000  }
0x1c6: {  	s13 =	stileid.u32;
	[bflag:$0x0] =	sbarrier.arrive $0xFFFF  }
0x1c7: {  	s4 =	sshll.u32 s13, $0x6;
	s12 =	rddreg [dreg:$0xf]  }
0x1c8: {  	s4 =	sor.u32 $0x1C19, s4;
	s18 =	rddreg [dreg:$0x16];
	s15 =	sshrl.u32 s12, $0x3  }
0x1c9: {  	[hbm:s18], [sflag:s4] =	dma.local [spmem:s15], $0x2700  }
0x1ca: {  	_ =	swait.ge [sflag:s17], $0x2700  }
0x1cb: {  	[sflag:s17] =	ssyncset.done $0x0;
	s13 =	rddreg [dreg:$0x14]  }
0x1cc: {  	s15 =	rddreg [dreg:$0x17];
	[sflag:s17] =	ssyncadd.s32 $0xFFFFD900;
	s9 =	sshrl.u32 @!p0 s13, $0x3  }
0x1cd: {  	[hbm:s15], [sflag:s4] =	dma.local @!p0 [spmem:s9], $0x100  }
0x1ce: {  	s4 =	simm.s32 @!p0 $0x19  }
0x1cf: {  	_ =	swait.ge @!p0 [sflag:s4], $0x100  }
0x1d0: {  	s19 =	rddreg [dreg:$0x19]  }
0x1d1: {  	s20 =	rddreg [dreg:$0x18];
	s15 =	sadd.s32 $0x1, s19  }
0x1d2: {  	p1 =	sne.s32 s15, s20  }
.Ltmp3:
0x1d3: {  	_ = 	snop;
	(pc) =	sbr.rel @p1 .LBB2_1-.Ltmp3, $4  }
0x1d4: {  	_ = 	snop  }
0x1d5: {  	s28 =	simm.s32 $0x300;
	s29 =	simm.s32 $0x380;
	s30 =	simm.s32 $0x400  }
0x1d6: {  	s1 =	simm.s32 $0x480;
	s18 =	simm.s32 $0x180;
	[sflag:s4] =	ssyncset.done @!p0 $0x0  }
0x1d7: {  	[sflag:s4] =	ssyncadd.s32 @!p0 $0xFFFFFF00;
	s19 =	simm.s32 $0x200;
	s20 =	simm.s32 $0x280  }
0x1d8: {  	_ =	sfence.sel $0x180000  }
0x1d9: {  	[bflag:$0x0] =	sbarrier.arrive $0xFFFF  }
0x1da: {  	_ =	strace $0x90000047  }
0x1db: {  	s0 =	stileid.u32;
	[bflag:$0x2] =	sbarrier.arrive $0xFFFF  }
0x1dc: {  	p0 =	sne.s32 s0, $0x0;
	s0 =	rddreg [dreg:$0x2]  }
0x1dd: {  	s0 =	sadd.s32 @!p0 $0x100000, s0  }
0x1de: {  	[sflag:s0] =	ssyncadd.tile.s32 @!p0 $0x1;
	_ =	shalt  }
.Lfunc_end2:
_tile_overlayer_lowered:
.L_overlay_start_2:
0x1df: {  	(tag) =	ssettag $0x2  }
0x1e0: {  	s0 =	rddreg [dreg:$0x0];
	s2 =	stileid.u32  }
0x1e1: {  	s1 =	rddreg [dreg:$0x1];
	p0 =	sne.s32 s2, $0x0  }
0x1e2: {  	s3 =	rddreg [dreg:$0x2];
	[bflag:$0x3] =	sbarrier.arrive $0xFFFF;
	s2 =	simm.s32 @!p0 $0x1C19  }
0x1e3: {  	[timem:s3], [sflag:s2] =	dma.local @!p0 [hbm:s0], s1  }
0x1e4: {  	s0 =	simm.s32 @!p0 $0x19  }
0x1e5: {  	_ =	swait.ge @!p0 [sflag:s0], s1  }
0x1e6: {  	s1 =	ssub.s32 @!p0 $0x0, s1;
	[sflag:s0] =	ssyncset.done @!p0 $0x0  }
0x1e7: {  	[sflag:s0] =	ssyncadd.s32 @!p0 s1  }
0x1e8: {  	[bflag:$0x3] =	sbarrier.arrive $0xFFFF  }
0x1e9: {  	_ =	shalt  }

</sc_bundles>
